<compile_context>
chip_gen: v7x
topology: tpu7x:2x2x1
jax: 0.10.2.dev20260603
libtpu: 0.0.44.dev20260713+nightly
codegen_flags: <defaults>
</compile_context>

<pallas_src>
import dataclasses
import functools

import jax
import jax.numpy as jnp
from jax import lax
from jax.experimental import pallas as pl
from jax.experimental.pallas import tpu as pltpu
from jax.experimental.pallas import tpu_sc as plsc

_N = 10000
_E = 320000
_F_IN = 128
_H = 8
_D = 32
_HD = _H * _D
_C = _HD // 2
_NSUB = 16
_EB = 80
_EPT = _E // _NSUB
_NBAT = _EPT // _EB
_NCH = 40
_NQ = _N // _NCH
_NQT = (_NQ + _NSUB - 1) // _NSUB


def _tc_proj(feat, W, a16):
    bn = 1000

    def body(feat_ref, w_ref, a_ref, proj_ref, comb_ref):
        proj = jnp.dot(feat_ref[...], w_ref[...],
                       preferred_element_type=jnp.float32)
        proj_ref[...] = proj
        comb_ref[...] = jnp.dot(proj, a_ref[...],
                                preferred_element_type=jnp.float32)

    return pl.pallas_call(
        body,
        grid=(_N // bn,),
        in_specs=[
            pl.BlockSpec((bn, _F_IN), lambda i: (i, 0)),
            pl.BlockSpec((_F_IN, _HD), lambda i: (0, 0)),
            pl.BlockSpec((_HD, 16), lambda i: (0, 0)),
        ],
        out_specs=[
            pl.BlockSpec((bn, _HD), lambda i: (i, 0)),
            pl.BlockSpec((bn, 16), lambda i: (i, 0)),
        ],
        out_shape=[
            jax.ShapeDtypeStruct((_N, _HD), jnp.float32),
            jax.ShapeDtypeStruct((_N, 16), jnp.float32),
        ],
    )(feat, W, a16)


def _tc_edges(edge_index):
    be = 32000

    def body(ei_ref, gs_ref, gd_ref):
        s2 = ei_ref[0:1, :] * 2
        d2 = ei_ref[1:2, :] * 2
        gs_ref[0:1, :] = s2
        gs_ref[1:2, :] = s2 + 1
        gd_ref[0:1, :] = d2
        gd_ref[1:2, :] = d2 + 1

    return pl.pallas_call(
        body,
        grid=(_E // be,),
        in_specs=[pl.BlockSpec((2, be), lambda i: (0, i))],
        out_specs=[
            pl.BlockSpec((2, be), lambda i: (0, i)),
            pl.BlockSpec((2, be), lambda i: (0, i)),
        ],
        out_shape=[
            jax.ShapeDtypeStruct((2, _E), jnp.int32),
            jax.ShapeDtypeStruct((2, _E), jnp.int32),
        ],
    )(edge_index)


def _sc_gat(proj2, gsrc2, gdst2, edge_index, combi, bias2):
    mesh = plsc.VectorSubcoreMesh(core_axis_name="c", subcore_axis_name="s")
    cp = pltpu.CompilerParams()
    if "needs_layout_passes" in pltpu.CompilerParams.__dataclass_fields__:
        cp = dataclasses.replace(cp, needs_layout_passes=False)
    if "use_tc_tiling_on_sc" in pltpu.CompilerParams.__dataclass_fields__:
        cp = dataclasses.replace(cp, use_tc_tiling_on_sc=False)

    @functools.partial(
        pl.kernel,
        out_type=jax.ShapeDtypeStruct((2, _N, _C), jnp.float32),
        mesh=mesh,
        compiler_params=cp,
        scratch_types=[
            pltpu.VMEM((_C,), jnp.float32),
            pltpu.VMEM((3, _EB), jnp.int32),
            pltpu.VMEM((3, _EB), jnp.int32),
            pltpu.VMEM((3, _EB), jnp.int32),
            pltpu.VMEM((3, _EB, 8), jnp.float32),
            pltpu.VMEM((3, _EB, 8), jnp.float32),
            pltpu.VMEM((3, _EB, _C), jnp.float32),
            pltpu.VMEM((3, _EB, 16), jnp.float32),
            pltpu.VMEM_SHARED((_N, _C), jnp.float32),
            pltpu.VMEM_SHARED((_N, 16), jnp.float32),
            pltpu.SemaphoreType.DMA,
            pltpu.SemaphoreType.DMA,
            pltpu.SemaphoreType.DMA,
            pltpu.SemaphoreType.DMA,
            pltpu.SemaphoreType.DMA,
            pltpu.SemaphoreType.DMA,
            pltpu.SemaphoreType.DMA,
            pltpu.SemaphoreType.DMA,
            pltpu.SemaphoreType.DMA,
        ],
    )
    def k(proj_hbm, gsrc_hbm, gdst_hbm, edge_hbm, combi_hbm, bias_hbm,
          out_hbm, bias_v, gidx_r, didx_r, dstb_r, cs_r, cd_r, rows_r,
          wbuf_r, acc_sh, den_sh,
          semi0, semi1, semi2, semg0, semg1, semg2, sems0, sems1, sems2):
        semi = [semi0, semi1, semi2]
        semg = [semg0, semg1, semg2]
        sems = [sems0, sems1, sems2]
        c = lax.axis_index("c")
        s = lax.axis_index("s")

        lane = lax.iota(jnp.int32, 16)
        ebase = s * _EPT

        def idx_start(b, p):
            off = ebase + b * _EB
            pltpu.async_copy(gsrc_hbm.at[c, pl.ds(off, _EB)],
                             gidx_r.at[p], semi[p])
            pltpu.async_copy(gdst_hbm.at[c, pl.ds(off, _EB)],
                             didx_r.at[p], semi[p])

        def idx_wait(b, p):
            off = ebase + b * _EB
            pltpu.make_async_copy(gsrc_hbm.at[c, pl.ds(off, _EB)],
                                  gidx_r.at[p], semi[p]).wait()
            pltpu.make_async_copy(gdst_hbm.at[c, pl.ds(off, _EB)],
                                  didx_r.at[p], semi[p]).wait()

        def gather_start(b, p):
            off = ebase + b * _EB
            pltpu.async_copy(edge_hbm.at[1, pl.ds(off, _EB)],
                             dstb_r.at[p], semg[p])
            pltpu.async_copy(combi_hbm.at[gidx_r.at[p]], cs_r.at[p],
                             semg[p])
            pltpu.async_copy(combi_hbm.at[didx_r.at[p]], cd_r.at[p],
                             semg[p])
            pltpu.async_copy(proj_hbm.at[gidx_r.at[p]], rows_r.at[p],
                             semg[p])

        def gather_wait(b, p):
            off = ebase + b * _EB
            pltpu.make_async_copy(edge_hbm.at[1, pl.ds(off, _EB)],
                                  dstb_r.at[p], semg[p]).wait()
            pltpu.make_async_copy(combi_hbm.at[gidx_r.at[p]], cs_r.at[p],
                                  semg[p]).wait()
            pltpu.make_async_copy(combi_hbm.at[didx_r.at[p]], cd_r.at[p],
                                  semg[p]).wait()
            pltpu.make_async_copy(proj_hbm.at[gidx_r.at[p]], rows_r.at[p],
                                  semg[p]).wait()

        def scatter_start(p):
            pltpu.async_copy(rows_r.at[p], acc_sh.at[dstb_r.at[p]],
                             sems[p], add=True)
            pltpu.async_copy(wbuf_r.at[p], den_sh.at[dstb_r.at[p]],
                             sems[p], add=True)

        def scatter_wait(p):
            pltpu.make_async_copy(rows_r.at[p], acc_sh.at[dstb_r.at[p]],
                                  sems[p]).wait()
            pltpu.make_async_copy(wbuf_r.at[p], den_sh.at[dstb_r.at[p]],
                                  sems[p]).wait()

        idx_start(0, 0)
        idx_start(1, 1)
        pltpu.sync_copy(bias_hbm.at[pl.multiple_of(c * 8, 8)], bias_v)

        zeros16 = jnp.zeros((16,), jnp.float32)

        @pl.loop(0, _EB)
        def _(r):
            for k8 in range(_C // 16):
                rows_r[2, r, pl.ds(16 * k8, 16)] = zeros16
            for p in range(3):
                wbuf_r[p, r, pl.ds(0, 16)] = zeros16

        idx_wait(0, 0)
        gather_start(0, 0)

        @pl.loop(0, _NQT)
        def _(t):
            q = s + _NSUB * t

            @pl.when(q < _NQ)
            def _():
                nb = pl.multiple_of(q * _NCH, 8)
                pltpu.async_copy(rows_r.at[2, pl.ds(0, _NCH)],
                                 acc_sh.at[pl.ds(nb, _NCH)], sems[2])
                pltpu.async_copy(wbuf_r.at[2, pl.ds(0, _NCH)],
                                 den_sh.at[pl.ds(nb, _NCH)], sems[2])

        @pl.loop(0, _NQT)
        def _(t):
            q = s + _NSUB * t

            @pl.when(q < _NQ)
            def _():
                nb = pl.multiple_of(q * _NCH, 8)
                pltpu.make_async_copy(rows_r.at[2, pl.ds(0, _NCH)],
                                      acc_sh.at[pl.ds(nb, _NCH)],
                                      sems[2]).wait()
                pltpu.make_async_copy(wbuf_r.at[2, pl.ds(0, _NCH)],
                                      den_sh.at[pl.ds(nb, _NCH)],
                                      sems[2]).wait()

        plsc.subcore_barrier()

        @pl.loop(0, _NBAT + 2, step=3)
        def _(i0):
            for u in range(3):
                i = i0 + u

                @pl.when(i < _NBAT)
                def _():
                    p = u
                    p1 = (u + 1) % 3
                    p2 = (u + 2) % 3

                    @pl.when(i + 2 < _NBAT)
                    def _():
                        idx_start(i + 2, p2)

                    @pl.when(i >= 2)
                    def _():
                        scatter_wait(p1)

                    @pl.when(i + 1 < _NBAT)
                    def _():
                        idx_wait(i + 1, p1)
                        gather_start(i + 1, p1)

                    gather_wait(i, p)

                    @plsc.parallel_loop(0, _EB, step=16, unroll=5)
                    def _(eb):
                        e16 = lane + eb
                        for h in range(4):
                            el = plsc.load_gather(
                                cs_r.at[p], [e16, jnp.full((16,), h, jnp.int32)])
                            er = plsc.load_gather(
                                cd_r.at[p], [e16, jnp.full((16,), h + 4, jnp.int32)])
                            x = el + er
                            x = jnp.maximum(x, 0.2 * x)
                            w = jnp.exp(x)
                            plsc.store_scatter(
                                wbuf_r.at[p], [e16, jnp.full((16,), h, jnp.int32)], w)

                    @plsc.parallel_loop(0, _EB, step=1, unroll=8)
                    def _(e):
                        w16 = wbuf_r[p, e, pl.ds(0, 16)]
                        for h in range(4):
                            w = w16[h]
                            for kk in range(2):
                                sl = pl.ds(32 * h + 16 * kk, 16)
                                rows_r[p, e, sl] = rows_r[p, e, sl] * w

                    scatter_start(p)

        scatter_wait((_NBAT - 2) % 3)
        scatter_wait((_NBAT - 1) % 3)

        plsc.subcore_barrier()

        def fnb(t):
            return pl.multiple_of((s + _NSUB * t) * _NCH, 8)

        def fvalid(t):
            return s + _NSUB * t < _NQ

        def fin_in_start(t, u):
            nb = fnb(t)
            pltpu.async_copy(acc_sh.at[pl.ds(nb, _NCH)],
                             rows_r.at[u, pl.ds(0, _NCH)], semi[u])
            pltpu.async_copy(den_sh.at[pl.ds(nb, _NCH)],
                             wbuf_r.at[u, pl.ds(0, _NCH)], semi[u])

        def fin_in_wait(t, u):
            nb = fnb(t)
            pltpu.make_async_copy(acc_sh.at[pl.ds(nb, _NCH)],
                                  rows_r.at[u, pl.ds(0, _NCH)],
                                  semi[u]).wait()
            pltpu.make_async_copy(den_sh.at[pl.ds(nb, _NCH)],
                                  wbuf_r.at[u, pl.ds(0, _NCH)],
                                  semi[u]).wait()

        def fin_out_start(t, u):
            nb = fnb(t)
            pltpu.async_copy(rows_r.at[u, pl.ds(0, _NCH)],
                             out_hbm.at[c, pl.ds(nb, _NCH)], semg[u])

        def fin_out_wait(t, u):
            nb = fnb(t)
            pltpu.make_async_copy(rows_r.at[u, pl.ds(0, _NCH)],
                                  out_hbm.at[c, pl.ds(nb, _NCH)],
                                  semg[u]).wait()

        fin_in_start(0, 0)

        @pl.loop(0, _NQT, step=2)
        def _(t0):
            for u in range(2):
                t = t0 + u

                @pl.when(fvalid(t))
                def _():
                    @pl.when(t >= 1)
                    def _():
                        fin_out_wait(t - 1, (u + 1) % 2)

                    @pl.when(fvalid(t + 1))
                    def _():
                        fin_in_start(t + 1, (u + 1) % 2)

                    fin_in_wait(t, u)

                    @plsc.parallel_loop(0, _NCH, step=1, unroll=4)
                    def _(r):
                        d16 = jnp.maximum(wbuf_r[u, r, pl.ds(0, 16)],
                                          jnp.float32(1e-30))
                        for h in range(4):
                            d = d16[h]
                            for kk in range(2):
                                sl = pl.ds(32 * h + 16 * kk, 16)
                                rows_r[u, r, sl] = (
                                    rows_r[u, r, sl] / d + bias_v[sl])

                    fin_out_start(t, u)

        last_valid = fvalid(_NQT - 1)

        @pl.when(last_valid)
        def _():
            fin_out_wait(_NQT - 1, (_NQT - 1) % 2)

        @pl.when(jnp.logical_not(last_valid))
        def _():
            fin_out_wait(_NQT - 2, (_NQT - 2) % 2)

    return k(proj2, gsrc2, gdst2, edge_index, combi, bias2)


def kernel(feat, edge_index, W, attn_l, attn_r, bias):
    eye = jnp.eye(_H, dtype=jnp.float32)
    al = (attn_l[0][:, :, None] * eye[:, None, :]).reshape(_HD, _H)
    ar = (attn_r[0][:, :, None] * eye[:, None, :]).reshape(_HD, _H)
    a16 = jnp.concatenate(
        [al[:, 0:4], ar[:, 0:4], al[:, 4:8], ar[:, 4:8]], axis=1)

    proj, comb16 = _tc_proj(feat, W, a16)
    proj2 = proj.reshape(2 * _N, _C)
    combi = comb16.reshape(2 * _N, 8)
    bias2 = jnp.zeros((2, 8, _C), jnp.float32).at[:, 0, :].set(
        bias.reshape(2, _C)).reshape(16, _C)

    gsrc2, gdst2 = _tc_edges(edge_index)

    out = _sc_gat(proj2, gsrc2, gdst2, edge_index, combi, bias2)
    return out.transpose(1, 0, 2).reshape(_N, _H, _D)

# --- scband reference (transcript-rebuilt; emitter-appended) ---
"""Pipeline reference for scband-gatconv-17635135717523 (READ-ONLY COPY).

The authoritative reference and input builder live on the scoring server;
editing this copy changes nothing except your own understanding.
"""

import jax, jax.numpy as jnp
import numpy as np

N = 10000
E = 320000
F_IN = 128
H = 8
D = 32

def setup_inputs(seed: int = 0) -> dict:
    key = jax.random.key(seed)
    k1, k2, k3, k4, k5 = jax.random.split(key, 5)
    feat = jax.random.normal(k1, (N, F_IN), dtype=jnp.float32)
    edge_index = jax.random.randint(k2, (2, E), 0, N, dtype=jnp.int32)
    # fc weight (no bias): torch Linear(F_IN, H*D); store as [F_IN, H*D] for x @ W
    gain = float(np.sqrt(2.0))
    std_fc = gain * float(np.sqrt(2.0 / (F_IN + H * D)))
    W = jax.random.normal(k3, (F_IN, H * D), dtype=jnp.float32) * std_fc
    std_attn = gain * float(np.sqrt(2.0 / (1 * H + D)))
    attn_l = jax.random.normal(k4, (1, H, D), dtype=jnp.float32) * std_attn
    attn_r = jax.random.normal(k5, (1, H, D), dtype=jnp.float32) * std_attn
    bias = jnp.zeros((H * D,), dtype=jnp.float32)
    return {"feat": feat, "edge_index": edge_index, "W": W, "attn_l": attn_l, "attn_r": attn_r, "bias": bias}

def reference(feat, edge_index, W, attn_l, attn_r, bias):
    # fc projection, shared for src/dst (homogeneous graph)
    feat_proj = (feat @ W).reshape(N, H, D)
    feat_src = feat_proj
    feat_dst = feat_proj
    el = jnp.sum(feat_src * attn_l, axis=-1)  # [N, H]
    er = jnp.sum(feat_dst * attn_r, axis=-1)  # [N, H]
    src = edge_index[0]
    dst = edge_index[1]
    e = el[src] + er[dst]  # [E, H]
    e = jnp.where(e > 0, e, 0.2 * e)  # leaky_relu(0.2)
    # edge softmax over incoming edges of each dst node
    emax = jax.ops.segment_max(e, dst, num_segments=N)
    e_shift = e - emax[dst]
    e_exp = jnp.exp(e_shift)
    denom = jax.ops.segment_sum(e_exp, dst, num_segments=N)
    a = e_exp / denom[dst]  # [E, H]
    # message passing: u_mul_e then sum over dst
    m = feat_src[src] * a[..., None]  # [E, H, D]
    rst = jax.ops.segment_sum(m, dst, num_segments=N)  # [N, H, D]
    rst = rst + bias.reshape(1, H, D)
    return rst

if __name__ == "__main__":
    import jax
    _d = setup_inputs()
    print(jax.jit(kernel)(*tuple(_d.values())))

</pallas_src>

<mosaic_0001>
#map = affine_map<(d0, d1) -> (0, 0)>
#map1 = affine_map<(d0, d1) -> (0, 0, 0)>
module attributes {stable_mosaic.version = 14 : i64} {
  func.func @k(%arg0: i32, %arg1: i32, %arg2: memref<20000x128xf32, #tpu.memory_space<hbm>>, %arg3: memref<2x320000xi32, #tpu.memory_space<hbm>>, %arg4: memref<2x320000xi32, #tpu.memory_space<hbm>>, %arg5: memref<2x320000xi32, #tpu.memory_space<hbm>>, %arg6: memref<20000x8xf32, #tpu.memory_space<hbm>>, %arg7: memref<16x128xf32, #tpu.memory_space<hbm>>, %arg8: memref<2x10000x128xf32, #tpu.memory_space<hbm>>, %arg9: memref<128xf32, #tpu.memory_space<vmem>>, %arg10: memref<3x80xi32, #tpu.memory_space<vmem>>, %arg11: memref<3x80xi32, #tpu.memory_space<vmem>>, %arg12: memref<3x80xi32, #tpu.memory_space<vmem>>, %arg13: memref<3x80x8xf32, #tpu.memory_space<vmem>>, %arg14: memref<3x80x8xf32, #tpu.memory_space<vmem>>, %arg15: memref<3x80x128xf32, #tpu.memory_space<vmem>>, %arg16: memref<3x80x16xf32, #tpu.memory_space<vmem>>, %arg17: memref<10000x128xf32, #tpu.memory_space<vmem_shared>>, %arg18: memref<10000x16xf32, #tpu.memory_space<vmem_shared>>, %arg19: memref<!tpu.dma_semaphore, #tpu.memory_space<semaphore_mem>>, %arg20: memref<!tpu.dma_semaphore, #tpu.memory_space<semaphore_mem>>, %arg21: memref<!tpu.dma_semaphore, #tpu.memory_space<semaphore_mem>>, %arg22: memref<!tpu.dma_semaphore, #tpu.memory_space<semaphore_mem>>, %arg23: memref<!tpu.dma_semaphore, #tpu.memory_space<semaphore_mem>>, %arg24: memref<!tpu.dma_semaphore, #tpu.memory_space<semaphore_mem>>, %arg25: memref<!tpu.dma_semaphore, #tpu.memory_space<semaphore_mem>>, %arg26: memref<!tpu.dma_semaphore, #tpu.memory_space<semaphore_mem>>, %arg27: memref<!tpu.dma_semaphore, #tpu.memory_space<semaphore_mem>>) attributes {dimension_semantics = [#tpu.dimension_semantics<core_parallel>, #tpu.dimension_semantics<subcore_parallel>], iteration_bounds = array<i64: 2, 16>, scalar_prefetch = 0 : i64, scratch_operands = 19 : i64, tpu.core_type = #tpu.core_type<sc_vector_subcore>, window_params = [{transform_indices = #map}, {transform_indices = #map}, {transform_indices = #map}, {transform_indices = #map}, {transform_indices = #map}, {transform_indices = #map}, {transform_indices = #map1}]} {
    %iota3A = tpu.iota {dimensions = array<i32: 0>} : vector<16xi32>
    %mul3A = arith.constant 20000 : i32
    %mul3A_0 = arith.muli %arg1, %mul3A : i32
    %add3A = arith.constant 0 : i32
    %add3A_1 = arith.addi %mul3A_0, %add3A : i32
    %dma_start3A = arith.constant 0 : i32
    %dma_start3A_2 = arith.constant 0 : i32
    %dma_start3A_3 = tpu.memref_slice %arg10[%dma_start3A, %dma_start3A_2] : memref<3x80xi32, #tpu.memory_space<vmem>> -> memref<1x80xi32, #tpu.memory_space<vmem>>
    %dma_start3A_4 = tpu.memref_squeeze %dma_start3A_3 : memref<1x80xi32, #tpu.memory_space<vmem>> -> memref<80xi32, #tpu.memory_space<vmem>>
    %dma_start3A_5 = tpu.memref_slice %arg3[%arg0, %add3A_1] : memref<2x320000xi32, #tpu.memory_space<hbm>> -> memref<1x80xi32, #tpu.memory_space<hbm>>
    %dma_start3A_6 = tpu.memref_squeeze %dma_start3A_5 : memref<1x80xi32, #tpu.memory_space<hbm>> -> memref<80xi32, #tpu.memory_space<hbm>>
    %dma_start3A_7 = arith.constant 0 : i32
    %dma_start3A_8 = tpu.memref_slice %arg10[%dma_start3A, %dma_start3A_7] : memref<3x80xi32, #tpu.memory_space<vmem>> -> memref<1x80xi32, #tpu.memory_space<vmem>>
    %dma_start3A_9 = tpu.memref_squeeze %dma_start3A_8 : memref<1x80xi32, #tpu.memory_space<vmem>> -> memref<80xi32, #tpu.memory_space<vmem>>
    %dma_start3A_10 = tpu.memref_slice %arg3[%arg0, %add3A_1] : memref<2x320000xi32, #tpu.memory_space<hbm>> -> memref<1x80xi32, #tpu.memory_space<hbm>>
    %dma_start3A_11 = tpu.memref_squeeze %dma_start3A_10 : memref<1x80xi32, #tpu.memory_space<hbm>> -> memref<80xi32, #tpu.memory_space<hbm>>
    tpu.enqueue_dma source(%dma_start3A_11 : memref<80xi32, #tpu.memory_space<hbm>>) target(%dma_start3A_9 : memref<80xi32, #tpu.memory_space<vmem>>) target_semaphore(%arg19 : memref<!tpu.dma_semaphore, #tpu.memory_space<semaphore_mem>>)
    %dma_start3A_12 = arith.constant 0 : i32
    %dma_start3A_13 = arith.constant 0 : i32
    %dma_start3A_14 = tpu.memref_slice %arg11[%dma_start3A_12, %dma_start3A_13] : memref<3x80xi32, #tpu.memory_space<vmem>> -> memref<1x80xi32, #tpu.memory_space<vmem>>
    %dma_start3A_15 = tpu.memref_squeeze %dma_start3A_14 : memref<1x80xi32, #tpu.memory_space<vmem>> -> memref<80xi32, #tpu.memory_space<vmem>>
    %dma_start3A_16 = tpu.memref_slice %arg4[%arg0, %add3A_1] : memref<2x320000xi32, #tpu.memory_space<hbm>> -> memref<1x80xi32, #tpu.memory_space<hbm>>
    %dma_start3A_17 = tpu.memref_squeeze %dma_start3A_16 : memref<1x80xi32, #tpu.memory_space<hbm>> -> memref<80xi32, #tpu.memory_space<hbm>>
    %dma_start3A_18 = arith.constant 0 : i32
    %dma_start3A_19 = tpu.memref_slice %arg11[%dma_start3A_12, %dma_start3A_18] : memref<3x80xi32, #tpu.memory_space<vmem>> -> memref<1x80xi32, #tpu.memory_space<vmem>>
    %dma_start3A_20 = tpu.memref_squeeze %dma_start3A_19 : memref<1x80xi32, #tpu.memory_space<vmem>> -> memref<80xi32, #tpu.memory_space<vmem>>
    %dma_start3A_21 = tpu.memref_slice %arg4[%arg0, %add3A_1] : memref<2x320000xi32, #tpu.memory_space<hbm>> -> memref<1x80xi32, #tpu.memory_space<hbm>>
    %dma_start3A_22 = tpu.memref_squeeze %dma_start3A_21 : memref<1x80xi32, #tpu.memory_space<hbm>> -> memref<80xi32, #tpu.memory_space<hbm>>
    tpu.enqueue_dma source(%dma_start3A_22 : memref<80xi32, #tpu.memory_space<hbm>>) target(%dma_start3A_20 : memref<80xi32, #tpu.memory_space<vmem>>) target_semaphore(%arg19 : memref<!tpu.dma_semaphore, #tpu.memory_space<semaphore_mem>>)
    %add3A_23 = arith.constant 80 : i32
    %add3A_24 = arith.addi %mul3A_0, %add3A_23 : i32
    %dma_start3A_25 = arith.constant 1 : i32
    %dma_start3A_26 = arith.constant 0 : i32
    %dma_start3A_27 = tpu.memref_slice %arg10[%dma_start3A_25, %dma_start3A_26] : memref<3x80xi32, #tpu.memory_space<vmem>> -> memref<1x80xi32, #tpu.memory_space<vmem>>
    %dma_start3A_28 = tpu.memref_squeeze %dma_start3A_27 : memref<1x80xi32, #tpu.memory_space<vmem>> -> memref<80xi32, #tpu.memory_space<vmem>>
    %dma_start3A_29 = tpu.memref_slice %arg3[%arg0, %add3A_24] : memref<2x320000xi32, #tpu.memory_space<hbm>> -> memref<1x80xi32, #tpu.memory_space<hbm>>
    %dma_start3A_30 = tpu.memref_squeeze %dma_start3A_29 : memref<1x80xi32, #tpu.memory_space<hbm>> -> memref<80xi32, #tpu.memory_space<hbm>>
    %dma_start3A_31 = arith.constant 0 : i32
    %dma_start3A_32 = tpu.memref_slice %arg10[%dma_start3A_25, %dma_start3A_31] : memref<3x80xi32, #tpu.memory_space<vmem>> -> memref<1x80xi32, #tpu.memory_space<vmem>>
    %dma_start3A_33 = tpu.memref_squeeze %dma_start3A_32 : memref<1x80xi32, #tpu.memory_space<vmem>> -> memref<80xi32, #tpu.memory_space<vmem>>
    %dma_start3A_34 = tpu.memref_slice %arg3[%arg0, %add3A_24] : memref<2x320000xi32, #tpu.memory_space<hbm>> -> memref<1x80xi32, #tpu.memory_space<hbm>>
    %dma_start3A_35 = tpu.memref_squeeze %dma_start3A_34 : memref<1x80xi32, #tpu.memory_space<hbm>> -> memref<80xi32, #tpu.memory_space<hbm>>
    tpu.enqueue_dma source(%dma_start3A_35 : memref<80xi32, #tpu.memory_space<hbm>>) target(%dma_start3A_33 : memref<80xi32, #tpu.memory_space<vmem>>) target_semaphore(%arg20 : memref<!tpu.dma_semaphore, #tpu.memory_space<semaphore_mem>>)
    %dma_start3A_36 = arith.constant 1 : i32
    %dma_start3A_37 = arith.constant 0 : i32
    %dma_start3A_38 = tpu.memref_slice %arg11[%dma_start3A_36, %dma_start3A_37] : memref<3x80xi32, #tpu.memory_space<vmem>> -> memref<1x80xi32, #tpu.memory_space<vmem>>
    %dma_start3A_39 = tpu.memref_squeeze %dma_start3A_38 : memref<1x80xi32, #tpu.memory_space<vmem>> -> memref<80xi32, #tpu.memory_space<vmem>>
    %dma_start3A_40 = tpu.memref_slice %arg4[%arg0, %add3A_24] : memref<2x320000xi32, #tpu.memory_space<hbm>> -> memref<1x80xi32, #tpu.memory_space<hbm>>
    %dma_start3A_41 = tpu.memref_squeeze %dma_start3A_40 : memref<1x80xi32, #tpu.memory_space<hbm>> -> memref<80xi32, #tpu.memory_space<hbm>>
    %dma_start3A_42 = arith.constant 0 : i32
    %dma_start3A_43 = tpu.memref_slice %arg11[%dma_start3A_36, %dma_start3A_42] : memref<3x80xi32, #tpu.memory_space<vmem>> -> memref<1x80xi32, #tpu.memory_space<vmem>>
    %dma_start3A_44 = tpu.memref_squeeze %dma_start3A_43 : memref<1x80xi32, #tpu.memory_space<vmem>> -> memref<80xi32, #tpu.memory_space<vmem>>
    %dma_start3A_45 = tpu.memref_slice %arg4[%arg0, %add3A_24] : memref<2x320000xi32, #tpu.memory_space<hbm>> -> memref<1x80xi32, #tpu.memory_space<hbm>>
    %dma_start3A_46 = tpu.memref_squeeze %dma_start3A_45 : memref<1x80xi32, #tpu.memory_space<hbm>> -> memref<80xi32, #tpu.memory_space<hbm>>
    tpu.enqueue_dma source(%dma_start3A_46 : memref<80xi32, #tpu.memory_space<hbm>>) target(%dma_start3A_44 : memref<80xi32, #tpu.memory_space<vmem>>) target_semaphore(%arg20 : memref<!tpu.dma_semaphore, #tpu.memory_space<semaphore_mem>>)
    %mul3A_47 = arith.constant 8 : i32
    %mul3A_48 = arith.muli %arg0, %mul3A_47 : i32
    %multiple_of3A = tpu.assume_multiple %mul3A_48, 8 : i32
    "tpu.region"() ({
      %run_scoped3A = tpu.sem_alloc : memref<!tpu.dma_semaphore, #tpu.memory_space<semaphore_mem>>
      %dma_start3A_235 = arith.constant 0 : i32
      %dma_start3A_236 = tpu.memref_slice %arg7[%multiple_of3A, %dma_start3A_235] : memref<16x128xf32, #tpu.memory_space<hbm>> -> memref<1x128xf32, #tpu.memory_space<hbm>>
      %dma_start3A_237 = tpu.memref_squeeze %dma_start3A_236 : memref<1x128xf32, #tpu.memory_space<hbm>> -> memref<128xf32, #tpu.memory_space<hbm>>
      %dma_start3A_238 = arith.constant 0 : i32
      %dma_start3A_239 = tpu.memref_slice %arg7[%multiple_of3A, %dma_start3A_238] : memref<16x128xf32, #tpu.memory_space<hbm>> -> memref<1x128xf32, #tpu.memory_space<hbm>>
      %dma_start3A_240 = tpu.memref_squeeze %dma_start3A_239 : memref<1x128xf32, #tpu.memory_space<hbm>> -> memref<128xf32, #tpu.memory_space<hbm>>
      tpu.enqueue_dma source(%dma_start3A_240 : memref<128xf32, #tpu.memory_space<hbm>>) target(%arg9 : memref<128xf32, #tpu.memory_space<vmem>>) target_semaphore(%run_scoped3A : memref<!tpu.dma_semaphore, #tpu.memory_space<semaphore_mem>>)
      %dma_wait3A_241 = arith.constant 0 : i32
      %dma_wait3A_242 = tpu.memref_slice %arg7[%multiple_of3A, %dma_wait3A_241] : memref<16x128xf32, #tpu.memory_space<hbm>> -> memref<1x128xf32, #tpu.memory_space<hbm>>
      %dma_wait3A_243 = tpu.memref_squeeze %dma_wait3A_242 : memref<1x128xf32, #tpu.memory_space<hbm>> -> memref<128xf32, #tpu.memory_space<hbm>>
      %dma_wait3A_244 = arith.constant 0 : i32
      %dma_wait3A_245 = tpu.memref_slice %arg7[%multiple_of3A, %dma_wait3A_244] : memref<16x128xf32, #tpu.memory_space<hbm>> -> memref<1x128xf32, #tpu.memory_space<hbm>>
      %dma_wait3A_246 = tpu.memref_squeeze %dma_wait3A_245 : memref<1x128xf32, #tpu.memory_space<hbm>> -> memref<128xf32, #tpu.memory_space<hbm>>
      tpu.wait_dma2 semaphore(%run_scoped3A : memref<!tpu.dma_semaphore, #tpu.memory_space<semaphore_mem>>) src(%dma_wait3A_246 : memref<128xf32, #tpu.memory_space<hbm>>) dst(%arg9 : memref<128xf32, #tpu.memory_space<vmem>>)
      tpu.yield
    }) : () -> ()
    %broadcast_in_dim3A = arith.constant 0.000000e+00 : f32
    %broadcast_in_dim3A_49 = vector.broadcast %broadcast_in_dim3A : f32 to vector<16xf32>
    %scan3A = arith.constant 0 : i32
    %scan3A_50 = arith.constant 80 : i32
    %scan3A_51 = arith.addi %scan3A, %scan3A_50 : i32
    %scan3A_52 = arith.constant 1 : i32
    scf.for %scan3A_235 = %scan3A to %scan3A_51 step %scan3A_52  : i32 {
      %mul3A_236 = arith.constant 1 : i32
      %mul3A_237 = arith.muli %scan3A_235, %mul3A_236 : i32
      %add3A_238 = arith.constant 0 : i32
      %add3A_239 = arith.addi %add3A_238, %mul3A_237 : i32
      %swap3A = arith.constant 2 : i32
      %swap3A_240 = arith.index_cast %swap3A : i32 to index
      %swap3A_241 = arith.index_cast %add3A_239 : i32 to index
      %swap3A_242 = arith.constant 0 : index
      %swap3A_243 = tpu.vector_load %arg15[%swap3A_240, %swap3A_241, %swap3A_242] {strides = array<i32>} : memref<3x80x128xf32, #tpu.memory_space<vmem>>, vector<16xf32>,
      tpu.vector_store %arg15[%swap3A_240, %swap3A_241, %swap3A_242], %broadcast_in_dim3A_49 {strides = array<i32>} : memref<3x80x128xf32, #tpu.memory_space<vmem>>, vector<16xf32>,
      %swap3A_244 = arith.constant 2 : i32
      %swap3A_245 = arith.index_cast %swap3A_244 : i32 to index
      %swap3A_246 = arith.index_cast %add3A_239 : i32 to index
      %swap3A_247 = arith.constant 16 : index
      %swap3A_248 = tpu.vector_load %arg15[%swap3A_245, %swap3A_246, %swap3A_247] {strides = array<i32>} : memref<3x80x128xf32, #tpu.memory_space<vmem>>, vector<16xf32>,
      tpu.vector_store %arg15[%swap3A_245, %swap3A_246, %swap3A_247], %broadcast_in_dim3A_49 {strides = array<i32>} : memref<3x80x128xf32, #tpu.memory_space<vmem>>, vector<16xf32>,
      %swap3A_249 = arith.constant 2 : i32
      %swap3A_250 = arith.index_cast %swap3A_249 : i32 to index
      %swap3A_251 = arith.index_cast %add3A_239 : i32 to index
      %swap3A_252 = arith.constant 32 : index
      %swap3A_253 = tpu.vector_load %arg15[%swap3A_250, %swap3A_251, %swap3A_252] {strides = array<i32>} : memref<3x80x128xf32, #tpu.memory_space<vmem>>, vector<16xf32>,
      tpu.vector_store %arg15[%swap3A_250, %swap3A_251, %swap3A_252], %broadcast_in_dim3A_49 {strides = array<i32>} : memref<3x80x128xf32, #tpu.memory_space<vmem>>, vector<16xf32>,
      %swap3A_254 = arith.constant 2 : i32
      %swap3A_255 = arith.index_cast %swap3A_254 : i32 to index
      %swap3A_256 = arith.index_cast %add3A_239 : i32 to index
      %swap3A_257 = arith.constant 48 : index
      %swap3A_258 = tpu.vector_load %arg15[%swap3A_255, %swap3A_256, %swap3A_257] {strides = array<i32>} : memref<3x80x128xf32, #tpu.memory_space<vmem>>, vector<16xf32>,
      tpu.vector_store %arg15[%swap3A_255, %swap3A_256, %swap3A_257], %broadcast_in_dim3A_49 {strides = array<i32>} : memref<3x80x128xf32, #tpu.memory_space<vmem>>, vector<16xf32>,
      %swap3A_259 = arith.constant 2 : i32
      %swap3A_260 = arith.index_cast %swap3A_259 : i32 to index
      %swap3A_261 = arith.index_cast %add3A_239 : i32 to index
      %swap3A_262 = arith.constant 64 : index
      %swap3A_263 = tpu.vector_load %arg15[%swap3A_260, %swap3A_261, %swap3A_262] {strides = array<i32>} : memref<3x80x128xf32, #tpu.memory_space<vmem>>, vector<16xf32>,
      tpu.vector_store %arg15[%swap3A_260, %swap3A_261, %swap3A_262], %broadcast_in_dim3A_49 {strides = array<i32>} : memref<3x80x128xf32, #tpu.memory_space<vmem>>, vector<16xf32>,
      %swap3A_264 = arith.constant 2 : i32
      %swap3A_265 = arith.index_cast %swap3A_264 : i32 to index
      %swap3A_266 = arith.index_cast %add3A_239 : i32 to index
      %swap3A_267 = arith.constant 80 : index
      %swap3A_268 = tpu.vector_load %arg15[%swap3A_265, %swap3A_266, %swap3A_267] {strides = array<i32>} : memref<3x80x128xf32, #tpu.memory_space<vmem>>, vector<16xf32>,
      tpu.vector_store %arg15[%swap3A_265, %swap3A_266, %swap3A_267], %broadcast_in_dim3A_49 {strides = array<i32>} : memref<3x80x128xf32, #tpu.memory_space<vmem>>, vector<16xf32>,
      %swap3A_269 = arith.constant 2 : i32
      %swap3A_270 = arith.index_cast %swap3A_269 : i32 to index
      %swap3A_271 = arith.index_cast %add3A_239 : i32 to index
      %swap3A_272 = arith.constant 96 : index
      %swap3A_273 = tpu.vector_load %arg15[%swap3A_270, %swap3A_271, %swap3A_272] {strides = array<i32>} : memref<3x80x128xf32, #tpu.memory_space<vmem>>, vector<16xf32>,
      tpu.vector_store %arg15[%swap3A_270, %swap3A_271, %swap3A_272], %broadcast_in_dim3A_49 {strides = array<i32>} : memref<3x80x128xf32, #tpu.memory_space<vmem>>, vector<16xf32>,
      %swap3A_274 = arith.constant 2 : i32
      %swap3A_275 = arith.index_cast %swap3A_274 : i32 to index
      %swap3A_276 = arith.index_cast %add3A_239 : i32 to index
      %swap3A_277 = arith.constant 112 : index
      %swap3A_278 = tpu.vector_load %arg15[%swap3A_275, %swap3A_276, %swap3A_277] {strides = array<i32>} : memref<3x80x128xf32, #tpu.memory_space<vmem>>, vector<16xf32>,
      tpu.vector_store %arg15[%swap3A_275, %swap3A_276, %swap3A_277], %broadcast_in_dim3A_49 {strides = array<i32>} : memref<3x80x128xf32, #tpu.memory_space<vmem>>, vector<16xf32>,
      %swap3A_279 = arith.constant 0 : i32
      %swap3A_280 = arith.index_cast %swap3A_279 : i32 to index
      %swap3A_281 = arith.index_cast %add3A_239 : i32 to index
      %swap3A_282 = arith.constant 0 : index
      %swap3A_283 = tpu.vector_load %arg16[%swap3A_280, %swap3A_281, %swap3A_282] {strides = array<i32>} : memref<3x80x16xf32, #tpu.memory_space<vmem>>, vector<16xf32>,
      tpu.vector_store %arg16[%swap3A_280, %swap3A_281, %swap3A_282], %broadcast_in_dim3A_49 {strides = array<i32>} : memref<3x80x16xf32, #tpu.memory_space<vmem>>, vector<16xf32>,
      %swap3A_284 = arith.constant 1 : i32
      %swap3A_285 = arith.index_cast %swap3A_284 : i32 to index
      %swap3A_286 = arith.index_cast %add3A_239 : i32 to index
      %swap3A_287 = arith.constant 0 : index
      %swap3A_288 = tpu.vector_load %arg16[%swap3A_285, %swap3A_286, %swap3A_287] {strides = array<i32>} : memref<3x80x16xf32, #tpu.memory_space<vmem>>, vector<16xf32>,
      tpu.vector_store %arg16[%swap3A_285, %swap3A_286, %swap3A_287], %broadcast_in_dim3A_49 {strides = array<i32>} : memref<3x80x16xf32, #tpu.memory_space<vmem>>, vector<16xf32>,
      %swap3A_289 = arith.constant 2 : i32
      %swap3A_290 = arith.index_cast %swap3A_289 : i32 to index
      %swap3A_291 = arith.index_cast %add3A_239 : i32 to index
      %swap3A_292 = arith.constant 0 : index
      %swap3A_293 = tpu.vector_load %arg16[%swap3A_290, %swap3A_291, %swap3A_292] {strides = array<i32>} : memref<3x80x16xf32, #tpu.memory_space<vmem>>, vector<16xf32>,
      tpu.vector_store %arg16[%swap3A_290, %swap3A_291, %swap3A_292], %broadcast_in_dim3A_49 {strides = array<i32>} : memref<3x80x16xf32, #tpu.memory_space<vmem>>, vector<16xf32>,
    }
    %scan3A_53 = arith.constant 80 : i32
    %add3A_54 = arith.constant 0 : i32
    %add3A_55 = arith.addi %mul3A_0, %add3A_54 : i32
    %dma_wait3A = arith.constant 0 : i32
    %dma_wait3A_56 = arith.constant 0 : i32
    %dma_wait3A_57 = tpu.memref_slice %arg10[%dma_wait3A, %dma_wait3A_56] : memref<3x80xi32, #tpu.memory_space<vmem>> -> memref<1x80xi32, #tpu.memory_space<vmem>>
    %dma_wait3A_58 = tpu.memref_squeeze %dma_wait3A_57 : memref<1x80xi32, #tpu.memory_space<vmem>> -> memref<80xi32, #tpu.memory_space<vmem>>
    %dma_wait3A_59 = tpu.memref_slice %arg3[%arg0, %add3A_55] : memref<2x320000xi32, #tpu.memory_space<hbm>> -> memref<1x80xi32, #tpu.memory_space<hbm>>
    %dma_wait3A_60 = tpu.memref_squeeze %dma_wait3A_59 : memref<1x80xi32, #tpu.memory_space<hbm>> -> memref<80xi32, #tpu.memory_space<hbm>>
    %dma_wait3A_61 = arith.constant 0 : i32
    %dma_wait3A_62 = tpu.memref_slice %arg10[%dma_wait3A, %dma_wait3A_61] : memref<3x80xi32, #tpu.memory_space<vmem>> -> memref<1x80xi32, #tpu.memory_space<vmem>>
    %dma_wait3A_63 = tpu.memref_squeeze %dma_wait3A_62 : memref<1x80xi32, #tpu.memory_space<vmem>> -> memref<80xi32, #tpu.memory_space<vmem>>
    %dma_wait3A_64 = tpu.memref_slice %arg3[%arg0, %add3A_55] : memref<2x320000xi32, #tpu.memory_space<hbm>> -> memref<1x80xi32, #tpu.memory_space<hbm>>
    %dma_wait3A_65 = tpu.memref_squeeze %dma_wait3A_64 : memref<1x80xi32, #tpu.memory_space<hbm>> -> memref<80xi32, #tpu.memory_space<hbm>>
    tpu.wait_dma2 semaphore(%arg19 : memref<!tpu.dma_semaphore, #tpu.memory_space<semaphore_mem>>) src(%dma_wait3A_65 : memref<80xi32, #tpu.memory_space<hbm>>) dst(%dma_wait3A_63 : memref<80xi32, #tpu.memory_space<vmem>>)
    %dma_wait3A_66 = arith.constant 0 : i32
    %dma_wait3A_67 = arith.constant 0 : i32
    %dma_wait3A_68 = tpu.memref_slice %arg11[%dma_wait3A_66, %dma_wait3A_67] : memref<3x80xi32, #tpu.memory_space<vmem>> -> memref<1x80xi32, #tpu.memory_space<vmem>>
    %dma_wait3A_69 = tpu.memref_squeeze %dma_wait3A_68 : memref<1x80xi32, #tpu.memory_space<vmem>> -> memref<80xi32, #tpu.memory_space<vmem>>
    %dma_wait3A_70 = tpu.memref_slice %arg4[%arg0, %add3A_55] : memref<2x320000xi32, #tpu.memory_space<hbm>> -> memref<1x80xi32, #tpu.memory_space<hbm>>
    %dma_wait3A_71 = tpu.memref_squeeze %dma_wait3A_70 : memref<1x80xi32, #tpu.memory_space<hbm>> -> memref<80xi32, #tpu.memory_space<hbm>>
    %dma_wait3A_72 = arith.constant 0 : i32
    %dma_wait3A_73 = tpu.memref_slice %arg11[%dma_wait3A_66, %dma_wait3A_72] : memref<3x80xi32, #tpu.memory_space<vmem>> -> memref<1x80xi32, #tpu.memory_space<vmem>>
    %dma_wait3A_74 = tpu.memref_squeeze %dma_wait3A_73 : memref<1x80xi32, #tpu.memory_space<vmem>> -> memref<80xi32, #tpu.memory_space<vmem>>
    %dma_wait3A_75 = tpu.memref_slice %arg4[%arg0, %add3A_55] : memref<2x320000xi32, #tpu.memory_space<hbm>> -> memref<1x80xi32, #tpu.memory_space<hbm>>
    %dma_wait3A_76 = tpu.memref_squeeze %dma_wait3A_75 : memref<1x80xi32, #tpu.memory_space<hbm>> -> memref<80xi32, #tpu.memory_space<hbm>>
    tpu.wait_dma2 semaphore(%arg19 : memref<!tpu.dma_semaphore, #tpu.memory_space<semaphore_mem>>) src(%dma_wait3A_76 : memref<80xi32, #tpu.memory_space<hbm>>) dst(%dma_wait3A_74 : memref<80xi32, #tpu.memory_space<vmem>>)
    %add3A_77 = arith.constant 0 : i32
    %add3A_78 = arith.addi %mul3A_0, %add3A_77 : i32
    %dma_start3A_79 = arith.constant 1 : i32
    %dma_start3A_80 = arith.constant 0 : i32
    %dma_start3A_81 = arith.constant 0 : i32
    %dma_start3A_82 = tpu.memref_slice %arg12[%dma_start3A_80, %dma_start3A_81] : memref<3x80xi32, #tpu.memory_space<vmem>> -> memref<1x80xi32, #tpu.memory_space<vmem>>
    %dma_start3A_83 = tpu.memref_squeeze %dma_start3A_82 : memref<1x80xi32, #tpu.memory_space<vmem>> -> memref<80xi32, #tpu.memory_space<vmem>>
    %dma_start3A_84 = tpu.memref_slice %arg5[%dma_start3A_79, %add3A_78] : memref<2x320000xi32, #tpu.memory_space<hbm>> -> memref<1x80xi32, #tpu.memory_space<hbm>>
    %dma_start3A_85 = tpu.memref_squeeze %dma_start3A_84 : memref<1x80xi32, #tpu.memory_space<hbm>> -> memref<80xi32, #tpu.memory_space<hbm>>
    %dma_start3A_86 = arith.constant 0 : i32
    %dma_start3A_87 = tpu.memref_slice %arg12[%dma_start3A_80, %dma_start3A_86] : memref<3x80xi32, #tpu.memory_space<vmem>> -> memref<1x80xi32, #tpu.memory_space<vmem>>
    %dma_start3A_88 = tpu.memref_squeeze %dma_start3A_87 : memref<1x80xi32, #tpu.memory_space<vmem>> -> memref<80xi32, #tpu.memory_space<vmem>>
    %dma_start3A_89 = tpu.memref_slice %arg5[%dma_start3A_79, %add3A_78] : memref<2x320000xi32, #tpu.memory_space<hbm>> -> memref<1x80xi32, #tpu.memory_space<hbm>>
    %dma_start3A_90 = tpu.memref_squeeze %dma_start3A_89 : memref<1x80xi32, #tpu.memory_space<hbm>> -> memref<80xi32, #tpu.memory_space<hbm>>
    tpu.enqueue_dma source(%dma_start3A_90 : memref<80xi32, #tpu.memory_space<hbm>>) target(%dma_start3A_88 : memref<80xi32, #tpu.memory_space<vmem>>) target_semaphore(%arg22 : memref<!tpu.dma_semaphore, #tpu.memory_space<semaphore_mem>>)
    %dma_start3A_91 = arith.constant 0 : i32
    %dma_start3A_92 = arith.constant 0 : i32
    %dma_start3A_93 = arith.constant 0 : i32
    %dma_start3A_94 = arith.constant 0 : i32
    %dma_start3A_95 = tpu.memref_slice %arg13[%dma_start3A_92, %dma_start3A_93, %dma_start3A_94] : memref<3x80x8xf32, #tpu.memory_space<vmem>> -> memref<1x80x8xf32, #tpu.memory_space<vmem>>
    %dma_start3A_96 = tpu.memref_squeeze %dma_start3A_95 : memref<1x80x8xf32, #tpu.memory_space<vmem>> -> memref<80x8xf32, #tpu.memory_space<vmem>>
    %dma_start3A_97 = arith.constant 0 : i32
    %dma_start3A_98 = tpu.memref_slice %arg10[%dma_start3A_91, %dma_start3A_97] : memref<3x80xi32, #tpu.memory_space<vmem>> -> memref<1x80xi32, #tpu.memory_space<vmem>>
    %dma_start3A_99 = tpu.memref_squeeze %dma_start3A_98 : memref<1x80xi32, #tpu.memory_space<vmem>> -> memref<80xi32, #tpu.memory_space<vmem>>
    %dma_start3A_100 = arith.constant 0 : i32
    %dma_start3A_101 = arith.constant 0 : i32
    %dma_start3A_102 = tpu.memref_slice %arg6[%dma_start3A_100, %dma_start3A_101] : memref<20000x8xf32, #tpu.memory_space<hbm>> -> memref<20000x8xf32, #tpu.memory_space<hbm>>
    tpu.enqueue_indirect_dma source(%dma_start3A_102 : memref<20000x8xf32, #tpu.memory_space<hbm>>) target(%dma_start3A_96 : memref<80x8xf32, #tpu.memory_space<vmem>>) offsets(%dma_start3A_99 : memref<80xi32, #tpu.memory_space<vmem>>) semaphore(%arg22 : memref<!tpu.dma_semaphore, #tpu.memory_space<semaphore_mem>>)
    %dma_start3A_103 = arith.constant 0 : i32
    %dma_start3A_104 = arith.constant 0 : i32
    %dma_start3A_105 = arith.constant 0 : i32
    %dma_start3A_106 = arith.constant 0 : i32
    %dma_start3A_107 = tpu.memref_slice %arg14[%dma_start3A_104, %dma_start3A_105, %dma_start3A_106] : memref<3x80x8xf32, #tpu.memory_space<vmem>> -> memref<1x80x8xf32, #tpu.memory_space<vmem>>
    %dma_start3A_108 = tpu.memref_squeeze %dma_start3A_107 : memref<1x80x8xf32, #tpu.memory_space<vmem>> -> memref<80x8xf32, #tpu.memory_space<vmem>>
    %dma_start3A_109 = arith.constant 0 : i32
    %dma_start3A_110 = tpu.memref_slice %arg11[%dma_start3A_103, %dma_start3A_109] : memref<3x80xi32, #tpu.memory_space<vmem>> -> memref<1x80xi32, #tpu.memory_space<vmem>>
    %dma_start3A_111 = tpu.memref_squeeze %dma_start3A_110 : memref<1x80xi32, #tpu.memory_space<vmem>> -> memref<80xi32, #tpu.memory_space<vmem>>
    %dma_start3A_112 = arith.constant 0 : i32
    %dma_start3A_113 = arith.constant 0 : i32
    %dma_start3A_114 = tpu.memref_slice %arg6[%dma_start3A_112, %dma_start3A_113] : memref<20000x8xf32, #tpu.memory_space<hbm>> -> memref<20000x8xf32, #tpu.memory_space<hbm>>
    tpu.enqueue_indirect_dma source(%dma_start3A_114 : memref<20000x8xf32, #tpu.memory_space<hbm>>) target(%dma_start3A_108 : memref<80x8xf32, #tpu.memory_space<vmem>>) offsets(%dma_start3A_111 : memref<80xi32, #tpu.memory_space<vmem>>) semaphore(%arg22 : memref<!tpu.dma_semaphore, #tpu.memory_space<semaphore_mem>>)
    %dma_start3A_115 = arith.constant 0 : i32
    %dma_start3A_116 = arith.constant 0 : i32
    %dma_start3A_117 = arith.constant 0 : i32
    %dma_start3A_118 = arith.constant 0 : i32
    %dma_start3A_119 = tpu.memref_slice %arg15[%dma_start3A_116, %dma_start3A_117, %dma_start3A_118] : memref<3x80x128xf32, #tpu.memory_space<vmem>> -> memref<1x80x128xf32, #tpu.memory_space<vmem>>
    %dma_start3A_120 = tpu.memref_squeeze %dma_start3A_119 : memref<1x80x128xf32, #tpu.memory_space<vmem>> -> memref<80x128xf32, #tpu.memory_space<vmem>>
    %dma_start3A_121 = arith.constant 0 : i32
    %dma_start3A_122 = tpu.memref_slice %arg10[%dma_start3A_115, %dma_start3A_121] : memref<3x80xi32, #tpu.memory_space<vmem>> -> memref<1x80xi32, #tpu.memory_space<vmem>>
    %dma_start3A_123 = tpu.memref_squeeze %dma_start3A_122 : memref<1x80xi32, #tpu.memory_space<vmem>> -> memref<80xi32, #tpu.memory_space<vmem>>
    %dma_start3A_124 = arith.constant 0 : i32
    %dma_start3A_125 = arith.constant 0 : i32
    %dma_start3A_126 = tpu.memref_slice %arg2[%dma_start3A_124, %dma_start3A_125] : memref<20000x128xf32, #tpu.memory_space<hbm>> -> memref<20000x128xf32, #tpu.memory_space<hbm>>
    tpu.enqueue_indirect_dma source(%dma_start3A_126 : memref<20000x128xf32, #tpu.memory_space<hbm>>) target(%dma_start3A_120 : memref<80x128xf32, #tpu.memory_space<vmem>>) offsets(%dma_start3A_123 : memref<80xi32, #tpu.memory_space<vmem>>) semaphore(%arg22 : memref<!tpu.dma_semaphore, #tpu.memory_space<semaphore_mem>>)
    %scan3A_127 = arith.constant 0 : i32
    %scan3A_128 = arith.constant 16 : i32
    %scan3A_129 = arith.addi %scan3A_127, %scan3A_128 : i32
    %scan3A_130 = arith.constant 1 : i32
    scf.for %scan3A_235 = %scan3A_127 to %scan3A_129 step %scan3A_130  : i32 {
      %mul3A_236 = arith.constant 1 : i32
      %mul3A_237 = arith.muli %scan3A_235, %mul3A_236 : i32
      %add3A_238 = arith.constant 0 : i32
      %add3A_239 = arith.addi %add3A_238, %mul3A_237 : i32
      %mul3A_240 = arith.constant 16 : i32
      %mul3A_241 = arith.muli %mul3A_240, %add3A_239 : i32
      %add3A_242 = arith.addi %arg1, %mul3A_241 : i32
      %lt3A_243 = arith.constant 250 : i32
      %lt3A_244 = arith.cmpi slt, %add3A_242, %lt3A_243 : i32
      %convert_element_type3A_245 = arith.extui %lt3A_244 : i1 to i32
      %cond3A_246 = arith.constant 0 : i32
      %cond3A_247 = arith.cmpi ne, %convert_element_type3A_245, %cond3A_246 : i32
      scf.if %cond3A_247 {
        %mul3A_248 = arith.constant 40 : i32
        %mul3A_249 = arith.muli %add3A_242, %mul3A_248 : i32
        %multiple_of3A_250 = tpu.assume_multiple %mul3A_249, 8 : i32
        %dma_start3A_251 = arith.constant 2 : i32
        %dma_start3A_252 = arith.constant 0 : i32
        %dma_start3A_253 = arith.constant 0 : i32
        %dma_start3A_254 = tpu.memref_slice %arg15[%dma_start3A_251, %dma_start3A_252, %dma_start3A_253] : memref<3x80x128xf32, #tpu.memory_space<vmem>> -> memref<1x40x128xf32, #tpu.memory_space<vmem>>
        %dma_start3A_255 = tpu.memref_squeeze %dma_start3A_254 : memref<1x40x128xf32, #tpu.memory_space<vmem>> -> memref<40x128xf32, #tpu.memory_space<vmem>>
        %dma_start3A_256 = arith.constant 0 : i32
        %dma_start3A_257 = tpu.memref_slice %arg17[%multiple_of3A_250, %dma_start3A_256] : memref<10000x128xf32, #tpu.memory_space<vmem_shared>> -> memref<40x128xf32, #tpu.memory_space<vmem_shared>>
        %dma_start3A_258 = arith.constant 0 : i32
        %dma_start3A_259 = tpu.memref_slice %arg17[%multiple_of3A_250, %dma_start3A_258] : memref<10000x128xf32, #tpu.memory_space<vmem_shared>> -> memref<40x128xf32, #tpu.memory_space<vmem_shared>>
        %dma_start3A_260 = arith.constant 0 : i32
        %dma_start3A_261 = arith.constant 0 : i32
        %dma_start3A_262 = tpu.memref_slice %arg15[%dma_start3A_251, %dma_start3A_260, %dma_start3A_261] : memref<3x80x128xf32, #tpu.memory_space<vmem>> -> memref<1x40x128xf32, #tpu.memory_space<vmem>>
        %dma_start3A_263 = tpu.memref_squeeze %dma_start3A_262 : memref<1x40x128xf32, #tpu.memory_space<vmem>> -> memref<40x128xf32, #tpu.memory_space<vmem>>
        tpu.enqueue_dma source(%dma_start3A_263 : memref<40x128xf32, #tpu.memory_space<vmem>>) target(%dma_start3A_259 : memref<40x128xf32, #tpu.memory_space<vmem_shared>>) target_semaphore(%arg27 : memref<!tpu.dma_semaphore, #tpu.memory_space<semaphore_mem>>)
        %dma_start3A_264 = arith.constant 2 : i32
        %dma_start3A_265 = arith.constant 0 : i32
        %dma_start3A_266 = arith.constant 0 : i32
        %dma_start3A_267 = tpu.memref_slice %arg16[%dma_start3A_264, %dma_start3A_265, %dma_start3A_266] : memref<3x80x16xf32, #tpu.memory_space<vmem>> -> memref<1x40x16xf32, #tpu.memory_space<vmem>>
        %dma_start3A_268 = tpu.memref_squeeze %dma_start3A_267 : memref<1x40x16xf32, #tpu.memory_space<vmem>> -> memref<40x16xf32, #tpu.memory_space<vmem>>
        %dma_start3A_269 = arith.constant 0 : i32
        %dma_start3A_270 = tpu.memref_slice %arg18[%multiple_of3A_250, %dma_start3A_269] : memref<10000x16xf32, #tpu.memory_space<vmem_shared>> -> memref<40x16xf32, #tpu.memory_space<vmem_shared>>
        %dma_start3A_271 = arith.constant 0 : i32
        %dma_start3A_272 = tpu.memref_slice %arg18[%multiple_of3A_250, %dma_start3A_271] : memref<10000x16xf32, #tpu.memory_space<vmem_shared>> -> memref<40x16xf32, #tpu.memory_space<vmem_shared>>
        %dma_start3A_273 = arith.constant 0 : i32
        %dma_start3A_274 = arith.constant 0 : i32
        %dma_start3A_275 = tpu.memref_slice %arg16[%dma_start3A_264, %dma_start3A_273, %dma_start3A_274] : memref<3x80x16xf32, #tpu.memory_space<vmem>> -> memref<1x40x16xf32, #tpu.memory_space<vmem>>
        %dma_start3A_276 = tpu.memref_squeeze %dma_start3A_275 : memref<1x40x16xf32, #tpu.memory_space<vmem>> -> memref<40x16xf32, #tpu.memory_space<vmem>>
        tpu.enqueue_dma source(%dma_start3A_276 : memref<40x16xf32, #tpu.memory_space<vmem>>) target(%dma_start3A_272 : memref<40x16xf32, #tpu.memory_space<vmem_shared>>) target_semaphore(%arg27 : memref<!tpu.dma_semaphore, #tpu.memory_space<semaphore_mem>>)
      } else {
      }
    }
    %scan3A_131 = arith.constant 16 : i32
    %scan3A_132 = arith.constant 0 : i32
    %scan3A_133 = arith.constant 16 : i32
    %scan3A_134 = arith.addi %scan3A_132, %scan3A_133 : i32
    %scan3A_135 = arith.constant 1 : i32
    scf.for %scan3A_235 = %scan3A_132 to %scan3A_134 step %scan3A_135  : i32 {
      %mul3A_236 = arith.constant 1 : i32
      %mul3A_237 = arith.muli %scan3A_235, %mul3A_236 : i32
      %add3A_238 = arith.constant 0 : i32
      %add3A_239 = arith.addi %add3A_238, %mul3A_237 : i32
      %mul3A_240 = arith.constant 16 : i32
      %mul3A_241 = arith.muli %mul3A_240, %add3A_239 : i32
      %add3A_242 = arith.addi %arg1, %mul3A_241 : i32
      %lt3A_243 = arith.constant 250 : i32
      %lt3A_244 = arith.cmpi slt, %add3A_242, %lt3A_243 : i32
      %convert_element_type3A_245 = arith.extui %lt3A_244 : i1 to i32
      %cond3A_246 = arith.constant 0 : i32
      %cond3A_247 = arith.cmpi ne, %convert_element_type3A_245, %cond3A_246 : i32
      scf.if %cond3A_247 {
        %mul3A_248 = arith.constant 40 : i32
        %mul3A_249 = arith.muli %add3A_242, %mul3A_248 : i32
        %multiple_of3A_250 = tpu.assume_multiple %mul3A_249, 8 : i32
        %dma_wait3A_251 = arith.constant 2 : i32
        %dma_wait3A_252 = arith.constant 0 : i32
        %dma_wait3A_253 = arith.constant 0 : i32
        %dma_wait3A_254 = tpu.memref_slice %arg15[%dma_wait3A_251, %dma_wait3A_252, %dma_wait3A_253] : memref<3x80x128xf32, #tpu.memory_space<vmem>> -> memref<1x40x128xf32, #tpu.memory_space<vmem>>
        %dma_wait3A_255 = tpu.memref_squeeze %dma_wait3A_254 : memref<1x40x128xf32, #tpu.memory_space<vmem>> -> memref<40x128xf32, #tpu.memory_space<vmem>>
        %dma_wait3A_256 = arith.constant 0 : i32
        %dma_wait3A_257 = tpu.memref_slice %arg17[%multiple_of3A_250, %dma_wait3A_256] : memref<10000x128xf32, #tpu.memory_space<vmem_shared>> -> memref<40x128xf32, #tpu.memory_space<vmem_shared>>
        %dma_wait3A_258 = arith.constant 0 : i32
        %dma_wait3A_259 = tpu.memref_slice %arg17[%multiple_of3A_250, %dma_wait3A_258] : memref<10000x128xf32, #tpu.memory_space<vmem_shared>> -> memref<40x128xf32, #tpu.memory_space<vmem_shared>>
        %dma_wait3A_260 = arith.constant 0 : i32
        %dma_wait3A_261 = arith.constant 0 : i32
        %dma_wait3A_262 = tpu.memref_slice %arg15[%dma_wait3A_251, %dma_wait3A_260, %dma_wait3A_261] : memref<3x80x128xf32, #tpu.memory_space<vmem>> -> memref<1x40x128xf32, #tpu.memory_space<vmem>>
        %dma_wait3A_263 = tpu.memref_squeeze %dma_wait3A_262 : memref<1x40x128xf32, #tpu.memory_space<vmem>> -> memref<40x128xf32, #tpu.memory_space<vmem>>
        tpu.wait_dma2 semaphore(%arg27 : memref<!tpu.dma_semaphore, #tpu.memory_space<semaphore_mem>>) src(%dma_wait3A_263 : memref<40x128xf32, #tpu.memory_space<vmem>>) dst(%dma_wait3A_259 : memref<40x128xf32, #tpu.memory_space<vmem_shared>>)
        %dma_wait3A_264 = arith.constant 2 : i32
        %dma_wait3A_265 = arith.constant 0 : i32
        %dma_wait3A_266 = arith.constant 0 : i32
        %dma_wait3A_267 = tpu.memref_slice %arg16[%dma_wait3A_264, %dma_wait3A_265, %dma_wait3A_266] : memref<3x80x16xf32, #tpu.memory_space<vmem>> -> memref<1x40x16xf32, #tpu.memory_space<vmem>>
        %dma_wait3A_268 = tpu.memref_squeeze %dma_wait3A_267 : memref<1x40x16xf32, #tpu.memory_space<vmem>> -> memref<40x16xf32, #tpu.memory_space<vmem>>
        %dma_wait3A_269 = arith.constant 0 : i32
        %dma_wait3A_270 = tpu.memref_slice %arg18[%multiple_of3A_250, %dma_wait3A_269] : memref<10000x16xf32, #tpu.memory_space<vmem_shared>> -> memref<40x16xf32, #tpu.memory_space<vmem_shared>>
        %dma_wait3A_271 = arith.constant 0 : i32
        %dma_wait3A_272 = tpu.memref_slice %arg18[%multiple_of3A_250, %dma_wait3A_271] : memref<10000x16xf32, #tpu.memory_space<vmem_shared>> -> memref<40x16xf32, #tpu.memory_space<vmem_shared>>
        %dma_wait3A_273 = arith.constant 0 : i32
        %dma_wait3A_274 = arith.constant 0 : i32
        %dma_wait3A_275 = tpu.memref_slice %arg16[%dma_wait3A_264, %dma_wait3A_273, %dma_wait3A_274] : memref<3x80x16xf32, #tpu.memory_space<vmem>> -> memref<1x40x16xf32, #tpu.memory_space<vmem>>
        %dma_wait3A_276 = tpu.memref_squeeze %dma_wait3A_275 : memref<1x40x16xf32, #tpu.memory_space<vmem>> -> memref<40x16xf32, #tpu.memory_space<vmem>>
        tpu.wait_dma2 semaphore(%arg27 : memref<!tpu.dma_semaphore, #tpu.memory_space<semaphore_mem>>) src(%dma_wait3A_276 : memref<40x16xf32, #tpu.memory_space<vmem>>) dst(%dma_wait3A_272 : memref<40x16xf32, #tpu.memory_space<vmem_shared>>)
      } else {
      }
    }
    %scan3A_136 = arith.constant 16 : i32
    %barrier3A = arith.constant 0 : index
    tpu.barrier barrier_id(%barrier3A)
    %scan3A_137 = arith.constant 0 : i32
    %scan3A_138 = arith.constant 84 : i32
    %scan3A_139 = arith.addi %scan3A_137, %scan3A_138 : i32
    %scan3A_140 = arith.constant 1 : i32
    scf.for %scan3A_235 = %scan3A_137 to %scan3A_139 step %scan3A_140  : i32 {
      %mul3A_236 = arith.constant 3 : i32
      %mul3A_237 = arith.muli %scan3A_235, %mul3A_236 : i32
      %add3A_238 = arith.constant 0 : i32
      %add3A_239 = arith.addi %add3A_238, %mul3A_237 : i32
      %add3A_240 = arith.constant 0 : i32
      %add3A_241 = arith.addi %add3A_239, %add3A_240 : i32
      %lt3A_242 = arith.constant 250 : i32
      %lt3A_243 = arith.cmpi slt, %add3A_241, %lt3A_242 : i32
      %convert_element_type3A_244 = arith.extui %lt3A_243 : i1 to i32
      %cond3A_245 = arith.constant 0 : i32
      %cond3A_246 = arith.cmpi ne, %convert_element_type3A_244, %cond3A_245 : i32
      scf.if %cond3A_246 {
        %add3A_261 = arith.constant 2 : i32
        %add3A_262 = arith.addi %add3A_241, %add3A_261 : i32
        %lt3A_263 = arith.constant 250 : i32
        %lt3A_264 = arith.cmpi slt, %add3A_262, %lt3A_263 : i32
        %convert_element_type3A_265 = arith.extui %lt3A_264 : i1 to i32
        %cond3A_266 = arith.constant 0 : i32
        %cond3A_267 = arith.cmpi ne, %convert_element_type3A_265, %cond3A_266 : i32
        scf.if %cond3A_267 {
          %add3A_359 = arith.constant 2 : i32
          %add3A_360 = arith.addi %add3A_241, %add3A_359 : i32
          %mul3A_361 = arith.constant 80 : i32
          %mul3A_362 = arith.muli %add3A_360, %mul3A_361 : i32
          %add3A_363 = arith.addi %mul3A_0, %mul3A_362 : i32
          %dma_start3A_364 = arith.constant 2 : i32
          %dma_start3A_365 = arith.constant 0 : i32
          %dma_start3A_366 = tpu.memref_slice %arg10[%dma_start3A_364, %dma_start3A_365] : memref<3x80xi32, #tpu.memory_space<vmem>> -> memref<1x80xi32, #tpu.memory_space<vmem>>
          %dma_start3A_367 = tpu.memref_squeeze %dma_start3A_366 : memref<1x80xi32, #tpu.memory_space<vmem>> -> memref<80xi32, #tpu.memory_space<vmem>>
          %dma_start3A_368 = tpu.memref_slice %arg3[%arg0, %add3A_363] : memref<2x320000xi32, #tpu.memory_space<hbm>> -> memref<1x80xi32, #tpu.memory_space<hbm>>
          %dma_start3A_369 = tpu.memref_squeeze %dma_start3A_368 : memref<1x80xi32, #tpu.memory_space<hbm>> -> memref<80xi32, #tpu.memory_space<hbm>>
          %dma_start3A_370 = arith.constant 0 : i32
          %dma_start3A_371 = tpu.memref_slice %arg10[%dma_start3A_364, %dma_start3A_370] : memref<3x80xi32, #tpu.memory_space<vmem>> -> memref<1x80xi32, #tpu.memory_space<vmem>>
          %dma_start3A_372 = tpu.memref_squeeze %dma_start3A_371 : memref<1x80xi32, #tpu.memory_space<vmem>> -> memref<80xi32, #tpu.memory_space<vmem>>
          %dma_start3A_373 = tpu.memref_slice %arg3[%arg0, %add3A_363] : memref<2x320000xi32, #tpu.memory_space<hbm>> -> memref<1x80xi32, #tpu.memory_space<hbm>>
          %dma_start3A_374 = tpu.memref_squeeze %dma_start3A_373 : memref<1x80xi32, #tpu.memory_space<hbm>> -> memref<80xi32, #tpu.memory_space<hbm>>
          tpu.enqueue_dma source(%dma_start3A_374 : memref<80xi32, #tpu.memory_space<hbm>>) target(%dma_start3A_372 : memref<80xi32, #tpu.memory_space<vmem>>) target_semaphore(%arg21 : memref<!tpu.dma_semaphore, #tpu.memory_space<semaphore_mem>>)
          %dma_start3A_375 = arith.constant 2 : i32
          %dma_start3A_376 = arith.constant 0 : i32
          %dma_start3A_377 = tpu.memref_slice %arg11[%dma_start3A_375, %dma_start3A_376] : memref<3x80xi32, #tpu.memory_space<vmem>> -> memref<1x80xi32, #tpu.memory_space<vmem>>
          %dma_start3A_378 = tpu.memref_squeeze %dma_start3A_377 : memref<1x80xi32, #tpu.memory_space<vmem>> -> memref<80xi32, #tpu.memory_space<vmem>>
          %dma_start3A_379 = tpu.memref_slice %arg4[%arg0, %add3A_363] : memref<2x320000xi32, #tpu.memory_space<hbm>> -> memref<1x80xi32, #tpu.memory_space<hbm>>
          %dma_start3A_380 = tpu.memref_squeeze %dma_start3A_379 : memref<1x80xi32, #tpu.memory_space<hbm>> -> memref<80xi32, #tpu.memory_space<hbm>>
          %dma_start3A_381 = arith.constant 0 : i32
          %dma_start3A_382 = tpu.memref_slice %arg11[%dma_start3A_375, %dma_start3A_381] : memref<3x80xi32, #tpu.memory_space<vmem>> -> memref<1x80xi32, #tpu.memory_space<vmem>>
          %dma_start3A_383 = tpu.memref_squeeze %dma_start3A_382 : memref<1x80xi32, #tpu.memory_space<vmem>> -> memref<80xi32, #tpu.memory_space<vmem>>
          %dma_start3A_384 = tpu.memref_slice %arg4[%arg0, %add3A_363] : memref<2x320000xi32, #tpu.memory_space<hbm>> -> memref<1x80xi32, #tpu.memory_space<hbm>>
          %dma_start3A_385 = tpu.memref_squeeze %dma_start3A_384 : memref<1x80xi32, #tpu.memory_space<hbm>> -> memref<80xi32, #tpu.memory_space<hbm>>
          tpu.enqueue_dma source(%dma_start3A_385 : memref<80xi32, #tpu.memory_space<hbm>>) target(%dma_start3A_383 : memref<80xi32, #tpu.memory_space<vmem>>) target_semaphore(%arg21 : memref<!tpu.dma_semaphore, #tpu.memory_space<semaphore_mem>>)
        } else {
        }
        %ge3A = arith.constant 2 : i32
        %ge3A_268 = arith.cmpi sge, %add3A_241, %ge3A : i32
        %convert_element_type3A_269 = arith.extui %ge3A_268 : i1 to i32
        %cond3A_270 = arith.constant 0 : i32
        %cond3A_271 = arith.cmpi ne, %convert_element_type3A_269, %cond3A_270 : i32
        scf.if %cond3A_271 {
          %dma_wait3A_359 = arith.constant 1 : i32
          %dma_wait3A_360 = arith.constant 1 : i32
          %dma_wait3A_361 = arith.constant 0 : i32
          %dma_wait3A_362 = arith.constant 0 : i32
          %dma_wait3A_363 = tpu.memref_slice %arg15[%dma_wait3A_359, %dma_wait3A_361, %dma_wait3A_362] : memref<3x80x128xf32, #tpu.memory_space<vmem>> -> memref<1x80x128xf32, #tpu.memory_space<vmem>>
          %dma_wait3A_364 = tpu.memref_squeeze %dma_wait3A_363 : memref<1x80x128xf32, #tpu.memory_space<vmem>> -> memref<80x128xf32, #tpu.memory_space<vmem>>
          %dma_wait3A_365 = arith.constant 0 : i32
          %dma_wait3A_366 = tpu.memref_slice %arg12[%dma_wait3A_360, %dma_wait3A_365] : memref<3x80xi32, #tpu.memory_space<vmem>> -> memref<1x80xi32, #tpu.memory_space<vmem>>
          %dma_wait3A_367 = tpu.memref_squeeze %dma_wait3A_366 : memref<1x80xi32, #tpu.memory_space<vmem>> -> memref<80xi32, #tpu.memory_space<vmem>>
          %dma_wait3A_368 = arith.constant 0 : i32
          %dma_wait3A_369 = arith.constant 0 : i32
          %dma_wait3A_370 = tpu.memref_slice %arg17[%dma_wait3A_368, %dma_wait3A_369] : memref<10000x128xf32, #tpu.memory_space<vmem_shared>> -> memref<10000x128xf32, #tpu.memory_space<vmem_shared>>
          tpu.wait_indirect_dma semaphore(%arg26 : memref<!tpu.dma_semaphore, #tpu.memory_space<semaphore_mem>>) src(%dma_wait3A_364 : memref<80x128xf32, #tpu.memory_space<vmem>>) dst(%dma_wait3A_370 : memref<10000x128xf32, #tpu.memory_space<vmem_shared>>)
          %dma_wait3A_371 = arith.constant 1 : i32
          %dma_wait3A_372 = arith.constant 1 : i32
          %dma_wait3A_373 = arith.constant 0 : i32
          %dma_wait3A_374 = arith.constant 0 : i32
          %dma_wait3A_375 = tpu.memref_slice %arg16[%dma_wait3A_371, %dma_wait3A_373, %dma_wait3A_374] : memref<3x80x16xf32, #tpu.memory_space<vmem>> -> memref<1x80x16xf32, #tpu.memory_space<vmem>>
          %dma_wait3A_376 = tpu.memref_squeeze %dma_wait3A_375 : memref<1x80x16xf32, #tpu.memory_space<vmem>> -> memref<80x16xf32, #tpu.memory_space<vmem>>
          %dma_wait3A_377 = arith.constant 0 : i32
          %dma_wait3A_378 = tpu.memref_slice %arg12[%dma_wait3A_372, %dma_wait3A_377] : memref<3x80xi32, #tpu.memory_space<vmem>> -> memref<1x80xi32, #tpu.memory_space<vmem>>
          %dma_wait3A_379 = tpu.memref_squeeze %dma_wait3A_378 : memref<1x80xi32, #tpu.memory_space<vmem>> -> memref<80xi32, #tpu.memory_space<vmem>>
          %dma_wait3A_380 = arith.constant 0 : i32
          %dma_wait3A_381 = arith.constant 0 : i32
          %dma_wait3A_382 = tpu.memref_slice %arg18[%dma_wait3A_380, %dma_wait3A_381] : memref<10000x16xf32, #tpu.memory_space<vmem_shared>> -> memref<10000x16xf32, #tpu.memory_space<vmem_shared>>
          tpu.wait_indirect_dma semaphore(%arg26 : memref<!tpu.dma_semaphore, #tpu.memory_space<semaphore_mem>>) src(%dma_wait3A_376 : memref<80x16xf32, #tpu.memory_space<vmem>>) dst(%dma_wait3A_382 : memref<10000x16xf32, #tpu.memory_space<vmem_shared>>)
        } else {
        }
        %add3A_272 = arith.constant 1 : i32
        %add3A_273 = arith.addi %add3A_241, %add3A_272 : i32
        %lt3A_274 = arith.constant 250 : i32
        %lt3A_275 = arith.cmpi slt, %add3A_273, %lt3A_274 : i32
        %convert_element_type3A_276 = arith.extui %lt3A_275 : i1 to i32
        %cond3A_277 = arith.constant 0 : i32
        %cond3A_278 = arith.cmpi ne, %convert_element_type3A_276, %cond3A_277 : i32
        scf.if %cond3A_278 {
          %add3A_359 = arith.constant 1 : i32
          %add3A_360 = arith.addi %add3A_241, %add3A_359 : i32
          %mul3A_361 = arith.constant 80 : i32
          %mul3A_362 = arith.muli %add3A_360, %mul3A_361 : i32
          %add3A_363 = arith.addi %mul3A_0, %mul3A_362 : i32
          %dma_wait3A_364 = arith.constant 1 : i32
          %dma_wait3A_365 = arith.constant 0 : i32
          %dma_wait3A_366 = tpu.memref_slice %arg10[%dma_wait3A_364, %dma_wait3A_365] : memref<3x80xi32, #tpu.memory_space<vmem>> -> memref<1x80xi32, #tpu.memory_space<vmem>>
          %dma_wait3A_367 = tpu.memref_squeeze %dma_wait3A_366 : memref<1x80xi32, #tpu.memory_space<vmem>> -> memref<80xi32, #tpu.memory_space<vmem>>
          %dma_wait3A_368 = tpu.memref_slice %arg3[%arg0, %add3A_363] : memref<2x320000xi32, #tpu.memory_space<hbm>> -> memref<1x80xi32, #tpu.memory_space<hbm>>
          %dma_wait3A_369 = tpu.memref_squeeze %dma_wait3A_368 : memref<1x80xi32, #tpu.memory_space<hbm>> -> memref<80xi32, #tpu.memory_space<hbm>>
          %dma_wait3A_370 = arith.constant 0 : i32
          %dma_wait3A_371 = tpu.memref_slice %arg10[%dma_wait3A_364, %dma_wait3A_370] : memref<3x80xi32, #tpu.memory_space<vmem>> -> memref<1x80xi32, #tpu.memory_space<vmem>>
          %dma_wait3A_372 = tpu.memref_squeeze %dma_wait3A_371 : memref<1x80xi32, #tpu.memory_space<vmem>> -> memref<80xi32, #tpu.memory_space<vmem>>
          %dma_wait3A_373 = tpu.memref_slice %arg3[%arg0, %add3A_363] : memref<2x320000xi32, #tpu.memory_space<hbm>> -> memref<1x80xi32, #tpu.memory_space<hbm>>
          %dma_wait3A_374 = tpu.memref_squeeze %dma_wait3A_373 : memref<1x80xi32, #tpu.memory_space<hbm>> -> memref<80xi32, #tpu.memory_space<hbm>>
          tpu.wait_dma2 semaphore(%arg20 : memref<!tpu.dma_semaphore, #tpu.memory_space<semaphore_mem>>) src(%dma_wait3A_374 : memref<80xi32, #tpu.memory_space<hbm>>) dst(%dma_wait3A_372 : memref<80xi32, #tpu.memory_space<vmem>>)
          %dma_wait3A_375 = arith.constant 1 : i32
          %dma_wait3A_376 = arith.constant 0 : i32
          %dma_wait3A_377 = tpu.memref_slice %arg11[%dma_wait3A_375, %dma_wait3A_376] : memref<3x80xi32, #tpu.memory_space<vmem>> -> memref<1x80xi32, #tpu.memory_space<vmem>>
          %dma_wait3A_378 = tpu.memref_squeeze %dma_wait3A_377 : memref<1x80xi32, #tpu.memory_space<vmem>> -> memref<80xi32, #tpu.memory_space<vmem>>
          %dma_wait3A_379 = tpu.memref_slice %arg4[%arg0, %add3A_363] : memref<2x320000xi32, #tpu.memory_space<hbm>> -> memref<1x80xi32, #tpu.memory_space<hbm>>
          %dma_wait3A_380 = tpu.memref_squeeze %dma_wait3A_379 : memref<1x80xi32, #tpu.memory_space<hbm>> -> memref<80xi32, #tpu.memory_space<hbm>>
          %dma_wait3A_381 = arith.constant 0 : i32
          %dma_wait3A_382 = tpu.memref_slice %arg11[%dma_wait3A_375, %dma_wait3A_381] : memref<3x80xi32, #tpu.memory_space<vmem>> -> memref<1x80xi32, #tpu.memory_space<vmem>>
          %dma_wait3A_383 = tpu.memref_squeeze %dma_wait3A_382 : memref<1x80xi32, #tpu.memory_space<vmem>> -> memref<80xi32, #tpu.memory_space<vmem>>
          %dma_wait3A_384 = tpu.memref_slice %arg4[%arg0, %add3A_363] : memref<2x320000xi32, #tpu.memory_space<hbm>> -> memref<1x80xi32, #tpu.memory_space<hbm>>
          %dma_wait3A_385 = tpu.memref_squeeze %dma_wait3A_384 : memref<1x80xi32, #tpu.memory_space<hbm>> -> memref<80xi32, #tpu.memory_space<hbm>>
          tpu.wait_dma2 semaphore(%arg20 : memref<!tpu.dma_semaphore, #tpu.memory_space<semaphore_mem>>) src(%dma_wait3A_385 : memref<80xi32, #tpu.memory_space<hbm>>) dst(%dma_wait3A_383 : memref<80xi32, #tpu.memory_space<vmem>>)
          %add3A_386 = arith.constant 1 : i32
          %add3A_387 = arith.addi %add3A_241, %add3A_386 : i32
          %mul3A_388 = arith.constant 80 : i32
          %mul3A_389 = arith.muli %add3A_387, %mul3A_388 : i32
          %add3A_390 = arith.addi %mul3A_0, %mul3A_389 : i32
          %dma_start3A_391 = arith.constant 1 : i32
          %dma_start3A_392 = arith.constant 1 : i32
          %dma_start3A_393 = arith.constant 0 : i32
          %dma_start3A_394 = tpu.memref_slice %arg12[%dma_start3A_392, %dma_start3A_393] : memref<3x80xi32, #tpu.memory_space<vmem>> -> memref<1x80xi32, #tpu.memory_space<vmem>>
          %dma_start3A_395 = tpu.memref_squeeze %dma_start3A_394 : memref<1x80xi32, #tpu.memory_space<vmem>> -> memref<80xi32, #tpu.memory_space<vmem>>
          %dma_start3A_396 = tpu.memref_slice %arg5[%dma_start3A_391, %add3A_390] : memref<2x320000xi32, #tpu.memory_space<hbm>> -> memref<1x80xi32, #tpu.memory_space<hbm>>
          %dma_start3A_397 = tpu.memref_squeeze %dma_start3A_396 : memref<1x80xi32, #tpu.memory_space<hbm>> -> memref<80xi32, #tpu.memory_space<hbm>>
          %dma_start3A_398 = arith.constant 0 : i32
          %dma_start3A_399 = tpu.memref_slice %arg12[%dma_start3A_392, %dma_start3A_398] : memref<3x80xi32, #tpu.memory_space<vmem>> -> memref<1x80xi32, #tpu.memory_space<vmem>>
          %dma_start3A_400 = tpu.memref_squeeze %dma_start3A_399 : memref<1x80xi32, #tpu.memory_space<vmem>> -> memref<80xi32, #tpu.memory_space<vmem>>
          %dma_start3A_401 = tpu.memref_slice %arg5[%dma_start3A_391, %add3A_390] : memref<2x320000xi32, #tpu.memory_space<hbm>> -> memref<1x80xi32, #tpu.memory_space<hbm>>
          %dma_start3A_402 = tpu.memref_squeeze %dma_start3A_401 : memref<1x80xi32, #tpu.memory_space<hbm>> -> memref<80xi32, #tpu.memory_space<hbm>>
          tpu.enqueue_dma source(%dma_start3A_402 : memref<80xi32, #tpu.memory_space<hbm>>) target(%dma_start3A_400 : memref<80xi32, #tpu.memory_space<vmem>>) target_semaphore(%arg23 : memref<!tpu.dma_semaphore, #tpu.memory_space<semaphore_mem>>)
          %dma_start3A_403 = arith.constant 1 : i32
          %dma_start3A_404 = arith.constant 1 : i32
          %dma_start3A_405 = arith.constant 0 : i32
          %dma_start3A_406 = arith.constant 0 : i32
          %dma_start3A_407 = tpu.memref_slice %arg13[%dma_start3A_404, %dma_start3A_405, %dma_start3A_406] : memref<3x80x8xf32, #tpu.memory_space<vmem>> -> memref<1x80x8xf32, #tpu.memory_space<vmem>>
          %dma_start3A_408 = tpu.memref_squeeze %dma_start3A_407 : memref<1x80x8xf32, #tpu.memory_space<vmem>> -> memref<80x8xf32, #tpu.memory_space<vmem>>
          %dma_start3A_409 = arith.constant 0 : i32
          %dma_start3A_410 = tpu.memref_slice %arg10[%dma_start3A_403, %dma_start3A_409] : memref<3x80xi32, #tpu.memory_space<vmem>> -> memref<1x80xi32, #tpu.memory_space<vmem>>
          %dma_start3A_411 = tpu.memref_squeeze %dma_start3A_410 : memref<1x80xi32, #tpu.memory_space<vmem>> -> memref<80xi32, #tpu.memory_space<vmem>>
          %dma_start3A_412 = arith.constant 0 : i32
          %dma_start3A_413 = arith.constant 0 : i32
          %dma_start3A_414 = tpu.memref_slice %arg6[%dma_start3A_412, %dma_start3A_413] : memref<20000x8xf32, #tpu.memory_space<hbm>> -> memref<20000x8xf32, #tpu.memory_space<hbm>>
          tpu.enqueue_indirect_dma source(%dma_start3A_414 : memref<20000x8xf32, #tpu.memory_space<hbm>>) target(%dma_start3A_408 : memref<80x8xf32, #tpu.memory_space<vmem>>) offsets(%dma_start3A_411 : memref<80xi32, #tpu.memory_space<vmem>>) semaphore(%arg23 : memref<!tpu.dma_semaphore, #tpu.memory_space<semaphore_mem>>)
          %dma_start3A_415 = arith.constant 1 : i32
          %dma_start3A_416 = arith.constant 1 : i32
          %dma_start3A_417 = arith.constant 0 : i32
          %dma_start3A_418 = arith.constant 0 : i32
          %dma_start3A_419 = tpu.memref_slice %arg14[%dma_start3A_416, %dma_start3A_417, %dma_start3A_418] : memref<3x80x8xf32, #tpu.memory_space<vmem>> -> memref<1x80x8xf32, #tpu.memory_space<vmem>>
          %dma_start3A_420 = tpu.memref_squeeze %dma_start3A_419 : memref<1x80x8xf32, #tpu.memory_space<vmem>> -> memref<80x8xf32, #tpu.memory_space<vmem>>
          %dma_start3A_421 = arith.constant 0 : i32
          %dma_start3A_422 = tpu.memref_slice %arg11[%dma_start3A_415, %dma_start3A_421] : memref<3x80xi32, #tpu.memory_space<vmem>> -> memref<1x80xi32, #tpu.memory_space<vmem>>
          %dma_start3A_423 = tpu.memref_squeeze %dma_start3A_422 : memref<1x80xi32, #tpu.memory_space<vmem>> -> memref<80xi32, #tpu.memory_space<vmem>>
          %dma_start3A_424 = arith.constant 0 : i32
          %dma_start3A_425 = arith.constant 0 : i32
          %dma_start3A_426 = tpu.memref_slice %arg6[%dma_start3A_424, %dma_start3A_425] : memref<20000x8xf32, #tpu.memory_space<hbm>> -> memref<20000x8xf32, #tpu.memory_space<hbm>>
          tpu.enqueue_indirect_dma source(%dma_start3A_426 : memref<20000x8xf32, #tpu.memory_space<hbm>>) target(%dma_start3A_420 : memref<80x8xf32, #tpu.memory_space<vmem>>) offsets(%dma_start3A_423 : memref<80xi32, #tpu.memory_space<vmem>>) semaphore(%arg23 : memref<!tpu.dma_semaphore, #tpu.memory_space<semaphore_mem>>)
          %dma_start3A_427 = arith.constant 1 : i32
          %dma_start3A_428 = arith.constant 1 : i32
          %dma_start3A_429 = arith.constant 0 : i32
          %dma_start3A_430 = arith.constant 0 : i32
          %dma_start3A_431 = tpu.memref_slice %arg15[%dma_start3A_428, %dma_start3A_429, %dma_start3A_430] : memref<3x80x128xf32, #tpu.memory_space<vmem>> -> memref<1x80x128xf32, #tpu.memory_space<vmem>>
          %dma_start3A_432 = tpu.memref_squeeze %dma_start3A_431 : memref<1x80x128xf32, #tpu.memory_space<vmem>> -> memref<80x128xf32, #tpu.memory_space<vmem>>
          %dma_start3A_433 = arith.constant 0 : i32
          %dma_start3A_434 = tpu.memref_slice %arg10[%dma_start3A_427, %dma_start3A_433] : memref<3x80xi32, #tpu.memory_space<vmem>> -> memref<1x80xi32, #tpu.memory_space<vmem>>
          %dma_start3A_435 = tpu.memref_squeeze %dma_start3A_434 : memref<1x80xi32, #tpu.memory_space<vmem>> -> memref<80xi32, #tpu.memory_space<vmem>>
          %dma_start3A_436 = arith.constant 0 : i32
          %dma_start3A_437 = arith.constant 0 : i32
          %dma_start3A_438 = tpu.memref_slice %arg2[%dma_start3A_436, %dma_start3A_437] : memref<20000x128xf32, #tpu.memory_space<hbm>> -> memref<20000x128xf32, #tpu.memory_space<hbm>>
          tpu.enqueue_indirect_dma source(%dma_start3A_438 : memref<20000x128xf32, #tpu.memory_space<hbm>>) target(%dma_start3A_432 : memref<80x128xf32, #tpu.memory_space<vmem>>) offsets(%dma_start3A_435 : memref<80xi32, #tpu.memory_space<vmem>>) semaphore(%arg23 : memref<!tpu.dma_semaphore, #tpu.memory_space<semaphore_mem>>)
        } else {
        }
        %mul3A_279 = arith.constant 80 : i32
        %mul3A_280 = arith.muli %add3A_241, %mul3A_279 : i32
        %add3A_281 = arith.addi %mul3A_0, %mul3A_280 : i32
        %dma_wait3A_282 = arith.constant 1 : i32
        %dma_wait3A_283 = arith.constant 0 : i32
        %dma_wait3A_284 = arith.constant 0 : i32
        %dma_wait3A_285 = tpu.memref_slice %arg12[%dma_wait3A_283, %dma_wait3A_284] : memref<3x80xi32, #tpu.memory_space<vmem>> -> memref<1x80xi32, #tpu.memory_space<vmem>>
        %dma_wait3A_286 = tpu.memref_squeeze %dma_wait3A_285 : memref<1x80xi32, #tpu.memory_space<vmem>> -> memref<80xi32, #tpu.memory_space<vmem>>
        %dma_wait3A_287 = tpu.memref_slice %arg5[%dma_wait3A_282, %add3A_281] : memref<2x320000xi32, #tpu.memory_space<hbm>> -> memref<1x80xi32, #tpu.memory_space<hbm>>
        %dma_wait3A_288 = tpu.memref_squeeze %dma_wait3A_287 : memref<1x80xi32, #tpu.memory_space<hbm>> -> memref<80xi32, #tpu.memory_space<hbm>>
        %dma_wait3A_289 = arith.constant 0 : i32
        %dma_wait3A_290 = tpu.memref_slice %arg12[%dma_wait3A_283, %dma_wait3A_289] : memref<3x80xi32, #tpu.memory_space<vmem>> -> memref<1x80xi32, #tpu.memory_space<vmem>>
        %dma_wait3A_291 = tpu.memref_squeeze %dma_wait3A_290 : memref<1x80xi32, #tpu.memory_space<vmem>> -> memref<80xi32, #tpu.memory_space<vmem>>
        %dma_wait3A_292 = tpu.memref_slice %arg5[%dma_wait3A_282, %add3A_281] : memref<2x320000xi32, #tpu.memory_space<hbm>> -> memref<1x80xi32, #tpu.memory_space<hbm>>
        %dma_wait3A_293 = tpu.memref_squeeze %dma_wait3A_292 : memref<1x80xi32, #tpu.memory_space<hbm>> -> memref<80xi32, #tpu.memory_space<hbm>>
        tpu.wait_dma2 semaphore(%arg22 : memref<!tpu.dma_semaphore, #tpu.memory_space<semaphore_mem>>) src(%dma_wait3A_293 : memref<80xi32, #tpu.memory_space<hbm>>) dst(%dma_wait3A_291 : memref<80xi32, #tpu.memory_space<vmem>>)
        %dma_wait3A_294 = arith.constant 0 : i32
        %dma_wait3A_295 = arith.constant 0 : i32
        %dma_wait3A_296 = arith.constant 0 : i32
        %dma_wait3A_297 = arith.constant 0 : i32
        %dma_wait3A_298 = tpu.memref_slice %arg13[%dma_wait3A_295, %dma_wait3A_296, %dma_wait3A_297] : memref<3x80x8xf32, #tpu.memory_space<vmem>> -> memref<1x80x8xf32, #tpu.memory_space<vmem>>
        %dma_wait3A_299 = tpu.memref_squeeze %dma_wait3A_298 : memref<1x80x8xf32, #tpu.memory_space<vmem>> -> memref<80x8xf32, #tpu.memory_space<vmem>>
        %dma_wait3A_300 = arith.constant 0 : i32
        %dma_wait3A_301 = tpu.memref_slice %arg10[%dma_wait3A_294, %dma_wait3A_300] : memref<3x80xi32, #tpu.memory_space<vmem>> -> memref<1x80xi32, #tpu.memory_space<vmem>>
        %dma_wait3A_302 = tpu.memref_squeeze %dma_wait3A_301 : memref<1x80xi32, #tpu.memory_space<vmem>> -> memref<80xi32, #tpu.memory_space<vmem>>
        %dma_wait3A_303 = arith.constant 0 : i32
        %dma_wait3A_304 = arith.constant 0 : i32
        %dma_wait3A_305 = tpu.memref_slice %arg6[%dma_wait3A_303, %dma_wait3A_304] : memref<20000x8xf32, #tpu.memory_space<hbm>> -> memref<20000x8xf32, #tpu.memory_space<hbm>>
        tpu.wait_indirect_dma semaphore(%arg22 : memref<!tpu.dma_semaphore, #tpu.memory_space<semaphore_mem>>) src(%dma_wait3A_305 : memref<20000x8xf32, #tpu.memory_space<hbm>>) dst(%dma_wait3A_299 : memref<80x8xf32, #tpu.memory_space<vmem>>)
        %dma_wait3A_306 = arith.constant 0 : i32
        %dma_wait3A_307 = arith.constant 0 : i32
        %dma_wait3A_308 = arith.constant 0 : i32
        %dma_wait3A_309 = arith.constant 0 : i32
        %dma_wait3A_310 = tpu.memref_slice %arg14[%dma_wait3A_307, %dma_wait3A_308, %dma_wait3A_309] : memref<3x80x8xf32, #tpu.memory_space<vmem>> -> memref<1x80x8xf32, #tpu.memory_space<vmem>>
        %dma_wait3A_311 = tpu.memref_squeeze %dma_wait3A_310 : memref<1x80x8xf32, #tpu.memory_space<vmem>> -> memref<80x8xf32, #tpu.memory_space<vmem>>
        %dma_wait3A_312 = arith.constant 0 : i32
        %dma_wait3A_313 = tpu.memref_slice %arg11[%dma_wait3A_306, %dma_wait3A_312] : memref<3x80xi32, #tpu.memory_space<vmem>> -> memref<1x80xi32, #tpu.memory_space<vmem>>
        %dma_wait3A_314 = tpu.memref_squeeze %dma_wait3A_313 : memref<1x80xi32, #tpu.memory_space<vmem>> -> memref<80xi32, #tpu.memory_space<vmem>>
        %dma_wait3A_315 = arith.constant 0 : i32
        %dma_wait3A_316 = arith.constant 0 : i32
        %dma_wait3A_317 = tpu.memref_slice %arg6[%dma_wait3A_315, %dma_wait3A_316] : memref<20000x8xf32, #tpu.memory_space<hbm>> -> memref<20000x8xf32, #tpu.memory_space<hbm>>
        tpu.wait_indirect_dma semaphore(%arg22 : memref<!tpu.dma_semaphore, #tpu.memory_space<semaphore_mem>>) src(%dma_wait3A_317 : memref<20000x8xf32, #tpu.memory_space<hbm>>) dst(%dma_wait3A_311 : memref<80x8xf32, #tpu.memory_space<vmem>>)
        %dma_wait3A_318 = arith.constant 0 : i32
        %dma_wait3A_319 = arith.constant 0 : i32
        %dma_wait3A_320 = arith.constant 0 : i32
        %dma_wait3A_321 = arith.constant 0 : i32
        %dma_wait3A_322 = tpu.memref_slice %arg15[%dma_wait3A_319, %dma_wait3A_320, %dma_wait3A_321] : memref<3x80x128xf32, #tpu.memory_space<vmem>> -> memref<1x80x128xf32, #tpu.memory_space<vmem>>
        %dma_wait3A_323 = tpu.memref_squeeze %dma_wait3A_322 : memref<1x80x128xf32, #tpu.memory_space<vmem>> -> memref<80x128xf32, #tpu.memory_space<vmem>>
        %dma_wait3A_324 = arith.constant 0 : i32
        %dma_wait3A_325 = tpu.memref_slice %arg10[%dma_wait3A_318, %dma_wait3A_324] : memref<3x80xi32, #tpu.memory_space<vmem>> -> memref<1x80xi32, #tpu.memory_space<vmem>>
        %dma_wait3A_326 = tpu.memref_squeeze %dma_wait3A_325 : memref<1x80xi32, #tpu.memory_space<vmem>> -> memref<80xi32, #tpu.memory_space<vmem>>
        %dma_wait3A_327 = arith.constant 0 : i32
        %dma_wait3A_328 = arith.constant 0 : i32
        %dma_wait3A_329 = tpu.memref_slice %arg2[%dma_wait3A_327, %dma_wait3A_328] : memref<20000x128xf32, #tpu.memory_space<hbm>> -> memref<20000x128xf32, #tpu.memory_space<hbm>>
        tpu.wait_indirect_dma semaphore(%arg22 : memref<!tpu.dma_semaphore, #tpu.memory_space<semaphore_mem>>) src(%dma_wait3A_329 : memref<20000x128xf32, #tpu.memory_space<hbm>>) dst(%dma_wait3A_323 : memref<80x128xf32, #tpu.memory_space<vmem>>)
        %parallel_loop3A = arith.constant 0 : i32
        %parallel_loop3A_330 = arith.constant 80 : i32
        %parallel_loop3A_331 = arith.constant 16 : i32
        scf.for %parallel_loop3A_359 = %parallel_loop3A to %parallel_loop3A_330 step %parallel_loop3A_331  : i32 {
          %parallel_loop3A_360 = vector.broadcast %parallel_loop3A_359 : i32 to vector<16xi32>
          %parallel_loop3A_361 = arith.addi %iota3A, %parallel_loop3A_360 : vector<16xi32>
          %parallel_loop3A_362 = arith.constant 0 : i32
          %parallel_loop3A_363 = vector.broadcast %parallel_loop3A_362 : i32 to vector<16xi32>
          %parallel_loop3A_364 = arith.constant 0 : i32
          %parallel_loop3A_365 = arith.constant 0 : i32
          %parallel_loop3A_366 = arith.constant 0 : i32
          %parallel_loop3A_367 = tpu.memref_slice %arg13[%parallel_loop3A_364, %parallel_loop3A_365, %parallel_loop3A_366] : memref<3x80x8xf32, #tpu.memory_space<vmem>> -> memref<1x80x8xf32, #tpu.memory_space<vmem>>
          %parallel_loop3A_368 = tpu.memref_squeeze %parallel_loop3A_367 : memref<1x80x8xf32, #tpu.memory_space<vmem>> -> memref<80x8xf32, #tpu.memory_space<vmem>>
          %parallel_loop3A_369 = tpu.vector_load_idx %parallel_loop3A_368[%parallel_loop3A_361, %parallel_loop3A_363] : memref<80x8xf32, #tpu.memory_space<vmem>>[vector<16xi32>, vector<16xi32>], vector<16xf32>,
          %parallel_loop3A_370 = arith.constant 4 : i32
          %parallel_loop3A_371 = vector.broadcast %parallel_loop3A_370 : i32 to vector<16xi32>
          %parallel_loop3A_372 = arith.constant 0 : i32
          %parallel_loop3A_373 = arith.constant 0 : i32
          %parallel_loop3A_374 = arith.constant 0 : i32
          %parallel_loop3A_375 = tpu.memref_slice %arg14[%parallel_loop3A_372, %parallel_loop3A_373, %parallel_loop3A_374] : memref<3x80x8xf32, #tpu.memory_space<vmem>> -> memref<1x80x8xf32, #tpu.memory_space<vmem>>
          %parallel_loop3A_376 = tpu.memref_squeeze %parallel_loop3A_375 : memref<1x80x8xf32, #tpu.memory_space<vmem>> -> memref<80x8xf32, #tpu.memory_space<vmem>>
          %parallel_loop3A_377 = tpu.vector_load_idx %parallel_loop3A_376[%parallel_loop3A_361, %parallel_loop3A_371] : memref<80x8xf32, #tpu.memory_space<vmem>>[vector<16xi32>, vector<16xi32>], vector<16xf32>,
          %parallel_loop3A_378 = arith.addf %parallel_loop3A_369, %parallel_loop3A_377 : vector<16xf32>
          %parallel_loop3A_379 = arith.constant 2.000000e-01 : f32
          %parallel_loop3A_380 = vector.broadcast %parallel_loop3A_379 : f32 to vector<16xf32>
          %parallel_loop3A_381 = arith.mulf %parallel_loop3A_380, %parallel_loop3A_378 : vector<16xf32>
          %parallel_loop3A_382 = arith.maximumf %parallel_loop3A_378, %parallel_loop3A_381 : vector<16xf32>
          %parallel_loop3A_383 = math.exp %parallel_loop3A_382 : vector<16xf32>
          %parallel_loop3A_384 = arith.constant 0 : i32
          %parallel_loop3A_385 = vector.broadcast %parallel_loop3A_384 : i32 to vector<16xi32>
          %parallel_loop3A_386 = arith.constant 0 : i32
          %parallel_loop3A_387 = arith.constant 0 : i32
          %parallel_loop3A_388 = arith.constant 0 : i32
          %parallel_loop3A_389 = tpu.memref_slice %arg16[%parallel_loop3A_386, %parallel_loop3A_387, %parallel_loop3A_388] : memref<3x80x16xf32, #tpu.memory_space<vmem>> -> memref<1x80x16xf32, #tpu.memory_space<vmem>>
          %parallel_loop3A_390 = tpu.memref_squeeze %parallel_loop3A_389 : memref<1x80x16xf32, #tpu.memory_space<vmem>> -> memref<80x16xf32, #tpu.memory_space<vmem>>
          tpu.vector_store_idx %parallel_loop3A_390[%parallel_loop3A_361, %parallel_loop3A_385], %parallel_loop3A_383 : memref<80x16xf32, #tpu.memory_space<vmem>>[vector<16xi32>, vector<16xi32>], vector<16xf32>,
          %parallel_loop3A_391 = arith.constant 1 : i32
          %parallel_loop3A_392 = vector.broadcast %parallel_loop3A_391 : i32 to vector<16xi32>
          %parallel_loop3A_393 = arith.constant 0 : i32
          %parallel_loop3A_394 = arith.constant 0 : i32
          %parallel_loop3A_395 = arith.constant 0 : i32
          %parallel_loop3A_396 = tpu.memref_slice %arg13[%parallel_loop3A_393, %parallel_loop3A_394, %parallel_loop3A_395] : memref<3x80x8xf32, #tpu.memory_space<vmem>> -> memref<1x80x8xf32, #tpu.memory_space<vmem>>
          %parallel_loop3A_397 = tpu.memref_squeeze %parallel_loop3A_396 : memref<1x80x8xf32, #tpu.memory_space<vmem>> -> memref<80x8xf32, #tpu.memory_space<vmem>>
          %parallel_loop3A_398 = tpu.vector_load_idx %parallel_loop3A_397[%parallel_loop3A_361, %parallel_loop3A_392] : memref<80x8xf32, #tpu.memory_space<vmem>>[vector<16xi32>, vector<16xi32>], vector<16xf32>,
          %parallel_loop3A_399 = arith.constant 5 : i32
          %parallel_loop3A_400 = vector.broadcast %parallel_loop3A_399 : i32 to vector<16xi32>
          %parallel_loop3A_401 = arith.constant 0 : i32
          %parallel_loop3A_402 = arith.constant 0 : i32
          %parallel_loop3A_403 = arith.constant 0 : i32
          %parallel_loop3A_404 = tpu.memref_slice %arg14[%parallel_loop3A_401, %parallel_loop3A_402, %parallel_loop3A_403] : memref<3x80x8xf32, #tpu.memory_space<vmem>> -> memref<1x80x8xf32, #tpu.memory_space<vmem>>
          %parallel_loop3A_405 = tpu.memref_squeeze %parallel_loop3A_404 : memref<1x80x8xf32, #tpu.memory_space<vmem>> -> memref<80x8xf32, #tpu.memory_space<vmem>>
          %parallel_loop3A_406 = tpu.vector_load_idx %parallel_loop3A_405[%parallel_loop3A_361, %parallel_loop3A_400] : memref<80x8xf32, #tpu.memory_space<vmem>>[vector<16xi32>, vector<16xi32>], vector<16xf32>,
          %parallel_loop3A_407 = arith.addf %parallel_loop3A_398, %parallel_loop3A_406 : vector<16xf32>
          %parallel_loop3A_408 = arith.constant 2.000000e-01 : f32
          %parallel_loop3A_409 = vector.broadcast %parallel_loop3A_408 : f32 to vector<16xf32>
          %parallel_loop3A_410 = arith.mulf %parallel_loop3A_409, %parallel_loop3A_407 : vector<16xf32>
          %parallel_loop3A_411 = arith.maximumf %parallel_loop3A_407, %parallel_loop3A_410 : vector<16xf32>
          %parallel_loop3A_412 = math.exp %parallel_loop3A_411 : vector<16xf32>
          %parallel_loop3A_413 = arith.constant 1 : i32
          %parallel_loop3A_414 = vector.broadcast %parallel_loop3A_413 : i32 to vector<16xi32>
          %parallel_loop3A_415 = arith.constant 0 : i32
          %parallel_loop3A_416 = arith.constant 0 : i32
          %parallel_loop3A_417 = arith.constant 0 : i32
          %parallel_loop3A_418 = tpu.memref_slice %arg16[%parallel_loop3A_415, %parallel_loop3A_416, %parallel_loop3A_417] : memref<3x80x16xf32, #tpu.memory_space<vmem>> -> memref<1x80x16xf32, #tpu.memory_space<vmem>>
          %parallel_loop3A_419 = tpu.memref_squeeze %parallel_loop3A_418 : memref<1x80x16xf32, #tpu.memory_space<vmem>> -> memref<80x16xf32, #tpu.memory_space<vmem>>
          tpu.vector_store_idx %parallel_loop3A_419[%parallel_loop3A_361, %parallel_loop3A_414], %parallel_loop3A_412 : memref<80x16xf32, #tpu.memory_space<vmem>>[vector<16xi32>, vector<16xi32>], vector<16xf32>,
          %parallel_loop3A_420 = arith.constant 2 : i32
          %parallel_loop3A_421 = vector.broadcast %parallel_loop3A_420 : i32 to vector<16xi32>
          %parallel_loop3A_422 = arith.constant 0 : i32
          %parallel_loop3A_423 = arith.constant 0 : i32
          %parallel_loop3A_424 = arith.constant 0 : i32
          %parallel_loop3A_425 = tpu.memref_slice %arg13[%parallel_loop3A_422, %parallel_loop3A_423, %parallel_loop3A_424] : memref<3x80x8xf32, #tpu.memory_space<vmem>> -> memref<1x80x8xf32, #tpu.memory_space<vmem>>
          %parallel_loop3A_426 = tpu.memref_squeeze %parallel_loop3A_425 : memref<1x80x8xf32, #tpu.memory_space<vmem>> -> memref<80x8xf32, #tpu.memory_space<vmem>>
          %parallel_loop3A_427 = tpu.vector_load_idx %parallel_loop3A_426[%parallel_loop3A_361, %parallel_loop3A_421] : memref<80x8xf32, #tpu.memory_space<vmem>>[vector<16xi32>, vector<16xi32>], vector<16xf32>,
          %parallel_loop3A_428 = arith.constant 6 : i32
          %parallel_loop3A_429 = vector.broadcast %parallel_loop3A_428 : i32 to vector<16xi32>
          %parallel_loop3A_430 = arith.constant 0 : i32
          %parallel_loop3A_431 = arith.constant 0 : i32
          %parallel_loop3A_432 = arith.constant 0 : i32
          %parallel_loop3A_433 = tpu.memref_slice %arg14[%parallel_loop3A_430, %parallel_loop3A_431, %parallel_loop3A_432] : memref<3x80x8xf32, #tpu.memory_space<vmem>> -> memref<1x80x8xf32, #tpu.memory_space<vmem>>
          %parallel_loop3A_434 = tpu.memref_squeeze %parallel_loop3A_433 : memref<1x80x8xf32, #tpu.memory_space<vmem>> -> memref<80x8xf32, #tpu.memory_space<vmem>>
          %parallel_loop3A_435 = tpu.vector_load_idx %parallel_loop3A_434[%parallel_loop3A_361, %parallel_loop3A_429] : memref<80x8xf32, #tpu.memory_space<vmem>>[vector<16xi32>, vector<16xi32>], vector<16xf32>,
          %parallel_loop3A_436 = arith.addf %parallel_loop3A_427, %parallel_loop3A_435 : vector<16xf32>
          %parallel_loop3A_437 = arith.constant 2.000000e-01 : f32
          %parallel_loop3A_438 = vector.broadcast %parallel_loop3A_437 : f32 to vector<16xf32>
          %parallel_loop3A_439 = arith.mulf %parallel_loop3A_438, %parallel_loop3A_436 : vector<16xf32>
          %parallel_loop3A_440 = arith.maximumf %parallel_loop3A_436, %parallel_loop3A_439 : vector<16xf32>
          %parallel_loop3A_441 = math.exp %parallel_loop3A_440 : vector<16xf32>
          %parallel_loop3A_442 = arith.constant 2 : i32
          %parallel_loop3A_443 = vector.broadcast %parallel_loop3A_442 : i32 to vector<16xi32>
          %parallel_loop3A_444 = arith.constant 0 : i32
          %parallel_loop3A_445 = arith.constant 0 : i32
          %parallel_loop3A_446 = arith.constant 0 : i32
          %parallel_loop3A_447 = tpu.memref_slice %arg16[%parallel_loop3A_444, %parallel_loop3A_445, %parallel_loop3A_446] : memref<3x80x16xf32, #tpu.memory_space<vmem>> -> memref<1x80x16xf32, #tpu.memory_space<vmem>>
          %parallel_loop3A_448 = tpu.memref_squeeze %parallel_loop3A_447 : memref<1x80x16xf32, #tpu.memory_space<vmem>> -> memref<80x16xf32, #tpu.memory_space<vmem>>
          tpu.vector_store_idx %parallel_loop3A_448[%parallel_loop3A_361, %parallel_loop3A_443], %parallel_loop3A_441 : memref<80x16xf32, #tpu.memory_space<vmem>>[vector<16xi32>, vector<16xi32>], vector<16xf32>,
          %parallel_loop3A_449 = arith.constant 3 : i32
          %parallel_loop3A_450 = vector.broadcast %parallel_loop3A_449 : i32 to vector<16xi32>
          %parallel_loop3A_451 = arith.constant 0 : i32
          %parallel_loop3A_452 = arith.constant 0 : i32
          %parallel_loop3A_453 = arith.constant 0 : i32
          %parallel_loop3A_454 = tpu.memref_slice %arg13[%parallel_loop3A_451, %parallel_loop3A_452, %parallel_loop3A_453] : memref<3x80x8xf32, #tpu.memory_space<vmem>> -> memref<1x80x8xf32, #tpu.memory_space<vmem>>
          %parallel_loop3A_455 = tpu.memref_squeeze %parallel_loop3A_454 : memref<1x80x8xf32, #tpu.memory_space<vmem>> -> memref<80x8xf32, #tpu.memory_space<vmem>>
          %parallel_loop3A_456 = tpu.vector_load_idx %parallel_loop3A_455[%parallel_loop3A_361, %parallel_loop3A_450] : memref<80x8xf32, #tpu.memory_space<vmem>>[vector<16xi32>, vector<16xi32>], vector<16xf32>,
          %parallel_loop3A_457 = arith.constant 7 : i32
          %parallel_loop3A_458 = vector.broadcast %parallel_loop3A_457 : i32 to vector<16xi32>
          %parallel_loop3A_459 = arith.constant 0 : i32
          %parallel_loop3A_460 = arith.constant 0 : i32
          %parallel_loop3A_461 = arith.constant 0 : i32
          %parallel_loop3A_462 = tpu.memref_slice %arg14[%parallel_loop3A_459, %parallel_loop3A_460, %parallel_loop3A_461] : memref<3x80x8xf32, #tpu.memory_space<vmem>> -> memref<1x80x8xf32, #tpu.memory_space<vmem>>
          %parallel_loop3A_463 = tpu.memref_squeeze %parallel_loop3A_462 : memref<1x80x8xf32, #tpu.memory_space<vmem>> -> memref<80x8xf32, #tpu.memory_space<vmem>>
          %parallel_loop3A_464 = tpu.vector_load_idx %parallel_loop3A_463[%parallel_loop3A_361, %parallel_loop3A_458] : memref<80x8xf32, #tpu.memory_space<vmem>>[vector<16xi32>, vector<16xi32>], vector<16xf32>,
          %parallel_loop3A_465 = arith.addf %parallel_loop3A_456, %parallel_loop3A_464 : vector<16xf32>
          %parallel_loop3A_466 = arith.constant 2.000000e-01 : f32
          %parallel_loop3A_467 = vector.broadcast %parallel_loop3A_466 : f32 to vector<16xf32>
          %parallel_loop3A_468 = arith.mulf %parallel_loop3A_467, %parallel_loop3A_465 : vector<16xf32>
          %parallel_loop3A_469 = arith.maximumf %parallel_loop3A_465, %parallel_loop3A_468 : vector<16xf32>
          %parallel_loop3A_470 = math.exp %parallel_loop3A_469 : vector<16xf32>
          %parallel_loop3A_471 = arith.constant 3 : i32
          %parallel_loop3A_472 = vector.broadcast %parallel_loop3A_471 : i32 to vector<16xi32>
          %parallel_loop3A_473 = arith.constant 0 : i32
          %parallel_loop3A_474 = arith.constant 0 : i32
          %parallel_loop3A_475 = arith.constant 0 : i32
          %parallel_loop3A_476 = tpu.memref_slice %arg16[%parallel_loop3A_473, %parallel_loop3A_474, %parallel_loop3A_475] : memref<3x80x16xf32, #tpu.memory_space<vmem>> -> memref<1x80x16xf32, #tpu.memory_space<vmem>>
          %parallel_loop3A_477 = tpu.memref_squeeze %parallel_loop3A_476 : memref<1x80x16xf32, #tpu.memory_space<vmem>> -> memref<80x16xf32, #tpu.memory_space<vmem>>
          tpu.vector_store_idx %parallel_loop3A_477[%parallel_loop3A_361, %parallel_loop3A_472], %parallel_loop3A_470 : memref<80x16xf32, #tpu.memory_space<vmem>>[vector<16xi32>, vector<16xi32>], vector<16xf32>,
        } {sc.loop_unroll_factor = 5 : i64, sc.parallel_access}
        %parallel_loop3A_332 = arith.constant 0 : i32
        %parallel_loop3A_333 = arith.constant 80 : i32
        %parallel_loop3A_334 = arith.constant 1 : i32
        scf.for %parallel_loop3A_359 = %parallel_loop3A_332 to %parallel_loop3A_333 step %parallel_loop3A_334  : i32 {
          %parallel_loop3A_360 = arith.constant 0 : i32
          %parallel_loop3A_361 = arith.index_cast %parallel_loop3A_360 : i32 to index
          %parallel_loop3A_362 = arith.index_cast %parallel_loop3A_359 : i32 to index
          %parallel_loop3A_363 = arith.constant 0 : index
          %parallel_loop3A_364 = tpu.vector_load %arg16[%parallel_loop3A_361, %parallel_loop3A_362, %parallel_loop3A_363] {strides = array<i32>} : memref<3x80x16xf32, #tpu.memory_space<vmem>>, vector<16xf32>,
          %parallel_loop3A_365 = vector.extract_strided_slice %parallel_loop3A_364 {offsets = [0], sizes = [1], strides = [1]} : vector<16xf32> to vector<1xf32>
          %parallel_loop3A_366 = vector.extract %parallel_loop3A_365[0] : f32 from vector<1xf32>
          %parallel_loop3A_367 = arith.constant 0 : i32
          %parallel_loop3A_368 = arith.index_cast %parallel_loop3A_367 : i32 to index
          %parallel_loop3A_369 = arith.index_cast %parallel_loop3A_359 : i32 to index
          %parallel_loop3A_370 = arith.constant 0 : index
          %parallel_loop3A_371 = tpu.vector_load %arg15[%parallel_loop3A_368, %parallel_loop3A_369, %parallel_loop3A_370] {strides = array<i32>} : memref<3x80x128xf32, #tpu.memory_space<vmem>>, vector<16xf32>,
          %parallel_loop3A_372 = vector.broadcast %parallel_loop3A_366 : f32 to vector<16xf32>
          %parallel_loop3A_373 = arith.mulf %parallel_loop3A_371, %parallel_loop3A_372 : vector<16xf32>
          %parallel_loop3A_374 = arith.constant 0 : i32
          %parallel_loop3A_375 = arith.index_cast %parallel_loop3A_374 : i32 to index
          %parallel_loop3A_376 = arith.index_cast %parallel_loop3A_359 : i32 to index
          %parallel_loop3A_377 = arith.constant 0 : index
          %parallel_loop3A_378 = tpu.vector_load %arg15[%parallel_loop3A_375, %parallel_loop3A_376, %parallel_loop3A_377] {strides = array<i32>} : memref<3x80x128xf32, #tpu.memory_space<vmem>>, vector<16xf32>,
          tpu.vector_store %arg15[%parallel_loop3A_375, %parallel_loop3A_376, %parallel_loop3A_377], %parallel_loop3A_373 {strides = array<i32>} : memref<3x80x128xf32, #tpu.memory_space<vmem>>, vector<16xf32>,
          %parallel_loop3A_379 = arith.constant 0 : i32
          %parallel_loop3A_380 = arith.index_cast %parallel_loop3A_379 : i32 to index
          %parallel_loop3A_381 = arith.index_cast %parallel_loop3A_359 : i32 to index
          %parallel_loop3A_382 = arith.constant 16 : index
          %parallel_loop3A_383 = tpu.vector_load %arg15[%parallel_loop3A_380, %parallel_loop3A_381, %parallel_loop3A_382] {strides = array<i32>} : memref<3x80x128xf32, #tpu.memory_space<vmem>>, vector<16xf32>,
          %parallel_loop3A_384 = vector.broadcast %parallel_loop3A_366 : f32 to vector<16xf32>
          %parallel_loop3A_385 = arith.mulf %parallel_loop3A_383, %parallel_loop3A_384 : vector<16xf32>
          %parallel_loop3A_386 = arith.constant 0 : i32
          %parallel_loop3A_387 = arith.index_cast %parallel_loop3A_386 : i32 to index
          %parallel_loop3A_388 = arith.index_cast %parallel_loop3A_359 : i32 to index
          %parallel_loop3A_389 = arith.constant 16 : index
          %parallel_loop3A_390 = tpu.vector_load %arg15[%parallel_loop3A_387, %parallel_loop3A_388, %parallel_loop3A_389] {strides = array<i32>} : memref<3x80x128xf32, #tpu.memory_space<vmem>>, vector<16xf32>,
          tpu.vector_store %arg15[%parallel_loop3A_387, %parallel_loop3A_388, %parallel_loop3A_389], %parallel_loop3A_385 {strides = array<i32>} : memref<3x80x128xf32, #tpu.memory_space<vmem>>, vector<16xf32>,
          %parallel_loop3A_391 = vector.extract_strided_slice %parallel_loop3A_364 {offsets = [1], sizes = [1], strides = [1]} : vector<16xf32> to vector<1xf32>
          %parallel_loop3A_392 = vector.extract %parallel_loop3A_391[0] : f32 from vector<1xf32>
          %parallel_loop3A_393 = arith.constant 0 : i32
          %parallel_loop3A_394 = arith.index_cast %parallel_loop3A_393 : i32 to index
          %parallel_loop3A_395 = arith.index_cast %parallel_loop3A_359 : i32 to index
          %parallel_loop3A_396 = arith.constant 32 : index
          %parallel_loop3A_397 = tpu.vector_load %arg15[%parallel_loop3A_394, %parallel_loop3A_395, %parallel_loop3A_396] {strides = array<i32>} : memref<3x80x128xf32, #tpu.memory_space<vmem>>, vector<16xf32>,
          %parallel_loop3A_398 = vector.broadcast %parallel_loop3A_392 : f32 to vector<16xf32>
          %parallel_loop3A_399 = arith.mulf %parallel_loop3A_397, %parallel_loop3A_398 : vector<16xf32>
          %parallel_loop3A_400 = arith.constant 0 : i32
          %parallel_loop3A_401 = arith.index_cast %parallel_loop3A_400 : i32 to index
          %parallel_loop3A_402 = arith.index_cast %parallel_loop3A_359 : i32 to index
          %parallel_loop3A_403 = arith.constant 32 : index
          %parallel_loop3A_404 = tpu.vector_load %arg15[%parallel_loop3A_401, %parallel_loop3A_402, %parallel_loop3A_403] {strides = array<i32>} : memref<3x80x128xf32, #tpu.memory_space<vmem>>, vector<16xf32>,
          tpu.vector_store %arg15[%parallel_loop3A_401, %parallel_loop3A_402, %parallel_loop3A_403], %parallel_loop3A_399 {strides = array<i32>} : memref<3x80x128xf32, #tpu.memory_space<vmem>>, vector<16xf32>,
          %parallel_loop3A_405 = arith.constant 0 : i32
          %parallel_loop3A_406 = arith.index_cast %parallel_loop3A_405 : i32 to index
          %parallel_loop3A_407 = arith.index_cast %parallel_loop3A_359 : i32 to index
          %parallel_loop3A_408 = arith.constant 48 : index
          %parallel_loop3A_409 = tpu.vector_load %arg15[%parallel_loop3A_406, %parallel_loop3A_407, %parallel_loop3A_408] {strides = array<i32>} : memref<3x80x128xf32, #tpu.memory_space<vmem>>, vector<16xf32>,
          %parallel_loop3A_410 = vector.broadcast %parallel_loop3A_392 : f32 to vector<16xf32>
          %parallel_loop3A_411 = arith.mulf %parallel_loop3A_409, %parallel_loop3A_410 : vector<16xf32>
          %parallel_loop3A_412 = arith.constant 0 : i32
          %parallel_loop3A_413 = arith.index_cast %parallel_loop3A_412 : i32 to index
          %parallel_loop3A_414 = arith.index_cast %parallel_loop3A_359 : i32 to index
          %parallel_loop3A_415 = arith.constant 48 : index
          %parallel_loop3A_416 = tpu.vector_load %arg15[%parallel_loop3A_413, %parallel_loop3A_414, %parallel_loop3A_415] {strides = array<i32>} : memref<3x80x128xf32, #tpu.memory_space<vmem>>, vector<16xf32>,
          tpu.vector_store %arg15[%parallel_loop3A_413, %parallel_loop3A_414, %parallel_loop3A_415], %parallel_loop3A_411 {strides = array<i32>} : memref<3x80x128xf32, #tpu.memory_space<vmem>>, vector<16xf32>,
          %parallel_loop3A_417 = vector.extract_strided_slice %parallel_loop3A_364 {offsets = [2], sizes = [1], strides = [1]} : vector<16xf32> to vector<1xf32>
          %parallel_loop3A_418 = vector.extract %parallel_loop3A_417[0] : f32 from vector<1xf32>
          %parallel_loop3A_419 = arith.constant 0 : i32
          %parallel_loop3A_420 = arith.index_cast %parallel_loop3A_419 : i32 to index
          %parallel_loop3A_421 = arith.index_cast %parallel_loop3A_359 : i32 to index
          %parallel_loop3A_422 = arith.constant 64 : index
          %parallel_loop3A_423 = tpu.vector_load %arg15[%parallel_loop3A_420, %parallel_loop3A_421, %parallel_loop3A_422] {strides = array<i32>} : memref<3x80x128xf32, #tpu.memory_space<vmem>>, vector<16xf32>,
          %parallel_loop3A_424 = vector.broadcast %parallel_loop3A_418 : f32 to vector<16xf32>
          %parallel_loop3A_425 = arith.mulf %parallel_loop3A_423, %parallel_loop3A_424 : vector<16xf32>
          %parallel_loop3A_426 = arith.constant 0 : i32
          %parallel_loop3A_427 = arith.index_cast %parallel_loop3A_426 : i32 to index
          %parallel_loop3A_428 = arith.index_cast %parallel_loop3A_359 : i32 to index
          %parallel_loop3A_429 = arith.constant 64 : index
          %parallel_loop3A_430 = tpu.vector_load %arg15[%parallel_loop3A_427, %parallel_loop3A_428, %parallel_loop3A_429] {strides = array<i32>} : memref<3x80x128xf32, #tpu.memory_space<vmem>>, vector<16xf32>,
          tpu.vector_store %arg15[%parallel_loop3A_427, %parallel_loop3A_428, %parallel_loop3A_429], %parallel_loop3A_425 {strides = array<i32>} : memref<3x80x128xf32, #tpu.memory_space<vmem>>, vector<16xf32>,
          %parallel_loop3A_431 = arith.constant 0 : i32
          %parallel_loop3A_432 = arith.index_cast %parallel_loop3A_431 : i32 to index
          %parallel_loop3A_433 = arith.index_cast %parallel_loop3A_359 : i32 to index
          %parallel_loop3A_434 = arith.constant 80 : index
          %parallel_loop3A_435 = tpu.vector_load %arg15[%parallel_loop3A_432, %parallel_loop3A_433, %parallel_loop3A_434] {strides = array<i32>} : memref<3x80x128xf32, #tpu.memory_space<vmem>>, vector<16xf32>,
          %parallel_loop3A_436 = vector.broadcast %parallel_loop3A_418 : f32 to vector<16xf32>
          %parallel_loop3A_437 = arith.mulf %parallel_loop3A_435, %parallel_loop3A_436 : vector<16xf32>
          %parallel_loop3A_438 = arith.constant 0 : i32
          %parallel_loop3A_439 = arith.index_cast %parallel_loop3A_438 : i32 to index
          %parallel_loop3A_440 = arith.index_cast %parallel_loop3A_359 : i32 to index
          %parallel_loop3A_441 = arith.constant 80 : index
          %parallel_loop3A_442 = tpu.vector_load %arg15[%parallel_loop3A_439, %parallel_loop3A_440, %parallel_loop3A_441] {strides = array<i32>} : memref<3x80x128xf32, #tpu.memory_space<vmem>>, vector<16xf32>,
          tpu.vector_store %arg15[%parallel_loop3A_439, %parallel_loop3A_440, %parallel_loop3A_441], %parallel_loop3A_437 {strides = array<i32>} : memref<3x80x128xf32, #tpu.memory_space<vmem>>, vector<16xf32>,
          %parallel_loop3A_443 = vector.extract_strided_slice %parallel_loop3A_364 {offsets = [3], sizes = [1], strides = [1]} : vector<16xf32> to vector<1xf32>
          %parallel_loop3A_444 = vector.extract %parallel_loop3A_443[0] : f32 from vector<1xf32>
          %parallel_loop3A_445 = arith.constant 0 : i32
          %parallel_loop3A_446 = arith.index_cast %parallel_loop3A_445 : i32 to index
          %parallel_loop3A_447 = arith.index_cast %parallel_loop3A_359 : i32 to index
          %parallel_loop3A_448 = arith.constant 96 : index
          %parallel_loop3A_449 = tpu.vector_load %arg15[%parallel_loop3A_446, %parallel_loop3A_447, %parallel_loop3A_448] {strides = array<i32>} : memref<3x80x128xf32, #tpu.memory_space<vmem>>, vector<16xf32>,
          %parallel_loop3A_450 = vector.broadcast %parallel_loop3A_444 : f32 to vector<16xf32>
          %parallel_loop3A_451 = arith.mulf %parallel_loop3A_449, %parallel_loop3A_450 : vector<16xf32>
          %parallel_loop3A_452 = arith.constant 0 : i32
          %parallel_loop3A_453 = arith.index_cast %parallel_loop3A_452 : i32 to index
          %parallel_loop3A_454 = arith.index_cast %parallel_loop3A_359 : i32 to index
          %parallel_loop3A_455 = arith.constant 96 : index
          %parallel_loop3A_456 = tpu.vector_load %arg15[%parallel_loop3A_453, %parallel_loop3A_454, %parallel_loop3A_455] {strides = array<i32>} : memref<3x80x128xf32, #tpu.memory_space<vmem>>, vector<16xf32>,
          tpu.vector_store %arg15[%parallel_loop3A_453, %parallel_loop3A_454, %parallel_loop3A_455], %parallel_loop3A_451 {strides = array<i32>} : memref<3x80x128xf32, #tpu.memory_space<vmem>>, vector<16xf32>,
          %parallel_loop3A_457 = arith.constant 0 : i32
          %parallel_loop3A_458 = arith.index_cast %parallel_loop3A_457 : i32 to index
          %parallel_loop3A_459 = arith.index_cast %parallel_loop3A_359 : i32 to index
          %parallel_loop3A_460 = arith.constant 112 : index
          %parallel_loop3A_461 = tpu.vector_load %arg15[%parallel_loop3A_458, %parallel_loop3A_459, %parallel_loop3A_460] {strides = array<i32>} : memref<3x80x128xf32, #tpu.memory_space<vmem>>, vector<16xf32>,
          %parallel_loop3A_462 = vector.broadcast %parallel_loop3A_444 : f32 to vector<16xf32>
          %parallel_loop3A_463 = arith.mulf %parallel_loop3A_461, %parallel_loop3A_462 : vector<16xf32>
          %parallel_loop3A_464 = arith.constant 0 : i32
          %parallel_loop3A_465 = arith.index_cast %parallel_loop3A_464 : i32 to index
          %parallel_loop3A_466 = arith.index_cast %parallel_loop3A_359 : i32 to index
          %parallel_loop3A_467 = arith.constant 112 : index
          %parallel_loop3A_468 = tpu.vector_load %arg15[%parallel_loop3A_465, %parallel_loop3A_466, %parallel_loop3A_467] {strides = array<i32>} : memref<3x80x128xf32, #tpu.memory_space<vmem>>, vector<16xf32>,
          tpu.vector_store %arg15[%parallel_loop3A_465, %parallel_loop3A_466, %parallel_loop3A_467], %parallel_loop3A_463 {strides = array<i32>} : memref<3x80x128xf32, #tpu.memory_space<vmem>>, vector<16xf32>,
        } {sc.loop_unroll_factor = 8 : i64, sc.parallel_access}
        %dma_start3A_335 = arith.constant 0 : i32
        %dma_start3A_336 = arith.constant 0 : i32
        %dma_start3A_337 = arith.constant 0 : i32
        %dma_start3A_338 = arith.constant 0 : i32
        %dma_start3A_339 = tpu.memref_slice %arg15[%dma_start3A_335, %dma_start3A_337, %dma_start3A_338] : memref<3x80x128xf32, #tpu.memory_space<vmem>> -> memref<1x80x128xf32, #tpu.memory_space<vmem>>
        %dma_start3A_340 = tpu.memref_squeeze %dma_start3A_339 : memref<1x80x128xf32, #tpu.memory_space<vmem>> -> memref<80x128xf32, #tpu.memory_space<vmem>>
        %dma_start3A_341 = arith.constant 0 : i32
        %dma_start3A_342 = tpu.memref_slice %arg12[%dma_start3A_336, %dma_start3A_341] : memref<3x80xi32, #tpu.memory_space<vmem>> -> memref<1x80xi32, #tpu.memory_space<vmem>>
        %dma_start3A_343 = tpu.memref_squeeze %dma_start3A_342 : memref<1x80xi32, #tpu.memory_space<vmem>> -> memref<80xi32, #tpu.memory_space<vmem>>
        %dma_start3A_344 = arith.constant 0 : i32
        %dma_start3A_345 = arith.constant 0 : i32
        %dma_start3A_346 = tpu.memref_slice %arg17[%dma_start3A_344, %dma_start3A_345] : memref<10000x128xf32, #tpu.memory_space<vmem_shared>> -> memref<10000x128xf32, #tpu.memory_space<vmem_shared>>
        tpu.enqueue_indirect_dma source(%dma_start3A_340 : memref<80x128xf32, #tpu.memory_space<vmem>>) target(%dma_start3A_346 : memref<10000x128xf32, #tpu.memory_space<vmem_shared>>) offsets(%dma_start3A_343 : memref<80xi32, #tpu.memory_space<vmem>>) semaphore(%arg25 : memref<!tpu.dma_semaphore, #tpu.memory_space<semaphore_mem>>) {add = true}
        %dma_start3A_347 = arith.constant 0 : i32
        %dma_start3A_348 = arith.constant 0 : i32
        %dma_start3A_349 = arith.constant 0 : i32
        %dma_start3A_350 = arith.constant 0 : i32
        %dma_start3A_351 = tpu.memref_slice %arg16[%dma_start3A_347, %dma_start3A_349, %dma_start3A_350] : memref<3x80x16xf32, #tpu.memory_space<vmem>> -> memref<1x80x16xf32, #tpu.memory_space<vmem>>
        %dma_start3A_352 = tpu.memref_squeeze %dma_start3A_351 : memref<1x80x16xf32, #tpu.memory_space<vmem>> -> memref<80x16xf32, #tpu.memory_space<vmem>>
        %dma_start3A_353 = arith.constant 0 : i32
        %dma_start3A_354 = tpu.memref_slice %arg12[%dma_start3A_348, %dma_start3A_353] : memref<3x80xi32, #tpu.memory_space<vmem>> -> memref<1x80xi32, #tpu.memory_space<vmem>>
        %dma_start3A_355 = tpu.memref_squeeze %dma_start3A_354 : memref<1x80xi32, #tpu.memory_space<vmem>> -> memref<80xi32, #tpu.memory_space<vmem>>
        %dma_start3A_356 = arith.constant 0 : i32
        %dma_start3A_357 = arith.constant 0 : i32
        %dma_start3A_358 = tpu.memref_slice %arg18[%dma_start3A_356, %dma_start3A_357] : memref<10000x16xf32, #tpu.memory_space<vmem_shared>> -> memref<10000x16xf32, #tpu.memory_space<vmem_shared>>
        tpu.enqueue_indirect_dma source(%dma_start3A_352 : memref<80x16xf32, #tpu.memory_space<vmem>>) target(%dma_start3A_358 : memref<10000x16xf32, #tpu.memory_space<vmem_shared>>) offsets(%dma_start3A_355 : memref<80xi32, #tpu.memory_space<vmem>>) semaphore(%arg25 : memref<!tpu.dma_semaphore, #tpu.memory_space<semaphore_mem>>) {add = true}
      } else {
      }
      %add3A_247 = arith.constant 1 : i32
      %add3A_248 = arith.addi %add3A_239, %add3A_247 : i32
      %lt3A_249 = arith.constant 250 : i32
      %lt3A_250 = arith.cmpi slt, %add3A_248, %lt3A_249 : i32
      %convert_element_type3A_251 = arith.extui %lt3A_250 : i1 to i32
      %cond3A_252 = arith.constant 0 : i32
      %cond3A_253 = arith.cmpi ne, %convert_element_type3A_251, %cond3A_252 : i32
      scf.if %cond3A_253 {
        %add3A_261 = arith.constant 2 : i32
        %add3A_262 = arith.addi %add3A_248, %add3A_261 : i32
        %lt3A_263 = arith.constant 250 : i32
        %lt3A_264 = arith.cmpi slt, %add3A_262, %lt3A_263 : i32
        %convert_element_type3A_265 = arith.extui %lt3A_264 : i1 to i32
        %cond3A_266 = arith.constant 0 : i32
        %cond3A_267 = arith.cmpi ne, %convert_element_type3A_265, %cond3A_266 : i32
        scf.if %cond3A_267 {
          %add3A_359 = arith.constant 2 : i32
          %add3A_360 = arith.addi %add3A_248, %add3A_359 : i32
          %mul3A_361 = arith.constant 80 : i32
          %mul3A_362 = arith.muli %add3A_360, %mul3A_361 : i32
          %add3A_363 = arith.addi %mul3A_0, %mul3A_362 : i32
          %dma_start3A_364 = arith.constant 0 : i32
          %dma_start3A_365 = arith.constant 0 : i32
          %dma_start3A_366 = tpu.memref_slice %arg10[%dma_start3A_364, %dma_start3A_365] : memref<3x80xi32, #tpu.memory_space<vmem>> -> memref<1x80xi32, #tpu.memory_space<vmem>>
          %dma_start3A_367 = tpu.memref_squeeze %dma_start3A_366 : memref<1x80xi32, #tpu.memory_space<vmem>> -> memref<80xi32, #tpu.memory_space<vmem>>
          %dma_start3A_368 = tpu.memref_slice %arg3[%arg0, %add3A_363] : memref<2x320000xi32, #tpu.memory_space<hbm>> -> memref<1x80xi32, #tpu.memory_space<hbm>>
          %dma_start3A_369 = tpu.memref_squeeze %dma_start3A_368 : memref<1x80xi32, #tpu.memory_space<hbm>> -> memref<80xi32, #tpu.memory_space<hbm>>
          %dma_start3A_370 = arith.constant 0 : i32
          %dma_start3A_371 = tpu.memref_slice %arg10[%dma_start3A_364, %dma_start3A_370] : memref<3x80xi32, #tpu.memory_space<vmem>> -> memref<1x80xi32, #tpu.memory_space<vmem>>
          %dma_start3A_372 = tpu.memref_squeeze %dma_start3A_371 : memref<1x80xi32, #tpu.memory_space<vmem>> -> memref<80xi32, #tpu.memory_space<vmem>>
          %dma_start3A_373 = tpu.memref_slice %arg3[%arg0, %add3A_363] : memref<2x320000xi32, #tpu.memory_space<hbm>> -> memref<1x80xi32, #tpu.memory_space<hbm>>
          %dma_start3A_374 = tpu.memref_squeeze %dma_start3A_373 : memref<1x80xi32, #tpu.memory_space<hbm>> -> memref<80xi32, #tpu.memory_space<hbm>>
          tpu.enqueue_dma source(%dma_start3A_374 : memref<80xi32, #tpu.memory_space<hbm>>) target(%dma_start3A_372 : memref<80xi32, #tpu.memory_space<vmem>>) target_semaphore(%arg19 : memref<!tpu.dma_semaphore, #tpu.memory_space<semaphore_mem>>)
          %dma_start3A_375 = arith.constant 0 : i32
          %dma_start3A_376 = arith.constant 0 : i32
          %dma_start3A_377 = tpu.memref_slice %arg11[%dma_start3A_375, %dma_start3A_376] : memref<3x80xi32, #tpu.memory_space<vmem>> -> memref<1x80xi32, #tpu.memory_space<vmem>>
          %dma_start3A_378 = tpu.memref_squeeze %dma_start3A_377 : memref<1x80xi32, #tpu.memory_space<vmem>> -> memref<80xi32, #tpu.memory_space<vmem>>
          %dma_start3A_379 = tpu.memref_slice %arg4[%arg0, %add3A_363] : memref<2x320000xi32, #tpu.memory_space<hbm>> -> memref<1x80xi32, #tpu.memory_space<hbm>>
          %dma_start3A_380 = tpu.memref_squeeze %dma_start3A_379 : memref<1x80xi32, #tpu.memory_space<hbm>> -> memref<80xi32, #tpu.memory_space<hbm>>
          %dma_start3A_381 = arith.constant 0 : i32
          %dma_start3A_382 = tpu.memref_slice %arg11[%dma_start3A_375, %dma_start3A_381] : memref<3x80xi32, #tpu.memory_space<vmem>> -> memref<1x80xi32, #tpu.memory_space<vmem>>
          %dma_start3A_383 = tpu.memref_squeeze %dma_start3A_382 : memref<1x80xi32, #tpu.memory_space<vmem>> -> memref<80xi32, #tpu.memory_space<vmem>>
          %dma_start3A_384 = tpu.memref_slice %arg4[%arg0, %add3A_363] : memref<2x320000xi32, #tpu.memory_space<hbm>> -> memref<1x80xi32, #tpu.memory_space<hbm>>
          %dma_start3A_385 = tpu.memref_squeeze %dma_start3A_384 : memref<1x80xi32, #tpu.memory_space<hbm>> -> memref<80xi32, #tpu.memory_space<hbm>>
          tpu.enqueue_dma source(%dma_start3A_385 : memref<80xi32, #tpu.memory_space<hbm>>) target(%dma_start3A_383 : memref<80xi32, #tpu.memory_space<vmem>>) target_semaphore(%arg19 : memref<!tpu.dma_semaphore, #tpu.memory_space<semaphore_mem>>)
        } else {
        }
        %ge3A = arith.constant 2 : i32
        %ge3A_268 = arith.cmpi sge, %add3A_248, %ge3A : i32
        %convert_element_type3A_269 = arith.extui %ge3A_268 : i1 to i32
        %cond3A_270 = arith.constant 0 : i32
        %cond3A_271 = arith.cmpi ne, %convert_element_type3A_269, %cond3A_270 : i32
        scf.if %cond3A_271 {
          %dma_wait3A_359 = arith.constant 2 : i32
          %dma_wait3A_360 = arith.constant 2 : i32
          %dma_wait3A_361 = arith.constant 0 : i32
          %dma_wait3A_362 = arith.constant 0 : i32
          %dma_wait3A_363 = tpu.memref_slice %arg15[%dma_wait3A_359, %dma_wait3A_361, %dma_wait3A_362] : memref<3x80x128xf32, #tpu.memory_space<vmem>> -> memref<1x80x128xf32, #tpu.memory_space<vmem>>
          %dma_wait3A_364 = tpu.memref_squeeze %dma_wait3A_363 : memref<1x80x128xf32, #tpu.memory_space<vmem>> -> memref<80x128xf32, #tpu.memory_space<vmem>>
          %dma_wait3A_365 = arith.constant 0 : i32
          %dma_wait3A_366 = tpu.memref_slice %arg12[%dma_wait3A_360, %dma_wait3A_365] : memref<3x80xi32, #tpu.memory_space<vmem>> -> memref<1x80xi32, #tpu.memory_space<vmem>>
          %dma_wait3A_367 = tpu.memref_squeeze %dma_wait3A_366 : memref<1x80xi32, #tpu.memory_space<vmem>> -> memref<80xi32, #tpu.memory_space<vmem>>
          %dma_wait3A_368 = arith.constant 0 : i32
          %dma_wait3A_369 = arith.constant 0 : i32
          %dma_wait3A_370 = tpu.memref_slice %arg17[%dma_wait3A_368, %dma_wait3A_369] : memref<10000x128xf32, #tpu.memory_space<vmem_shared>> -> memref<10000x128xf32, #tpu.memory_space<vmem_shared>>
          tpu.wait_indirect_dma semaphore(%arg27 : memref<!tpu.dma_semaphore, #tpu.memory_space<semaphore_mem>>) src(%dma_wait3A_364 : memref<80x128xf32, #tpu.memory_space<vmem>>) dst(%dma_wait3A_370 : memref<10000x128xf32, #tpu.memory_space<vmem_shared>>)
          %dma_wait3A_371 = arith.constant 2 : i32
          %dma_wait3A_372 = arith.constant 2 : i32
          %dma_wait3A_373 = arith.constant 0 : i32
          %dma_wait3A_374 = arith.constant 0 : i32
          %dma_wait3A_375 = tpu.memref_slice %arg16[%dma_wait3A_371, %dma_wait3A_373, %dma_wait3A_374] : memref<3x80x16xf32, #tpu.memory_space<vmem>> -> memref<1x80x16xf32, #tpu.memory_space<vmem>>
          %dma_wait3A_376 = tpu.memref_squeeze %dma_wait3A_375 : memref<1x80x16xf32, #tpu.memory_space<vmem>> -> memref<80x16xf32, #tpu.memory_space<vmem>>
          %dma_wait3A_377 = arith.constant 0 : i32
          %dma_wait3A_378 = tpu.memref_slice %arg12[%dma_wait3A_372, %dma_wait3A_377] : memref<3x80xi32, #tpu.memory_space<vmem>> -> memref<1x80xi32, #tpu.memory_space<vmem>>
          %dma_wait3A_379 = tpu.memref_squeeze %dma_wait3A_378 : memref<1x80xi32, #tpu.memory_space<vmem>> -> memref<80xi32, #tpu.memory_space<vmem>>
          %dma_wait3A_380 = arith.constant 0 : i32
          %dma_wait3A_381 = arith.constant 0 : i32
          %dma_wait3A_382 = tpu.memref_slice %arg18[%dma_wait3A_380, %dma_wait3A_381] : memref<10000x16xf32, #tpu.memory_space<vmem_shared>> -> memref<10000x16xf32, #tpu.memory_space<vmem_shared>>
          tpu.wait_indirect_dma semaphore(%arg27 : memref<!tpu.dma_semaphore, #tpu.memory_space<semaphore_mem>>) src(%dma_wait3A_376 : memref<80x16xf32, #tpu.memory_space<vmem>>) dst(%dma_wait3A_382 : memref<10000x16xf32, #tpu.memory_space<vmem_shared>>)
        } else {
        }
        %add3A_272 = arith.constant 1 : i32
        %add3A_273 = arith.addi %add3A_248, %add3A_272 : i32
        %lt3A_274 = arith.constant 250 : i32
        %lt3A_275 = arith.cmpi slt, %add3A_273, %lt3A_274 : i32
        %convert_element_type3A_276 = arith.extui %lt3A_275 : i1 to i32
        %cond3A_277 = arith.constant 0 : i32
        %cond3A_278 = arith.cmpi ne, %convert_element_type3A_276, %cond3A_277 : i32
        scf.if %cond3A_278 {
          %add3A_359 = arith.constant 1 : i32
          %add3A_360 = arith.addi %add3A_248, %add3A_359 : i32
          %mul3A_361 = arith.constant 80 : i32
          %mul3A_362 = arith.muli %add3A_360, %mul3A_361 : i32
          %add3A_363 = arith.addi %mul3A_0, %mul3A_362 : i32
          %dma_wait3A_364 = arith.constant 2 : i32
          %dma_wait3A_365 = arith.constant 0 : i32
          %dma_wait3A_366 = tpu.memref_slice %arg10[%dma_wait3A_364, %dma_wait3A_365] : memref<3x80xi32, #tpu.memory_space<vmem>> -> memref<1x80xi32, #tpu.memory_space<vmem>>
          %dma_wait3A_367 = tpu.memref_squeeze %dma_wait3A_366 : memref<1x80xi32, #tpu.memory_space<vmem>> -> memref<80xi32, #tpu.memory_space<vmem>>
          %dma_wait3A_368 = tpu.memref_slice %arg3[%arg0, %add3A_363] : memref<2x320000xi32, #tpu.memory_space<hbm>> -> memref<1x80xi32, #tpu.memory_space<hbm>>
          %dma_wait3A_369 = tpu.memref_squeeze %dma_wait3A_368 : memref<1x80xi32, #tpu.memory_space<hbm>> -> memref<80xi32, #tpu.memory_space<hbm>>
          %dma_wait3A_370 = arith.constant 0 : i32
          %dma_wait3A_371 = tpu.memref_slice %arg10[%dma_wait3A_364, %dma_wait3A_370] : memref<3x80xi32, #tpu.memory_space<vmem>> -> memref<1x80xi32, #tpu.memory_space<vmem>>
          %dma_wait3A_372 = tpu.memref_squeeze %dma_wait3A_371 : memref<1x80xi32, #tpu.memory_space<vmem>> -> memref<80xi32, #tpu.memory_space<vmem>>
          %dma_wait3A_373 = tpu.memref_slice %arg3[%arg0, %add3A_363] : memref<2x320000xi32, #tpu.memory_space<hbm>> -> memref<1x80xi32, #tpu.memory_space<hbm>>
          %dma_wait3A_374 = tpu.memref_squeeze %dma_wait3A_373 : memref<1x80xi32, #tpu.memory_space<hbm>> -> memref<80xi32, #tpu.memory_space<hbm>>
          tpu.wait_dma2 semaphore(%arg21 : memref<!tpu.dma_semaphore, #tpu.memory_space<semaphore_mem>>) src(%dma_wait3A_374 : memref<80xi32, #tpu.memory_space<hbm>>) dst(%dma_wait3A_372 : memref<80xi32, #tpu.memory_space<vmem>>)
          %dma_wait3A_375 = arith.constant 2 : i32
          %dma_wait3A_376 = arith.constant 0 : i32
          %dma_wait3A_377 = tpu.memref_slice %arg11[%dma_wait3A_375, %dma_wait3A_376] : memref<3x80xi32, #tpu.memory_space<vmem>> -> memref<1x80xi32, #tpu.memory_space<vmem>>
          %dma_wait3A_378 = tpu.memref_squeeze %dma_wait3A_377 : memref<1x80xi32, #tpu.memory_space<vmem>> -> memref<80xi32, #tpu.memory_space<vmem>>
          %dma_wait3A_379 = tpu.memref_slice %arg4[%arg0, %add3A_363] : memref<2x320000xi32, #tpu.memory_space<hbm>> -> memref<1x80xi32, #tpu.memory_space<hbm>>
          %dma_wait3A_380 = tpu.memref_squeeze %dma_wait3A_379 : memref<1x80xi32, #tpu.memory_space<hbm>> -> memref<80xi32, #tpu.memory_space<hbm>>
          %dma_wait3A_381 = arith.constant 0 : i32
          %dma_wait3A_382 = tpu.memref_slice %arg11[%dma_wait3A_375, %dma_wait3A_381] : memref<3x80xi32, #tpu.memory_space<vmem>> -> memref<1x80xi32, #tpu.memory_space<vmem>>
          %dma_wait3A_383 = tpu.memref_squeeze %dma_wait3A_382 : memref<1x80xi32, #tpu.memory_space<vmem>> -> memref<80xi32, #tpu.memory_space<vmem>>
          %dma_wait3A_384 = tpu.memref_slice %arg4[%arg0, %add3A_363] : memref<2x320000xi32, #tpu.memory_space<hbm>> -> memref<1x80xi32, #tpu.memory_space<hbm>>
          %dma_wait3A_385 = tpu.memref_squeeze %dma_wait3A_384 : memref<1x80xi32, #tpu.memory_space<hbm>> -> memref<80xi32, #tpu.memory_space<hbm>>
          tpu.wait_dma2 semaphore(%arg21 : memref<!tpu.dma_semaphore, #tpu.memory_space<semaphore_mem>>) src(%dma_wait3A_385 : memref<80xi32, #tpu.memory_space<hbm>>) dst(%dma_wait3A_383 : memref<80xi32, #tpu.memory_space<vmem>>)
          %add3A_386 = arith.constant 1 : i32
          %add3A_387 = arith.addi %add3A_248, %add3A_386 : i32
          %mul3A_388 = arith.constant 80 : i32
          %mul3A_389 = arith.muli %add3A_387, %mul3A_388 : i32
          %add3A_390 = arith.addi %mul3A_0, %mul3A_389 : i32
          %dma_start3A_391 = arith.constant 1 : i32
          %dma_start3A_392 = arith.constant 2 : i32
          %dma_start3A_393 = arith.constant 0 : i32
          %dma_start3A_394 = tpu.memref_slice %arg12[%dma_start3A_392, %dma_start3A_393] : memref<3x80xi32, #tpu.memory_space<vmem>> -> memref<1x80xi32, #tpu.memory_space<vmem>>
          %dma_start3A_395 = tpu.memref_squeeze %dma_start3A_394 : memref<1x80xi32, #tpu.memory_space<vmem>> -> memref<80xi32, #tpu.memory_space<vmem>>
          %dma_start3A_396 = tpu.memref_slice %arg5[%dma_start3A_391, %add3A_390] : memref<2x320000xi32, #tpu.memory_space<hbm>> -> memref<1x80xi32, #tpu.memory_space<hbm>>
          %dma_start3A_397 = tpu.memref_squeeze %dma_start3A_396 : memref<1x80xi32, #tpu.memory_space<hbm>> -> memref<80xi32, #tpu.memory_space<hbm>>
          %dma_start3A_398 = arith.constant 0 : i32
          %dma_start3A_399 = tpu.memref_slice %arg12[%dma_start3A_392, %dma_start3A_398] : memref<3x80xi32, #tpu.memory_space<vmem>> -> memref<1x80xi32, #tpu.memory_space<vmem>>
          %dma_start3A_400 = tpu.memref_squeeze %dma_start3A_399 : memref<1x80xi32, #tpu.memory_space<vmem>> -> memref<80xi32, #tpu.memory_space<vmem>>
          %dma_start3A_401 = tpu.memref_slice %arg5[%dma_start3A_391, %add3A_390] : memref<2x320000xi32, #tpu.memory_space<hbm>> -> memref<1x80xi32, #tpu.memory_space<hbm>>
          %dma_start3A_402 = tpu.memref_squeeze %dma_start3A_401 : memref<1x80xi32, #tpu.memory_space<hbm>> -> memref<80xi32, #tpu.memory_space<hbm>>
          tpu.enqueue_dma source(%dma_start3A_402 : memref<80xi32, #tpu.memory_space<hbm>>) target(%dma_start3A_400 : memref<80xi32, #tpu.memory_space<vmem>>) target_semaphore(%arg24 : memref<!tpu.dma_semaphore, #tpu.memory_space<semaphore_mem>>)
          %dma_start3A_403 = arith.constant 2 : i32
          %dma_start3A_404 = arith.constant 2 : i32
          %dma_start3A_405 = arith.constant 0 : i32
          %dma_start3A_406 = arith.constant 0 : i32
          %dma_start3A_407 = tpu.memref_slice %arg13[%dma_start3A_404, %dma_start3A_405, %dma_start3A_406] : memref<3x80x8xf32, #tpu.memory_space<vmem>> -> memref<1x80x8xf32, #tpu.memory_space<vmem>>
          %dma_start3A_408 = tpu.memref_squeeze %dma_start3A_407 : memref<1x80x8xf32, #tpu.memory_space<vmem>> -> memref<80x8xf32, #tpu.memory_space<vmem>>
          %dma_start3A_409 = arith.constant 0 : i32
          %dma_start3A_410 = tpu.memref_slice %arg10[%dma_start3A_403, %dma_start3A_409] : memref<3x80xi32, #tpu.memory_space<vmem>> -> memref<1x80xi32, #tpu.memory_space<vmem>>
          %dma_start3A_411 = tpu.memref_squeeze %dma_start3A_410 : memref<1x80xi32, #tpu.memory_space<vmem>> -> memref<80xi32, #tpu.memory_space<vmem>>
          %dma_start3A_412 = arith.constant 0 : i32
          %dma_start3A_413 = arith.constant 0 : i32
          %dma_start3A_414 = tpu.memref_slice %arg6[%dma_start3A_412, %dma_start3A_413] : memref<20000x8xf32, #tpu.memory_space<hbm>> -> memref<20000x8xf32, #tpu.memory_space<hbm>>
          tpu.enqueue_indirect_dma source(%dma_start3A_414 : memref<20000x8xf32, #tpu.memory_space<hbm>>) target(%dma_start3A_408 : memref<80x8xf32, #tpu.memory_space<vmem>>) offsets(%dma_start3A_411 : memref<80xi32, #tpu.memory_space<vmem>>) semaphore(%arg24 : memref<!tpu.dma_semaphore, #tpu.memory_space<semaphore_mem>>)
          %dma_start3A_415 = arith.constant 2 : i32
          %dma_start3A_416 = arith.constant 2 : i32
          %dma_start3A_417 = arith.constant 0 : i32
          %dma_start3A_418 = arith.constant 0 : i32
          %dma_start3A_419 = tpu.memref_slice %arg14[%dma_start3A_416, %dma_start3A_417, %dma_start3A_418] : memref<3x80x8xf32, #tpu.memory_space<vmem>> -> memref<1x80x8xf32, #tpu.memory_space<vmem>>
          %dma_start3A_420 = tpu.memref_squeeze %dma_start3A_419 : memref<1x80x8xf32, #tpu.memory_space<vmem>> -> memref<80x8xf32, #tpu.memory_space<vmem>>
          %dma_start3A_421 = arith.constant 0 : i32
          %dma_start3A_422 = tpu.memref_slice %arg11[%dma_start3A_415, %dma_start3A_421] : memref<3x80xi32, #tpu.memory_space<vmem>> -> memref<1x80xi32, #tpu.memory_space<vmem>>
          %dma_start3A_423 = tpu.memref_squeeze %dma_start3A_422 : memref<1x80xi32, #tpu.memory_space<vmem>> -> memref<80xi32, #tpu.memory_space<vmem>>
          %dma_start3A_424 = arith.constant 0 : i32
          %dma_start3A_425 = arith.constant 0 : i32
          %dma_start3A_426 = tpu.memref_slice %arg6[%dma_start3A_424, %dma_start3A_425] : memref<20000x8xf32, #tpu.memory_space<hbm>> -> memref<20000x8xf32, #tpu.memory_space<hbm>>
          tpu.enqueue_indirect_dma source(%dma_start3A_426 : memref<20000x8xf32, #tpu.memory_space<hbm>>) target(%dma_start3A_420 : memref<80x8xf32, #tpu.memory_space<vmem>>) offsets(%dma_start3A_423 : memref<80xi32, #tpu.memory_space<vmem>>) semaphore(%arg24 : memref<!tpu.dma_semaphore, #tpu.memory_space<semaphore_mem>>)
          %dma_start3A_427 = arith.constant 2 : i32
          %dma_start3A_428 = arith.constant 2 : i32
          %dma_start3A_429 = arith.constant 0 : i32
          %dma_start3A_430 = arith.constant 0 : i32
          %dma_start3A_431 = tpu.memref_slice %arg15[%dma_start3A_428, %dma_start3A_429, %dma_start3A_430] : memref<3x80x128xf32, #tpu.memory_space<vmem>> -> memref<1x80x128xf32, #tpu.memory_space<vmem>>
          %dma_start3A_432 = tpu.memref_squeeze %dma_start3A_431 : memref<1x80x128xf32, #tpu.memory_space<vmem>> -> memref<80x128xf32, #tpu.memory_space<vmem>>
          %dma_start3A_433 = arith.constant 0 : i32
          %dma_start3A_434 = tpu.memref_slice %arg10[%dma_start3A_427, %dma_start3A_433] : memref<3x80xi32, #tpu.memory_space<vmem>> -> memref<1x80xi32, #tpu.memory_space<vmem>>
          %dma_start3A_435 = tpu.memref_squeeze %dma_start3A_434 : memref<1x80xi32, #tpu.memory_space<vmem>> -> memref<80xi32, #tpu.memory_space<vmem>>
          %dma_start3A_436 = arith.constant 0 : i32
          %dma_start3A_437 = arith.constant 0 : i32
          %dma_start3A_438 = tpu.memref_slice %arg2[%dma_start3A_436, %dma_start3A_437] : memref<20000x128xf32, #tpu.memory_space<hbm>> -> memref<20000x128xf32, #tpu.memory_space<hbm>>
          tpu.enqueue_indirect_dma source(%dma_start3A_438 : memref<20000x128xf32, #tpu.memory_space<hbm>>) target(%dma_start3A_432 : memref<80x128xf32, #tpu.memory_space<vmem>>) offsets(%dma_start3A_435 : memref<80xi32, #tpu.memory_space<vmem>>) semaphore(%arg24 : memref<!tpu.dma_semaphore, #tpu.memory_space<semaphore_mem>>)
        } else {
        }
        %mul3A_279 = arith.constant 80 : i32
        %mul3A_280 = arith.muli %add3A_248, %mul3A_279 : i32
        %add3A_281 = arith.addi %mul3A_0, %mul3A_280 : i32
        %dma_wait3A_282 = arith.constant 1 : i32
        %dma_wait3A_283 = arith.constant 1 : i32
        %dma_wait3A_284 = arith.constant 0 : i32
        %dma_wait3A_285 = tpu.memref_slice %arg12[%dma_wait3A_283, %dma_wait3A_284] : memref<3x80xi32, #tpu.memory_space<vmem>> -> memref<1x80xi32, #tpu.memory_space<vmem>>
        %dma_wait3A_286 = tpu.memref_squeeze %dma_wait3A_285 : memref<1x80xi32, #tpu.memory_space<vmem>> -> memref<80xi32, #tpu.memory_space<vmem>>
        %dma_wait3A_287 = tpu.memref_slice %arg5[%dma_wait3A_282, %add3A_281] : memref<2x320000xi32, #tpu.memory_space<hbm>> -> memref<1x80xi32, #tpu.memory_space<hbm>>
        %dma_wait3A_288 = tpu.memref_squeeze %dma_wait3A_287 : memref<1x80xi32, #tpu.memory_space<hbm>> -> memref<80xi32, #tpu.memory_space<hbm>>
        %dma_wait3A_289 = arith.constant 0 : i32
        %dma_wait3A_290 = tpu.memref_slice %arg12[%dma_wait3A_283, %dma_wait3A_289] : memref<3x80xi32, #tpu.memory_space<vmem>> -> memref<1x80xi32, #tpu.memory_space<vmem>>
        %dma_wait3A_291 = tpu.memref_squeeze %dma_wait3A_290 : memref<1x80xi32, #tpu.memory_space<vmem>> -> memref<80xi32, #tpu.memory_space<vmem>>
        %dma_wait3A_292 = tpu.memref_slice %arg5[%dma_wait3A_282, %add3A_281] : memref<2x320000xi32, #tpu.memory_space<hbm>> -> memref<1x80xi32, #tpu.memory_space<hbm>>
        %dma_wait3A_293 = tpu.memref_squeeze %dma_wait3A_292 : memref<1x80xi32, #tpu.memory_space<hbm>> -> memref<80xi32, #tpu.memory_space<hbm>>
        tpu.wait_dma2 semaphore(%arg23 : memref<!tpu.dma_semaphore, #tpu.memory_space<semaphore_mem>>) src(%dma_wait3A_293 : memref<80xi32, #tpu.memory_space<hbm>>) dst(%dma_wait3A_291 : memref<80xi32, #tpu.memory_space<vmem>>)
        %dma_wait3A_294 = arith.constant 1 : i32
        %dma_wait3A_295 = arith.constant 1 : i32
        %dma_wait3A_296 = arith.constant 0 : i32
        %dma_wait3A_297 = arith.constant 0 : i32
        %dma_wait3A_298 = tpu.memref_slice %arg13[%dma_wait3A_295, %dma_wait3A_296, %dma_wait3A_297] : memref<3x80x8xf32, #tpu.memory_space<vmem>> -> memref<1x80x8xf32, #tpu.memory_space<vmem>>
        %dma_wait3A_299 = tpu.memref_squeeze %dma_wait3A_298 : memref<1x80x8xf32, #tpu.memory_space<vmem>> -> memref<80x8xf32, #tpu.memory_space<vmem>>
        %dma_wait3A_300 = arith.constant 0 : i32
        %dma_wait3A_301 = tpu.memref_slice %arg10[%dma_wait3A_294, %dma_wait3A_300] : memref<3x80xi32, #tpu.memory_space<vmem>> -> memref<1x80xi32, #tpu.memory_space<vmem>>
        %dma_wait3A_302 = tpu.memref_squeeze %dma_wait3A_301 : memref<1x80xi32, #tpu.memory_space<vmem>> -> memref<80xi32, #tpu.memory_space<vmem>>
        %dma_wait3A_303 = arith.constant 0 : i32
        %dma_wait3A_304 = arith.constant 0 : i32
        %dma_wait3A_305 = tpu.memref_slice %arg6[%dma_wait3A_303, %dma_wait3A_304] : memref<20000x8xf32, #tpu.memory_space<hbm>> -> memref<20000x8xf32, #tpu.memory_space<hbm>>
        tpu.wait_indirect_dma semaphore(%arg23 : memref<!tpu.dma_semaphore, #tpu.memory_space<semaphore_mem>>) src(%dma_wait3A_305 : memref<20000x8xf32, #tpu.memory_space<hbm>>) dst(%dma_wait3A_299 : memref<80x8xf32, #tpu.memory_space<vmem>>)
        %dma_wait3A_306 = arith.constant 1 : i32
        %dma_wait3A_307 = arith.constant 1 : i32
        %dma_wait3A_308 = arith.constant 0 : i32
        %dma_wait3A_309 = arith.constant 0 : i32
        %dma_wait3A_310 = tpu.memref_slice %arg14[%dma_wait3A_307, %dma_wait3A_308, %dma_wait3A_309] : memref<3x80x8xf32, #tpu.memory_space<vmem>> -> memref<1x80x8xf32, #tpu.memory_space<vmem>>
        %dma_wait3A_311 = tpu.memref_squeeze %dma_wait3A_310 : memref<1x80x8xf32, #tpu.memory_space<vmem>> -> memref<80x8xf32, #tpu.memory_space<vmem>>
        %dma_wait3A_312 = arith.constant 0 : i32
        %dma_wait3A_313 = tpu.memref_slice %arg11[%dma_wait3A_306, %dma_wait3A_312] : memref<3x80xi32, #tpu.memory_space<vmem>> -> memref<1x80xi32, #tpu.memory_space<vmem>>
        %dma_wait3A_314 = tpu.memref_squeeze %dma_wait3A_313 : memref<1x80xi32, #tpu.memory_space<vmem>> -> memref<80xi32, #tpu.memory_space<vmem>>
        %dma_wait3A_315 = arith.constant 0 : i32
        %dma_wait3A_316 = arith.constant 0 : i32
        %dma_wait3A_317 = tpu.memref_slice %arg6[%dma_wait3A_315, %dma_wait3A_316] : memref<20000x8xf32, #tpu.memory_space<hbm>> -> memref<20000x8xf32, #tpu.memory_space<hbm>>
        tpu.wait_indirect_dma semaphore(%arg23 : memref<!tpu.dma_semaphore, #tpu.memory_space<semaphore_mem>>) src(%dma_wait3A_317 : memref<20000x8xf32, #tpu.memory_space<hbm>>) dst(%dma_wait3A_311 : memref<80x8xf32, #tpu.memory_space<vmem>>)
        %dma_wait3A_318 = arith.constant 1 : i32
        %dma_wait3A_319 = arith.constant 1 : i32
        %dma_wait3A_320 = arith.constant 0 : i32
        %dma_wait3A_321 = arith.constant 0 : i32
        %dma_wait3A_322 = tpu.memref_slice %arg15[%dma_wait3A_319, %dma_wait3A_320, %dma_wait3A_321] : memref<3x80x128xf32, #tpu.memory_space<vmem>> -> memref<1x80x128xf32, #tpu.memory_space<vmem>>
        %dma_wait3A_323 = tpu.memref_squeeze %dma_wait3A_322 : memref<1x80x128xf32, #tpu.memory_space<vmem>> -> memref<80x128xf32, #tpu.memory_space<vmem>>
        %dma_wait3A_324 = arith.constant 0 : i32
        %dma_wait3A_325 = tpu.memref_slice %arg10[%dma_wait3A_318, %dma_wait3A_324] : memref<3x80xi32, #tpu.memory_space<vmem>> -> memref<1x80xi32, #tpu.memory_space<vmem>>
        %dma_wait3A_326 = tpu.memref_squeeze %dma_wait3A_325 : memref<1x80xi32, #tpu.memory_space<vmem>> -> memref<80xi32, #tpu.memory_space<vmem>>
        %dma_wait3A_327 = arith.constant 0 : i32
        %dma_wait3A_328 = arith.constant 0 : i32
        %dma_wait3A_329 = tpu.memref_slice %arg2[%dma_wait3A_327, %dma_wait3A_328] : memref<20000x128xf32, #tpu.memory_space<hbm>> -> memref<20000x128xf32, #tpu.memory_space<hbm>>
        tpu.wait_indirect_dma semaphore(%arg23 : memref<!tpu.dma_semaphore, #tpu.memory_space<semaphore_mem>>) src(%dma_wait3A_329 : memref<20000x128xf32, #tpu.memory_space<hbm>>) dst(%dma_wait3A_323 : memref<80x128xf32, #tpu.memory_space<vmem>>)
        %parallel_loop3A = arith.constant 0 : i32
        %parallel_loop3A_330 = arith.constant 80 : i32
        %parallel_loop3A_331 = arith.constant 16 : i32
        scf.for %parallel_loop3A_359 = %parallel_loop3A to %parallel_loop3A_330 step %parallel_loop3A_331  : i32 {
          %parallel_loop3A_360 = vector.broadcast %parallel_loop3A_359 : i32 to vector<16xi32>
          %parallel_loop3A_361 = arith.addi %iota3A, %parallel_loop3A_360 : vector<16xi32>
          %parallel_loop3A_362 = arith.constant 0 : i32
          %parallel_loop3A_363 = vector.broadcast %parallel_loop3A_362 : i32 to vector<16xi32>
          %parallel_loop3A_364 = arith.constant 1 : i32
          %parallel_loop3A_365 = arith.constant 0 : i32
          %parallel_loop3A_366 = arith.constant 0 : i32
          %parallel_loop3A_367 = tpu.memref_slice %arg13[%parallel_loop3A_364, %parallel_loop3A_365, %parallel_loop3A_366] : memref<3x80x8xf32, #tpu.memory_space<vmem>> -> memref<1x80x8xf32, #tpu.memory_space<vmem>>
          %parallel_loop3A_368 = tpu.memref_squeeze %parallel_loop3A_367 : memref<1x80x8xf32, #tpu.memory_space<vmem>> -> memref<80x8xf32, #tpu.memory_space<vmem>>
          %parallel_loop3A_369 = tpu.vector_load_idx %parallel_loop3A_368[%parallel_loop3A_361, %parallel_loop3A_363] : memref<80x8xf32, #tpu.memory_space<vmem>>[vector<16xi32>, vector<16xi32>], vector<16xf32>,
          %parallel_loop3A_370 = arith.constant 4 : i32
          %parallel_loop3A_371 = vector.broadcast %parallel_loop3A_370 : i32 to vector<16xi32>
          %parallel_loop3A_372 = arith.constant 1 : i32
          %parallel_loop3A_373 = arith.constant 0 : i32
          %parallel_loop3A_374 = arith.constant 0 : i32
          %parallel_loop3A_375 = tpu.memref_slice %arg14[%parallel_loop3A_372, %parallel_loop3A_373, %parallel_loop3A_374] : memref<3x80x8xf32, #tpu.memory_space<vmem>> -> memref<1x80x8xf32, #tpu.memory_space<vmem>>
          %parallel_loop3A_376 = tpu.memref_squeeze %parallel_loop3A_375 : memref<1x80x8xf32, #tpu.memory_space<vmem>> -> memref<80x8xf32, #tpu.memory_space<vmem>>
          %parallel_loop3A_377 = tpu.vector_load_idx %parallel_loop3A_376[%parallel_loop3A_361, %parallel_loop3A_371] : memref<80x8xf32, #tpu.memory_space<vmem>>[vector<16xi32>, vector<16xi32>], vector<16xf32>,
          %parallel_loop3A_378 = arith.addf %parallel_loop3A_369, %parallel_loop3A_377 : vector<16xf32>
          %parallel_loop3A_379 = arith.constant 2.000000e-01 : f32
          %parallel_loop3A_380 = vector.broadcast %parallel_loop3A_379 : f32 to vector<16xf32>
          %parallel_loop3A_381 = arith.mulf %parallel_loop3A_380, %parallel_loop3A_378 : vector<16xf32>
          %parallel_loop3A_382 = arith.maximumf %parallel_loop3A_378, %parallel_loop3A_381 : vector<16xf32>
          %parallel_loop3A_383 = math.exp %parallel_loop3A_382 : vector<16xf32>
          %parallel_loop3A_384 = arith.constant 0 : i32
          %parallel_loop3A_385 = vector.broadcast %parallel_loop3A_384 : i32 to vector<16xi32>
          %parallel_loop3A_386 = arith.constant 1 : i32
          %parallel_loop3A_387 = arith.constant 0 : i32
          %parallel_loop3A_388 = arith.constant 0 : i32
          %parallel_loop3A_389 = tpu.memref_slice %arg16[%parallel_loop3A_386, %parallel_loop3A_387, %parallel_loop3A_388] : memref<3x80x16xf32, #tpu.memory_space<vmem>> -> memref<1x80x16xf32, #tpu.memory_space<vmem>>
          %parallel_loop3A_390 = tpu.memref_squeeze %parallel_loop3A_389 : memref<1x80x16xf32, #tpu.memory_space<vmem>> -> memref<80x16xf32, #tpu.memory_space<vmem>>
          tpu.vector_store_idx %parallel_loop3A_390[%parallel_loop3A_361, %parallel_loop3A_385], %parallel_loop3A_383 : memref<80x16xf32, #tpu.memory_space<vmem>>[vector<16xi32>, vector<16xi32>], vector<16xf32>,
          %parallel_loop3A_391 = arith.constant 1 : i32
          %parallel_loop3A_392 = vector.broadcast %parallel_loop3A_391 : i32 to vector<16xi32>
          %parallel_loop3A_393 = arith.constant 1 : i32
          %parallel_loop3A_394 = arith.constant 0 : i32
          %parallel_loop3A_395 = arith.constant 0 : i32
          %parallel_loop3A_396 = tpu.memref_slice %arg13[%parallel_loop3A_393, %parallel_loop3A_394, %parallel_loop3A_395] : memref<3x80x8xf32, #tpu.memory_space<vmem>> -> memref<1x80x8xf32, #tpu.memory_space<vmem>>
          %parallel_loop3A_397 = tpu.memref_squeeze %parallel_loop3A_396 : memref<1x80x8xf32, #tpu.memory_space<vmem>> -> memref<80x8xf32, #tpu.memory_space<vmem>>
          %parallel_loop3A_398 = tpu.vector_load_idx %parallel_loop3A_397[%parallel_loop3A_361, %parallel_loop3A_392] : memref<80x8xf32, #tpu.memory_space<vmem>>[vector<16xi32>, vector<16xi32>], vector<16xf32>,
          %parallel_loop3A_399 = arith.constant 5 : i32
          %parallel_loop3A_400 = vector.broadcast %parallel_loop3A_399 : i32 to vector<16xi32>
          %parallel_loop3A_401 = arith.constant 1 : i32
          %parallel_loop3A_402 = arith.constant 0 : i32
          %parallel_loop3A_403 = arith.constant 0 : i32
          %parallel_loop3A_404 = tpu.memref_slice %arg14[%parallel_loop3A_401, %parallel_loop3A_402, %parallel_loop3A_403] : memref<3x80x8xf32, #tpu.memory_space<vmem>> -> memref<1x80x8xf32, #tpu.memory_space<vmem>>
          %parallel_loop3A_405 = tpu.memref_squeeze %parallel_loop3A_404 : memref<1x80x8xf32, #tpu.memory_space<vmem>> -> memref<80x8xf32, #tpu.memory_space<vmem>>
          %parallel_loop3A_406 = tpu.vector_load_idx %parallel_loop3A_405[%parallel_loop3A_361, %parallel_loop3A_400] : memref<80x8xf32, #tpu.memory_space<vmem>>[vector<16xi32>, vector<16xi32>], vector<16xf32>,
          %parallel_loop3A_407 = arith.addf %parallel_loop3A_398, %parallel_loop3A_406 : vector<16xf32>
          %parallel_loop3A_408 = arith.constant 2.000000e-01 : f32
          %parallel_loop3A_409 = vector.broadcast %parallel_loop3A_408 : f32 to vector<16xf32>
          %parallel_loop3A_410 = arith.mulf %parallel_loop3A_409, %parallel_loop3A_407 : vector<16xf32>
          %parallel_loop3A_411 = arith.maximumf %parallel_loop3A_407, %parallel_loop3A_410 : vector<16xf32>
          %parallel_loop3A_412 = math.exp %parallel_loop3A_411 : vector<16xf32>
          %parallel_loop3A_413 = arith.constant 1 : i32
          %parallel_loop3A_414 = vector.broadcast %parallel_loop3A_413 : i32 to vector<16xi32>
          %parallel_loop3A_415 = arith.constant 1 : i32
          %parallel_loop3A_416 = arith.constant 0 : i32
          %parallel_loop3A_417 = arith.constant 0 : i32
          %parallel_loop3A_418 = tpu.memref_slice %arg16[%parallel_loop3A_415, %parallel_loop3A_416, %parallel_loop3A_417] : memref<3x80x16xf32, #tpu.memory_space<vmem>> -> memref<1x80x16xf32, #tpu.memory_space<vmem>>
          %parallel_loop3A_419 = tpu.memref_squeeze %parallel_loop3A_418 : memref<1x80x16xf32, #tpu.memory_space<vmem>> -> memref<80x16xf32, #tpu.memory_space<vmem>>
          tpu.vector_store_idx %parallel_loop3A_419[%parallel_loop3A_361, %parallel_loop3A_414], %parallel_loop3A_412 : memref<80x16xf32, #tpu.memory_space<vmem>>[vector<16xi32>, vector<16xi32>], vector<16xf32>,
          %parallel_loop3A_420 = arith.constant 2 : i32
          %parallel_loop3A_421 = vector.broadcast %parallel_loop3A_420 : i32 to vector<16xi32>
          %parallel_loop3A_422 = arith.constant 1 : i32
          %parallel_loop3A_423 = arith.constant 0 : i32
          %parallel_loop3A_424 = arith.constant 0 : i32
          %parallel_loop3A_425 = tpu.memref_slice %arg13[%parallel_loop3A_422, %parallel_loop3A_423, %parallel_loop3A_424] : memref<3x80x8xf32, #tpu.memory_space<vmem>> -> memref<1x80x8xf32, #tpu.memory_space<vmem>>
          %parallel_loop3A_426 = tpu.memref_squeeze %parallel_loop3A_425 : memref<1x80x8xf32, #tpu.memory_space<vmem>> -> memref<80x8xf32, #tpu.memory_space<vmem>>
          %parallel_loop3A_427 = tpu.vector_load_idx %parallel_loop3A_426[%parallel_loop3A_361, %parallel_loop3A_421] : memref<80x8xf32, #tpu.memory_space<vmem>>[vector<16xi32>, vector<16xi32>], vector<16xf32>,
          %parallel_loop3A_428 = arith.constant 6 : i32
          %parallel_loop3A_429 = vector.broadcast %parallel_loop3A_428 : i32 to vector<16xi32>
          %parallel_loop3A_430 = arith.constant 1 : i32
          %parallel_loop3A_431 = arith.constant 0 : i32
          %parallel_loop3A_432 = arith.constant 0 : i32
          %parallel_loop3A_433 = tpu.memref_slice %arg14[%parallel_loop3A_430, %parallel_loop3A_431, %parallel_loop3A_432] : memref<3x80x8xf32, #tpu.memory_space<vmem>> -> memref<1x80x8xf32, #tpu.memory_space<vmem>>
          %parallel_loop3A_434 = tpu.memref_squeeze %parallel_loop3A_433 : memref<1x80x8xf32, #tpu.memory_space<vmem>> -> memref<80x8xf32, #tpu.memory_space<vmem>>
          %parallel_loop3A_435 = tpu.vector_load_idx %parallel_loop3A_434[%parallel_loop3A_361, %parallel_loop3A_429] : memref<80x8xf32, #tpu.memory_space<vmem>>[vector<16xi32>, vector<16xi32>], vector<16xf32>,
          %parallel_loop3A_436 = arith.addf %parallel_loop3A_427, %parallel_loop3A_435 : vector<16xf32>
          %parallel_loop3A_437 = arith.constant 2.000000e-01 : f32
          %parallel_loop3A_438 = vector.broadcast %parallel_loop3A_437 : f32 to vector<16xf32>
          %parallel_loop3A_439 = arith.mulf %parallel_loop3A_438, %parallel_loop3A_436 : vector<16xf32>
          %parallel_loop3A_440 = arith.maximumf %parallel_loop3A_436, %parallel_loop3A_439 : vector<16xf32>
          %parallel_loop3A_441 = math.exp %parallel_loop3A_440 : vector<16xf32>
          %parallel_loop3A_442 = arith.constant 2 : i32
          %parallel_loop3A_443 = vector.broadcast %parallel_loop3A_442 : i32 to vector<16xi32>
          %parallel_loop3A_444 = arith.constant 1 : i32
          %parallel_loop3A_445 = arith.constant 0 : i32
          %parallel_loop3A_446 = arith.constant 0 : i32
          %parallel_loop3A_447 = tpu.memref_slice %arg16[%parallel_loop3A_444, %parallel_loop3A_445, %parallel_loop3A_446] : memref<3x80x16xf32, #tpu.memory_space<vmem>> -> memref<1x80x16xf32, #tpu.memory_space<vmem>>
          %parallel_loop3A_448 = tpu.memref_squeeze %parallel_loop3A_447 : memref<1x80x16xf32, #tpu.memory_space<vmem>> -> memref<80x16xf32, #tpu.memory_space<vmem>>
          tpu.vector_store_idx %parallel_loop3A_448[%parallel_loop3A_361, %parallel_loop3A_443], %parallel_loop3A_441 : memref<80x16xf32, #tpu.memory_space<vmem>>[vector<16xi32>, vector<16xi32>], vector<16xf32>,
          %parallel_loop3A_449 = arith.constant 3 : i32
          %parallel_loop3A_450 = vector.broadcast %parallel_loop3A_449 : i32 to vector<16xi32>
          %parallel_loop3A_451 = arith.constant 1 : i32
          %parallel_loop3A_452 = arith.constant 0 : i32
          %parallel_loop3A_453 = arith.constant 0 : i32
          %parallel_loop3A_454 = tpu.memref_slice %arg13[%parallel_loop3A_451, %parallel_loop3A_452, %parallel_loop3A_453] : memref<3x80x8xf32, #tpu.memory_space<vmem>> -> memref<1x80x8xf32, #tpu.memory_space<vmem>>
          %parallel_loop3A_455 = tpu.memref_squeeze %parallel_loop3A_454 : memref<1x80x8xf32, #tpu.memory_space<vmem>> -> memref<80x8xf32, #tpu.memory_space<vmem>>
          %parallel_loop3A_456 = tpu.vector_load_idx %parallel_loop3A_455[%parallel_loop3A_361, %parallel_loop3A_450] : memref<80x8xf32, #tpu.memory_space<vmem>>[vector<16xi32>, vector<16xi32>], vector<16xf32>,
          %parallel_loop3A_457 = arith.constant 7 : i32
          %parallel_loop3A_458 = vector.broadcast %parallel_loop3A_457 : i32 to vector<16xi32>
          %parallel_loop3A_459 = arith.constant 1 : i32
          %parallel_loop3A_460 = arith.constant 0 : i32
          %parallel_loop3A_461 = arith.constant 0 : i32
          %parallel_loop3A_462 = tpu.memref_slice %arg14[%parallel_loop3A_459, %parallel_loop3A_460, %parallel_loop3A_461] : memref<3x80x8xf32, #tpu.memory_space<vmem>> -> memref<1x80x8xf32, #tpu.memory_space<vmem>>
          %parallel_loop3A_463 = tpu.memref_squeeze %parallel_loop3A_462 : memref<1x80x8xf32, #tpu.memory_space<vmem>> -> memref<80x8xf32, #tpu.memory_space<vmem>>
          %parallel_loop3A_464 = tpu.vector_load_idx %parallel_loop3A_463[%parallel_loop3A_361, %parallel_loop3A_458] : memref<80x8xf32, #tpu.memory_space<vmem>>[vector<16xi32>, vector<16xi32>], vector<16xf32>,
          %parallel_loop3A_465 = arith.addf %parallel_loop3A_456, %parallel_loop3A_464 : vector<16xf32>
          %parallel_loop3A_466 = arith.constant 2.000000e-01 : f32
          %parallel_loop3A_467 = vector.broadcast %parallel_loop3A_466 : f32 to vector<16xf32>
          %parallel_loop3A_468 = arith.mulf %parallel_loop3A_467, %parallel_loop3A_465 : vector<16xf32>
          %parallel_loop3A_469 = arith.maximumf %parallel_loop3A_465, %parallel_loop3A_468 : vector<16xf32>
          %parallel_loop3A_470 = math.exp %parallel_loop3A_469 : vector<16xf32>
          %parallel_loop3A_471 = arith.constant 3 : i32
          %parallel_loop3A_472 = vector.broadcast %parallel_loop3A_471 : i32 to vector<16xi32>
          %parallel_loop3A_473 = arith.constant 1 : i32
          %parallel_loop3A_474 = arith.constant 0 : i32
          %parallel_loop3A_475 = arith.constant 0 : i32
          %parallel_loop3A_476 = tpu.memref_slice %arg16[%parallel_loop3A_473, %parallel_loop3A_474, %parallel_loop3A_475] : memref<3x80x16xf32, #tpu.memory_space<vmem>> -> memref<1x80x16xf32, #tpu.memory_space<vmem>>
          %parallel_loop3A_477 = tpu.memref_squeeze %parallel_loop3A_476 : memref<1x80x16xf32, #tpu.memory_space<vmem>> -> memref<80x16xf32, #tpu.memory_space<vmem>>
          tpu.vector_store_idx %parallel_loop3A_477[%parallel_loop3A_361, %parallel_loop3A_472], %parallel_loop3A_470 : memref<80x16xf32, #tpu.memory_space<vmem>>[vector<16xi32>, vector<16xi32>], vector<16xf32>,
        } {sc.loop_unroll_factor = 5 : i64, sc.parallel_access}
        %parallel_loop3A_332 = arith.constant 0 : i32
        %parallel_loop3A_333 = arith.constant 80 : i32
        %parallel_loop3A_334 = arith.constant 1 : i32
        scf.for %parallel_loop3A_359 = %parallel_loop3A_332 to %parallel_loop3A_333 step %parallel_loop3A_334  : i32 {
          %parallel_loop3A_360 = arith.constant 1 : i32
          %parallel_loop3A_361 = arith.index_cast %parallel_loop3A_360 : i32 to index
          %parallel_loop3A_362 = arith.index_cast %parallel_loop3A_359 : i32 to index
          %parallel_loop3A_363 = arith.constant 0 : index
          %parallel_loop3A_364 = tpu.vector_load %arg16[%parallel_loop3A_361, %parallel_loop3A_362, %parallel_loop3A_363] {strides = array<i32>} : memref<3x80x16xf32, #tpu.memory_space<vmem>>, vector<16xf32>,
          %parallel_loop3A_365 = vector.extract_strided_slice %parallel_loop3A_364 {offsets = [0], sizes = [1], strides = [1]} : vector<16xf32> to vector<1xf32>
          %parallel_loop3A_366 = vector.extract %parallel_loop3A_365[0] : f32 from vector<1xf32>
          %parallel_loop3A_367 = arith.constant 1 : i32
          %parallel_loop3A_368 = arith.index_cast %parallel_loop3A_367 : i32 to index
          %parallel_loop3A_369 = arith.index_cast %parallel_loop3A_359 : i32 to index
          %parallel_loop3A_370 = arith.constant 0 : index
          %parallel_loop3A_371 = tpu.vector_load %arg15[%parallel_loop3A_368, %parallel_loop3A_369, %parallel_loop3A_370] {strides = array<i32>} : memref<3x80x128xf32, #tpu.memory_space<vmem>>, vector<16xf32>,
          %parallel_loop3A_372 = vector.broadcast %parallel_loop3A_366 : f32 to vector<16xf32>
          %parallel_loop3A_373 = arith.mulf %parallel_loop3A_371, %parallel_loop3A_372 : vector<16xf32>
          %parallel_loop3A_374 = arith.constant 1 : i32
          %parallel_loop3A_375 = arith.index_cast %parallel_loop3A_374 : i32 to index
          %parallel_loop3A_376 = arith.index_cast %parallel_loop3A_359 : i32 to index
          %parallel_loop3A_377 = arith.constant 0 : index
          %parallel_loop3A_378 = tpu.vector_load %arg15[%parallel_loop3A_375, %parallel_loop3A_376, %parallel_loop3A_377] {strides = array<i32>} : memref<3x80x128xf32, #tpu.memory_space<vmem>>, vector<16xf32>,
          tpu.vector_store %arg15[%parallel_loop3A_375, %parallel_loop3A_376, %parallel_loop3A_377], %parallel_loop3A_373 {strides = array<i32>} : memref<3x80x128xf32, #tpu.memory_space<vmem>>, vector<16xf32>,
          %parallel_loop3A_379 = arith.constant 1 : i32
          %parallel_loop3A_380 = arith.index_cast %parallel_loop3A_379 : i32 to index
          %parallel_loop3A_381 = arith.index_cast %parallel_loop3A_359 : i32 to index
          %parallel_loop3A_382 = arith.constant 16 : index
          %parallel_loop3A_383 = tpu.vector_load %arg15[%parallel_loop3A_380, %parallel_loop3A_381, %parallel_loop3A_382] {strides = array<i32>} : memref<3x80x128xf32, #tpu.memory_space<vmem>>, vector<16xf32>,
          %parallel_loop3A_384 = vector.broadcast %parallel_loop3A_366 : f32 to vector<16xf32>
          %parallel_loop3A_385 = arith.mulf %parallel_loop3A_383, %parallel_loop3A_384 : vector<16xf32>
          %parallel_loop3A_386 = arith.constant 1 : i32
          %parallel_loop3A_387 = arith.index_cast %parallel_loop3A_386 : i32 to index
          %parallel_loop3A_388 = arith.index_cast %parallel_loop3A_359 : i32 to index
          %parallel_loop3A_389 = arith.constant 16 : index
          %parallel_loop3A_390 = tpu.vector_load %arg15[%parallel_loop3A_387, %parallel_loop3A_388, %parallel_loop3A_389] {strides = array<i32>} : memref<3x80x128xf32, #tpu.memory_space<vmem>>, vector<16xf32>,
          tpu.vector_store %arg15[%parallel_loop3A_387, %parallel_loop3A_388, %parallel_loop3A_389], %parallel_loop3A_385 {strides = array<i32>} : memref<3x80x128xf32, #tpu.memory_space<vmem>>, vector<16xf32>,
          %parallel_loop3A_391 = vector.extract_strided_slice %parallel_loop3A_364 {offsets = [1], sizes = [1], strides = [1]} : vector<16xf32> to vector<1xf32>
          %parallel_loop3A_392 = vector.extract %parallel_loop3A_391[0] : f32 from vector<1xf32>
          %parallel_loop3A_393 = arith.constant 1 : i32
          %parallel_loop3A_394 = arith.index_cast %parallel_loop3A_393 : i32 to index
          %parallel_loop3A_395 = arith.index_cast %parallel_loop3A_359 : i32 to index
          %parallel_loop3A_396 = arith.constant 32 : index
          %parallel_loop3A_397 = tpu.vector_load %arg15[%parallel_loop3A_394, %parallel_loop3A_395, %parallel_loop3A_396] {strides = array<i32>} : memref<3x80x128xf32, #tpu.memory_space<vmem>>, vector<16xf32>,
          %parallel_loop3A_398 = vector.broadcast %parallel_loop3A_392 : f32 to vector<16xf32>
          %parallel_loop3A_399 = arith.mulf %parallel_loop3A_397, %parallel_loop3A_398 : vector<16xf32>
          %parallel_loop3A_400 = arith.constant 1 : i32
          %parallel_loop3A_401 = arith.index_cast %parallel_loop3A_400 : i32 to index
          %parallel_loop3A_402 = arith.index_cast %parallel_loop3A_359 : i32 to index
          %parallel_loop3A_403 = arith.constant 32 : index
          %parallel_loop3A_404 = tpu.vector_load %arg15[%parallel_loop3A_401, %parallel_loop3A_402, %parallel_loop3A_403] {strides = array<i32>} : memref<3x80x128xf32, #tpu.memory_space<vmem>>, vector<16xf32>,
          tpu.vector_store %arg15[%parallel_loop3A_401, %parallel_loop3A_402, %parallel_loop3A_403], %parallel_loop3A_399 {strides = array<i32>} : memref<3x80x128xf32, #tpu.memory_space<vmem>>, vector<16xf32>,
          %parallel_loop3A_405 = arith.constant 1 : i32
          %parallel_loop3A_406 = arith.index_cast %parallel_loop3A_405 : i32 to index
          %parallel_loop3A_407 = arith.index_cast %parallel_loop3A_359 : i32 to index
          %parallel_loop3A_408 = arith.constant 48 : index
          %parallel_loop3A_409 = tpu.vector_load %arg15[%parallel_loop3A_406, %parallel_loop3A_407, %parallel_loop3A_408] {strides = array<i32>} : memref<3x80x128xf32, #tpu.memory_space<vmem>>, vector<16xf32>,
          %parallel_loop3A_410 = vector.broadcast %parallel_loop3A_392 : f32 to vector<16xf32>
          %parallel_loop3A_411 = arith.mulf %parallel_loop3A_409, %parallel_loop3A_410 : vector<16xf32>
          %parallel_loop3A_412 = arith.constant 1 : i32
          %parallel_loop3A_413 = arith.index_cast %parallel_loop3A_412 : i32 to index
          %parallel_loop3A_414 = arith.index_cast %parallel_loop3A_359 : i32 to index
          %parallel_loop3A_415 = arith.constant 48 : index
          %parallel_loop3A_416 = tpu.vector_load %arg15[%parallel_loop3A_413, %parallel_loop3A_414, %parallel_loop3A_415] {strides = array<i32>} : memref<3x80x128xf32, #tpu.memory_space<vmem>>, vector<16xf32>,
          tpu.vector_store %arg15[%parallel_loop3A_413, %parallel_loop3A_414, %parallel_loop3A_415], %parallel_loop3A_411 {strides = array<i32>} : memref<3x80x128xf32, #tpu.memory_space<vmem>>, vector<16xf32>,
          %parallel_loop3A_417 = vector.extract_strided_slice %parallel_loop3A_364 {offsets = [2], sizes = [1], strides = [1]} : vector<16xf32> to vector<1xf32>
          %parallel_loop3A_418 = vector.extract %parallel_loop3A_417[0] : f32 from vector<1xf32>
          %parallel_loop3A_419 = arith.constant 1 : i32
          %parallel_loop3A_420 = arith.index_cast %parallel_loop3A_419 : i32 to index
          %parallel_loop3A_421 = arith.index_cast %parallel_loop3A_359 : i32 to index
          %parallel_loop3A_422 = arith.constant 64 : index
          %parallel_loop3A_423 = tpu.vector_load %arg15[%parallel_loop3A_420, %parallel_loop3A_421, %parallel_loop3A_422] {strides = array<i32>} : memref<3x80x128xf32, #tpu.memory_space<vmem>>, vector<16xf32>,
          %parallel_loop3A_424 = vector.broadcast %parallel_loop3A_418 : f32 to vector<16xf32>
          %parallel_loop3A_425 = arith.mulf %parallel_loop3A_423, %parallel_loop3A_424 : vector<16xf32>
          %parallel_loop3A_426 = arith.constant 1 : i32
          %parallel_loop3A_427 = arith.index_cast %parallel_loop3A_426 : i32 to index
          %parallel_loop3A_428 = arith.index_cast %parallel_loop3A_359 : i32 to index
          %parallel_loop3A_429 = arith.constant 64 : index
          %parallel_loop3A_430 = tpu.vector_load %arg15[%parallel_loop3A_427, %parallel_loop3A_428, %parallel_loop3A_429] {strides = array<i32>} : memref<3x80x128xf32, #tpu.memory_space<vmem>>, vector<16xf32>,
          tpu.vector_store %arg15[%parallel_loop3A_427, %parallel_loop3A_428, %parallel_loop3A_429], %parallel_loop3A_425 {strides = array<i32>} : memref<3x80x128xf32, #tpu.memory_space<vmem>>, vector<16xf32>,
          %parallel_loop3A_431 = arith.constant 1 : i32
          %parallel_loop3A_432 = arith.index_cast %parallel_loop3A_431 : i32 to index
          %parallel_loop3A_433 = arith.index_cast %parallel_loop3A_359 : i32 to index
          %parallel_loop3A_434 = arith.constant 80 : index
          %parallel_loop3A_435 = tpu.vector_load %arg15[%parallel_loop3A_432, %parallel_loop3A_433, %parallel_loop3A_434] {strides = array<i32>} : memref<3x80x128xf32, #tpu.memory_space<vmem>>, vector<16xf32>,
          %parallel_loop3A_436 = vector.broadcast %parallel_loop3A_418 : f32 to vector<16xf32>
          %parallel_loop3A_437 = arith.mulf %parallel_loop3A_435, %parallel_loop3A_436 : vector<16xf32>
          %parallel_loop3A_438 = arith.constant 1 : i32
          %parallel_loop3A_439 = arith.index_cast %parallel_loop3A_438 : i32 to index
          %parallel_loop3A_440 = arith.index_cast %parallel_loop3A_359 : i32 to index
          %parallel_loop3A_441 = arith.constant 80 : index
          %parallel_loop3A_442 = tpu.vector_load %arg15[%parallel_loop3A_439, %parallel_loop3A_440, %parallel_loop3A_441] {strides = array<i32>} : memref<3x80x128xf32, #tpu.memory_space<vmem>>, vector<16xf32>,
          tpu.vector_store %arg15[%parallel_loop3A_439, %parallel_loop3A_440, %parallel_loop3A_441], %parallel_loop3A_437 {strides = array<i32>} : memref<3x80x128xf32, #tpu.memory_space<vmem>>, vector<16xf32>,
          %parallel_loop3A_443 = vector.extract_strided_slice %parallel_loop3A_364 {offsets = [3], sizes = [1], strides = [1]} : vector<16xf32> to vector<1xf32>
          %parallel_loop3A_444 = vector.extract %parallel_loop3A_443[0] : f32 from vector<1xf32>
          %parallel_loop3A_445 = arith.constant 1 : i32
          %parallel_loop3A_446 = arith.index_cast %parallel_loop3A_445 : i32 to index
          %parallel_loop3A_447 = arith.index_cast %parallel_loop3A_359 : i32 to index
          %parallel_loop3A_448 = arith.constant 96 : index
          %parallel_loop3A_449 = tpu.vector_load %arg15[%parallel_loop3A_446, %parallel_loop3A_447, %parallel_loop3A_448] {strides = array<i32>} : memref<3x80x128xf32, #tpu.memory_space<vmem>>, vector<16xf32>,
          %parallel_loop3A_450 = vector.broadcast %parallel_loop3A_444 : f32 to vector<16xf32>
          %parallel_loop3A_451 = arith.mulf %parallel_loop3A_449, %parallel_loop3A_450 : vector<16xf32>
          %parallel_loop3A_452 = arith.constant 1 : i32
          %parallel_loop3A_453 = arith.index_cast %parallel_loop3A_452 : i32 to index
          %parallel_loop3A_454 = arith.index_cast %parallel_loop3A_359 : i32 to index
          %parallel_loop3A_455 = arith.constant 96 : index
          %parallel_loop3A_456 = tpu.vector_load %arg15[%parallel_loop3A_453, %parallel_loop3A_454, %parallel_loop3A_455] {strides = array<i32>} : memref<3x80x128xf32, #tpu.memory_space<vmem>>, vector<16xf32>,
          tpu.vector_store %arg15[%parallel_loop3A_453, %parallel_loop3A_454, %parallel_loop3A_455], %parallel_loop3A_451 {strides = array<i32>} : memref<3x80x128xf32, #tpu.memory_space<vmem>>, vector<16xf32>,
          %parallel_loop3A_457 = arith.constant 1 : i32
          %parallel_loop3A_458 = arith.index_cast %parallel_loop3A_457 : i32 to index
          %parallel_loop3A_459 = arith.index_cast %parallel_loop3A_359 : i32 to index
          %parallel_loop3A_460 = arith.constant 112 : index
          %parallel_loop3A_461 = tpu.vector_load %arg15[%parallel_loop3A_458, %parallel_loop3A_459, %parallel_loop3A_460] {strides = array<i32>} : memref<3x80x128xf32, #tpu.memory_space<vmem>>, vector<16xf32>,
          %parallel_loop3A_462 = vector.broadcast %parallel_loop3A_444 : f32 to vector<16xf32>
          %parallel_loop3A_463 = arith.mulf %parallel_loop3A_461, %parallel_loop3A_462 : vector<16xf32>
          %parallel_loop3A_464 = arith.constant 1 : i32
          %parallel_loop3A_465 = arith.index_cast %parallel_loop3A_464 : i32 to index
          %parallel_loop3A_466 = arith.index_cast %parallel_loop3A_359 : i32 to index
          %parallel_loop3A_467 = arith.constant 112 : index
          %parallel_loop3A_468 = tpu.vector_load %arg15[%parallel_loop3A_465, %parallel_loop3A_466, %parallel_loop3A_467] {strides = array<i32>} : memref<3x80x128xf32, #tpu.memory_space<vmem>>, vector<16xf32>,
          tpu.vector_store %arg15[%parallel_loop3A_465, %parallel_loop3A_466, %parallel_loop3A_467], %parallel_loop3A_463 {strides = array<i32>} : memref<3x80x128xf32, #tpu.memory_space<vmem>>, vector<16xf32>,
        } {sc.loop_unroll_factor = 8 : i64, sc.parallel_access}
        %dma_start3A_335 = arith.constant 1 : i32
        %dma_start3A_336 = arith.constant 1 : i32
        %dma_start3A_337 = arith.constant 0 : i32
        %dma_start3A_338 = arith.constant 0 : i32
        %dma_start3A_339 = tpu.memref_slice %arg15[%dma_start3A_335, %dma_start3A_337, %dma_start3A_338] : memref<3x80x128xf32, #tpu.memory_space<vmem>> -> memref<1x80x128xf32, #tpu.memory_space<vmem>>
        %dma_start3A_340 = tpu.memref_squeeze %dma_start3A_339 : memref<1x80x128xf32, #tpu.memory_space<vmem>> -> memref<80x128xf32, #tpu.memory_space<vmem>>
        %dma_start3A_341 = arith.constant 0 : i32
        %dma_start3A_342 = tpu.memref_slice %arg12[%dma_start3A_336, %dma_start3A_341] : memref<3x80xi32, #tpu.memory_space<vmem>> -> memref<1x80xi32, #tpu.memory_space<vmem>>
        %dma_start3A_343 = tpu.memref_squeeze %dma_start3A_342 : memref<1x80xi32, #tpu.memory_space<vmem>> -> memref<80xi32, #tpu.memory_space<vmem>>
        %dma_start3A_344 = arith.constant 0 : i32
        %dma_start3A_345 = arith.constant 0 : i32
        %dma_start3A_346 = tpu.memref_slice %arg17[%dma_start3A_344, %dma_start3A_345] : memref<10000x128xf32, #tpu.memory_space<vmem_shared>> -> memref<10000x128xf32, #tpu.memory_space<vmem_shared>>
        tpu.enqueue_indirect_dma source(%dma_start3A_340 : memref<80x128xf32, #tpu.memory_space<vmem>>) target(%dma_start3A_346 : memref<10000x128xf32, #tpu.memory_space<vmem_shared>>) offsets(%dma_start3A_343 : memref<80xi32, #tpu.memory_space<vmem>>) semaphore(%arg26 : memref<!tpu.dma_semaphore, #tpu.memory_space<semaphore_mem>>) {add = true}
        %dma_start3A_347 = arith.constant 1 : i32
        %dma_start3A_348 = arith.constant 1 : i32
        %dma_start3A_349 = arith.constant 0 : i32
        %dma_start3A_350 = arith.constant 0 : i32
        %dma_start3A_351 = tpu.memref_slice %arg16[%dma_start3A_347, %dma_start3A_349, %dma_start3A_350] : memref<3x80x16xf32, #tpu.memory_space<vmem>> -> memref<1x80x16xf32, #tpu.memory_space<vmem>>
        %dma_start3A_352 = tpu.memref_squeeze %dma_start3A_351 : memref<1x80x16xf32, #tpu.memory_space<vmem>> -> memref<80x16xf32, #tpu.memory_space<vmem>>
        %dma_start3A_353 = arith.constant 0 : i32
        %dma_start3A_354 = tpu.memref_slice %arg12[%dma_start3A_348, %dma_start3A_353] : memref<3x80xi32, #tpu.memory_space<vmem>> -> memref<1x80xi32, #tpu.memory_space<vmem>>
        %dma_start3A_355 = tpu.memref_squeeze %dma_start3A_354 : memref<1x80xi32, #tpu.memory_space<vmem>> -> memref<80xi32, #tpu.memory_space<vmem>>
        %dma_start3A_356 = arith.constant 0 : i32
        %dma_start3A_357 = arith.constant 0 : i32
        %dma_start3A_358 = tpu.memref_slice %arg18[%dma_start3A_356, %dma_start3A_357] : memref<10000x16xf32, #tpu.memory_space<vmem_shared>> -> memref<10000x16xf32, #tpu.memory_space<vmem_shared>>
        tpu.enqueue_indirect_dma source(%dma_start3A_352 : memref<80x16xf32, #tpu.memory_space<vmem>>) target(%dma_start3A_358 : memref<10000x16xf32, #tpu.memory_space<vmem_shared>>) offsets(%dma_start3A_355 : memref<80xi32, #tpu.memory_space<vmem>>) semaphore(%arg26 : memref<!tpu.dma_semaphore, #tpu.memory_space<semaphore_mem>>) {add = true}
      } else {
      }
      %add3A_254 = arith.constant 2 : i32
      %add3A_255 = arith.addi %add3A_239, %add3A_254 : i32
      %lt3A_256 = arith.constant 250 : i32
      %lt3A_257 = arith.cmpi slt, %add3A_255, %lt3A_256 : i32
      %convert_element_type3A_258 = arith.extui %lt3A_257 : i1 to i32
      %cond3A_259 = arith.constant 0 : i32
      %cond3A_260 = arith.cmpi ne, %convert_element_type3A_258, %cond3A_259 : i32
      scf.if %cond3A_260 {
        %add3A_261 = arith.constant 2 : i32
        %add3A_262 = arith.addi %add3A_255, %add3A_261 : i32
        %lt3A_263 = arith.constant 250 : i32
        %lt3A_264 = arith.cmpi slt, %add3A_262, %lt3A_263 : i32
        %convert_element_type3A_265 = arith.extui %lt3A_264 : i1 to i32
        %cond3A_266 = arith.constant 0 : i32
        %cond3A_267 = arith.cmpi ne, %convert_element_type3A_265, %cond3A_266 : i32
        scf.if %cond3A_267 {
          %add3A_359 = arith.constant 2 : i32
          %add3A_360 = arith.addi %add3A_255, %add3A_359 : i32
          %mul3A_361 = arith.constant 80 : i32
          %mul3A_362 = arith.muli %add3A_360, %mul3A_361 : i32
          %add3A_363 = arith.addi %mul3A_0, %mul3A_362 : i32
          %dma_start3A_364 = arith.constant 1 : i32
          %dma_start3A_365 = arith.constant 0 : i32
          %dma_start3A_366 = tpu.memref_slice %arg10[%dma_start3A_364, %dma_start3A_365] : memref<3x80xi32, #tpu.memory_space<vmem>> -> memref<1x80xi32, #tpu.memory_space<vmem>>
          %dma_start3A_367 = tpu.memref_squeeze %dma_start3A_366 : memref<1x80xi32, #tpu.memory_space<vmem>> -> memref<80xi32, #tpu.memory_space<vmem>>
          %dma_start3A_368 = tpu.memref_slice %arg3[%arg0, %add3A_363] : memref<2x320000xi32, #tpu.memory_space<hbm>> -> memref<1x80xi32, #tpu.memory_space<hbm>>
          %dma_start3A_369 = tpu.memref_squeeze %dma_start3A_368 : memref<1x80xi32, #tpu.memory_space<hbm>> -> memref<80xi32, #tpu.memory_space<hbm>>
          %dma_start3A_370 = arith.constant 0 : i32
          %dma_start3A_371 = tpu.memref_slice %arg10[%dma_start3A_364, %dma_start3A_370] : memref<3x80xi32, #tpu.memory_space<vmem>> -> memref<1x80xi32, #tpu.memory_space<vmem>>
          %dma_start3A_372 = tpu.memref_squeeze %dma_start3A_371 : memref<1x80xi32, #tpu.memory_space<vmem>> -> memref<80xi32, #tpu.memory_space<vmem>>
          %dma_start3A_373 = tpu.memref_slice %arg3[%arg0, %add3A_363] : memref<2x320000xi32, #tpu.memory_space<hbm>> -> memref<1x80xi32, #tpu.memory_space<hbm>>
          %dma_start3A_374 = tpu.memref_squeeze %dma_start3A_373 : memref<1x80xi32, #tpu.memory_space<hbm>> -> memref<80xi32, #tpu.memory_space<hbm>>
          tpu.enqueue_dma source(%dma_start3A_374 : memref<80xi32, #tpu.memory_space<hbm>>) target(%dma_start3A_372 : memref<80xi32, #tpu.memory_space<vmem>>) target_semaphore(%arg20 : memref<!tpu.dma_semaphore, #tpu.memory_space<semaphore_mem>>)
          %dma_start3A_375 = arith.constant 1 : i32
          %dma_start3A_376 = arith.constant 0 : i32
          %dma_start3A_377 = tpu.memref_slice %arg11[%dma_start3A_375, %dma_start3A_376] : memref<3x80xi32, #tpu.memory_space<vmem>> -> memref<1x80xi32, #tpu.memory_space<vmem>>
          %dma_start3A_378 = tpu.memref_squeeze %dma_start3A_377 : memref<1x80xi32, #tpu.memory_space<vmem>> -> memref<80xi32, #tpu.memory_space<vmem>>
          %dma_start3A_379 = tpu.memref_slice %arg4[%arg0, %add3A_363] : memref<2x320000xi32, #tpu.memory_space<hbm>> -> memref<1x80xi32, #tpu.memory_space<hbm>>
          %dma_start3A_380 = tpu.memref_squeeze %dma_start3A_379 : memref<1x80xi32, #tpu.memory_space<hbm>> -> memref<80xi32, #tpu.memory_space<hbm>>
          %dma_start3A_381 = arith.constant 0 : i32
          %dma_start3A_382 = tpu.memref_slice %arg11[%dma_start3A_375, %dma_start3A_381] : memref<3x80xi32, #tpu.memory_space<vmem>> -> memref<1x80xi32, #tpu.memory_space<vmem>>
          %dma_start3A_383 = tpu.memref_squeeze %dma_start3A_382 : memref<1x80xi32, #tpu.memory_space<vmem>> -> memref<80xi32, #tpu.memory_space<vmem>>
          %dma_start3A_384 = tpu.memref_slice %arg4[%arg0, %add3A_363] : memref<2x320000xi32, #tpu.memory_space<hbm>> -> memref<1x80xi32, #tpu.memory_space<hbm>>
          %dma_start3A_385 = tpu.memref_squeeze %dma_start3A_384 : memref<1x80xi32, #tpu.memory_space<hbm>> -> memref<80xi32, #tpu.memory_space<hbm>>
          tpu.enqueue_dma source(%dma_start3A_385 : memref<80xi32, #tpu.memory_space<hbm>>) target(%dma_start3A_383 : memref<80xi32, #tpu.memory_space<vmem>>) target_semaphore(%arg20 : memref<!tpu.dma_semaphore, #tpu.memory_space<semaphore_mem>>)
        } else {
        }
        %ge3A = arith.constant 2 : i32
        %ge3A_268 = arith.cmpi sge, %add3A_255, %ge3A : i32
        %convert_element_type3A_269 = arith.extui %ge3A_268 : i1 to i32
        %cond3A_270 = arith.constant 0 : i32
        %cond3A_271 = arith.cmpi ne, %convert_element_type3A_269, %cond3A_270 : i32
        scf.if %cond3A_271 {
          %dma_wait3A_359 = arith.constant 0 : i32
          %dma_wait3A_360 = arith.constant 0 : i32
          %dma_wait3A_361 = arith.constant 0 : i32
          %dma_wait3A_362 = arith.constant 0 : i32
          %dma_wait3A_363 = tpu.memref_slice %arg15[%dma_wait3A_359, %dma_wait3A_361, %dma_wait3A_362] : memref<3x80x128xf32, #tpu.memory_space<vmem>> -> memref<1x80x128xf32, #tpu.memory_space<vmem>>
          %dma_wait3A_364 = tpu.memref_squeeze %dma_wait3A_363 : memref<1x80x128xf32, #tpu.memory_space<vmem>> -> memref<80x128xf32, #tpu.memory_space<vmem>>
          %dma_wait3A_365 = arith.constant 0 : i32
          %dma_wait3A_366 = tpu.memref_slice %arg12[%dma_wait3A_360, %dma_wait3A_365] : memref<3x80xi32, #tpu.memory_space<vmem>> -> memref<1x80xi32, #tpu.memory_space<vmem>>
          %dma_wait3A_367 = tpu.memref_squeeze %dma_wait3A_366 : memref<1x80xi32, #tpu.memory_space<vmem>> -> memref<80xi32, #tpu.memory_space<vmem>>
          %dma_wait3A_368 = arith.constant 0 : i32
          %dma_wait3A_369 = arith.constant 0 : i32
          %dma_wait3A_370 = tpu.memref_slice %arg17[%dma_wait3A_368, %dma_wait3A_369] : memref<10000x128xf32, #tpu.memory_space<vmem_shared>> -> memref<10000x128xf32, #tpu.memory_space<vmem_shared>>
          tpu.wait_indirect_dma semaphore(%arg25 : memref<!tpu.dma_semaphore, #tpu.memory_space<semaphore_mem>>) src(%dma_wait3A_364 : memref<80x128xf32, #tpu.memory_space<vmem>>) dst(%dma_wait3A_370 : memref<10000x128xf32, #tpu.memory_space<vmem_shared>>)
          %dma_wait3A_371 = arith.constant 0 : i32
          %dma_wait3A_372 = arith.constant 0 : i32
          %dma_wait3A_373 = arith.constant 0 : i32
          %dma_wait3A_374 = arith.constant 0 : i32
          %dma_wait3A_375 = tpu.memref_slice %arg16[%dma_wait3A_371, %dma_wait3A_373, %dma_wait3A_374] : memref<3x80x16xf32, #tpu.memory_space<vmem>> -> memref<1x80x16xf32, #tpu.memory_space<vmem>>
          %dma_wait3A_376 = tpu.memref_squeeze %dma_wait3A_375 : memref<1x80x16xf32, #tpu.memory_space<vmem>> -> memref<80x16xf32, #tpu.memory_space<vmem>>
          %dma_wait3A_377 = arith.constant 0 : i32
          %dma_wait3A_378 = tpu.memref_slice %arg12[%dma_wait3A_372, %dma_wait3A_377] : memref<3x80xi32, #tpu.memory_space<vmem>> -> memref<1x80xi32, #tpu.memory_space<vmem>>
          %dma_wait3A_379 = tpu.memref_squeeze %dma_wait3A_378 : memref<1x80xi32, #tpu.memory_space<vmem>> -> memref<80xi32, #tpu.memory_space<vmem>>
          %dma_wait3A_380 = arith.constant 0 : i32
          %dma_wait3A_381 = arith.constant 0 : i32
          %dma_wait3A_382 = tpu.memref_slice %arg18[%dma_wait3A_380, %dma_wait3A_381] : memref<10000x16xf32, #tpu.memory_space<vmem_shared>> -> memref<10000x16xf32, #tpu.memory_space<vmem_shared>>
          tpu.wait_indirect_dma semaphore(%arg25 : memref<!tpu.dma_semaphore, #tpu.memory_space<semaphore_mem>>) src(%dma_wait3A_376 : memref<80x16xf32, #tpu.memory_space<vmem>>) dst(%dma_wait3A_382 : memref<10000x16xf32, #tpu.memory_space<vmem_shared>>)
        } else {
        }
        %add3A_272 = arith.constant 1 : i32
        %add3A_273 = arith.addi %add3A_255, %add3A_272 : i32
        %lt3A_274 = arith.constant 250 : i32
        %lt3A_275 = arith.cmpi slt, %add3A_273, %lt3A_274 : i32
        %convert_element_type3A_276 = arith.extui %lt3A_275 : i1 to i32
        %cond3A_277 = arith.constant 0 : i32
        %cond3A_278 = arith.cmpi ne, %convert_element_type3A_276, %cond3A_277 : i32
        scf.if %cond3A_278 {
          %add3A_359 = arith.constant 1 : i32
          %add3A_360 = arith.addi %add3A_255, %add3A_359 : i32
          %mul3A_361 = arith.constant 80 : i32
          %mul3A_362 = arith.muli %add3A_360, %mul3A_361 : i32
          %add3A_363 = arith.addi %mul3A_0, %mul3A_362 : i32
          %dma_wait3A_364 = arith.constant 0 : i32
          %dma_wait3A_365 = arith.constant 0 : i32
          %dma_wait3A_366 = tpu.memref_slice %arg10[%dma_wait3A_364, %dma_wait3A_365] : memref<3x80xi32, #tpu.memory_space<vmem>> -> memref<1x80xi32, #tpu.memory_space<vmem>>
          %dma_wait3A_367 = tpu.memref_squeeze %dma_wait3A_366 : memref<1x80xi32, #tpu.memory_space<vmem>> -> memref<80xi32, #tpu.memory_space<vmem>>
          %dma_wait3A_368 = tpu.memref_slice %arg3[%arg0, %add3A_363] : memref<2x320000xi32, #tpu.memory_space<hbm>> -> memref<1x80xi32, #tpu.memory_space<hbm>>
          %dma_wait3A_369 = tpu.memref_squeeze %dma_wait3A_368 : memref<1x80xi32, #tpu.memory_space<hbm>> -> memref<80xi32, #tpu.memory_space<hbm>>
          %dma_wait3A_370 = arith.constant 0 : i32
          %dma_wait3A_371 = tpu.memref_slice %arg10[%dma_wait3A_364, %dma_wait3A_370] : memref<3x80xi32, #tpu.memory_space<vmem>> -> memref<1x80xi32, #tpu.memory_space<vmem>>
          %dma_wait3A_372 = tpu.memref_squeeze %dma_wait3A_371 : memref<1x80xi32, #tpu.memory_space<vmem>> -> memref<80xi32, #tpu.memory_space<vmem>>
          %dma_wait3A_373 = tpu.memref_slice %arg3[%arg0, %add3A_363] : memref<2x320000xi32, #tpu.memory_space<hbm>> -> memref<1x80xi32, #tpu.memory_space<hbm>>
          %dma_wait3A_374 = tpu.memref_squeeze %dma_wait3A_373 : memref<1x80xi32, #tpu.memory_space<hbm>> -> memref<80xi32, #tpu.memory_space<hbm>>
          tpu.wait_dma2 semaphore(%arg19 : memref<!tpu.dma_semaphore, #tpu.memory_space<semaphore_mem>>) src(%dma_wait3A_374 : memref<80xi32, #tpu.memory_space<hbm>>) dst(%dma_wait3A_372 : memref<80xi32, #tpu.memory_space<vmem>>)
          %dma_wait3A_375 = arith.constant 0 : i32
          %dma_wait3A_376 = arith.constant 0 : i32
          %dma_wait3A_377 = tpu.memref_slice %arg11[%dma_wait3A_375, %dma_wait3A_376] : memref<3x80xi32, #tpu.memory_space<vmem>> -> memref<1x80xi32, #tpu.memory_space<vmem>>
          %dma_wait3A_378 = tpu.memref_squeeze %dma_wait3A_377 : memref<1x80xi32, #tpu.memory_space<vmem>> -> memref<80xi32, #tpu.memory_space<vmem>>
          %dma_wait3A_379 = tpu.memref_slice %arg4[%arg0, %add3A_363] : memref<2x320000xi32, #tpu.memory_space<hbm>> -> memref<1x80xi32, #tpu.memory_space<hbm>>
          %dma_wait3A_380 = tpu.memref_squeeze %dma_wait3A_379 : memref<1x80xi32, #tpu.memory_space<hbm>> -> memref<80xi32, #tpu.memory_space<hbm>>
          %dma_wait3A_381 = arith.constant 0 : i32
          %dma_wait3A_382 = tpu.memref_slice %arg11[%dma_wait3A_375, %dma_wait3A_381] : memref<3x80xi32, #tpu.memory_space<vmem>> -> memref<1x80xi32, #tpu.memory_space<vmem>>
          %dma_wait3A_383 = tpu.memref_squeeze %dma_wait3A_382 : memref<1x80xi32, #tpu.memory_space<vmem>> -> memref<80xi32, #tpu.memory_space<vmem>>
          %dma_wait3A_384 = tpu.memref_slice %arg4[%arg0, %add3A_363] : memref<2x320000xi32, #tpu.memory_space<hbm>> -> memref<1x80xi32, #tpu.memory_space<hbm>>
          %dma_wait3A_385 = tpu.memref_squeeze %dma_wait3A_384 : memref<1x80xi32, #tpu.memory_space<hbm>> -> memref<80xi32, #tpu.memory_space<hbm>>
          tpu.wait_dma2 semaphore(%arg19 : memref<!tpu.dma_semaphore, #tpu.memory_space<semaphore_mem>>) src(%dma_wait3A_385 : memref<80xi32, #tpu.memory_space<hbm>>) dst(%dma_wait3A_383 : memref<80xi32, #tpu.memory_space<vmem>>)
          %add3A_386 = arith.constant 1 : i32
          %add3A_387 = arith.addi %add3A_255, %add3A_386 : i32
          %mul3A_388 = arith.constant 80 : i32
          %mul3A_389 = arith.muli %add3A_387, %mul3A_388 : i32
          %add3A_390 = arith.addi %mul3A_0, %mul3A_389 : i32
          %dma_start3A_391 = arith.constant 1 : i32
          %dma_start3A_392 = arith.constant 0 : i32
          %dma_start3A_393 = arith.constant 0 : i32
          %dma_start3A_394 = tpu.memref_slice %arg12[%dma_start3A_392, %dma_start3A_393] : memref<3x80xi32, #tpu.memory_space<vmem>> -> memref<1x80xi32, #tpu.memory_space<vmem>>
          %dma_start3A_395 = tpu.memref_squeeze %dma_start3A_394 : memref<1x80xi32, #tpu.memory_space<vmem>> -> memref<80xi32, #tpu.memory_space<vmem>>
          %dma_start3A_396 = tpu.memref_slice %arg5[%dma_start3A_391, %add3A_390] : memref<2x320000xi32, #tpu.memory_space<hbm>> -> memref<1x80xi32, #tpu.memory_space<hbm>>
          %dma_start3A_397 = tpu.memref_squeeze %dma_start3A_396 : memref<1x80xi32, #tpu.memory_space<hbm>> -> memref<80xi32, #tpu.memory_space<hbm>>
          %dma_start3A_398 = arith.constant 0 : i32
          %dma_start3A_399 = tpu.memref_slice %arg12[%dma_start3A_392, %dma_start3A_398] : memref<3x80xi32, #tpu.memory_space<vmem>> -> memref<1x80xi32, #tpu.memory_space<vmem>>
          %dma_start3A_400 = tpu.memref_squeeze %dma_start3A_399 : memref<1x80xi32, #tpu.memory_space<vmem>> -> memref<80xi32, #tpu.memory_space<vmem>>
          %dma_start3A_401 = tpu.memref_slice %arg5[%dma_start3A_391, %add3A_390] : memref<2x320000xi32, #tpu.memory_space<hbm>> -> memref<1x80xi32, #tpu.memory_space<hbm>>
          %dma_start3A_402 = tpu.memref_squeeze %dma_start3A_401 : memref<1x80xi32, #tpu.memory_space<hbm>> -> memref<80xi32, #tpu.memory_space<hbm>>
          tpu.enqueue_dma source(%dma_start3A_402 : memref<80xi32, #tpu.memory_space<hbm>>) target(%dma_start3A_400 : memref<80xi32, #tpu.memory_space<vmem>>) target_semaphore(%arg22 : memref<!tpu.dma_semaphore, #tpu.memory_space<semaphore_mem>>)
          %dma_start3A_403 = arith.constant 0 : i32
          %dma_start3A_404 = arith.constant 0 : i32
          %dma_start3A_405 = arith.constant 0 : i32
          %dma_start3A_406 = arith.constant 0 : i32
          %dma_start3A_407 = tpu.memref_slice %arg13[%dma_start3A_404, %dma_start3A_405, %dma_start3A_406] : memref<3x80x8xf32, #tpu.memory_space<vmem>> -> memref<1x80x8xf32, #tpu.memory_space<vmem>>
          %dma_start3A_408 = tpu.memref_squeeze %dma_start3A_407 : memref<1x80x8xf32, #tpu.memory_space<vmem>> -> memref<80x8xf32, #tpu.memory_space<vmem>>
          %dma_start3A_409 = arith.constant 0 : i32
          %dma_start3A_410 = tpu.memref_slice %arg10[%dma_start3A_403, %dma_start3A_409] : memref<3x80xi32, #tpu.memory_space<vmem>> -> memref<1x80xi32, #tpu.memory_space<vmem>>
          %dma_start3A_411 = tpu.memref_squeeze %dma_start3A_410 : memref<1x80xi32, #tpu.memory_space<vmem>> -> memref<80xi32, #tpu.memory_space<vmem>>
          %dma_start3A_412 = arith.constant 0 : i32
          %dma_start3A_413 = arith.constant 0 : i32
          %dma_start3A_414 = tpu.memref_slice %arg6[%dma_start3A_412, %dma_start3A_413] : memref<20000x8xf32, #tpu.memory_space<hbm>> -> memref<20000x8xf32, #tpu.memory_space<hbm>>
          tpu.enqueue_indirect_dma source(%dma_start3A_414 : memref<20000x8xf32, #tpu.memory_space<hbm>>) target(%dma_start3A_408 : memref<80x8xf32, #tpu.memory_space<vmem>>) offsets(%dma_start3A_411 : memref<80xi32, #tpu.memory_space<vmem>>) semaphore(%arg22 : memref<!tpu.dma_semaphore, #tpu.memory_space<semaphore_mem>>)
          %dma_start3A_415 = arith.constant 0 : i32
          %dma_start3A_416 = arith.constant 0 : i32
          %dma_start3A_417 = arith.constant 0 : i32
          %dma_start3A_418 = arith.constant 0 : i32
          %dma_start3A_419 = tpu.memref_slice %arg14[%dma_start3A_416, %dma_start3A_417, %dma_start3A_418] : memref<3x80x8xf32, #tpu.memory_space<vmem>> -> memref<1x80x8xf32, #tpu.memory_space<vmem>>
          %dma_start3A_420 = tpu.memref_squeeze %dma_start3A_419 : memref<1x80x8xf32, #tpu.memory_space<vmem>> -> memref<80x8xf32, #tpu.memory_space<vmem>>
          %dma_start3A_421 = arith.constant 0 : i32
          %dma_start3A_422 = tpu.memref_slice %arg11[%dma_start3A_415, %dma_start3A_421] : memref<3x80xi32, #tpu.memory_space<vmem>> -> memref<1x80xi32, #tpu.memory_space<vmem>>
          %dma_start3A_423 = tpu.memref_squeeze %dma_start3A_422 : memref<1x80xi32, #tpu.memory_space<vmem>> -> memref<80xi32, #tpu.memory_space<vmem>>
          %dma_start3A_424 = arith.constant 0 : i32
          %dma_start3A_425 = arith.constant 0 : i32
          %dma_start3A_426 = tpu.memref_slice %arg6[%dma_start3A_424, %dma_start3A_425] : memref<20000x8xf32, #tpu.memory_space<hbm>> -> memref<20000x8xf32, #tpu.memory_space<hbm>>
          tpu.enqueue_indirect_dma source(%dma_start3A_426 : memref<20000x8xf32, #tpu.memory_space<hbm>>) target(%dma_start3A_420 : memref<80x8xf32, #tpu.memory_space<vmem>>) offsets(%dma_start3A_423 : memref<80xi32, #tpu.memory_space<vmem>>) semaphore(%arg22 : memref<!tpu.dma_semaphore, #tpu.memory_space<semaphore_mem>>)
          %dma_start3A_427 = arith.constant 0 : i32
          %dma_start3A_428 = arith.constant 0 : i32
          %dma_start3A_429 = arith.constant 0 : i32
          %dma_start3A_430 = arith.constant 0 : i32
          %dma_start3A_431 = tpu.memref_slice %arg15[%dma_start3A_428, %dma_start3A_429, %dma_start3A_430] : memref<3x80x128xf32, #tpu.memory_space<vmem>> -> memref<1x80x128xf32, #tpu.memory_space<vmem>>
          %dma_start3A_432 = tpu.memref_squeeze %dma_start3A_431 : memref<1x80x128xf32, #tpu.memory_space<vmem>> -> memref<80x128xf32, #tpu.memory_space<vmem>>
          %dma_start3A_433 = arith.constant 0 : i32
          %dma_start3A_434 = tpu.memref_slice %arg10[%dma_start3A_427, %dma_start3A_433] : memref<3x80xi32, #tpu.memory_space<vmem>> -> memref<1x80xi32, #tpu.memory_space<vmem>>
          %dma_start3A_435 = tpu.memref_squeeze %dma_start3A_434 : memref<1x80xi32, #tpu.memory_space<vmem>> -> memref<80xi32, #tpu.memory_space<vmem>>
          %dma_start3A_436 = arith.constant 0 : i32
          %dma_start3A_437 = arith.constant 0 : i32
          %dma_start3A_438 = tpu.memref_slice %arg2[%dma_start3A_436, %dma_start3A_437] : memref<20000x128xf32, #tpu.memory_space<hbm>> -> memref<20000x128xf32, #tpu.memory_space<hbm>>
          tpu.enqueue_indirect_dma source(%dma_start3A_438 : memref<20000x128xf32, #tpu.memory_space<hbm>>) target(%dma_start3A_432 : memref<80x128xf32, #tpu.memory_space<vmem>>) offsets(%dma_start3A_435 : memref<80xi32, #tpu.memory_space<vmem>>) semaphore(%arg22 : memref<!tpu.dma_semaphore, #tpu.memory_space<semaphore_mem>>)
        } else {
        }
        %mul3A_279 = arith.constant 80 : i32
        %mul3A_280 = arith.muli %add3A_255, %mul3A_279 : i32
        %add3A_281 = arith.addi %mul3A_0, %mul3A_280 : i32
        %dma_wait3A_282 = arith.constant 1 : i32
        %dma_wait3A_283 = arith.constant 2 : i32
        %dma_wait3A_284 = arith.constant 0 : i32
        %dma_wait3A_285 = tpu.memref_slice %arg12[%dma_wait3A_283, %dma_wait3A_284] : memref<3x80xi32, #tpu.memory_space<vmem>> -> memref<1x80xi32, #tpu.memory_space<vmem>>
        %dma_wait3A_286 = tpu.memref_squeeze %dma_wait3A_285 : memref<1x80xi32, #tpu.memory_space<vmem>> -> memref<80xi32, #tpu.memory_space<vmem>>
        %dma_wait3A_287 = tpu.memref_slice %arg5[%dma_wait3A_282, %add3A_281] : memref<2x320000xi32, #tpu.memory_space<hbm>> -> memref<1x80xi32, #tpu.memory_space<hbm>>
        %dma_wait3A_288 = tpu.memref_squeeze %dma_wait3A_287 : memref<1x80xi32, #tpu.memory_space<hbm>> -> memref<80xi32, #tpu.memory_space<hbm>>
        %dma_wait3A_289 = arith.constant 0 : i32
        %dma_wait3A_290 = tpu.memref_slice %arg12[%dma_wait3A_283, %dma_wait3A_289] : memref<3x80xi32, #tpu.memory_space<vmem>> -> memref<1x80xi32, #tpu.memory_space<vmem>>
        %dma_wait3A_291 = tpu.memref_squeeze %dma_wait3A_290 : memref<1x80xi32, #tpu.memory_space<vmem>> -> memref<80xi32, #tpu.memory_space<vmem>>
        %dma_wait3A_292 = tpu.memref_slice %arg5[%dma_wait3A_282, %add3A_281] : memref<2x320000xi32, #tpu.memory_space<hbm>> -> memref<1x80xi32, #tpu.memory_space<hbm>>
        %dma_wait3A_293 = tpu.memref_squeeze %dma_wait3A_292 : memref<1x80xi32, #tpu.memory_space<hbm>> -> memref<80xi32, #tpu.memory_space<hbm>>
        tpu.wait_dma2 semaphore(%arg24 : memref<!tpu.dma_semaphore, #tpu.memory_space<semaphore_mem>>) src(%dma_wait3A_293 : memref<80xi32, #tpu.memory_space<hbm>>) dst(%dma_wait3A_291 : memref<80xi32, #tpu.memory_space<vmem>>)
        %dma_wait3A_294 = arith.constant 2 : i32
        %dma_wait3A_295 = arith.constant 2 : i32
        %dma_wait3A_296 = arith.constant 0 : i32
        %dma_wait3A_297 = arith.constant 0 : i32
        %dma_wait3A_298 = tpu.memref_slice %arg13[%dma_wait3A_295, %dma_wait3A_296, %dma_wait3A_297] : memref<3x80x8xf32, #tpu.memory_space<vmem>> -> memref<1x80x8xf32, #tpu.memory_space<vmem>>
        %dma_wait3A_299 = tpu.memref_squeeze %dma_wait3A_298 : memref<1x80x8xf32, #tpu.memory_space<vmem>> -> memref<80x8xf32, #tpu.memory_space<vmem>>
        %dma_wait3A_300 = arith.constant 0 : i32
        %dma_wait3A_301 = tpu.memref_slice %arg10[%dma_wait3A_294, %dma_wait3A_300] : memref<3x80xi32, #tpu.memory_space<vmem>> -> memref<1x80xi32, #tpu.memory_space<vmem>>
        %dma_wait3A_302 = tpu.memref_squeeze %dma_wait3A_301 : memref<1x80xi32, #tpu.memory_space<vmem>> -> memref<80xi32, #tpu.memory_space<vmem>>
        %dma_wait3A_303 = arith.constant 0 : i32
        %dma_wait3A_304 = arith.constant 0 : i32
        %dma_wait3A_305 = tpu.memref_slice %arg6[%dma_wait3A_303, %dma_wait3A_304] : memref<20000x8xf32, #tpu.memory_space<hbm>> -> memref<20000x8xf32, #tpu.memory_space<hbm>>
        tpu.wait_indirect_dma semaphore(%arg24 : memref<!tpu.dma_semaphore, #tpu.memory_space<semaphore_mem>>) src(%dma_wait3A_305 : memref<20000x8xf32, #tpu.memory_space<hbm>>) dst(%dma_wait3A_299 : memref<80x8xf32, #tpu.memory_space<vmem>>)
        %dma_wait3A_306 = arith.constant 2 : i32
        %dma_wait3A_307 = arith.constant 2 : i32
        %dma_wait3A_308 = arith.constant 0 : i32
        %dma_wait3A_309 = arith.constant 0 : i32
        %dma_wait3A_310 = tpu.memref_slice %arg14[%dma_wait3A_307, %dma_wait3A_308, %dma_wait3A_309] : memref<3x80x8xf32, #tpu.memory_space<vmem>> -> memref<1x80x8xf32, #tpu.memory_space<vmem>>
        %dma_wait3A_311 = tpu.memref_squeeze %dma_wait3A_310 : memref<1x80x8xf32, #tpu.memory_space<vmem>> -> memref<80x8xf32, #tpu.memory_space<vmem>>
        %dma_wait3A_312 = arith.constant 0 : i32
        %dma_wait3A_313 = tpu.memref_slice %arg11[%dma_wait3A_306, %dma_wait3A_312] : memref<3x80xi32, #tpu.memory_space<vmem>> -> memref<1x80xi32, #tpu.memory_space<vmem>>
        %dma_wait3A_314 = tpu.memref_squeeze %dma_wait3A_313 : memref<1x80xi32, #tpu.memory_space<vmem>> -> memref<80xi32, #tpu.memory_space<vmem>>
        %dma_wait3A_315 = arith.constant 0 : i32
        %dma_wait3A_316 = arith.constant 0 : i32
        %dma_wait3A_317 = tpu.memref_slice %arg6[%dma_wait3A_315, %dma_wait3A_316] : memref<20000x8xf32, #tpu.memory_space<hbm>> -> memref<20000x8xf32, #tpu.memory_space<hbm>>
        tpu.wait_indirect_dma semaphore(%arg24 : memref<!tpu.dma_semaphore, #tpu.memory_space<semaphore_mem>>) src(%dma_wait3A_317 : memref<20000x8xf32, #tpu.memory_space<hbm>>) dst(%dma_wait3A_311 : memref<80x8xf32, #tpu.memory_space<vmem>>)
        %dma_wait3A_318 = arith.constant 2 : i32
        %dma_wait3A_319 = arith.constant 2 : i32
        %dma_wait3A_320 = arith.constant 0 : i32
        %dma_wait3A_321 = arith.constant 0 : i32
        %dma_wait3A_322 = tpu.memref_slice %arg15[%dma_wait3A_319, %dma_wait3A_320, %dma_wait3A_321] : memref<3x80x128xf32, #tpu.memory_space<vmem>> -> memref<1x80x128xf32, #tpu.memory_space<vmem>>
        %dma_wait3A_323 = tpu.memref_squeeze %dma_wait3A_322 : memref<1x80x128xf32, #tpu.memory_space<vmem>> -> memref<80x128xf32, #tpu.memory_space<vmem>>
        %dma_wait3A_324 = arith.constant 0 : i32
        %dma_wait3A_325 = tpu.memref_slice %arg10[%dma_wait3A_318, %dma_wait3A_324] : memref<3x80xi32, #tpu.memory_space<vmem>> -> memref<1x80xi32, #tpu.memory_space<vmem>>
        %dma_wait3A_326 = tpu.memref_squeeze %dma_wait3A_325 : memref<1x80xi32, #tpu.memory_space<vmem>> -> memref<80xi32, #tpu.memory_space<vmem>>
        %dma_wait3A_327 = arith.constant 0 : i32
        %dma_wait3A_328 = arith.constant 0 : i32
        %dma_wait3A_329 = tpu.memref_slice %arg2[%dma_wait3A_327, %dma_wait3A_328] : memref<20000x128xf32, #tpu.memory_space<hbm>> -> memref<20000x128xf32, #tpu.memory_space<hbm>>
        tpu.wait_indirect_dma semaphore(%arg24 : memref<!tpu.dma_semaphore, #tpu.memory_space<semaphore_mem>>) src(%dma_wait3A_329 : memref<20000x128xf32, #tpu.memory_space<hbm>>) dst(%dma_wait3A_323 : memref<80x128xf32, #tpu.memory_space<vmem>>)
        %parallel_loop3A = arith.constant 0 : i32
        %parallel_loop3A_330 = arith.constant 80 : i32
        %parallel_loop3A_331 = arith.constant 16 : i32
        scf.for %parallel_loop3A_359 = %parallel_loop3A to %parallel_loop3A_330 step %parallel_loop3A_331  : i32 {
          %parallel_loop3A_360 = vector.broadcast %parallel_loop3A_359 : i32 to vector<16xi32>
          %parallel_loop3A_361 = arith.addi %iota3A, %parallel_loop3A_360 : vector<16xi32>
          %parallel_loop3A_362 = arith.constant 0 : i32
          %parallel_loop3A_363 = vector.broadcast %parallel_loop3A_362 : i32 to vector<16xi32>
          %parallel_loop3A_364 = arith.constant 2 : i32
          %parallel_loop3A_365 = arith.constant 0 : i32
          %parallel_loop3A_366 = arith.constant 0 : i32
          %parallel_loop3A_367 = tpu.memref_slice %arg13[%parallel_loop3A_364, %parallel_loop3A_365, %parallel_loop3A_366] : memref<3x80x8xf32, #tpu.memory_space<vmem>> -> memref<1x80x8xf32, #tpu.memory_space<vmem>>
          %parallel_loop3A_368 = tpu.memref_squeeze %parallel_loop3A_367 : memref<1x80x8xf32, #tpu.memory_space<vmem>> -> memref<80x8xf32, #tpu.memory_space<vmem>>
          %parallel_loop3A_369 = tpu.vector_load_idx %parallel_loop3A_368[%parallel_loop3A_361, %parallel_loop3A_363] : memref<80x8xf32, #tpu.memory_space<vmem>>[vector<16xi32>, vector<16xi32>], vector<16xf32>,
          %parallel_loop3A_370 = arith.constant 4 : i32
          %parallel_loop3A_371 = vector.broadcast %parallel_loop3A_370 : i32 to vector<16xi32>
          %parallel_loop3A_372 = arith.constant 2 : i32
          %parallel_loop3A_373 = arith.constant 0 : i32
          %parallel_loop3A_374 = arith.constant 0 : i32
          %parallel_loop3A_375 = tpu.memref_slice %arg14[%parallel_loop3A_372, %parallel_loop3A_373, %parallel_loop3A_374] : memref<3x80x8xf32, #tpu.memory_space<vmem>> -> memref<1x80x8xf32, #tpu.memory_space<vmem>>
          %parallel_loop3A_376 = tpu.memref_squeeze %parallel_loop3A_375 : memref<1x80x8xf32, #tpu.memory_space<vmem>> -> memref<80x8xf32, #tpu.memory_space<vmem>>
          %parallel_loop3A_377 = tpu.vector_load_idx %parallel_loop3A_376[%parallel_loop3A_361, %parallel_loop3A_371] : memref<80x8xf32, #tpu.memory_space<vmem>>[vector<16xi32>, vector<16xi32>], vector<16xf32>,
          %parallel_loop3A_378 = arith.addf %parallel_loop3A_369, %parallel_loop3A_377 : vector<16xf32>
          %parallel_loop3A_379 = arith.constant 2.000000e-01 : f32
          %parallel_loop3A_380 = vector.broadcast %parallel_loop3A_379 : f32 to vector<16xf32>
          %parallel_loop3A_381 = arith.mulf %parallel_loop3A_380, %parallel_loop3A_378 : vector<16xf32>
          %parallel_loop3A_382 = arith.maximumf %parallel_loop3A_378, %parallel_loop3A_381 : vector<16xf32>
          %parallel_loop3A_383 = math.exp %parallel_loop3A_382 : vector<16xf32>
          %parallel_loop3A_384 = arith.constant 0 : i32
          %parallel_loop3A_385 = vector.broadcast %parallel_loop3A_384 : i32 to vector<16xi32>
          %parallel_loop3A_386 = arith.constant 2 : i32
          %parallel_loop3A_387 = arith.constant 0 : i32
          %parallel_loop3A_388 = arith.constant 0 : i32
          %parallel_loop3A_389 = tpu.memref_slice %arg16[%parallel_loop3A_386, %parallel_loop3A_387, %parallel_loop3A_388] : memref<3x80x16xf32, #tpu.memory_space<vmem>> -> memref<1x80x16xf32, #tpu.memory_space<vmem>>
          %parallel_loop3A_390 = tpu.memref_squeeze %parallel_loop3A_389 : memref<1x80x16xf32, #tpu.memory_space<vmem>> -> memref<80x16xf32, #tpu.memory_space<vmem>>
          tpu.vector_store_idx %parallel_loop3A_390[%parallel_loop3A_361, %parallel_loop3A_385], %parallel_loop3A_383 : memref<80x16xf32, #tpu.memory_space<vmem>>[vector<16xi32>, vector<16xi32>], vector<16xf32>,
          %parallel_loop3A_391 = arith.constant 1 : i32
          %parallel_loop3A_392 = vector.broadcast %parallel_loop3A_391 : i32 to vector<16xi32>
          %parallel_loop3A_393 = arith.constant 2 : i32
          %parallel_loop3A_394 = arith.constant 0 : i32
          %parallel_loop3A_395 = arith.constant 0 : i32
          %parallel_loop3A_396 = tpu.memref_slice %arg13[%parallel_loop3A_393, %parallel_loop3A_394, %parallel_loop3A_395] : memref<3x80x8xf32, #tpu.memory_space<vmem>> -> memref<1x80x8xf32, #tpu.memory_space<vmem>>
          %parallel_loop3A_397 = tpu.memref_squeeze %parallel_loop3A_396 : memref<1x80x8xf32, #tpu.memory_space<vmem>> -> memref<80x8xf32, #tpu.memory_space<vmem>>
          %parallel_loop3A_398 = tpu.vector_load_idx %parallel_loop3A_397[%parallel_loop3A_361, %parallel_loop3A_392] : memref<80x8xf32, #tpu.memory_space<vmem>>[vector<16xi32>, vector<16xi32>], vector<16xf32>,
          %parallel_loop3A_399 = arith.constant 5 : i32
          %parallel_loop3A_400 = vector.broadcast %parallel_loop3A_399 : i32 to vector<16xi32>
          %parallel_loop3A_401 = arith.constant 2 : i32
          %parallel_loop3A_402 = arith.constant 0 : i32
          %parallel_loop3A_403 = arith.constant 0 : i32
          %parallel_loop3A_404 = tpu.memref_slice %arg14[%parallel_loop3A_401, %parallel_loop3A_402, %parallel_loop3A_403] : memref<3x80x8xf32, #tpu.memory_space<vmem>> -> memref<1x80x8xf32, #tpu.memory_space<vmem>>
          %parallel_loop3A_405 = tpu.memref_squeeze %parallel_loop3A_404 : memref<1x80x8xf32, #tpu.memory_space<vmem>> -> memref<80x8xf32, #tpu.memory_space<vmem>>
          %parallel_loop3A_406 = tpu.vector_load_idx %parallel_loop3A_405[%parallel_loop3A_361, %parallel_loop3A_400] : memref<80x8xf32, #tpu.memory_space<vmem>>[vector<16xi32>, vector<16xi32>], vector<16xf32>,
          %parallel_loop3A_407 = arith.addf %parallel_loop3A_398, %parallel_loop3A_406 : vector<16xf32>
          %parallel_loop3A_408 = arith.constant 2.000000e-01 : f32
          %parallel_loop3A_409 = vector.broadcast %parallel_loop3A_408 : f32 to vector<16xf32>
          %parallel_loop3A_410 = arith.mulf %parallel_loop3A_409, %parallel_loop3A_407 : vector<16xf32>
          %parallel_loop3A_411 = arith.maximumf %parallel_loop3A_407, %parallel_loop3A_410 : vector<16xf32>
          %parallel_loop3A_412 = math.exp %parallel_loop3A_411 : vector<16xf32>
          %parallel_loop3A_413 = arith.constant 1 : i32
          %parallel_loop3A_414 = vector.broadcast %parallel_loop3A_413 : i32 to vector<16xi32>
          %parallel_loop3A_415 = arith.constant 2 : i32
          %parallel_loop3A_416 = arith.constant 0 : i32
          %parallel_loop3A_417 = arith.constant 0 : i32
          %parallel_loop3A_418 = tpu.memref_slice %arg16[%parallel_loop3A_415, %parallel_loop3A_416, %parallel_loop3A_417] : memref<3x80x16xf32, #tpu.memory_space<vmem>> -> memref<1x80x16xf32, #tpu.memory_space<vmem>>
          %parallel_loop3A_419 = tpu.memref_squeeze %parallel_loop3A_418 : memref<1x80x16xf32, #tpu.memory_space<vmem>> -> memref<80x16xf32, #tpu.memory_space<vmem>>
          tpu.vector_store_idx %parallel_loop3A_419[%parallel_loop3A_361, %parallel_loop3A_414], %parallel_loop3A_412 : memref<80x16xf32, #tpu.memory_space<vmem>>[vector<16xi32>, vector<16xi32>], vector<16xf32>,
          %parallel_loop3A_420 = arith.constant 2 : i32
          %parallel_loop3A_421 = vector.broadcast %parallel_loop3A_420 : i32 to vector<16xi32>
          %parallel_loop3A_422 = arith.constant 2 : i32
          %parallel_loop3A_423 = arith.constant 0 : i32
          %parallel_loop3A_424 = arith.constant 0 : i32
          %parallel_loop3A_425 = tpu.memref_slice %arg13[%parallel_loop3A_422, %parallel_loop3A_423, %parallel_loop3A_424] : memref<3x80x8xf32, #tpu.memory_space<vmem>> -> memref<1x80x8xf32, #tpu.memory_space<vmem>>
          %parallel_loop3A_426 = tpu.memref_squeeze %parallel_loop3A_425 : memref<1x80x8xf32, #tpu.memory_space<vmem>> -> memref<80x8xf32, #tpu.memory_space<vmem>>
          %parallel_loop3A_427 = tpu.vector_load_idx %parallel_loop3A_426[%parallel_loop3A_361, %parallel_loop3A_421] : memref<80x8xf32, #tpu.memory_space<vmem>>[vector<16xi32>, vector<16xi32>], vector<16xf32>,
          %parallel_loop3A_428 = arith.constant 6 : i32
          %parallel_loop3A_429 = vector.broadcast %parallel_loop3A_428 : i32 to vector<16xi32>
          %parallel_loop3A_430 = arith.constant 2 : i32
          %parallel_loop3A_431 = arith.constant 0 : i32
          %parallel_loop3A_432 = arith.constant 0 : i32
          %parallel_loop3A_433 = tpu.memref_slice %arg14[%parallel_loop3A_430, %parallel_loop3A_431, %parallel_loop3A_432] : memref<3x80x8xf32, #tpu.memory_space<vmem>> -> memref<1x80x8xf32, #tpu.memory_space<vmem>>
          %parallel_loop3A_434 = tpu.memref_squeeze %parallel_loop3A_433 : memref<1x80x8xf32, #tpu.memory_space<vmem>> -> memref<80x8xf32, #tpu.memory_space<vmem>>
          %parallel_loop3A_435 = tpu.vector_load_idx %parallel_loop3A_434[%parallel_loop3A_361, %parallel_loop3A_429] : memref<80x8xf32, #tpu.memory_space<vmem>>[vector<16xi32>, vector<16xi32>], vector<16xf32>,
          %parallel_loop3A_436 = arith.addf %parallel_loop3A_427, %parallel_loop3A_435 : vector<16xf32>
          %parallel_loop3A_437 = arith.constant 2.000000e-01 : f32
          %parallel_loop3A_438 = vector.broadcast %parallel_loop3A_437 : f32 to vector<16xf32>
          %parallel_loop3A_439 = arith.mulf %parallel_loop3A_438, %parallel_loop3A_436 : vector<16xf32>
          %parallel_loop3A_440 = arith.maximumf %parallel_loop3A_436, %parallel_loop3A_439 : vector<16xf32>
          %parallel_loop3A_441 = math.exp %parallel_loop3A_440 : vector<16xf32>
          %parallel_loop3A_442 = arith.constant 2 : i32
          %parallel_loop3A_443 = vector.broadcast %parallel_loop3A_442 : i32 to vector<16xi32>
          %parallel_loop3A_444 = arith.constant 2 : i32
          %parallel_loop3A_445 = arith.constant 0 : i32
          %parallel_loop3A_446 = arith.constant 0 : i32
          %parallel_loop3A_447 = tpu.memref_slice %arg16[%parallel_loop3A_444, %parallel_loop3A_445, %parallel_loop3A_446] : memref<3x80x16xf32, #tpu.memory_space<vmem>> -> memref<1x80x16xf32, #tpu.memory_space<vmem>>
          %parallel_loop3A_448 = tpu.memref_squeeze %parallel_loop3A_447 : memref<1x80x16xf32, #tpu.memory_space<vmem>> -> memref<80x16xf32, #tpu.memory_space<vmem>>
          tpu.vector_store_idx %parallel_loop3A_448[%parallel_loop3A_361, %parallel_loop3A_443], %parallel_loop3A_441 : memref<80x16xf32, #tpu.memory_space<vmem>>[vector<16xi32>, vector<16xi32>], vector<16xf32>,
          %parallel_loop3A_449 = arith.constant 3 : i32
          %parallel_loop3A_450 = vector.broadcast %parallel_loop3A_449 : i32 to vector<16xi32>
          %parallel_loop3A_451 = arith.constant 2 : i32
          %parallel_loop3A_452 = arith.constant 0 : i32
          %parallel_loop3A_453 = arith.constant 0 : i32
          %parallel_loop3A_454 = tpu.memref_slice %arg13[%parallel_loop3A_451, %parallel_loop3A_452, %parallel_loop3A_453] : memref<3x80x8xf32, #tpu.memory_space<vmem>> -> memref<1x80x8xf32, #tpu.memory_space<vmem>>
          %parallel_loop3A_455 = tpu.memref_squeeze %parallel_loop3A_454 : memref<1x80x8xf32, #tpu.memory_space<vmem>> -> memref<80x8xf32, #tpu.memory_space<vmem>>
          %parallel_loop3A_456 = tpu.vector_load_idx %parallel_loop3A_455[%parallel_loop3A_361, %parallel_loop3A_450] : memref<80x8xf32, #tpu.memory_space<vmem>>[vector<16xi32>, vector<16xi32>], vector<16xf32>,
          %parallel_loop3A_457 = arith.constant 7 : i32
          %parallel_loop3A_458 = vector.broadcast %parallel_loop3A_457 : i32 to vector<16xi32>
          %parallel_loop3A_459 = arith.constant 2 : i32
          %parallel_loop3A_460 = arith.constant 0 : i32
          %parallel_loop3A_461 = arith.constant 0 : i32
          %parallel_loop3A_462 = tpu.memref_slice %arg14[%parallel_loop3A_459, %parallel_loop3A_460, %parallel_loop3A_461] : memref<3x80x8xf32, #tpu.memory_space<vmem>> -> memref<1x80x8xf32, #tpu.memory_space<vmem>>
          %parallel_loop3A_463 = tpu.memref_squeeze %parallel_loop3A_462 : memref<1x80x8xf32, #tpu.memory_space<vmem>> -> memref<80x8xf32, #tpu.memory_space<vmem>>
          %parallel_loop3A_464 = tpu.vector_load_idx %parallel_loop3A_463[%parallel_loop3A_361, %parallel_loop3A_458] : memref<80x8xf32, #tpu.memory_space<vmem>>[vector<16xi32>, vector<16xi32>], vector<16xf32>,
          %parallel_loop3A_465 = arith.addf %parallel_loop3A_456, %parallel_loop3A_464 : vector<16xf32>
          %parallel_loop3A_466 = arith.constant 2.000000e-01 : f32
          %parallel_loop3A_467 = vector.broadcast %parallel_loop3A_466 : f32 to vector<16xf32>
          %parallel_loop3A_468 = arith.mulf %parallel_loop3A_467, %parallel_loop3A_465 : vector<16xf32>
          %parallel_loop3A_469 = arith.maximumf %parallel_loop3A_465, %parallel_loop3A_468 : vector<16xf32>
          %parallel_loop3A_470 = math.exp %parallel_loop3A_469 : vector<16xf32>
          %parallel_loop3A_471 = arith.constant 3 : i32
          %parallel_loop3A_472 = vector.broadcast %parallel_loop3A_471 : i32 to vector<16xi32>
          %parallel_loop3A_473 = arith.constant 2 : i32
          %parallel_loop3A_474 = arith.constant 0 : i32
          %parallel_loop3A_475 = arith.constant 0 : i32
          %parallel_loop3A_476 = tpu.memref_slice %arg16[%parallel_loop3A_473, %parallel_loop3A_474, %parallel_loop3A_475] : memref<3x80x16xf32, #tpu.memory_space<vmem>> -> memref<1x80x16xf32, #tpu.memory_space<vmem>>
          %parallel_loop3A_477 = tpu.memref_squeeze %parallel_loop3A_476 : memref<1x80x16xf32, #tpu.memory_space<vmem>> -> memref<80x16xf32, #tpu.memory_space<vmem>>
          tpu.vector_store_idx %parallel_loop3A_477[%parallel_loop3A_361, %parallel_loop3A_472], %parallel_loop3A_470 : memref<80x16xf32, #tpu.memory_space<vmem>>[vector<16xi32>, vector<16xi32>], vector<16xf32>,
        } {sc.loop_unroll_factor = 5 : i64, sc.parallel_access}
        %parallel_loop3A_332 = arith.constant 0 : i32
        %parallel_loop3A_333 = arith.constant 80 : i32
        %parallel_loop3A_334 = arith.constant 1 : i32
        scf.for %parallel_loop3A_359 = %parallel_loop3A_332 to %parallel_loop3A_333 step %parallel_loop3A_334  : i32 {
          %parallel_loop3A_360 = arith.constant 2 : i32
          %parallel_loop3A_361 = arith.index_cast %parallel_loop3A_360 : i32 to index
          %parallel_loop3A_362 = arith.index_cast %parallel_loop3A_359 : i32 to index
          %parallel_loop3A_363 = arith.constant 0 : index
          %parallel_loop3A_364 = tpu.vector_load %arg16[%parallel_loop3A_361, %parallel_loop3A_362, %parallel_loop3A_363] {strides = array<i32>} : memref<3x80x16xf32, #tpu.memory_space<vmem>>, vector<16xf32>,
          %parallel_loop3A_365 = vector.extract_strided_slice %parallel_loop3A_364 {offsets = [0], sizes = [1], strides = [1]} : vector<16xf32> to vector<1xf32>
          %parallel_loop3A_366 = vector.extract %parallel_loop3A_365[0] : f32 from vector<1xf32>
          %parallel_loop3A_367 = arith.constant 2 : i32
          %parallel_loop3A_368 = arith.index_cast %parallel_loop3A_367 : i32 to index
          %parallel_loop3A_369 = arith.index_cast %parallel_loop3A_359 : i32 to index
          %parallel_loop3A_370 = arith.constant 0 : index
          %parallel_loop3A_371 = tpu.vector_load %arg15[%parallel_loop3A_368, %parallel_loop3A_369, %parallel_loop3A_370] {strides = array<i32>} : memref<3x80x128xf32, #tpu.memory_space<vmem>>, vector<16xf32>,
          %parallel_loop3A_372 = vector.broadcast %parallel_loop3A_366 : f32 to vector<16xf32>
          %parallel_loop3A_373 = arith.mulf %parallel_loop3A_371, %parallel_loop3A_372 : vector<16xf32>
          %parallel_loop3A_374 = arith.constant 2 : i32
          %parallel_loop3A_375 = arith.index_cast %parallel_loop3A_374 : i32 to index
          %parallel_loop3A_376 = arith.index_cast %parallel_loop3A_359 : i32 to index
          %parallel_loop3A_377 = arith.constant 0 : index
          %parallel_loop3A_378 = tpu.vector_load %arg15[%parallel_loop3A_375, %parallel_loop3A_376, %parallel_loop3A_377] {strides = array<i32>} : memref<3x80x128xf32, #tpu.memory_space<vmem>>, vector<16xf32>,
          tpu.vector_store %arg15[%parallel_loop3A_375, %parallel_loop3A_376, %parallel_loop3A_377], %parallel_loop3A_373 {strides = array<i32>} : memref<3x80x128xf32, #tpu.memory_space<vmem>>, vector<16xf32>,
          %parallel_loop3A_379 = arith.constant 2 : i32
          %parallel_loop3A_380 = arith.index_cast %parallel_loop3A_379 : i32 to index
          %parallel_loop3A_381 = arith.index_cast %parallel_loop3A_359 : i32 to index
          %parallel_loop3A_382 = arith.constant 16 : index
          %parallel_loop3A_383 = tpu.vector_load %arg15[%parallel_loop3A_380, %parallel_loop3A_381, %parallel_loop3A_382] {strides = array<i32>} : memref<3x80x128xf32, #tpu.memory_space<vmem>>, vector<16xf32>,
          %parallel_loop3A_384 = vector.broadcast %parallel_loop3A_366 : f32 to vector<16xf32>
          %parallel_loop3A_385 = arith.mulf %parallel_loop3A_383, %parallel_loop3A_384 : vector<16xf32>
          %parallel_loop3A_386 = arith.constant 2 : i32
          %parallel_loop3A_387 = arith.index_cast %parallel_loop3A_386 : i32 to index
          %parallel_loop3A_388 = arith.index_cast %parallel_loop3A_359 : i32 to index
          %parallel_loop3A_389 = arith.constant 16 : index
          %parallel_loop3A_390 = tpu.vector_load %arg15[%parallel_loop3A_387, %parallel_loop3A_388, %parallel_loop3A_389] {strides = array<i32>} : memref<3x80x128xf32, #tpu.memory_space<vmem>>, vector<16xf32>,
          tpu.vector_store %arg15[%parallel_loop3A_387, %parallel_loop3A_388, %parallel_loop3A_389], %parallel_loop3A_385 {strides = array<i32>} : memref<3x80x128xf32, #tpu.memory_space<vmem>>, vector<16xf32>,
          %parallel_loop3A_391 = vector.extract_strided_slice %parallel_loop3A_364 {offsets = [1], sizes = [1], strides = [1]} : vector<16xf32> to vector<1xf32>
          %parallel_loop3A_392 = vector.extract %parallel_loop3A_391[0] : f32 from vector<1xf32>
          %parallel_loop3A_393 = arith.constant 2 : i32
          %parallel_loop3A_394 = arith.index_cast %parallel_loop3A_393 : i32 to index
          %parallel_loop3A_395 = arith.index_cast %parallel_loop3A_359 : i32 to index
          %parallel_loop3A_396 = arith.constant 32 : index
          %parallel_loop3A_397 = tpu.vector_load %arg15[%parallel_loop3A_394, %parallel_loop3A_395, %parallel_loop3A_396] {strides = array<i32>} : memref<3x80x128xf32, #tpu.memory_space<vmem>>, vector<16xf32>,
          %parallel_loop3A_398 = vector.broadcast %parallel_loop3A_392 : f32 to vector<16xf32>
          %parallel_loop3A_399 = arith.mulf %parallel_loop3A_397, %parallel_loop3A_398 : vector<16xf32>
          %parallel_loop3A_400 = arith.constant 2 : i32
          %parallel_loop3A_401 = arith.index_cast %parallel_loop3A_400 : i32 to index
          %parallel_loop3A_402 = arith.index_cast %parallel_loop3A_359 : i32 to index
          %parallel_loop3A_403 = arith.constant 32 : index
          %parallel_loop3A_404 = tpu.vector_load %arg15[%parallel_loop3A_401, %parallel_loop3A_402, %parallel_loop3A_403] {strides = array<i32>} : memref<3x80x128xf32, #tpu.memory_space<vmem>>, vector<16xf32>,
          tpu.vector_store %arg15[%parallel_loop3A_401, %parallel_loop3A_402, %parallel_loop3A_403], %parallel_loop3A_399 {strides = array<i32>} : memref<3x80x128xf32, #tpu.memory_space<vmem>>, vector<16xf32>,
          %parallel_loop3A_405 = arith.constant 2 : i32
          %parallel_loop3A_406 = arith.index_cast %parallel_loop3A_405 : i32 to index
          %parallel_loop3A_407 = arith.index_cast %parallel_loop3A_359 : i32 to index
          %parallel_loop3A_408 = arith.constant 48 : index
          %parallel_loop3A_409 = tpu.vector_load %arg15[%parallel_loop3A_406, %parallel_loop3A_407, %parallel_loop3A_408] {strides = array<i32>} : memref<3x80x128xf32, #tpu.memory_space<vmem>>, vector<16xf32>,
          %parallel_loop3A_410 = vector.broadcast %parallel_loop3A_392 : f32 to vector<16xf32>
          %parallel_loop3A_411 = arith.mulf %parallel_loop3A_409, %parallel_loop3A_410 : vector<16xf32>
          %parallel_loop3A_412 = arith.constant 2 : i32
          %parallel_loop3A_413 = arith.index_cast %parallel_loop3A_412 : i32 to index
          %parallel_loop3A_414 = arith.index_cast %parallel_loop3A_359 : i32 to index
          %parallel_loop3A_415 = arith.constant 48 : index
          %parallel_loop3A_416 = tpu.vector_load %arg15[%parallel_loop3A_413, %parallel_loop3A_414, %parallel_loop3A_415] {strides = array<i32>} : memref<3x80x128xf32, #tpu.memory_space<vmem>>, vector<16xf32>,
          tpu.vector_store %arg15[%parallel_loop3A_413, %parallel_loop3A_414, %parallel_loop3A_415], %parallel_loop3A_411 {strides = array<i32>} : memref<3x80x128xf32, #tpu.memory_space<vmem>>, vector<16xf32>,
          %parallel_loop3A_417 = vector.extract_strided_slice %parallel_loop3A_364 {offsets = [2], sizes = [1], strides = [1]} : vector<16xf32> to vector<1xf32>
          %parallel_loop3A_418 = vector.extract %parallel_loop3A_417[0] : f32 from vector<1xf32>
          %parallel_loop3A_419 = arith.constant 2 : i32
          %parallel_loop3A_420 = arith.index_cast %parallel_loop3A_419 : i32 to index
          %parallel_loop3A_421 = arith.index_cast %parallel_loop3A_359 : i32 to index
          %parallel_loop3A_422 = arith.constant 64 : index
          %parallel_loop3A_423 = tpu.vector_load %arg15[%parallel_loop3A_420, %parallel_loop3A_421, %parallel_loop3A_422] {strides = array<i32>} : memref<3x80x128xf32, #tpu.memory_space<vmem>>, vector<16xf32>,
          %parallel_loop3A_424 = vector.broadcast %parallel_loop3A_418 : f32 to vector<16xf32>
          %parallel_loop3A_425 = arith.mulf %parallel_loop3A_423, %parallel_loop3A_424 : vector<16xf32>
          %parallel_loop3A_426 = arith.constant 2 : i32
          %parallel_loop3A_427 = arith.index_cast %parallel_loop3A_426 : i32 to index
          %parallel_loop3A_428 = arith.index_cast %parallel_loop3A_359 : i32 to index
          %parallel_loop3A_429 = arith.constant 64 : index
          %parallel_loop3A_430 = tpu.vector_load %arg15[%parallel_loop3A_427, %parallel_loop3A_428, %parallel_loop3A_429] {strides = array<i32>} : memref<3x80x128xf32, #tpu.memory_space<vmem>>, vector<16xf32>,
          tpu.vector_store %arg15[%parallel_loop3A_427, %parallel_loop3A_428, %parallel_loop3A_429], %parallel_loop3A_425 {strides = array<i32>} : memref<3x80x128xf32, #tpu.memory_space<vmem>>, vector<16xf32>,
          %parallel_loop3A_431 = arith.constant 2 : i32
          %parallel_loop3A_432 = arith.index_cast %parallel_loop3A_431 : i32 to index
          %parallel_loop3A_433 = arith.index_cast %parallel_loop3A_359 : i32 to index
          %parallel_loop3A_434 = arith.constant 80 : index
          %parallel_loop3A_435 = tpu.vector_load %arg15[%parallel_loop3A_432, %parallel_loop3A_433, %parallel_loop3A_434] {strides = array<i32>} : memref<3x80x128xf32, #tpu.memory_space<vmem>>, vector<16xf32>,
          %parallel_loop3A_436 = vector.broadcast %parallel_loop3A_418 : f32 to vector<16xf32>
          %parallel_loop3A_437 = arith.mulf %parallel_loop3A_435, %parallel_loop3A_436 : vector<16xf32>
          %parallel_loop3A_438 = arith.constant 2 : i32
          %parallel_loop3A_439 = arith.index_cast %parallel_loop3A_438 : i32 to index
          %parallel_loop3A_440 = arith.index_cast %parallel_loop3A_359 : i32 to index
          %parallel_loop3A_441 = arith.constant 80 : index
          %parallel_loop3A_442 = tpu.vector_load %arg15[%parallel_loop3A_439, %parallel_loop3A_440, %parallel_loop3A_441] {strides = array<i32>} : memref<3x80x128xf32, #tpu.memory_space<vmem>>, vector<16xf32>,
          tpu.vector_store %arg15[%parallel_loop3A_439, %parallel_loop3A_440, %parallel_loop3A_441], %parallel_loop3A_437 {strides = array<i32>} : memref<3x80x128xf32, #tpu.memory_space<vmem>>, vector<16xf32>,
          %parallel_loop3A_443 = vector.extract_strided_slice %parallel_loop3A_364 {offsets = [3], sizes = [1], strides = [1]} : vector<16xf32> to vector<1xf32>
          %parallel_loop3A_444 = vector.extract %parallel_loop3A_443[0] : f32 from vector<1xf32>
          %parallel_loop3A_445 = arith.constant 2 : i32
          %parallel_loop3A_446 = arith.index_cast %parallel_loop3A_445 : i32 to index
          %parallel_loop3A_447 = arith.index_cast %parallel_loop3A_359 : i32 to index
          %parallel_loop3A_448 = arith.constant 96 : index
          %parallel_loop3A_449 = tpu.vector_load %arg15[%parallel_loop3A_446, %parallel_loop3A_447, %parallel_loop3A_448] {strides = array<i32>} : memref<3x80x128xf32, #tpu.memory_space<vmem>>, vector<16xf32>,
          %parallel_loop3A_450 = vector.broadcast %parallel_loop3A_444 : f32 to vector<16xf32>
          %parallel_loop3A_451 = arith.mulf %parallel_loop3A_449, %parallel_loop3A_450 : vector<16xf32>
          %parallel_loop3A_452 = arith.constant 2 : i32
          %parallel_loop3A_453 = arith.index_cast %parallel_loop3A_452 : i32 to index
          %parallel_loop3A_454 = arith.index_cast %parallel_loop3A_359 : i32 to index
          %parallel_loop3A_455 = arith.constant 96 : index
          %parallel_loop3A_456 = tpu.vector_load %arg15[%parallel_loop3A_453, %parallel_loop3A_454, %parallel_loop3A_455] {strides = array<i32>} : memref<3x80x128xf32, #tpu.memory_space<vmem>>, vector<16xf32>,
          tpu.vector_store %arg15[%parallel_loop3A_453, %parallel_loop3A_454, %parallel_loop3A_455], %parallel_loop3A_451 {strides = array<i32>} : memref<3x80x128xf32, #tpu.memory_space<vmem>>, vector<16xf32>,
          %parallel_loop3A_457 = arith.constant 2 : i32
          %parallel_loop3A_458 = arith.index_cast %parallel_loop3A_457 : i32 to index
          %parallel_loop3A_459 = arith.index_cast %parallel_loop3A_359 : i32 to index
          %parallel_loop3A_460 = arith.constant 112 : index
          %parallel_loop3A_461 = tpu.vector_load %arg15[%parallel_loop3A_458, %parallel_loop3A_459, %parallel_loop3A_460] {strides = array<i32>} : memref<3x80x128xf32, #tpu.memory_space<vmem>>, vector<16xf32>,
          %parallel_loop3A_462 = vector.broadcast %parallel_loop3A_444 : f32 to vector<16xf32>
          %parallel_loop3A_463 = arith.mulf %parallel_loop3A_461, %parallel_loop3A_462 : vector<16xf32>
          %parallel_loop3A_464 = arith.constant 2 : i32
          %parallel_loop3A_465 = arith.index_cast %parallel_loop3A_464 : i32 to index
          %parallel_loop3A_466 = arith.index_cast %parallel_loop3A_359 : i32 to index
          %parallel_loop3A_467 = arith.constant 112 : index
          %parallel_loop3A_468 = tpu.vector_load %arg15[%parallel_loop3A_465, %parallel_loop3A_466, %parallel_loop3A_467] {strides = array<i32>} : memref<3x80x128xf32, #tpu.memory_space<vmem>>, vector<16xf32>,
          tpu.vector_store %arg15[%parallel_loop3A_465, %parallel_loop3A_466, %parallel_loop3A_467], %parallel_loop3A_463 {strides = array<i32>} : memref<3x80x128xf32, #tpu.memory_space<vmem>>, vector<16xf32>,
        } {sc.loop_unroll_factor = 8 : i64, sc.parallel_access}
        %dma_start3A_335 = arith.constant 2 : i32
        %dma_start3A_336 = arith.constant 2 : i32
        %dma_start3A_337 = arith.constant 0 : i32
        %dma_start3A_338 = arith.constant 0 : i32
        %dma_start3A_339 = tpu.memref_slice %arg15[%dma_start3A_335, %dma_start3A_337, %dma_start3A_338] : memref<3x80x128xf32, #tpu.memory_space<vmem>> -> memref<1x80x128xf32, #tpu.memory_space<vmem>>
        %dma_start3A_340 = tpu.memref_squeeze %dma_start3A_339 : memref<1x80x128xf32, #tpu.memory_space<vmem>> -> memref<80x128xf32, #tpu.memory_space<vmem>>
        %dma_start3A_341 = arith.constant 0 : i32
        %dma_start3A_342 = tpu.memref_slice %arg12[%dma_start3A_336, %dma_start3A_341] : memref<3x80xi32, #tpu.memory_space<vmem>> -> memref<1x80xi32, #tpu.memory_space<vmem>>
        %dma_start3A_343 = tpu.memref_squeeze %dma_start3A_342 : memref<1x80xi32, #tpu.memory_space<vmem>> -> memref<80xi32, #tpu.memory_space<vmem>>
        %dma_start3A_344 = arith.constant 0 : i32
        %dma_start3A_345 = arith.constant 0 : i32
        %dma_start3A_346 = tpu.memref_slice %arg17[%dma_start3A_344, %dma_start3A_345] : memref<10000x128xf32, #tpu.memory_space<vmem_shared>> -> memref<10000x128xf32, #tpu.memory_space<vmem_shared>>
        tpu.enqueue_indirect_dma source(%dma_start3A_340 : memref<80x128xf32, #tpu.memory_space<vmem>>) target(%dma_start3A_346 : memref<10000x128xf32, #tpu.memory_space<vmem_shared>>) offsets(%dma_start3A_343 : memref<80xi32, #tpu.memory_space<vmem>>) semaphore(%arg27 : memref<!tpu.dma_semaphore, #tpu.memory_space<semaphore_mem>>) {add = true}
        %dma_start3A_347 = arith.constant 2 : i32
        %dma_start3A_348 = arith.constant 2 : i32
        %dma_start3A_349 = arith.constant 0 : i32
        %dma_start3A_350 = arith.constant 0 : i32
        %dma_start3A_351 = tpu.memref_slice %arg16[%dma_start3A_347, %dma_start3A_349, %dma_start3A_350] : memref<3x80x16xf32, #tpu.memory_space<vmem>> -> memref<1x80x16xf32, #tpu.memory_space<vmem>>
        %dma_start3A_352 = tpu.memref_squeeze %dma_start3A_351 : memref<1x80x16xf32, #tpu.memory_space<vmem>> -> memref<80x16xf32, #tpu.memory_space<vmem>>
        %dma_start3A_353 = arith.constant 0 : i32
        %dma_start3A_354 = tpu.memref_slice %arg12[%dma_start3A_348, %dma_start3A_353] : memref<3x80xi32, #tpu.memory_space<vmem>> -> memref<1x80xi32, #tpu.memory_space<vmem>>
        %dma_start3A_355 = tpu.memref_squeeze %dma_start3A_354 : memref<1x80xi32, #tpu.memory_space<vmem>> -> memref<80xi32, #tpu.memory_space<vmem>>
        %dma_start3A_356 = arith.constant 0 : i32
        %dma_start3A_357 = arith.constant 0 : i32
        %dma_start3A_358 = tpu.memref_slice %arg18[%dma_start3A_356, %dma_start3A_357] : memref<10000x16xf32, #tpu.memory_space<vmem_shared>> -> memref<10000x16xf32, #tpu.memory_space<vmem_shared>>
        tpu.enqueue_indirect_dma source(%dma_start3A_352 : memref<80x16xf32, #tpu.memory_space<vmem>>) target(%dma_start3A_358 : memref<10000x16xf32, #tpu.memory_space<vmem_shared>>) offsets(%dma_start3A_355 : memref<80xi32, #tpu.memory_space<vmem>>) semaphore(%arg27 : memref<!tpu.dma_semaphore, #tpu.memory_space<semaphore_mem>>) {add = true}
      } else {
      }
    }
    %scan3A_141 = arith.constant 84 : i32
    %dma_wait3A_142 = arith.constant 2 : i32
    %dma_wait3A_143 = arith.constant 2 : i32
    %dma_wait3A_144 = arith.constant 0 : i32
    %dma_wait3A_145 = arith.constant 0 : i32
    %dma_wait3A_146 = tpu.memref_slice %arg15[%dma_wait3A_142, %dma_wait3A_144, %dma_wait3A_145] : memref<3x80x128xf32, #tpu.memory_space<vmem>> -> memref<1x80x128xf32, #tpu.memory_space<vmem>>
    %dma_wait3A_147 = tpu.memref_squeeze %dma_wait3A_146 : memref<1x80x128xf32, #tpu.memory_space<vmem>> -> memref<80x128xf32, #tpu.memory_space<vmem>>
    %dma_wait3A_148 = arith.constant 0 : i32
    %dma_wait3A_149 = tpu.memref_slice %arg12[%dma_wait3A_143, %dma_wait3A_148] : memref<3x80xi32, #tpu.memory_space<vmem>> -> memref<1x80xi32, #tpu.memory_space<vmem>>
    %dma_wait3A_150 = tpu.memref_squeeze %dma_wait3A_149 : memref<1x80xi32, #tpu.memory_space<vmem>> -> memref<80xi32, #tpu.memory_space<vmem>>
    %dma_wait3A_151 = arith.constant 0 : i32
    %dma_wait3A_152 = arith.constant 0 : i32
    %dma_wait3A_153 = tpu.memref_slice %arg17[%dma_wait3A_151, %dma_wait3A_152] : memref<10000x128xf32, #tpu.memory_space<vmem_shared>> -> memref<10000x128xf32, #tpu.memory_space<vmem_shared>>
    tpu.wait_indirect_dma semaphore(%arg27 : memref<!tpu.dma_semaphore, #tpu.memory_space<semaphore_mem>>) src(%dma_wait3A_147 : memref<80x128xf32, #tpu.memory_space<vmem>>) dst(%dma_wait3A_153 : memref<10000x128xf32, #tpu.memory_space<vmem_shared>>)
    %dma_wait3A_154 = arith.constant 2 : i32
    %dma_wait3A_155 = arith.constant 2 : i32
    %dma_wait3A_156 = arith.constant 0 : i32
    %dma_wait3A_157 = arith.constant 0 : i32
    %dma_wait3A_158 = tpu.memref_slice %arg16[%dma_wait3A_154, %dma_wait3A_156, %dma_wait3A_157] : memref<3x80x16xf32, #tpu.memory_space<vmem>> -> memref<1x80x16xf32, #tpu.memory_space<vmem>>
    %dma_wait3A_159 = tpu.memref_squeeze %dma_wait3A_158 : memref<1x80x16xf32, #tpu.memory_space<vmem>> -> memref<80x16xf32, #tpu.memory_space<vmem>>
    %dma_wait3A_160 = arith.constant 0 : i32
    %dma_wait3A_161 = tpu.memref_slice %arg12[%dma_wait3A_155, %dma_wait3A_160] : memref<3x80xi32, #tpu.memory_space<vmem>> -> memref<1x80xi32, #tpu.memory_space<vmem>>
    %dma_wait3A_162 = tpu.memref_squeeze %dma_wait3A_161 : memref<1x80xi32, #tpu.memory_space<vmem>> -> memref<80xi32, #tpu.memory_space<vmem>>
    %dma_wait3A_163 = arith.constant 0 : i32
    %dma_wait3A_164 = arith.constant 0 : i32
    %dma_wait3A_165 = tpu.memref_slice %arg18[%dma_wait3A_163, %dma_wait3A_164] : memref<10000x16xf32, #tpu.memory_space<vmem_shared>> -> memref<10000x16xf32, #tpu.memory_space<vmem_shared>>
    tpu.wait_indirect_dma semaphore(%arg27 : memref<!tpu.dma_semaphore, #tpu.memory_space<semaphore_mem>>) src(%dma_wait3A_159 : memref<80x16xf32, #tpu.memory_space<vmem>>) dst(%dma_wait3A_165 : memref<10000x16xf32, #tpu.memory_space<vmem_shared>>)
    %dma_wait3A_166 = arith.constant 0 : i32
    %dma_wait3A_167 = arith.constant 0 : i32
    %dma_wait3A_168 = arith.constant 0 : i32
    %dma_wait3A_169 = arith.constant 0 : i32
    %dma_wait3A_170 = tpu.memref_slice %arg15[%dma_wait3A_166, %dma_wait3A_168, %dma_wait3A_169] : memref<3x80x128xf32, #tpu.memory_space<vmem>> -> memref<1x80x128xf32, #tpu.memory_space<vmem>>
    %dma_wait3A_171 = tpu.memref_squeeze %dma_wait3A_170 : memref<1x80x128xf32, #tpu.memory_space<vmem>> -> memref<80x128xf32, #tpu.memory_space<vmem>>
    %dma_wait3A_172 = arith.constant 0 : i32
    %dma_wait3A_173 = tpu.memref_slice %arg12[%dma_wait3A_167, %dma_wait3A_172] : memref<3x80xi32, #tpu.memory_space<vmem>> -> memref<1x80xi32, #tpu.memory_space<vmem>>
    %dma_wait3A_174 = tpu.memref_squeeze %dma_wait3A_173 : memref<1x80xi32, #tpu.memory_space<vmem>> -> memref<80xi32, #tpu.memory_space<vmem>>
    %dma_wait3A_175 = arith.constant 0 : i32
    %dma_wait3A_176 = arith.constant 0 : i32
    %dma_wait3A_177 = tpu.memref_slice %arg17[%dma_wait3A_175, %dma_wait3A_176] : memref<10000x128xf32, #tpu.memory_space<vmem_shared>> -> memref<10000x128xf32, #tpu.memory_space<vmem_shared>>
    tpu.wait_indirect_dma semaphore(%arg25 : memref<!tpu.dma_semaphore, #tpu.memory_space<semaphore_mem>>) src(%dma_wait3A_171 : memref<80x128xf32, #tpu.memory_space<vmem>>) dst(%dma_wait3A_177 : memref<10000x128xf32, #tpu.memory_space<vmem_shared>>)
    %dma_wait3A_178 = arith.constant 0 : i32
    %dma_wait3A_179 = arith.constant 0 : i32
    %dma_wait3A_180 = arith.constant 0 : i32
    %dma_wait3A_181 = arith.constant 0 : i32
    %dma_wait3A_182 = tpu.memref_slice %arg16[%dma_wait3A_178, %dma_wait3A_180, %dma_wait3A_181] : memref<3x80x16xf32, #tpu.memory_space<vmem>> -> memref<1x80x16xf32, #tpu.memory_space<vmem>>
    %dma_wait3A_183 = tpu.memref_squeeze %dma_wait3A_182 : memref<1x80x16xf32, #tpu.memory_space<vmem>> -> memref<80x16xf32, #tpu.memory_space<vmem>>
    %dma_wait3A_184 = arith.constant 0 : i32
    %dma_wait3A_185 = tpu.memref_slice %arg12[%dma_wait3A_179, %dma_wait3A_184] : memref<3x80xi32, #tpu.memory_space<vmem>> -> memref<1x80xi32, #tpu.memory_space<vmem>>
    %dma_wait3A_186 = tpu.memref_squeeze %dma_wait3A_185 : memref<1x80xi32, #tpu.memory_space<vmem>> -> memref<80xi32, #tpu.memory_space<vmem>>
    %dma_wait3A_187 = arith.constant 0 : i32
    %dma_wait3A_188 = arith.constant 0 : i32
    %dma_wait3A_189 = tpu.memref_slice %arg18[%dma_wait3A_187, %dma_wait3A_188] : memref<10000x16xf32, #tpu.memory_space<vmem_shared>> -> memref<10000x16xf32, #tpu.memory_space<vmem_shared>>
    tpu.wait_indirect_dma semaphore(%arg25 : memref<!tpu.dma_semaphore, #tpu.memory_space<semaphore_mem>>) src(%dma_wait3A_183 : memref<80x16xf32, #tpu.memory_space<vmem>>) dst(%dma_wait3A_189 : memref<10000x16xf32, #tpu.memory_space<vmem_shared>>)
    %barrier3A_190 = arith.constant 0 : index
    tpu.barrier barrier_id(%barrier3A_190)
    %add3A_191 = arith.constant 0 : i32
    %add3A_192 = arith.addi %arg1, %add3A_191 : i32
    %mul3A_193 = arith.constant 40 : i32
    %mul3A_194 = arith.muli %add3A_192, %mul3A_193 : i32
    %multiple_of3A_195 = tpu.assume_multiple %mul3A_194, 8 : i32
    %dma_start3A_196 = arith.constant 0 : i32
    %dma_start3A_197 = arith.constant 0 : i32
    %dma_start3A_198 = arith.constant 0 : i32
    %dma_start3A_199 = tpu.memref_slice %arg15[%dma_start3A_196, %dma_start3A_197, %dma_start3A_198] : memref<3x80x128xf32, #tpu.memory_space<vmem>> -> memref<1x40x128xf32, #tpu.memory_space<vmem>>
    %dma_start3A_200 = tpu.memref_squeeze %dma_start3A_199 : memref<1x40x128xf32, #tpu.memory_space<vmem>> -> memref<40x128xf32, #tpu.memory_space<vmem>>
    %dma_start3A_201 = arith.constant 0 : i32
    %dma_start3A_202 = tpu.memref_slice %arg17[%multiple_of3A_195, %dma_start3A_201] : memref<10000x128xf32, #tpu.memory_space<vmem_shared>> -> memref<40x128xf32, #tpu.memory_space<vmem_shared>>
    %dma_start3A_203 = arith.constant 0 : i32
    %dma_start3A_204 = arith.constant 0 : i32
    %dma_start3A_205 = tpu.memref_slice %arg15[%dma_start3A_196, %dma_start3A_203, %dma_start3A_204] : memref<3x80x128xf32, #tpu.memory_space<vmem>> -> memref<1x40x128xf32, #tpu.memory_space<vmem>>
    %dma_start3A_206 = tpu.memref_squeeze %dma_start3A_205 : memref<1x40x128xf32, #tpu.memory_space<vmem>> -> memref<40x128xf32, #tpu.memory_space<vmem>>
    %dma_start3A_207 = arith.constant 0 : i32
    %dma_start3A_208 = tpu.memref_slice %arg17[%multiple_of3A_195, %dma_start3A_207] : memref<10000x128xf32, #tpu.memory_space<vmem_shared>> -> memref<40x128xf32, #tpu.memory_space<vmem_shared>>
    tpu.enqueue_dma source(%dma_start3A_208 : memref<40x128xf32, #tpu.memory_space<vmem_shared>>) target(%dma_start3A_206 : memref<40x128xf32, #tpu.memory_space<vmem>>) target_semaphore(%arg19 : memref<!tpu.dma_semaphore, #tpu.memory_space<semaphore_mem>>)
    %dma_start3A_209 = arith.constant 0 : i32
    %dma_start3A_210 = arith.constant 0 : i32
    %dma_start3A_211 = arith.constant 0 : i32
    %dma_start3A_212 = tpu.memref_slice %arg16[%dma_start3A_209, %dma_start3A_210, %dma_start3A_211] : memref<3x80x16xf32, #tpu.memory_space<vmem>> -> memref<1x40x16xf32, #tpu.memory_space<vmem>>
    %dma_start3A_213 = tpu.memref_squeeze %dma_start3A_212 : memref<1x40x16xf32, #tpu.memory_space<vmem>> -> memref<40x16xf32, #tpu.memory_space<vmem>>
    %dma_start3A_214 = arith.constant 0 : i32
    %dma_start3A_215 = tpu.memref_slice %arg18[%multiple_of3A_195, %dma_start3A_214] : memref<10000x16xf32, #tpu.memory_space<vmem_shared>> -> memref<40x16xf32, #tpu.memory_space<vmem_shared>>
    %dma_start3A_216 = arith.constant 0 : i32
    %dma_start3A_217 = arith.constant 0 : i32
    %dma_start3A_218 = tpu.memref_slice %arg16[%dma_start3A_209, %dma_start3A_216, %dma_start3A_217] : memref<3x80x16xf32, #tpu.memory_space<vmem>> -> memref<1x40x16xf32, #tpu.memory_space<vmem>>
    %dma_start3A_219 = tpu.memref_squeeze %dma_start3A_218 : memref<1x40x16xf32, #tpu.memory_space<vmem>> -> memref<40x16xf32, #tpu.memory_space<vmem>>
    %dma_start3A_220 = arith.constant 0 : i32
    %dma_start3A_221 = tpu.memref_slice %arg18[%multiple_of3A_195, %dma_start3A_220] : memref<10000x16xf32, #tpu.memory_space<vmem_shared>> -> memref<40x16xf32, #tpu.memory_space<vmem_shared>>
    tpu.enqueue_dma source(%dma_start3A_221 : memref<40x16xf32, #tpu.memory_space<vmem_shared>>) target(%dma_start3A_219 : memref<40x16xf32, #tpu.memory_space<vmem>>) target_semaphore(%arg19 : memref<!tpu.dma_semaphore, #tpu.memory_space<semaphore_mem>>)
    %scan3A_222 = arith.constant 0 : i32
    %scan3A_223 = arith.constant 8 : i32
    %scan3A_224 = arith.addi %scan3A_222, %scan3A_223 : i32
    %scan3A_225 = arith.constant 1 : i32
    scf.for %scan3A_235 = %scan3A_222 to %scan3A_224 step %scan3A_225  : i32 {
      %mul3A_236 = arith.constant 2 : i32
      %mul3A_237 = arith.muli %scan3A_235, %mul3A_236 : i32
      %add3A_238 = arith.constant 0 : i32
      %add3A_239 = arith.addi %add3A_238, %mul3A_237 : i32
      %add3A_240 = arith.constant 0 : i32
      %add3A_241 = arith.addi %add3A_239, %add3A_240 : i32
      %mul3A_242 = arith.constant 16 : i32
      %mul3A_243 = arith.muli %mul3A_242, %add3A_241 : i32
      %add3A_244 = arith.addi %arg1, %mul3A_243 : i32
      %lt3A_245 = arith.constant 250 : i32
      %lt3A_246 = arith.cmpi slt, %add3A_244, %lt3A_245 : i32
      %convert_element_type3A_247 = arith.extui %lt3A_246 : i1 to i32
      %cond3A_248 = arith.constant 0 : i32
      %cond3A_249 = arith.cmpi ne, %convert_element_type3A_247, %cond3A_248 : i32
      scf.if %cond3A_249 {
        %ge3A = arith.constant 1 : i32
        %ge3A_260 = arith.cmpi sge, %add3A_241, %ge3A : i32
        %convert_element_type3A_261 = arith.extui %ge3A_260 : i1 to i32
        %cond3A_262 = arith.constant 0 : i32
        %cond3A_263 = arith.cmpi ne, %convert_element_type3A_261, %cond3A_262 : i32
        scf.if %cond3A_263 {
          %sub3A = arith.constant 1 : i32
          %sub3A_329 = arith.subi %add3A_241, %sub3A : i32
          %mul3A_330 = arith.constant 16 : i32
          %mul3A_331 = arith.muli %mul3A_330, %sub3A_329 : i32
          %add3A_332 = arith.addi %arg1, %mul3A_331 : i32
          %mul3A_333 = arith.constant 40 : i32
          %mul3A_334 = arith.muli %add3A_332, %mul3A_333 : i32
          %multiple_of3A_335 = tpu.assume_multiple %mul3A_334, 8 : i32
          %dma_wait3A_336 = arith.constant 1 : i32
          %dma_wait3A_337 = arith.constant 0 : i32
          %dma_wait3A_338 = arith.constant 0 : i32
          %dma_wait3A_339 = tpu.memref_slice %arg15[%dma_wait3A_336, %dma_wait3A_337, %dma_wait3A_338] : memref<3x80x128xf32, #tpu.memory_space<vmem>> -> memref<1x40x128xf32, #tpu.memory_space<vmem>>
          %dma_wait3A_340 = tpu.memref_squeeze %dma_wait3A_339 : memref<1x40x128xf32, #tpu.memory_space<vmem>> -> memref<40x128xf32, #tpu.memory_space<vmem>>
          %dma_wait3A_341 = arith.constant 0 : i32
          %dma_wait3A_342 = tpu.memref_slice %arg8[%arg0, %multiple_of3A_335, %dma_wait3A_341] : memref<2x10000x128xf32, #tpu.memory_space<hbm>> -> memref<1x40x128xf32, #tpu.memory_space<hbm>>
          %dma_wait3A_343 = tpu.memref_squeeze %dma_wait3A_342 : memref<1x40x128xf32, #tpu.memory_space<hbm>> -> memref<40x128xf32, #tpu.memory_space<hbm>>
          %dma_wait3A_344 = arith.constant 0 : i32
          %dma_wait3A_345 = tpu.memref_slice %arg8[%arg0, %multiple_of3A_335, %dma_wait3A_344] : memref<2x10000x128xf32, #tpu.memory_space<hbm>> -> memref<1x40x128xf32, #tpu.memory_space<hbm>>
          %dma_wait3A_346 = tpu.memref_squeeze %dma_wait3A_345 : memref<1x40x128xf32, #tpu.memory_space<hbm>> -> memref<40x128xf32, #tpu.memory_space<hbm>>
          %dma_wait3A_347 = arith.constant 0 : i32
          %dma_wait3A_348 = arith.constant 0 : i32
          %dma_wait3A_349 = tpu.memref_slice %arg15[%dma_wait3A_336, %dma_wait3A_347, %dma_wait3A_348] : memref<3x80x128xf32, #tpu.memory_space<vmem>> -> memref<1x40x128xf32, #tpu.memory_space<vmem>>
          %dma_wait3A_350 = tpu.memref_squeeze %dma_wait3A_349 : memref<1x40x128xf32, #tpu.memory_space<vmem>> -> memref<40x128xf32, #tpu.memory_space<vmem>>
          tpu.wait_dma2 semaphore(%arg23 : memref<!tpu.dma_semaphore, #tpu.memory_space<semaphore_mem>>) src(%dma_wait3A_350 : memref<40x128xf32, #tpu.memory_space<vmem>>) dst(%dma_wait3A_346 : memref<40x128xf32, #tpu.memory_space<hbm>>)
        } else {
        }
        %add3A_264 = arith.constant 1 : i32
        %add3A_265 = arith.addi %add3A_241, %add3A_264 : i32
        %mul3A_266 = arith.constant 16 : i32
        %mul3A_267 = arith.muli %mul3A_266, %add3A_265 : i32
        %add3A_268 = arith.addi %arg1, %mul3A_267 : i32
        %lt3A_269 = arith.constant 250 : i32
        %lt3A_270 = arith.cmpi slt, %add3A_268, %lt3A_269 : i32
        %convert_element_type3A_271 = arith.extui %lt3A_270 : i1 to i32
        %cond3A_272 = arith.constant 0 : i32
        %cond3A_273 = arith.cmpi ne, %convert_element_type3A_271, %cond3A_272 : i32
        scf.if %cond3A_273 {
          %add3A_329 = arith.constant 1 : i32
          %add3A_330 = arith.addi %add3A_241, %add3A_329 : i32
          %mul3A_331 = arith.constant 16 : i32
          %mul3A_332 = arith.muli %mul3A_331, %add3A_330 : i32
          %add3A_333 = arith.addi %arg1, %mul3A_332 : i32
          %mul3A_334 = arith.constant 40 : i32
          %mul3A_335 = arith.muli %add3A_333, %mul3A_334 : i32
          %multiple_of3A_336 = tpu.assume_multiple %mul3A_335, 8 : i32
          %dma_start3A_337 = arith.constant 1 : i32
          %dma_start3A_338 = arith.constant 0 : i32
          %dma_start3A_339 = arith.constant 0 : i32
          %dma_start3A_340 = tpu.memref_slice %arg15[%dma_start3A_337, %dma_start3A_338, %dma_start3A_339] : memref<3x80x128xf32, #tpu.memory_space<vmem>> -> memref<1x40x128xf32, #tpu.memory_space<vmem>>
          %dma_start3A_341 = tpu.memref_squeeze %dma_start3A_340 : memref<1x40x128xf32, #tpu.memory_space<vmem>> -> memref<40x128xf32, #tpu.memory_space<vmem>>
          %dma_start3A_342 = arith.constant 0 : i32
          %dma_start3A_343 = tpu.memref_slice %arg17[%multiple_of3A_336, %dma_start3A_342] : memref<10000x128xf32, #tpu.memory_space<vmem_shared>> -> memref<40x128xf32, #tpu.memory_space<vmem_shared>>
          %dma_start3A_344 = arith.constant 0 : i32
          %dma_start3A_345 = arith.constant 0 : i32
          %dma_start3A_346 = tpu.memref_slice %arg15[%dma_start3A_337, %dma_start3A_344, %dma_start3A_345] : memref<3x80x128xf32, #tpu.memory_space<vmem>> -> memref<1x40x128xf32, #tpu.memory_space<vmem>>
          %dma_start3A_347 = tpu.memref_squeeze %dma_start3A_346 : memref<1x40x128xf32, #tpu.memory_space<vmem>> -> memref<40x128xf32, #tpu.memory_space<vmem>>
          %dma_start3A_348 = arith.constant 0 : i32
          %dma_start3A_349 = tpu.memref_slice %arg17[%multiple_of3A_336, %dma_start3A_348] : memref<10000x128xf32, #tpu.memory_space<vmem_shared>> -> memref<40x128xf32, #tpu.memory_space<vmem_shared>>
          tpu.enqueue_dma source(%dma_start3A_349 : memref<40x128xf32, #tpu.memory_space<vmem_shared>>) target(%dma_start3A_347 : memref<40x128xf32, #tpu.memory_space<vmem>>) target_semaphore(%arg20 : memref<!tpu.dma_semaphore, #tpu.memory_space<semaphore_mem>>)
          %dma_start3A_350 = arith.constant 1 : i32
          %dma_start3A_351 = arith.constant 0 : i32
          %dma_start3A_352 = arith.constant 0 : i32
          %dma_start3A_353 = tpu.memref_slice %arg16[%dma_start3A_350, %dma_start3A_351, %dma_start3A_352] : memref<3x80x16xf32, #tpu.memory_space<vmem>> -> memref<1x40x16xf32, #tpu.memory_space<vmem>>
          %dma_start3A_354 = tpu.memref_squeeze %dma_start3A_353 : memref<1x40x16xf32, #tpu.memory_space<vmem>> -> memref<40x16xf32, #tpu.memory_space<vmem>>
          %dma_start3A_355 = arith.constant 0 : i32
          %dma_start3A_356 = tpu.memref_slice %arg18[%multiple_of3A_336, %dma_start3A_355] : memref<10000x16xf32, #tpu.memory_space<vmem_shared>> -> memref<40x16xf32, #tpu.memory_space<vmem_shared>>
          %dma_start3A_357 = arith.constant 0 : i32
          %dma_start3A_358 = arith.constant 0 : i32
          %dma_start3A_359 = tpu.memref_slice %arg16[%dma_start3A_350, %dma_start3A_357, %dma_start3A_358] : memref<3x80x16xf32, #tpu.memory_space<vmem>> -> memref<1x40x16xf32, #tpu.memory_space<vmem>>
          %dma_start3A_360 = tpu.memref_squeeze %dma_start3A_359 : memref<1x40x16xf32, #tpu.memory_space<vmem>> -> memref<40x16xf32, #tpu.memory_space<vmem>>
          %dma_start3A_361 = arith.constant 0 : i32
          %dma_start3A_362 = tpu.memref_slice %arg18[%multiple_of3A_336, %dma_start3A_361] : memref<10000x16xf32, #tpu.memory_space<vmem_shared>> -> memref<40x16xf32, #tpu.memory_space<vmem_shared>>
          tpu.enqueue_dma source(%dma_start3A_362 : memref<40x16xf32, #tpu.memory_space<vmem_shared>>) target(%dma_start3A_360 : memref<40x16xf32, #tpu.memory_space<vmem>>) target_semaphore(%arg20 : memref<!tpu.dma_semaphore, #tpu.memory_space<semaphore_mem>>)
        } else {
        }
        %mul3A_274 = arith.constant 16 : i32
        %mul3A_275 = arith.muli %mul3A_274, %add3A_241 : i32
        %add3A_276 = arith.addi %arg1, %mul3A_275 : i32
        %mul3A_277 = arith.constant 40 : i32
        %mul3A_278 = arith.muli %add3A_276, %mul3A_277 : i32
        %multiple_of3A_279 = tpu.assume_multiple %mul3A_278, 8 : i32
        %dma_wait3A_280 = arith.constant 0 : i32
        %dma_wait3A_281 = arith.constant 0 : i32
        %dma_wait3A_282 = arith.constant 0 : i32
        %dma_wait3A_283 = tpu.memref_slice %arg15[%dma_wait3A_280, %dma_wait3A_281, %dma_wait3A_282] : memref<3x80x128xf32, #tpu.memory_space<vmem>> -> memref<1x40x128xf32, #tpu.memory_space<vmem>>
        %dma_wait3A_284 = tpu.memref_squeeze %dma_wait3A_283 : memref<1x40x128xf32, #tpu.memory_space<vmem>> -> memref<40x128xf32, #tpu.memory_space<vmem>>
        %dma_wait3A_285 = arith.constant 0 : i32
        %dma_wait3A_286 = tpu.memref_slice %arg17[%multiple_of3A_279, %dma_wait3A_285] : memref<10000x128xf32, #tpu.memory_space<vmem_shared>> -> memref<40x128xf32, #tpu.memory_space<vmem_shared>>
        %dma_wait3A_287 = arith.constant 0 : i32
        %dma_wait3A_288 = arith.constant 0 : i32
        %dma_wait3A_289 = tpu.memref_slice %arg15[%dma_wait3A_280, %dma_wait3A_287, %dma_wait3A_288] : memref<3x80x128xf32, #tpu.memory_space<vmem>> -> memref<1x40x128xf32, #tpu.memory_space<vmem>>
        %dma_wait3A_290 = tpu.memref_squeeze %dma_wait3A_289 : memref<1x40x128xf32, #tpu.memory_space<vmem>> -> memref<40x128xf32, #tpu.memory_space<vmem>>
        %dma_wait3A_291 = arith.constant 0 : i32
        %dma_wait3A_292 = tpu.memref_slice %arg17[%multiple_of3A_279, %dma_wait3A_291] : memref<10000x128xf32, #tpu.memory_space<vmem_shared>> -> memref<40x128xf32, #tpu.memory_space<vmem_shared>>
        tpu.wait_dma2 semaphore(%arg19 : memref<!tpu.dma_semaphore, #tpu.memory_space<semaphore_mem>>) src(%dma_wait3A_292 : memref<40x128xf32, #tpu.memory_space<vmem_shared>>) dst(%dma_wait3A_290 : memref<40x128xf32, #tpu.memory_space<vmem>>)
        %dma_wait3A_293 = arith.constant 0 : i32
        %dma_wait3A_294 = arith.constant 0 : i32
        %dma_wait3A_295 = arith.constant 0 : i32
        %dma_wait3A_296 = tpu.memref_slice %arg16[%dma_wait3A_293, %dma_wait3A_294, %dma_wait3A_295] : memref<3x80x16xf32, #tpu.memory_space<vmem>> -> memref<1x40x16xf32, #tpu.memory_space<vmem>>
        %dma_wait3A_297 = tpu.memref_squeeze %dma_wait3A_296 : memref<1x40x16xf32, #tpu.memory_space<vmem>> -> memref<40x16xf32, #tpu.memory_space<vmem>>
        %dma_wait3A_298 = arith.constant 0 : i32
        %dma_wait3A_299 = tpu.memref_slice %arg18[%multiple_of3A_279, %dma_wait3A_298] : memref<10000x16xf32, #tpu.memory_space<vmem_shared>> -> memref<40x16xf32, #tpu.memory_space<vmem_shared>>
        %dma_wait3A_300 = arith.constant 0 : i32
        %dma_wait3A_301 = arith.constant 0 : i32
        %dma_wait3A_302 = tpu.memref_slice %arg16[%dma_wait3A_293, %dma_wait3A_300, %dma_wait3A_301] : memref<3x80x16xf32, #tpu.memory_space<vmem>> -> memref<1x40x16xf32, #tpu.memory_space<vmem>>
        %dma_wait3A_303 = tpu.memref_squeeze %dma_wait3A_302 : memref<1x40x16xf32, #tpu.memory_space<vmem>> -> memref<40x16xf32, #tpu.memory_space<vmem>>
        %dma_wait3A_304 = arith.constant 0 : i32
        %dma_wait3A_305 = tpu.memref_slice %arg18[%multiple_of3A_279, %dma_wait3A_304] : memref<10000x16xf32, #tpu.memory_space<vmem_shared>> -> memref<40x16xf32, #tpu.memory_space<vmem_shared>>
        tpu.wait_dma2 semaphore(%arg19 : memref<!tpu.dma_semaphore, #tpu.memory_space<semaphore_mem>>) src(%dma_wait3A_305 : memref<40x16xf32, #tpu.memory_space<vmem_shared>>) dst(%dma_wait3A_303 : memref<40x16xf32, #tpu.memory_space<vmem>>)
        %parallel_loop3A = arith.constant 0 : i32
        %parallel_loop3A_306 = arith.constant 40 : i32
        %parallel_loop3A_307 = arith.constant 1 : i32
        scf.for %parallel_loop3A_329 = %parallel_loop3A to %parallel_loop3A_306 step %parallel_loop3A_307  : i32 {
          %parallel_loop3A_330 = arith.constant 0 : i32
          %parallel_loop3A_331 = arith.index_cast %parallel_loop3A_330 : i32 to index
          %parallel_loop3A_332 = arith.index_cast %parallel_loop3A_329 : i32 to index
          %parallel_loop3A_333 = arith.constant 0 : index
          %parallel_loop3A_334 = tpu.vector_load %arg16[%parallel_loop3A_331, %parallel_loop3A_332, %parallel_loop3A_333] {strides = array<i32>} : memref<3x80x16xf32, #tpu.memory_space<vmem>>, vector<16xf32>,
          %parallel_loop3A_335 = arith.constant 1.000000e-30 : f32
          %parallel_loop3A_336 = vector.broadcast %parallel_loop3A_335 : f32 to vector<16xf32>
          %parallel_loop3A_337 = arith.maximumf %parallel_loop3A_334, %parallel_loop3A_336 : vector<16xf32>
          %parallel_loop3A_338 = vector.extract_strided_slice %parallel_loop3A_337 {offsets = [0], sizes = [1], strides = [1]} : vector<16xf32> to vector<1xf32>
          %parallel_loop3A_339 = vector.extract %parallel_loop3A_338[0] : f32 from vector<1xf32>
          %parallel_loop3A_340 = arith.constant 0 : i32
          %parallel_loop3A_341 = arith.index_cast %parallel_loop3A_340 : i32 to index
          %parallel_loop3A_342 = arith.index_cast %parallel_loop3A_329 : i32 to index
          %parallel_loop3A_343 = arith.constant 0 : index
          %parallel_loop3A_344 = tpu.vector_load %arg15[%parallel_loop3A_341, %parallel_loop3A_342, %parallel_loop3A_343] {strides = array<i32>} : memref<3x80x128xf32, #tpu.memory_space<vmem>>, vector<16xf32>,
          %parallel_loop3A_345 = vector.broadcast %parallel_loop3A_339 : f32 to vector<16xf32>
          %parallel_loop3A_346 = arith.divf %parallel_loop3A_344, %parallel_loop3A_345 : vector<16xf32>
          %parallel_loop3A_347 = arith.constant 0 : index
          %parallel_loop3A_348 = tpu.vector_load %arg9[%parallel_loop3A_347] {strides = array<i32>} : memref<128xf32, #tpu.memory_space<vmem>>, vector<16xf32>,
          %parallel_loop3A_349 = arith.addf %parallel_loop3A_346, %parallel_loop3A_348 : vector<16xf32>
          %parallel_loop3A_350 = arith.constant 0 : i32
          %parallel_loop3A_351 = arith.index_cast %parallel_loop3A_350 : i32 to index
          %parallel_loop3A_352 = arith.index_cast %parallel_loop3A_329 : i32 to index
          %parallel_loop3A_353 = arith.constant 0 : index
          %parallel_loop3A_354 = tpu.vector_load %arg15[%parallel_loop3A_351, %parallel_loop3A_352, %parallel_loop3A_353] {strides = array<i32>} : memref<3x80x128xf32, #tpu.memory_space<vmem>>, vector<16xf32>,
          tpu.vector_store %arg15[%parallel_loop3A_351, %parallel_loop3A_352, %parallel_loop3A_353], %parallel_loop3A_349 {strides = array<i32>} : memref<3x80x128xf32, #tpu.memory_space<vmem>>, vector<16xf32>,
          %parallel_loop3A_355 = arith.constant 0 : i32
          %parallel_loop3A_356 = arith.index_cast %parallel_loop3A_355 : i32 to index
          %parallel_loop3A_357 = arith.index_cast %parallel_loop3A_329 : i32 to index
          %parallel_loop3A_358 = arith.constant 16 : index
          %parallel_loop3A_359 = tpu.vector_load %arg15[%parallel_loop3A_356, %parallel_loop3A_357, %parallel_loop3A_358] {strides = array<i32>} : memref<3x80x128xf32, #tpu.memory_space<vmem>>, vector<16xf32>,
          %parallel_loop3A_360 = vector.broadcast %parallel_loop3A_339 : f32 to vector<16xf32>
          %parallel_loop3A_361 = arith.divf %parallel_loop3A_359, %parallel_loop3A_360 : vector<16xf32>
          %parallel_loop3A_362 = arith.constant 16 : index
          %parallel_loop3A_363 = tpu.vector_load %arg9[%parallel_loop3A_362] {strides = array<i32>} : memref<128xf32, #tpu.memory_space<vmem>>, vector<16xf32>,
          %parallel_loop3A_364 = arith.addf %parallel_loop3A_361, %parallel_loop3A_363 : vector<16xf32>
          %parallel_loop3A_365 = arith.constant 0 : i32
          %parallel_loop3A_366 = arith.index_cast %parallel_loop3A_365 : i32 to index
          %parallel_loop3A_367 = arith.index_cast %parallel_loop3A_329 : i32 to index
          %parallel_loop3A_368 = arith.constant 16 : index
          %parallel_loop3A_369 = tpu.vector_load %arg15[%parallel_loop3A_366, %parallel_loop3A_367, %parallel_loop3A_368] {strides = array<i32>} : memref<3x80x128xf32, #tpu.memory_space<vmem>>, vector<16xf32>,
          tpu.vector_store %arg15[%parallel_loop3A_366, %parallel_loop3A_367, %parallel_loop3A_368], %parallel_loop3A_364 {strides = array<i32>} : memref<3x80x128xf32, #tpu.memory_space<vmem>>, vector<16xf32>,
          %parallel_loop3A_370 = vector.extract_strided_slice %parallel_loop3A_337 {offsets = [1], sizes = [1], strides = [1]} : vector<16xf32> to vector<1xf32>
          %parallel_loop3A_371 = vector.extract %parallel_loop3A_370[0] : f32 from vector<1xf32>
          %parallel_loop3A_372 = arith.constant 0 : i32
          %parallel_loop3A_373 = arith.index_cast %parallel_loop3A_372 : i32 to index
          %parallel_loop3A_374 = arith.index_cast %parallel_loop3A_329 : i32 to index
          %parallel_loop3A_375 = arith.constant 32 : index
          %parallel_loop3A_376 = tpu.vector_load %arg15[%parallel_loop3A_373, %parallel_loop3A_374, %parallel_loop3A_375] {strides = array<i32>} : memref<3x80x128xf32, #tpu.memory_space<vmem>>, vector<16xf32>,
          %parallel_loop3A_377 = vector.broadcast %parallel_loop3A_371 : f32 to vector<16xf32>
          %parallel_loop3A_378 = arith.divf %parallel_loop3A_376, %parallel_loop3A_377 : vector<16xf32>
          %parallel_loop3A_379 = arith.constant 32 : index
          %parallel_loop3A_380 = tpu.vector_load %arg9[%parallel_loop3A_379] {strides = array<i32>} : memref<128xf32, #tpu.memory_space<vmem>>, vector<16xf32>,
          %parallel_loop3A_381 = arith.addf %parallel_loop3A_378, %parallel_loop3A_380 : vector<16xf32>
          %parallel_loop3A_382 = arith.constant 0 : i32
          %parallel_loop3A_383 = arith.index_cast %parallel_loop3A_382 : i32 to index
          %parallel_loop3A_384 = arith.index_cast %parallel_loop3A_329 : i32 to index
          %parallel_loop3A_385 = arith.constant 32 : index
          %parallel_loop3A_386 = tpu.vector_load %arg15[%parallel_loop3A_383, %parallel_loop3A_384, %parallel_loop3A_385] {strides = array<i32>} : memref<3x80x128xf32, #tpu.memory_space<vmem>>, vector<16xf32>,
          tpu.vector_store %arg15[%parallel_loop3A_383, %parallel_loop3A_384, %parallel_loop3A_385], %parallel_loop3A_381 {strides = array<i32>} : memref<3x80x128xf32, #tpu.memory_space<vmem>>, vector<16xf32>,
          %parallel_loop3A_387 = arith.constant 0 : i32
          %parallel_loop3A_388 = arith.index_cast %parallel_loop3A_387 : i32 to index
          %parallel_loop3A_389 = arith.index_cast %parallel_loop3A_329 : i32 to index
          %parallel_loop3A_390 = arith.constant 48 : index
          %parallel_loop3A_391 = tpu.vector_load %arg15[%parallel_loop3A_388, %parallel_loop3A_389, %parallel_loop3A_390] {strides = array<i32>} : memref<3x80x128xf32, #tpu.memory_space<vmem>>, vector<16xf32>,
          %parallel_loop3A_392 = vector.broadcast %parallel_loop3A_371 : f32 to vector<16xf32>
          %parallel_loop3A_393 = arith.divf %parallel_loop3A_391, %parallel_loop3A_392 : vector<16xf32>
          %parallel_loop3A_394 = arith.constant 48 : index
          %parallel_loop3A_395 = tpu.vector_load %arg9[%parallel_loop3A_394] {strides = array<i32>} : memref<128xf32, #tpu.memory_space<vmem>>, vector<16xf32>,
          %parallel_loop3A_396 = arith.addf %parallel_loop3A_393, %parallel_loop3A_395 : vector<16xf32>
          %parallel_loop3A_397 = arith.constant 0 : i32
          %parallel_loop3A_398 = arith.index_cast %parallel_loop3A_397 : i32 to index
          %parallel_loop3A_399 = arith.index_cast %parallel_loop3A_329 : i32 to index
          %parallel_loop3A_400 = arith.constant 48 : index
          %parallel_loop3A_401 = tpu.vector_load %arg15[%parallel_loop3A_398, %parallel_loop3A_399, %parallel_loop3A_400] {strides = array<i32>} : memref<3x80x128xf32, #tpu.memory_space<vmem>>, vector<16xf32>,
          tpu.vector_store %arg15[%parallel_loop3A_398, %parallel_loop3A_399, %parallel_loop3A_400], %parallel_loop3A_396 {strides = array<i32>} : memref<3x80x128xf32, #tpu.memory_space<vmem>>, vector<16xf32>,
          %parallel_loop3A_402 = vector.extract_strided_slice %parallel_loop3A_337 {offsets = [2], sizes = [1], strides = [1]} : vector<16xf32> to vector<1xf32>
          %parallel_loop3A_403 = vector.extract %parallel_loop3A_402[0] : f32 from vector<1xf32>
          %parallel_loop3A_404 = arith.constant 0 : i32
          %parallel_loop3A_405 = arith.index_cast %parallel_loop3A_404 : i32 to index
          %parallel_loop3A_406 = arith.index_cast %parallel_loop3A_329 : i32 to index
          %parallel_loop3A_407 = arith.constant 64 : index
          %parallel_loop3A_408 = tpu.vector_load %arg15[%parallel_loop3A_405, %parallel_loop3A_406, %parallel_loop3A_407] {strides = array<i32>} : memref<3x80x128xf32, #tpu.memory_space<vmem>>, vector<16xf32>,
          %parallel_loop3A_409 = vector.broadcast %parallel_loop3A_403 : f32 to vector<16xf32>
          %parallel_loop3A_410 = arith.divf %parallel_loop3A_408, %parallel_loop3A_409 : vector<16xf32>
          %parallel_loop3A_411 = arith.constant 64 : index
          %parallel_loop3A_412 = tpu.vector_load %arg9[%parallel_loop3A_411] {strides = array<i32>} : memref<128xf32, #tpu.memory_space<vmem>>, vector<16xf32>,
          %parallel_loop3A_413 = arith.addf %parallel_loop3A_410, %parallel_loop3A_412 : vector<16xf32>
          %parallel_loop3A_414 = arith.constant 0 : i32
          %parallel_loop3A_415 = arith.index_cast %parallel_loop3A_414 : i32 to index
          %parallel_loop3A_416 = arith.index_cast %parallel_loop3A_329 : i32 to index
          %parallel_loop3A_417 = arith.constant 64 : index
          %parallel_loop3A_418 = tpu.vector_load %arg15[%parallel_loop3A_415, %parallel_loop3A_416, %parallel_loop3A_417] {strides = array<i32>} : memref<3x80x128xf32, #tpu.memory_space<vmem>>, vector<16xf32>,
          tpu.vector_store %arg15[%parallel_loop3A_415, %parallel_loop3A_416, %parallel_loop3A_417], %parallel_loop3A_413 {strides = array<i32>} : memref<3x80x128xf32, #tpu.memory_space<vmem>>, vector<16xf32>,
          %parallel_loop3A_419 = arith.constant 0 : i32
          %parallel_loop3A_420 = arith.index_cast %parallel_loop3A_419 : i32 to index
          %parallel_loop3A_421 = arith.index_cast %parallel_loop3A_329 : i32 to index
          %parallel_loop3A_422 = arith.constant 80 : index
          %parallel_loop3A_423 = tpu.vector_load %arg15[%parallel_loop3A_420, %parallel_loop3A_421, %parallel_loop3A_422] {strides = array<i32>} : memref<3x80x128xf32, #tpu.memory_space<vmem>>, vector<16xf32>,
          %parallel_loop3A_424 = vector.broadcast %parallel_loop3A_403 : f32 to vector<16xf32>
          %parallel_loop3A_425 = arith.divf %parallel_loop3A_423, %parallel_loop3A_424 : vector<16xf32>
          %parallel_loop3A_426 = arith.constant 80 : index
          %parallel_loop3A_427 = tpu.vector_load %arg9[%parallel_loop3A_426] {strides = array<i32>} : memref<128xf32, #tpu.memory_space<vmem>>, vector<16xf32>,
          %parallel_loop3A_428 = arith.addf %parallel_loop3A_425, %parallel_loop3A_427 : vector<16xf32>
          %parallel_loop3A_429 = arith.constant 0 : i32
          %parallel_loop3A_430 = arith.index_cast %parallel_loop3A_429 : i32 to index
          %parallel_loop3A_431 = arith.index_cast %parallel_loop3A_329 : i32 to index
          %parallel_loop3A_432 = arith.constant 80 : index
          %parallel_loop3A_433 = tpu.vector_load %arg15[%parallel_loop3A_430, %parallel_loop3A_431, %parallel_loop3A_432] {strides = array<i32>} : memref<3x80x128xf32, #tpu.memory_space<vmem>>, vector<16xf32>,
          tpu.vector_store %arg15[%parallel_loop3A_430, %parallel_loop3A_431, %parallel_loop3A_432], %parallel_loop3A_428 {strides = array<i32>} : memref<3x80x128xf32, #tpu.memory_space<vmem>>, vector<16xf32>,
          %parallel_loop3A_434 = vector.extract_strided_slice %parallel_loop3A_337 {offsets = [3], sizes = [1], strides = [1]} : vector<16xf32> to vector<1xf32>
          %parallel_loop3A_435 = vector.extract %parallel_loop3A_434[0] : f32 from vector<1xf32>
          %parallel_loop3A_436 = arith.constant 0 : i32
          %parallel_loop3A_437 = arith.index_cast %parallel_loop3A_436 : i32 to index
          %parallel_loop3A_438 = arith.index_cast %parallel_loop3A_329 : i32 to index
          %parallel_loop3A_439 = arith.constant 96 : index
          %parallel_loop3A_440 = tpu.vector_load %arg15[%parallel_loop3A_437, %parallel_loop3A_438, %parallel_loop3A_439] {strides = array<i32>} : memref<3x80x128xf32, #tpu.memory_space<vmem>>, vector<16xf32>,
          %parallel_loop3A_441 = vector.broadcast %parallel_loop3A_435 : f32 to vector<16xf32>
          %parallel_loop3A_442 = arith.divf %parallel_loop3A_440, %parallel_loop3A_441 : vector<16xf32>
          %parallel_loop3A_443 = arith.constant 96 : index
          %parallel_loop3A_444 = tpu.vector_load %arg9[%parallel_loop3A_443] {strides = array<i32>} : memref<128xf32, #tpu.memory_space<vmem>>, vector<16xf32>,
          %parallel_loop3A_445 = arith.addf %parallel_loop3A_442, %parallel_loop3A_444 : vector<16xf32>
          %parallel_loop3A_446 = arith.constant 0 : i32
          %parallel_loop3A_447 = arith.index_cast %parallel_loop3A_446 : i32 to index
          %parallel_loop3A_448 = arith.index_cast %parallel_loop3A_329 : i32 to index
          %parallel_loop3A_449 = arith.constant 96 : index
          %parallel_loop3A_450 = tpu.vector_load %arg15[%parallel_loop3A_447, %parallel_loop3A_448, %parallel_loop3A_449] {strides = array<i32>} : memref<3x80x128xf32, #tpu.memory_space<vmem>>, vector<16xf32>,
          tpu.vector_store %arg15[%parallel_loop3A_447, %parallel_loop3A_448, %parallel_loop3A_449], %parallel_loop3A_445 {strides = array<i32>} : memref<3x80x128xf32, #tpu.memory_space<vmem>>, vector<16xf32>,
          %parallel_loop3A_451 = arith.constant 0 : i32
          %parallel_loop3A_452 = arith.index_cast %parallel_loop3A_451 : i32 to index
          %parallel_loop3A_453 = arith.index_cast %parallel_loop3A_329 : i32 to index
          %parallel_loop3A_454 = arith.constant 112 : index
          %parallel_loop3A_455 = tpu.vector_load %arg15[%parallel_loop3A_452, %parallel_loop3A_453, %parallel_loop3A_454] {strides = array<i32>} : memref<3x80x128xf32, #tpu.memory_space<vmem>>, vector<16xf32>,
          %parallel_loop3A_456 = vector.broadcast %parallel_loop3A_435 : f32 to vector<16xf32>
          %parallel_loop3A_457 = arith.divf %parallel_loop3A_455, %parallel_loop3A_456 : vector<16xf32>
          %parallel_loop3A_458 = arith.constant 112 : index
          %parallel_loop3A_459 = tpu.vector_load %arg9[%parallel_loop3A_458] {strides = array<i32>} : memref<128xf32, #tpu.memory_space<vmem>>, vector<16xf32>,
          %parallel_loop3A_460 = arith.addf %parallel_loop3A_457, %parallel_loop3A_459 : vector<16xf32>
          %parallel_loop3A_461 = arith.constant 0 : i32
          %parallel_loop3A_462 = arith.index_cast %parallel_loop3A_461 : i32 to index
          %parallel_loop3A_463 = arith.index_cast %parallel_loop3A_329 : i32 to index
          %parallel_loop3A_464 = arith.constant 112 : index
          %parallel_loop3A_465 = tpu.vector_load %arg15[%parallel_loop3A_462, %parallel_loop3A_463, %parallel_loop3A_464] {strides = array<i32>} : memref<3x80x128xf32, #tpu.memory_space<vmem>>, vector<16xf32>,
          tpu.vector_store %arg15[%parallel_loop3A_462, %parallel_loop3A_463, %parallel_loop3A_464], %parallel_loop3A_460 {strides = array<i32>} : memref<3x80x128xf32, #tpu.memory_space<vmem>>, vector<16xf32>,
        } {sc.loop_unroll_factor = 4 : i64, sc.parallel_access}
        %mul3A_308 = arith.constant 16 : i32
        %mul3A_309 = arith.muli %mul3A_308, %add3A_241 : i32
        %add3A_310 = arith.addi %arg1, %mul3A_309 : i32
        %mul3A_311 = arith.constant 40 : i32
        %mul3A_312 = arith.muli %add3A_310, %mul3A_311 : i32
        %multiple_of3A_313 = tpu.assume_multiple %mul3A_312, 8 : i32
        %dma_start3A_314 = arith.constant 0 : i32
        %dma_start3A_315 = arith.constant 0 : i32
        %dma_start3A_316 = arith.constant 0 : i32
        %dma_start3A_317 = tpu.memref_slice %arg15[%dma_start3A_314, %dma_start3A_315, %dma_start3A_316] : memref<3x80x128xf32, #tpu.memory_space<vmem>> -> memref<1x40x128xf32, #tpu.memory_space<vmem>>
        %dma_start3A_318 = tpu.memref_squeeze %dma_start3A_317 : memref<1x40x128xf32, #tpu.memory_space<vmem>> -> memref<40x128xf32, #tpu.memory_space<vmem>>
        %dma_start3A_319 = arith.constant 0 : i32
        %dma_start3A_320 = tpu.memref_slice %arg8[%arg0, %multiple_of3A_313, %dma_start3A_319] : memref<2x10000x128xf32, #tpu.memory_space<hbm>> -> memref<1x40x128xf32, #tpu.memory_space<hbm>>
        %dma_start3A_321 = tpu.memref_squeeze %dma_start3A_320 : memref<1x40x128xf32, #tpu.memory_space<hbm>> -> memref<40x128xf32, #tpu.memory_space<hbm>>
        %dma_start3A_322 = arith.constant 0 : i32
        %dma_start3A_323 = tpu.memref_slice %arg8[%arg0, %multiple_of3A_313, %dma_start3A_322] : memref<2x10000x128xf32, #tpu.memory_space<hbm>> -> memref<1x40x128xf32, #tpu.memory_space<hbm>>
        %dma_start3A_324 = tpu.memref_squeeze %dma_start3A_323 : memref<1x40x128xf32, #tpu.memory_space<hbm>> -> memref<40x128xf32, #tpu.memory_space<hbm>>
        %dma_start3A_325 = arith.constant 0 : i32
        %dma_start3A_326 = arith.constant 0 : i32
        %dma_start3A_327 = tpu.memref_slice %arg15[%dma_start3A_314, %dma_start3A_325, %dma_start3A_326] : memref<3x80x128xf32, #tpu.memory_space<vmem>> -> memref<1x40x128xf32, #tpu.memory_space<vmem>>
        %dma_start3A_328 = tpu.memref_squeeze %dma_start3A_327 : memref<1x40x128xf32, #tpu.memory_space<vmem>> -> memref<40x128xf32, #tpu.memory_space<vmem>>
        tpu.enqueue_dma source(%dma_start3A_328 : memref<40x128xf32, #tpu.memory_space<vmem>>) target(%dma_start3A_324 : memref<40x128xf32, #tpu.memory_space<hbm>>) target_semaphore(%arg22 : memref<!tpu.dma_semaphore, #tpu.memory_space<semaphore_mem>>)
      } else {
      }
      %add3A_250 = arith.constant 1 : i32
      %add3A_251 = arith.addi %add3A_239, %add3A_250 : i32
      %mul3A_252 = arith.constant 16 : i32
      %mul3A_253 = arith.muli %mul3A_252, %add3A_251 : i32
      %add3A_254 = arith.addi %arg1, %mul3A_253 : i32
      %lt3A_255 = arith.constant 250 : i32
      %lt3A_256 = arith.cmpi slt, %add3A_254, %lt3A_255 : i32
      %convert_element_type3A_257 = arith.extui %lt3A_256 : i1 to i32
      %cond3A_258 = arith.constant 0 : i32
      %cond3A_259 = arith.cmpi ne, %convert_element_type3A_257, %cond3A_258 : i32
      scf.if %cond3A_259 {
        %ge3A = arith.constant 1 : i32
        %ge3A_260 = arith.cmpi sge, %add3A_251, %ge3A : i32
        %convert_element_type3A_261 = arith.extui %ge3A_260 : i1 to i32
        %cond3A_262 = arith.constant 0 : i32
        %cond3A_263 = arith.cmpi ne, %convert_element_type3A_261, %cond3A_262 : i32
        scf.if %cond3A_263 {
          %sub3A = arith.constant 1 : i32
          %sub3A_329 = arith.subi %add3A_251, %sub3A : i32
          %mul3A_330 = arith.constant 16 : i32
          %mul3A_331 = arith.muli %mul3A_330, %sub3A_329 : i32
          %add3A_332 = arith.addi %arg1, %mul3A_331 : i32
          %mul3A_333 = arith.constant 40 : i32
          %mul3A_334 = arith.muli %add3A_332, %mul3A_333 : i32
          %multiple_of3A_335 = tpu.assume_multiple %mul3A_334, 8 : i32
          %dma_wait3A_336 = arith.constant 0 : i32
          %dma_wait3A_337 = arith.constant 0 : i32
          %dma_wait3A_338 = arith.constant 0 : i32
          %dma_wait3A_339 = tpu.memref_slice %arg15[%dma_wait3A_336, %dma_wait3A_337, %dma_wait3A_338] : memref<3x80x128xf32, #tpu.memory_space<vmem>> -> memref<1x40x128xf32, #tpu.memory_space<vmem>>
          %dma_wait3A_340 = tpu.memref_squeeze %dma_wait3A_339 : memref<1x40x128xf32, #tpu.memory_space<vmem>> -> memref<40x128xf32, #tpu.memory_space<vmem>>
          %dma_wait3A_341 = arith.constant 0 : i32
          %dma_wait3A_342 = tpu.memref_slice %arg8[%arg0, %multiple_of3A_335, %dma_wait3A_341] : memref<2x10000x128xf32, #tpu.memory_space<hbm>> -> memref<1x40x128xf32, #tpu.memory_space<hbm>>
          %dma_wait3A_343 = tpu.memref_squeeze %dma_wait3A_342 : memref<1x40x128xf32, #tpu.memory_space<hbm>> -> memref<40x128xf32, #tpu.memory_space<hbm>>
          %dma_wait3A_344 = arith.constant 0 : i32
          %dma_wait3A_345 = tpu.memref_slice %arg8[%arg0, %multiple_of3A_335, %dma_wait3A_344] : memref<2x10000x128xf32, #tpu.memory_space<hbm>> -> memref<1x40x128xf32, #tpu.memory_space<hbm>>
          %dma_wait3A_346 = tpu.memref_squeeze %dma_wait3A_345 : memref<1x40x128xf32, #tpu.memory_space<hbm>> -> memref<40x128xf32, #tpu.memory_space<hbm>>
          %dma_wait3A_347 = arith.constant 0 : i32
          %dma_wait3A_348 = arith.constant 0 : i32
          %dma_wait3A_349 = tpu.memref_slice %arg15[%dma_wait3A_336, %dma_wait3A_347, %dma_wait3A_348] : memref<3x80x128xf32, #tpu.memory_space<vmem>> -> memref<1x40x128xf32, #tpu.memory_space<vmem>>
          %dma_wait3A_350 = tpu.memref_squeeze %dma_wait3A_349 : memref<1x40x128xf32, #tpu.memory_space<vmem>> -> memref<40x128xf32, #tpu.memory_space<vmem>>
          tpu.wait_dma2 semaphore(%arg22 : memref<!tpu.dma_semaphore, #tpu.memory_space<semaphore_mem>>) src(%dma_wait3A_350 : memref<40x128xf32, #tpu.memory_space<vmem>>) dst(%dma_wait3A_346 : memref<40x128xf32, #tpu.memory_space<hbm>>)
        } else {
        }
        %add3A_264 = arith.constant 1 : i32
        %add3A_265 = arith.addi %add3A_251, %add3A_264 : i32
        %mul3A_266 = arith.constant 16 : i32
        %mul3A_267 = arith.muli %mul3A_266, %add3A_265 : i32
        %add3A_268 = arith.addi %arg1, %mul3A_267 : i32
        %lt3A_269 = arith.constant 250 : i32
        %lt3A_270 = arith.cmpi slt, %add3A_268, %lt3A_269 : i32
        %convert_element_type3A_271 = arith.extui %lt3A_270 : i1 to i32
        %cond3A_272 = arith.constant 0 : i32
        %cond3A_273 = arith.cmpi ne, %convert_element_type3A_271, %cond3A_272 : i32
        scf.if %cond3A_273 {
          %add3A_329 = arith.constant 1 : i32
          %add3A_330 = arith.addi %add3A_251, %add3A_329 : i32
          %mul3A_331 = arith.constant 16 : i32
          %mul3A_332 = arith.muli %mul3A_331, %add3A_330 : i32
          %add3A_333 = arith.addi %arg1, %mul3A_332 : i32
          %mul3A_334 = arith.constant 40 : i32
          %mul3A_335 = arith.muli %add3A_333, %mul3A_334 : i32
          %multiple_of3A_336 = tpu.assume_multiple %mul3A_335, 8 : i32
          %dma_start3A_337 = arith.constant 0 : i32
          %dma_start3A_338 = arith.constant 0 : i32
          %dma_start3A_339 = arith.constant 0 : i32
          %dma_start3A_340 = tpu.memref_slice %arg15[%dma_start3A_337, %dma_start3A_338, %dma_start3A_339] : memref<3x80x128xf32, #tpu.memory_space<vmem>> -> memref<1x40x128xf32, #tpu.memory_space<vmem>>
          %dma_start3A_341 = tpu.memref_squeeze %dma_start3A_340 : memref<1x40x128xf32, #tpu.memory_space<vmem>> -> memref<40x128xf32, #tpu.memory_space<vmem>>
          %dma_start3A_342 = arith.constant 0 : i32
          %dma_start3A_343 = tpu.memref_slice %arg17[%multiple_of3A_336, %dma_start3A_342] : memref<10000x128xf32, #tpu.memory_space<vmem_shared>> -> memref<40x128xf32, #tpu.memory_space<vmem_shared>>
          %dma_start3A_344 = arith.constant 0 : i32
          %dma_start3A_345 = arith.constant 0 : i32
          %dma_start3A_346 = tpu.memref_slice %arg15[%dma_start3A_337, %dma_start3A_344, %dma_start3A_345] : memref<3x80x128xf32, #tpu.memory_space<vmem>> -> memref<1x40x128xf32, #tpu.memory_space<vmem>>
          %dma_start3A_347 = tpu.memref_squeeze %dma_start3A_346 : memref<1x40x128xf32, #tpu.memory_space<vmem>> -> memref<40x128xf32, #tpu.memory_space<vmem>>
          %dma_start3A_348 = arith.constant 0 : i32
          %dma_start3A_349 = tpu.memref_slice %arg17[%multiple_of3A_336, %dma_start3A_348] : memref<10000x128xf32, #tpu.memory_space<vmem_shared>> -> memref<40x128xf32, #tpu.memory_space<vmem_shared>>
          tpu.enqueue_dma source(%dma_start3A_349 : memref<40x128xf32, #tpu.memory_space<vmem_shared>>) target(%dma_start3A_347 : memref<40x128xf32, #tpu.memory_space<vmem>>) target_semaphore(%arg19 : memref<!tpu.dma_semaphore, #tpu.memory_space<semaphore_mem>>)
          %dma_start3A_350 = arith.constant 0 : i32
          %dma_start3A_351 = arith.constant 0 : i32
          %dma_start3A_352 = arith.constant 0 : i32
          %dma_start3A_353 = tpu.memref_slice %arg16[%dma_start3A_350, %dma_start3A_351, %dma_start3A_352] : memref<3x80x16xf32, #tpu.memory_space<vmem>> -> memref<1x40x16xf32, #tpu.memory_space<vmem>>
          %dma_start3A_354 = tpu.memref_squeeze %dma_start3A_353 : memref<1x40x16xf32, #tpu.memory_space<vmem>> -> memref<40x16xf32, #tpu.memory_space<vmem>>
          %dma_start3A_355 = arith.constant 0 : i32
          %dma_start3A_356 = tpu.memref_slice %arg18[%multiple_of3A_336, %dma_start3A_355] : memref<10000x16xf32, #tpu.memory_space<vmem_shared>> -> memref<40x16xf32, #tpu.memory_space<vmem_shared>>
          %dma_start3A_357 = arith.constant 0 : i32
          %dma_start3A_358 = arith.constant 0 : i32
          %dma_start3A_359 = tpu.memref_slice %arg16[%dma_start3A_350, %dma_start3A_357, %dma_start3A_358] : memref<3x80x16xf32, #tpu.memory_space<vmem>> -> memref<1x40x16xf32, #tpu.memory_space<vmem>>
          %dma_start3A_360 = tpu.memref_squeeze %dma_start3A_359 : memref<1x40x16xf32, #tpu.memory_space<vmem>> -> memref<40x16xf32, #tpu.memory_space<vmem>>
          %dma_start3A_361 = arith.constant 0 : i32
          %dma_start3A_362 = tpu.memref_slice %arg18[%multiple_of3A_336, %dma_start3A_361] : memref<10000x16xf32, #tpu.memory_space<vmem_shared>> -> memref<40x16xf32, #tpu.memory_space<vmem_shared>>
          tpu.enqueue_dma source(%dma_start3A_362 : memref<40x16xf32, #tpu.memory_space<vmem_shared>>) target(%dma_start3A_360 : memref<40x16xf32, #tpu.memory_space<vmem>>) target_semaphore(%arg19 : memref<!tpu.dma_semaphore, #tpu.memory_space<semaphore_mem>>)
        } else {
        }
        %mul3A_274 = arith.constant 16 : i32
        %mul3A_275 = arith.muli %mul3A_274, %add3A_251 : i32
        %add3A_276 = arith.addi %arg1, %mul3A_275 : i32
        %mul3A_277 = arith.constant 40 : i32
        %mul3A_278 = arith.muli %add3A_276, %mul3A_277 : i32
        %multiple_of3A_279 = tpu.assume_multiple %mul3A_278, 8 : i32
        %dma_wait3A_280 = arith.constant 1 : i32
        %dma_wait3A_281 = arith.constant 0 : i32
        %dma_wait3A_282 = arith.constant 0 : i32
        %dma_wait3A_283 = tpu.memref_slice %arg15[%dma_wait3A_280, %dma_wait3A_281, %dma_wait3A_282] : memref<3x80x128xf32, #tpu.memory_space<vmem>> -> memref<1x40x128xf32, #tpu.memory_space<vmem>>
        %dma_wait3A_284 = tpu.memref_squeeze %dma_wait3A_283 : memref<1x40x128xf32, #tpu.memory_space<vmem>> -> memref<40x128xf32, #tpu.memory_space<vmem>>
        %dma_wait3A_285 = arith.constant 0 : i32
        %dma_wait3A_286 = tpu.memref_slice %arg17[%multiple_of3A_279, %dma_wait3A_285] : memref<10000x128xf32, #tpu.memory_space<vmem_shared>> -> memref<40x128xf32, #tpu.memory_space<vmem_shared>>
        %dma_wait3A_287 = arith.constant 0 : i32
        %dma_wait3A_288 = arith.constant 0 : i32
        %dma_wait3A_289 = tpu.memref_slice %arg15[%dma_wait3A_280, %dma_wait3A_287, %dma_wait3A_288] : memref<3x80x128xf32, #tpu.memory_space<vmem>> -> memref<1x40x128xf32, #tpu.memory_space<vmem>>
        %dma_wait3A_290 = tpu.memref_squeeze %dma_wait3A_289 : memref<1x40x128xf32, #tpu.memory_space<vmem>> -> memref<40x128xf32, #tpu.memory_space<vmem>>
        %dma_wait3A_291 = arith.constant 0 : i32
        %dma_wait3A_292 = tpu.memref_slice %arg17[%multiple_of3A_279, %dma_wait3A_291] : memref<10000x128xf32, #tpu.memory_space<vmem_shared>> -> memref<40x128xf32, #tpu.memory_space<vmem_shared>>
        tpu.wait_dma2 semaphore(%arg20 : memref<!tpu.dma_semaphore, #tpu.memory_space<semaphore_mem>>) src(%dma_wait3A_292 : memref<40x128xf32, #tpu.memory_space<vmem_shared>>) dst(%dma_wait3A_290 : memref<40x128xf32, #tpu.memory_space<vmem>>)
        %dma_wait3A_293 = arith.constant 1 : i32
        %dma_wait3A_294 = arith.constant 0 : i32
        %dma_wait3A_295 = arith.constant 0 : i32
        %dma_wait3A_296 = tpu.memref_slice %arg16[%dma_wait3A_293, %dma_wait3A_294, %dma_wait3A_295] : memref<3x80x16xf32, #tpu.memory_space<vmem>> -> memref<1x40x16xf32, #tpu.memory_space<vmem>>
        %dma_wait3A_297 = tpu.memref_squeeze %dma_wait3A_296 : memref<1x40x16xf32, #tpu.memory_space<vmem>> -> memref<40x16xf32, #tpu.memory_space<vmem>>
        %dma_wait3A_298 = arith.constant 0 : i32
        %dma_wait3A_299 = tpu.memref_slice %arg18[%multiple_of3A_279, %dma_wait3A_298] : memref<10000x16xf32, #tpu.memory_space<vmem_shared>> -> memref<40x16xf32, #tpu.memory_space<vmem_shared>>
        %dma_wait3A_300 = arith.constant 0 : i32
        %dma_wait3A_301 = arith.constant 0 : i32
        %dma_wait3A_302 = tpu.memref_slice %arg16[%dma_wait3A_293, %dma_wait3A_300, %dma_wait3A_301] : memref<3x80x16xf32, #tpu.memory_space<vmem>> -> memref<1x40x16xf32, #tpu.memory_space<vmem>>
        %dma_wait3A_303 = tpu.memref_squeeze %dma_wait3A_302 : memref<1x40x16xf32, #tpu.memory_space<vmem>> -> memref<40x16xf32, #tpu.memory_space<vmem>>
        %dma_wait3A_304 = arith.constant 0 : i32
        %dma_wait3A_305 = tpu.memref_slice %arg18[%multiple_of3A_279, %dma_wait3A_304] : memref<10000x16xf32, #tpu.memory_space<vmem_shared>> -> memref<40x16xf32, #tpu.memory_space<vmem_shared>>
        tpu.wait_dma2 semaphore(%arg20 : memref<!tpu.dma_semaphore, #tpu.memory_space<semaphore_mem>>) src(%dma_wait3A_305 : memref<40x16xf32, #tpu.memory_space<vmem_shared>>) dst(%dma_wait3A_303 : memref<40x16xf32, #tpu.memory_space<vmem>>)
        %parallel_loop3A = arith.constant 0 : i32
        %parallel_loop3A_306 = arith.constant 40 : i32
        %parallel_loop3A_307 = arith.constant 1 : i32
        scf.for %parallel_loop3A_329 = %parallel_loop3A to %parallel_loop3A_306 step %parallel_loop3A_307  : i32 {
          %parallel_loop3A_330 = arith.constant 1 : i32
          %parallel_loop3A_331 = arith.index_cast %parallel_loop3A_330 : i32 to index
          %parallel_loop3A_332 = arith.index_cast %parallel_loop3A_329 : i32 to index
          %parallel_loop3A_333 = arith.constant 0 : index
          %parallel_loop3A_334 = tpu.vector_load %arg16[%parallel_loop3A_331, %parallel_loop3A_332, %parallel_loop3A_333] {strides = array<i32>} : memref<3x80x16xf32, #tpu.memory_space<vmem>>, vector<16xf32>,
          %parallel_loop3A_335 = arith.constant 1.000000e-30 : f32
          %parallel_loop3A_336 = vector.broadcast %parallel_loop3A_335 : f32 to vector<16xf32>
          %parallel_loop3A_337 = arith.maximumf %parallel_loop3A_334, %parallel_loop3A_336 : vector<16xf32>
          %parallel_loop3A_338 = vector.extract_strided_slice %parallel_loop3A_337 {offsets = [0], sizes = [1], strides = [1]} : vector<16xf32> to vector<1xf32>
          %parallel_loop3A_339 = vector.extract %parallel_loop3A_338[0] : f32 from vector<1xf32>
          %parallel_loop3A_340 = arith.constant 1 : i32
          %parallel_loop3A_341 = arith.index_cast %parallel_loop3A_340 : i32 to index
          %parallel_loop3A_342 = arith.index_cast %parallel_loop3A_329 : i32 to index
          %parallel_loop3A_343 = arith.constant 0 : index
          %parallel_loop3A_344 = tpu.vector_load %arg15[%parallel_loop3A_341, %parallel_loop3A_342, %parallel_loop3A_343] {strides = array<i32>} : memref<3x80x128xf32, #tpu.memory_space<vmem>>, vector<16xf32>,
          %parallel_loop3A_345 = vector.broadcast %parallel_loop3A_339 : f32 to vector<16xf32>
          %parallel_loop3A_346 = arith.divf %parallel_loop3A_344, %parallel_loop3A_345 : vector<16xf32>
          %parallel_loop3A_347 = arith.constant 0 : index
          %parallel_loop3A_348 = tpu.vector_load %arg9[%parallel_loop3A_347] {strides = array<i32>} : memref<128xf32, #tpu.memory_space<vmem>>, vector<16xf32>,
          %parallel_loop3A_349 = arith.addf %parallel_loop3A_346, %parallel_loop3A_348 : vector<16xf32>
          %parallel_loop3A_350 = arith.constant 1 : i32
          %parallel_loop3A_351 = arith.index_cast %parallel_loop3A_350 : i32 to index
          %parallel_loop3A_352 = arith.index_cast %parallel_loop3A_329 : i32 to index
          %parallel_loop3A_353 = arith.constant 0 : index
          %parallel_loop3A_354 = tpu.vector_load %arg15[%parallel_loop3A_351, %parallel_loop3A_352, %parallel_loop3A_353] {strides = array<i32>} : memref<3x80x128xf32, #tpu.memory_space<vmem>>, vector<16xf32>,
          tpu.vector_store %arg15[%parallel_loop3A_351, %parallel_loop3A_352, %parallel_loop3A_353], %parallel_loop3A_349 {strides = array<i32>} : memref<3x80x128xf32, #tpu.memory_space<vmem>>, vector<16xf32>,
          %parallel_loop3A_355 = arith.constant 1 : i32
          %parallel_loop3A_356 = arith.index_cast %parallel_loop3A_355 : i32 to index
          %parallel_loop3A_357 = arith.index_cast %parallel_loop3A_329 : i32 to index
          %parallel_loop3A_358 = arith.constant 16 : index
          %parallel_loop3A_359 = tpu.vector_load %arg15[%parallel_loop3A_356, %parallel_loop3A_357, %parallel_loop3A_358] {strides = array<i32>} : memref<3x80x128xf32, #tpu.memory_space<vmem>>, vector<16xf32>,
          %parallel_loop3A_360 = vector.broadcast %parallel_loop3A_339 : f32 to vector<16xf32>
          %parallel_loop3A_361 = arith.divf %parallel_loop3A_359, %parallel_loop3A_360 : vector<16xf32>
          %parallel_loop3A_362 = arith.constant 16 : index
          %parallel_loop3A_363 = tpu.vector_load %arg9[%parallel_loop3A_362] {strides = array<i32>} : memref<128xf32, #tpu.memory_space<vmem>>, vector<16xf32>,
          %parallel_loop3A_364 = arith.addf %parallel_loop3A_361, %parallel_loop3A_363 : vector<16xf32>
          %parallel_loop3A_365 = arith.constant 1 : i32
          %parallel_loop3A_366 = arith.index_cast %parallel_loop3A_365 : i32 to index
          %parallel_loop3A_367 = arith.index_cast %parallel_loop3A_329 : i32 to index
          %parallel_loop3A_368 = arith.constant 16 : index
          %parallel_loop3A_369 = tpu.vector_load %arg15[%parallel_loop3A_366, %parallel_loop3A_367, %parallel_loop3A_368] {strides = array<i32>} : memref<3x80x128xf32, #tpu.memory_space<vmem>>, vector<16xf32>,
          tpu.vector_store %arg15[%parallel_loop3A_366, %parallel_loop3A_367, %parallel_loop3A_368], %parallel_loop3A_364 {strides = array<i32>} : memref<3x80x128xf32, #tpu.memory_space<vmem>>, vector<16xf32>,
          %parallel_loop3A_370 = vector.extract_strided_slice %parallel_loop3A_337 {offsets = [1], sizes = [1], strides = [1]} : vector<16xf32> to vector<1xf32>
          %parallel_loop3A_371 = vector.extract %parallel_loop3A_370[0] : f32 from vector<1xf32>
          %parallel_loop3A_372 = arith.constant 1 : i32
          %parallel_loop3A_373 = arith.index_cast %parallel_loop3A_372 : i32 to index
          %parallel_loop3A_374 = arith.index_cast %parallel_loop3A_329 : i32 to index
          %parallel_loop3A_375 = arith.constant 32 : index
          %parallel_loop3A_376 = tpu.vector_load %arg15[%parallel_loop3A_373, %parallel_loop3A_374, %parallel_loop3A_375] {strides = array<i32>} : memref<3x80x128xf32, #tpu.memory_space<vmem>>, vector<16xf32>,
          %parallel_loop3A_377 = vector.broadcast %parallel_loop3A_371 : f32 to vector<16xf32>
          %parallel_loop3A_378 = arith.divf %parallel_loop3A_376, %parallel_loop3A_377 : vector<16xf32>
          %parallel_loop3A_379 = arith.constant 32 : index
          %parallel_loop3A_380 = tpu.vector_load %arg9[%parallel_loop3A_379] {strides = array<i32>} : memref<128xf32, #tpu.memory_space<vmem>>, vector<16xf32>,
          %parallel_loop3A_381 = arith.addf %parallel_loop3A_378, %parallel_loop3A_380 : vector<16xf32>
          %parallel_loop3A_382 = arith.constant 1 : i32
          %parallel_loop3A_383 = arith.index_cast %parallel_loop3A_382 : i32 to index
          %parallel_loop3A_384 = arith.index_cast %parallel_loop3A_329 : i32 to index
          %parallel_loop3A_385 = arith.constant 32 : index
          %parallel_loop3A_386 = tpu.vector_load %arg15[%parallel_loop3A_383, %parallel_loop3A_384, %parallel_loop3A_385] {strides = array<i32>} : memref<3x80x128xf32, #tpu.memory_space<vmem>>, vector<16xf32>,
          tpu.vector_store %arg15[%parallel_loop3A_383, %parallel_loop3A_384, %parallel_loop3A_385], %parallel_loop3A_381 {strides = array<i32>} : memref<3x80x128xf32, #tpu.memory_space<vmem>>, vector<16xf32>,
          %parallel_loop3A_387 = arith.constant 1 : i32
          %parallel_loop3A_388 = arith.index_cast %parallel_loop3A_387 : i32 to index
          %parallel_loop3A_389 = arith.index_cast %parallel_loop3A_329 : i32 to index
          %parallel_loop3A_390 = arith.constant 48 : index
          %parallel_loop3A_391 = tpu.vector_load %arg15[%parallel_loop3A_388, %parallel_loop3A_389, %parallel_loop3A_390] {strides = array<i32>} : memref<3x80x128xf32, #tpu.memory_space<vmem>>, vector<16xf32>,
          %parallel_loop3A_392 = vector.broadcast %parallel_loop3A_371 : f32 to vector<16xf32>
          %parallel_loop3A_393 = arith.divf %parallel_loop3A_391, %parallel_loop3A_392 : vector<16xf32>
          %parallel_loop3A_394 = arith.constant 48 : index
          %parallel_loop3A_395 = tpu.vector_load %arg9[%parallel_loop3A_394] {strides = array<i32>} : memref<128xf32, #tpu.memory_space<vmem>>, vector<16xf32>,
          %parallel_loop3A_396 = arith.addf %parallel_loop3A_393, %parallel_loop3A_395 : vector<16xf32>
          %parallel_loop3A_397 = arith.constant 1 : i32
          %parallel_loop3A_398 = arith.index_cast %parallel_loop3A_397 : i32 to index
          %parallel_loop3A_399 = arith.index_cast %parallel_loop3A_329 : i32 to index
          %parallel_loop3A_400 = arith.constant 48 : index
          %parallel_loop3A_401 = tpu.vector_load %arg15[%parallel_loop3A_398, %parallel_loop3A_399, %parallel_loop3A_400] {strides = array<i32>} : memref<3x80x128xf32, #tpu.memory_space<vmem>>, vector<16xf32>,
          tpu.vector_store %arg15[%parallel_loop3A_398, %parallel_loop3A_399, %parallel_loop3A_400], %parallel_loop3A_396 {strides = array<i32>} : memref<3x80x128xf32, #tpu.memory_space<vmem>>, vector<16xf32>,
          %parallel_loop3A_402 = vector.extract_strided_slice %parallel_loop3A_337 {offsets = [2], sizes = [1], strides = [1]} : vector<16xf32> to vector<1xf32>
          %parallel_loop3A_403 = vector.extract %parallel_loop3A_402[0] : f32 from vector<1xf32>
          %parallel_loop3A_404 = arith.constant 1 : i32
          %parallel_loop3A_405 = arith.index_cast %parallel_loop3A_404 : i32 to index
          %parallel_loop3A_406 = arith.index_cast %parallel_loop3A_329 : i32 to index
          %parallel_loop3A_407 = arith.constant 64 : index
          %parallel_loop3A_408 = tpu.vector_load %arg15[%parallel_loop3A_405, %parallel_loop3A_406, %parallel_loop3A_407] {strides = array<i32>} : memref<3x80x128xf32, #tpu.memory_space<vmem>>, vector<16xf32>,
          %parallel_loop3A_409 = vector.broadcast %parallel_loop3A_403 : f32 to vector<16xf32>
          %parallel_loop3A_410 = arith.divf %parallel_loop3A_408, %parallel_loop3A_409 : vector<16xf32>
          %parallel_loop3A_411 = arith.constant 64 : index
          %parallel_loop3A_412 = tpu.vector_load %arg9[%parallel_loop3A_411] {strides = array<i32>} : memref<128xf32, #tpu.memory_space<vmem>>, vector<16xf32>,
          %parallel_loop3A_413 = arith.addf %parallel_loop3A_410, %parallel_loop3A_412 : vector<16xf32>
          %parallel_loop3A_414 = arith.constant 1 : i32
          %parallel_loop3A_415 = arith.index_cast %parallel_loop3A_414 : i32 to index
          %parallel_loop3A_416 = arith.index_cast %parallel_loop3A_329 : i32 to index
          %parallel_loop3A_417 = arith.constant 64 : index
          %parallel_loop3A_418 = tpu.vector_load %arg15[%parallel_loop3A_415, %parallel_loop3A_416, %parallel_loop3A_417] {strides = array<i32>} : memref<3x80x128xf32, #tpu.memory_space<vmem>>, vector<16xf32>,
          tpu.vector_store %arg15[%parallel_loop3A_415, %parallel_loop3A_416, %parallel_loop3A_417], %parallel_loop3A_413 {strides = array<i32>} : memref<3x80x128xf32, #tpu.memory_space<vmem>>, vector<16xf32>,
          %parallel_loop3A_419 = arith.constant 1 : i32
          %parallel_loop3A_420 = arith.index_cast %parallel_loop3A_419 : i32 to index
          %parallel_loop3A_421 = arith.index_cast %parallel_loop3A_329 : i32 to index
          %parallel_loop3A_422 = arith.constant 80 : index
          %parallel_loop3A_423 = tpu.vector_load %arg15[%parallel_loop3A_420, %parallel_loop3A_421, %parallel_loop3A_422] {strides = array<i32>} : memref<3x80x128xf32, #tpu.memory_space<vmem>>, vector<16xf32>,
          %parallel_loop3A_424 = vector.broadcast %parallel_loop3A_403 : f32 to vector<16xf32>
          %parallel_loop3A_425 = arith.divf %parallel_loop3A_423, %parallel_loop3A_424 : vector<16xf32>
          %parallel_loop3A_426 = arith.constant 80 : index
          %parallel_loop3A_427 = tpu.vector_load %arg9[%parallel_loop3A_426] {strides = array<i32>} : memref<128xf32, #tpu.memory_space<vmem>>, vector<16xf32>,
          %parallel_loop3A_428 = arith.addf %parallel_loop3A_425, %parallel_loop3A_427 : vector<16xf32>
          %parallel_loop3A_429 = arith.constant 1 : i32
          %parallel_loop3A_430 = arith.index_cast %parallel_loop3A_429 : i32 to index
          %parallel_loop3A_431 = arith.index_cast %parallel_loop3A_329 : i32 to index
          %parallel_loop3A_432 = arith.constant 80 : index
          %parallel_loop3A_433 = tpu.vector_load %arg15[%parallel_loop3A_430, %parallel_loop3A_431, %parallel_loop3A_432] {strides = array<i32>} : memref<3x80x128xf32, #tpu.memory_space<vmem>>, vector<16xf32>,
          tpu.vector_store %arg15[%parallel_loop3A_430, %parallel_loop3A_431, %parallel_loop3A_432], %parallel_loop3A_428 {strides = array<i32>} : memref<3x80x128xf32, #tpu.memory_space<vmem>>, vector<16xf32>,
          %parallel_loop3A_434 = vector.extract_strided_slice %parallel_loop3A_337 {offsets = [3], sizes = [1], strides = [1]} : vector<16xf32> to vector<1xf32>
          %parallel_loop3A_435 = vector.extract %parallel_loop3A_434[0] : f32 from vector<1xf32>
          %parallel_loop3A_436 = arith.constant 1 : i32
          %parallel_loop3A_437 = arith.index_cast %parallel_loop3A_436 : i32 to index
          %parallel_loop3A_438 = arith.index_cast %parallel_loop3A_329 : i32 to index
          %parallel_loop3A_439 = arith.constant 96 : index
          %parallel_loop3A_440 = tpu.vector_load %arg15[%parallel_loop3A_437, %parallel_loop3A_438, %parallel_loop3A_439] {strides = array<i32>} : memref<3x80x128xf32, #tpu.memory_space<vmem>>, vector<16xf32>,
          %parallel_loop3A_441 = vector.broadcast %parallel_loop3A_435 : f32 to vector<16xf32>
          %parallel_loop3A_442 = arith.divf %parallel_loop3A_440, %parallel_loop3A_441 : vector<16xf32>
          %parallel_loop3A_443 = arith.constant 96 : index
          %parallel_loop3A_444 = tpu.vector_load %arg9[%parallel_loop3A_443] {strides = array<i32>} : memref<128xf32, #tpu.memory_space<vmem>>, vector<16xf32>,
          %parallel_loop3A_445 = arith.addf %parallel_loop3A_442, %parallel_loop3A_444 : vector<16xf32>
          %parallel_loop3A_446 = arith.constant 1 : i32
          %parallel_loop3A_447 = arith.index_cast %parallel_loop3A_446 : i32 to index
          %parallel_loop3A_448 = arith.index_cast %parallel_loop3A_329 : i32 to index
          %parallel_loop3A_449 = arith.constant 96 : index
          %parallel_loop3A_450 = tpu.vector_load %arg15[%parallel_loop3A_447, %parallel_loop3A_448, %parallel_loop3A_449] {strides = array<i32>} : memref<3x80x128xf32, #tpu.memory_space<vmem>>, vector<16xf32>,
          tpu.vector_store %arg15[%parallel_loop3A_447, %parallel_loop3A_448, %parallel_loop3A_449], %parallel_loop3A_445 {strides = array<i32>} : memref<3x80x128xf32, #tpu.memory_space<vmem>>, vector<16xf32>,
          %parallel_loop3A_451 = arith.constant 1 : i32
          %parallel_loop3A_452 = arith.index_cast %parallel_loop3A_451 : i32 to index
          %parallel_loop3A_453 = arith.index_cast %parallel_loop3A_329 : i32 to index
          %parallel_loop3A_454 = arith.constant 112 : index
          %parallel_loop3A_455 = tpu.vector_load %arg15[%parallel_loop3A_452, %parallel_loop3A_453, %parallel_loop3A_454] {strides = array<i32>} : memref<3x80x128xf32, #tpu.memory_space<vmem>>, vector<16xf32>,
          %parallel_loop3A_456 = vector.broadcast %parallel_loop3A_435 : f32 to vector<16xf32>
          %parallel_loop3A_457 = arith.divf %parallel_loop3A_455, %parallel_loop3A_456 : vector<16xf32>
          %parallel_loop3A_458 = arith.constant 112 : index
          %parallel_loop3A_459 = tpu.vector_load %arg9[%parallel_loop3A_458] {strides = array<i32>} : memref<128xf32, #tpu.memory_space<vmem>>, vector<16xf32>,
          %parallel_loop3A_460 = arith.addf %parallel_loop3A_457, %parallel_loop3A_459 : vector<16xf32>
          %parallel_loop3A_461 = arith.constant 1 : i32
          %parallel_loop3A_462 = arith.index_cast %parallel_loop3A_461 : i32 to index
          %parallel_loop3A_463 = arith.index_cast %parallel_loop3A_329 : i32 to index
          %parallel_loop3A_464 = arith.constant 112 : index
          %parallel_loop3A_465 = tpu.vector_load %arg15[%parallel_loop3A_462, %parallel_loop3A_463, %parallel_loop3A_464] {strides = array<i32>} : memref<3x80x128xf32, #tpu.memory_space<vmem>>, vector<16xf32>,
          tpu.vector_store %arg15[%parallel_loop3A_462, %parallel_loop3A_463, %parallel_loop3A_464], %parallel_loop3A_460 {strides = array<i32>} : memref<3x80x128xf32, #tpu.memory_space<vmem>>, vector<16xf32>,
        } {sc.loop_unroll_factor = 4 : i64, sc.parallel_access}
        %mul3A_308 = arith.constant 16 : i32
        %mul3A_309 = arith.muli %mul3A_308, %add3A_251 : i32
        %add3A_310 = arith.addi %arg1, %mul3A_309 : i32
        %mul3A_311 = arith.constant 40 : i32
        %mul3A_312 = arith.muli %add3A_310, %mul3A_311 : i32
        %multiple_of3A_313 = tpu.assume_multiple %mul3A_312, 8 : i32
        %dma_start3A_314 = arith.constant 1 : i32
        %dma_start3A_315 = arith.constant 0 : i32
        %dma_start3A_316 = arith.constant 0 : i32
        %dma_start3A_317 = tpu.memref_slice %arg15[%dma_start3A_314, %dma_start3A_315, %dma_start3A_316] : memref<3x80x128xf32, #tpu.memory_space<vmem>> -> memref<1x40x128xf32, #tpu.memory_space<vmem>>
        %dma_start3A_318 = tpu.memref_squeeze %dma_start3A_317 : memref<1x40x128xf32, #tpu.memory_space<vmem>> -> memref<40x128xf32, #tpu.memory_space<vmem>>
        %dma_start3A_319 = arith.constant 0 : i32
        %dma_start3A_320 = tpu.memref_slice %arg8[%arg0, %multiple_of3A_313, %dma_start3A_319] : memref<2x10000x128xf32, #tpu.memory_space<hbm>> -> memref<1x40x128xf32, #tpu.memory_space<hbm>>
        %dma_start3A_321 = tpu.memref_squeeze %dma_start3A_320 : memref<1x40x128xf32, #tpu.memory_space<hbm>> -> memref<40x128xf32, #tpu.memory_space<hbm>>
        %dma_start3A_322 = arith.constant 0 : i32
        %dma_start3A_323 = tpu.memref_slice %arg8[%arg0, %multiple_of3A_313, %dma_start3A_322] : memref<2x10000x128xf32, #tpu.memory_space<hbm>> -> memref<1x40x128xf32, #tpu.memory_space<hbm>>
        %dma_start3A_324 = tpu.memref_squeeze %dma_start3A_323 : memref<1x40x128xf32, #tpu.memory_space<hbm>> -> memref<40x128xf32, #tpu.memory_space<hbm>>
        %dma_start3A_325 = arith.constant 0 : i32
        %dma_start3A_326 = arith.constant 0 : i32
        %dma_start3A_327 = tpu.memref_slice %arg15[%dma_start3A_314, %dma_start3A_325, %dma_start3A_326] : memref<3x80x128xf32, #tpu.memory_space<vmem>> -> memref<1x40x128xf32, #tpu.memory_space<vmem>>
        %dma_start3A_328 = tpu.memref_squeeze %dma_start3A_327 : memref<1x40x128xf32, #tpu.memory_space<vmem>> -> memref<40x128xf32, #tpu.memory_space<vmem>>
        tpu.enqueue_dma source(%dma_start3A_328 : memref<40x128xf32, #tpu.memory_space<vmem>>) target(%dma_start3A_324 : memref<40x128xf32, #tpu.memory_space<hbm>>) target_semaphore(%arg23 : memref<!tpu.dma_semaphore, #tpu.memory_space<semaphore_mem>>)
      } else {
      }
    }
    %scan3A_226 = arith.constant 8 : i32
    %add3A_227 = arith.constant 240 : i32
    %add3A_228 = arith.addi %arg1, %add3A_227 : i32
    %lt3A = arith.constant 250 : i32
    %lt3A_229 = arith.cmpi slt, %add3A_228, %lt3A : i32
    %convert_element_type3A = arith.extui %lt3A_229 : i1 to i32
    %cond3A = arith.constant 0 : i32
    %cond3A_230 = arith.cmpi ne, %convert_element_type3A, %cond3A : i32
    scf.if %cond3A_230 {
      %add3A_235 = arith.constant 240 : i32
      %add3A_236 = arith.addi %arg1, %add3A_235 : i32
      %mul3A_237 = arith.constant 40 : i32
      %mul3A_238 = arith.muli %add3A_236, %mul3A_237 : i32
      %multiple_of3A_239 = tpu.assume_multiple %mul3A_238, 8 : i32
      %dma_wait3A_240 = arith.constant 1 : i32
      %dma_wait3A_241 = arith.constant 0 : i32
      %dma_wait3A_242 = arith.constant 0 : i32
      %dma_wait3A_243 = tpu.memref_slice %arg15[%dma_wait3A_240, %dma_wait3A_241, %dma_wait3A_242] : memref<3x80x128xf32, #tpu.memory_space<vmem>> -> memref<1x40x128xf32, #tpu.memory_space<vmem>>
      %dma_wait3A_244 = tpu.memref_squeeze %dma_wait3A_243 : memref<1x40x128xf32, #tpu.memory_space<vmem>> -> memref<40x128xf32, #tpu.memory_space<vmem>>
      %dma_wait3A_245 = arith.constant 0 : i32
      %dma_wait3A_246 = tpu.memref_slice %arg8[%arg0, %multiple_of3A_239, %dma_wait3A_245] : memref<2x10000x128xf32, #tpu.memory_space<hbm>> -> memref<1x40x128xf32, #tpu.memory_space<hbm>>
      %dma_wait3A_247 = tpu.memref_squeeze %dma_wait3A_246 : memref<1x40x128xf32, #tpu.memory_space<hbm>> -> memref<40x128xf32, #tpu.memory_space<hbm>>
      %dma_wait3A_248 = arith.constant 0 : i32
      %dma_wait3A_249 = tpu.memref_slice %arg8[%arg0, %multiple_of3A_239, %dma_wait3A_248] : memref<2x10000x128xf32, #tpu.memory_space<hbm>> -> memref<1x40x128xf32, #tpu.memory_space<hbm>>
      %dma_wait3A_250 = tpu.memref_squeeze %dma_wait3A_249 : memref<1x40x128xf32, #tpu.memory_space<hbm>> -> memref<40x128xf32, #tpu.memory_space<hbm>>
      %dma_wait3A_251 = arith.constant 0 : i32
      %dma_wait3A_252 = arith.constant 0 : i32
      %dma_wait3A_253 = tpu.memref_slice %arg15[%dma_wait3A_240, %dma_wait3A_251, %dma_wait3A_252] : memref<3x80x128xf32, #tpu.memory_space<vmem>> -> memref<1x40x128xf32, #tpu.memory_space<vmem>>
      %dma_wait3A_254 = tpu.memref_squeeze %dma_wait3A_253 : memref<1x40x128xf32, #tpu.memory_space<vmem>> -> memref<40x128xf32, #tpu.memory_space<vmem>>
      tpu.wait_dma2 semaphore(%arg23 : memref<!tpu.dma_semaphore, #tpu.memory_space<semaphore_mem>>) src(%dma_wait3A_254 : memref<40x128xf32, #tpu.memory_space<vmem>>) dst(%dma_wait3A_250 : memref<40x128xf32, #tpu.memory_space<hbm>>)
    } else {
    }
    %not3A = arith.constant true
    %not3A_231 = arith.xori %lt3A_229, %not3A : i1
    %convert_element_type3A_232 = arith.extui %not3A_231 : i1 to i32
    %cond3A_233 = arith.constant 0 : i32
    %cond3A_234 = arith.cmpi ne, %convert_element_type3A_232, %cond3A_233 : i32
    scf.if %cond3A_234 {
      %add3A_235 = arith.constant 224 : i32
      %add3A_236 = arith.addi %arg1, %add3A_235 : i32
      %mul3A_237 = arith.constant 40 : i32
      %mul3A_238 = arith.muli %add3A_236, %mul3A_237 : i32
      %multiple_of3A_239 = tpu.assume_multiple %mul3A_238, 8 : i32
      %dma_wait3A_240 = arith.constant 0 : i32
      %dma_wait3A_241 = arith.constant 0 : i32
      %dma_wait3A_242 = arith.constant 0 : i32
      %dma_wait3A_243 = tpu.memref_slice %arg15[%dma_wait3A_240, %dma_wait3A_241, %dma_wait3A_242] : memref<3x80x128xf32, #tpu.memory_space<vmem>> -> memref<1x40x128xf32, #tpu.memory_space<vmem>>
      %dma_wait3A_244 = tpu.memref_squeeze %dma_wait3A_243 : memref<1x40x128xf32, #tpu.memory_space<vmem>> -> memref<40x128xf32, #tpu.memory_space<vmem>>
      %dma_wait3A_245 = arith.constant 0 : i32
      %dma_wait3A_246 = tpu.memref_slice %arg8[%arg0, %multiple_of3A_239, %dma_wait3A_245] : memref<2x10000x128xf32, #tpu.memory_space<hbm>> -> memref<1x40x128xf32, #tpu.memory_space<hbm>>
      %dma_wait3A_247 = tpu.memref_squeeze %dma_wait3A_246 : memref<1x40x128xf32, #tpu.memory_space<hbm>> -> memref<40x128xf32, #tpu.memory_space<hbm>>
      %dma_wait3A_248 = arith.constant 0 : i32
      %dma_wait3A_249 = tpu.memref_slice %arg8[%arg0, %multiple_of3A_239, %dma_wait3A_248] : memref<2x10000x128xf32, #tpu.memory_space<hbm>> -> memref<1x40x128xf32, #tpu.memory_space<hbm>>
      %dma_wait3A_250 = tpu.memref_squeeze %dma_wait3A_249 : memref<1x40x128xf32, #tpu.memory_space<hbm>> -> memref<40x128xf32, #tpu.memory_space<hbm>>
      %dma_wait3A_251 = arith.constant 0 : i32
      %dma_wait3A_252 = arith.constant 0 : i32
      %dma_wait3A_253 = tpu.memref_slice %arg15[%dma_wait3A_240, %dma_wait3A_251, %dma_wait3A_252] : memref<3x80x128xf32, #tpu.memory_space<vmem>> -> memref<1x40x128xf32, #tpu.memory_space<vmem>>
      %dma_wait3A_254 = tpu.memref_squeeze %dma_wait3A_253 : memref<1x40x128xf32, #tpu.memory_space<vmem>> -> memref<40x128xf32, #tpu.memory_space<vmem>>
      tpu.wait_dma2 semaphore(%arg22 : memref<!tpu.dma_semaphore, #tpu.memory_space<semaphore_mem>>) src(%dma_wait3A_254 : memref<40x128xf32, #tpu.memory_space<vmem>>) dst(%dma_wait3A_250 : memref<40x128xf32, #tpu.memory_space<hbm>>)
    } else {
    }
    return
  }
}

module attributes {stable_mosaic.version = 14 : i64} {
  func.func @body(%arg0: i32, %arg1: memref<2x32000xi32, #tpu.memory_space<vmem>>, %arg2: memref<2x32000xi32, #tpu.memory_space<vmem>>, %arg3: memref<2x32000xi32, #tpu.memory_space<vmem>>) attributes {dimension_semantics = [#tpu.dimension_semantics<arbitrary>], iteration_bounds = array<i64: 10>, scalar_prefetch = 0 : i64, scratch_operands = 0 : i64, tpu.core_type = #tpu.core_type<tc>, window_params = [{transform_indices = @transform_0, window_bounds = array<i64: 2, 32000>}, {transform_indices = @transform_1, window_bounds = array<i64: 2, 32000>}, {transform_indices = @transform_2, window_bounds = array<i64: 2, 32000>}]} {
    %get3A = arith.constant 0 : index
    %get3A_0 = arith.constant 0 : index
    %get3A_1 = vector.load %arg1[%get3A, %get3A_0] : memref<2x32000xi32, #tpu.memory_space<vmem>>, vector<1x32000xi32>
    %mul3A = arith.constant 2 : i32
    %mul3A_2 = vector.broadcast %mul3A : i32 to vector<1x32000xi32>
    %mul3A_3 = arith.muli %get3A_1, %mul3A_2 : vector<1x32000xi32>
    %get3A_4 = arith.constant 1 : index
    %get3A_5 = arith.constant 0 : index
    %get3A_6 = vector.load %arg1[%get3A_4, %get3A_5] : memref<2x32000xi32, #tpu.memory_space<vmem>>, vector<1x32000xi32>
    %mul3A_7 = arith.constant 2 : i32
    %mul3A_8 = vector.broadcast %mul3A_7 : i32 to vector<1x32000xi32>
    %mul3A_9 = arith.muli %get3A_6, %mul3A_8 : vector<1x32000xi32>
    %swap3A = arith.constant 0 : index
    %swap3A_10 = arith.constant 0 : index
    %swap3A_11 = vector.load %arg2[%swap3A, %swap3A_10] : memref<2x32000xi32, #tpu.memory_space<vmem>>, vector<1x32000xi32>
    tpu.vector_store %arg2[%swap3A, %swap3A_10], %mul3A_3 {strides = array<i32>} : memref<2x32000xi32, #tpu.memory_space<vmem>>, vector<1x32000xi32>,
    %add3A = arith.constant 1 : i32
    %add3A_12 = vector.broadcast %add3A : i32 to vector<1x32000xi32>
    %add3A_13 = arith.addi %mul3A_3, %add3A_12 : vector<1x32000xi32>
    %swap3A_14 = arith.constant 1 : index
    %swap3A_15 = arith.constant 0 : index
    %swap3A_16 = vector.load %arg2[%swap3A_14, %swap3A_15] : memref<2x32000xi32, #tpu.memory_space<vmem>>, vector<1x32000xi32>
    tpu.vector_store %arg2[%swap3A_14, %swap3A_15], %add3A_13 {strides = array<i32>} : memref<2x32000xi32, #tpu.memory_space<vmem>>, vector<1x32000xi32>,
    %swap3A_17 = arith.constant 0 : index
    %swap3A_18 = arith.constant 0 : index
    %swap3A_19 = vector.load %arg3[%swap3A_17, %swap3A_18] : memref<2x32000xi32, #tpu.memory_space<vmem>>, vector<1x32000xi32>
    tpu.vector_store %arg3[%swap3A_17, %swap3A_18], %mul3A_9 {strides = array<i32>} : memref<2x32000xi32, #tpu.memory_space<vmem>>, vector<1x32000xi32>,
    %add3A_20 = arith.constant 1 : i32
    %add3A_21 = vector.broadcast %add3A_20 : i32 to vector<1x32000xi32>
    %add3A_22 = arith.addi %mul3A_9, %add3A_21 : vector<1x32000xi32>
    %swap3A_23 = arith.constant 1 : index
    %swap3A_24 = arith.constant 0 : index
    %swap3A_25 = vector.load %arg3[%swap3A_23, %swap3A_24] : memref<2x32000xi32, #tpu.memory_space<vmem>>, vector<1x32000xi32>
    tpu.vector_store %arg3[%swap3A_23, %swap3A_24], %add3A_22 {strides = array<i32>} : memref<2x32000xi32, #tpu.memory_space<vmem>>, vector<1x32000xi32>,
    return
  }
  func.func @transform_0(%arg0: i32) -> (i32, i32) {
    %c0_i32 = arith.constant 0 : i32
    %c0_i32_0 = arith.constant 0 : i32
    return %c0_i32, %arg0 : i32, i32
  }
  func.func @transform_1(%arg0: i32) -> (i32, i32) {
    %c0_i32 = arith.constant 0 : i32
    %c0_i32_0 = arith.constant 0 : i32
    return %c0_i32, %arg0 : i32, i32
  }
  func.func @transform_2(%arg0: i32) -> (i32, i32) {
    %c0_i32 = arith.constant 0 : i32
    %c0_i32_0 = arith.constant 0 : i32
    return %c0_i32, %arg0 : i32, i32
  }
}

module attributes {stable_mosaic.version = 14 : i64} {
  func.func @body(%arg0: i32, %arg1: memref<1000x128xf32, #tpu.memory_space<vmem>>, %arg2: memref<128x256xf32, #tpu.memory_space<vmem>>, %arg3: memref<256x16xf32, #tpu.memory_space<vmem>>, %arg4: memref<1000x256xf32, #tpu.memory_space<vmem>>, %arg5: memref<1000x16xf32, #tpu.memory_space<vmem>>) attributes {dimension_semantics = [#tpu.dimension_semantics<arbitrary>], iteration_bounds = array<i64: 10>, scalar_prefetch = 0 : i64, scratch_operands = 0 : i64, tpu.core_type = #tpu.core_type<tc>, window_params = [{transform_indices = @transform_0, window_bounds = array<i64: 1000, 128>}, {pipeline_mode = #tpu.pipeline_mode<synchronous>, transform_indices = @transform_1, window_bounds = array<i64: 128, 256>}, {pipeline_mode = #tpu.pipeline_mode<synchronous>, transform_indices = @transform_2, window_bounds = array<i64: 256, 16>}, {transform_indices = @transform_3, window_bounds = array<i64: 1000, 256>}, {transform_indices = @transform_4, window_bounds = array<i64: 1000, 16>}]} {
    %get3A = arith.constant 0 : index
    %get3A_0 = arith.constant 0 : index
    %get3A_1 = vector.load %arg1[%get3A, %get3A_0] : memref<1000x128xf32, #tpu.memory_space<vmem>>, vector<1000x128xf32>
    %get3A_2 = arith.constant 0 : index
    %get3A_3 = arith.constant 0 : index
    %get3A_4 = vector.load %arg2[%get3A_2, %get3A_3] : memref<128x256xf32, #tpu.memory_space<vmem>>, vector<128x256xf32>
    %dot_general3A = arith.constant dense<0.000000e+00> : vector<1000x256xf32>
    %dot_general3A_5 = tpu.matmul %get3A_1, %get3A_4, %dot_general3A {dimension_numbers = #tpu.dot_dimension_numbers<[1], [0], [0], [1], [0, 0, 1, 1], [], []>, transpose_lhs_hint = false} : vector<1000x128xf32>, vector<128x256xf32>, vector<1000x256xf32> -> vector<1000x256xf32>
    %swap3A = arith.constant 0 : index
    %swap3A_6 = arith.constant 0 : index
    %swap3A_7 = vector.load %arg4[%swap3A, %swap3A_6] : memref<1000x256xf32, #tpu.memory_space<vmem>>, vector<1000x256xf32>
    tpu.vector_store %arg4[%swap3A, %swap3A_6], %dot_general3A_5 {strides = array<i32>} : memref<1000x256xf32, #tpu.memory_space<vmem>>, vector<1000x256xf32>,
    %get3A_8 = arith.constant 0 : index
    %get3A_9 = arith.constant 0 : index
    %get3A_10 = vector.load %arg3[%get3A_8, %get3A_9] : memref<256x16xf32, #tpu.memory_space<vmem>>, vector<256x16xf32>
    %dot_general3A_11 = arith.constant dense<0.000000e+00> : vector<1000x16xf32>
    %dot_general3A_12 = tpu.matmul %dot_general3A_5, %get3A_10, %dot_general3A_11 {dimension_numbers = #tpu.dot_dimension_numbers<[1], [0], [0], [1], [0, 0, 1, 1], [], []>, transpose_lhs_hint = false} : vector<1000x256xf32>, vector<256x16xf32>, vector<1000x16xf32> -> vector<1000x16xf32>
    %swap3A_13 = arith.constant 0 : index
    %swap3A_14 = arith.constant 0 : index
    %swap3A_15 = vector.load %arg5[%swap3A_13, %swap3A_14] : memref<1000x16xf32, #tpu.memory_space<vmem>>, vector<1000x16xf32>
    tpu.vector_store %arg5[%swap3A_13, %swap3A_14], %dot_general3A_12 {strides = array<i32>} : memref<1000x16xf32, #tpu.memory_space<vmem>>, vector<1000x16xf32>,
    return
  }
  func.func @transform_0(%arg0: i32) -> (i32, i32) {
    %c0_i32 = arith.constant 0 : i32
    %c0_i32_0 = arith.constant 0 : i32
    return %arg0, %c0_i32 : i32, i32
  }
  func.func @transform_1(%arg0: i32) -> (i32, i32) {
    %c0_i32 = arith.constant 0 : i32
    %c0_i32_0 = arith.constant 0 : i32
    %c0_i32_1 = arith.constant 0 : i32
    return %c0_i32, %c0_i32_0 : i32, i32
  }
  func.func @transform_2(%arg0: i32) -> (i32, i32) {
    %c0_i32 = arith.constant 0 : i32
    %c0_i32_0 = arith.constant 0 : i32
    %c0_i32_1 = arith.constant 0 : i32
    return %c0_i32, %c0_i32_0 : i32, i32
  }
  func.func @transform_3(%arg0: i32) -> (i32, i32) {
    %c0_i32 = arith.constant 0 : i32
    %c0_i32_0 = arith.constant 0 : i32
    return %arg0, %c0_i32 : i32, i32
  }
  func.func @transform_4(%arg0: i32) -> (i32, i32) {
    %c0_i32 = arith.constant 0 : i32
    %c0_i32_0 = arith.constant 0 : i32
    return %arg0, %c0_i32 : i32, i32
  }
}

</mosaic_0001>

<sc_bundles>
// kernel: kernel.5.cloned.1.call-start
scs
__scs_entry_jumppad:
0x0: {  	(pc) =	sbr.rel $0x88, $3  }
0x1: {  	(tag) =	ssettag $0x0;
	lr =	simm.s32 $0x1  }
0x2: {  	[smem:$0x3F9B] =	sst lr;
	_ =	strace $0xD0000000  }
0x3: {  	_ = 	snop  }
0x4: {  	_ = 	snop  }
0x5: {  	_ = 	snop  }
0x6: {  	_ = 	snop  }
0x7: {  	_ = 	snop  }
__scs_overlays_trampoline_lowered:
0x8: {  	[smem:$0x3FAA] =	sst s0  }
0x9: {  	[smem:$0x3FAB] =	sst s1  }
0xa: {  	[smem:$0x3FAC] =	sst s2  }
0xb: {  	[smem:$0x3FAD] =	sst s3  }
0xc: {  	[smem:$0x3FAE] =	sst s4  }
0xd: {  	[smem:$0x3FAF] =	sst s5  }
0xe: {  	[smem:$0x3FB0] =	sst s6  }
0xf: {  	[smem:$0x3FB1] =	sst s7  }
0x10: {  	[smem:$0x3FB2] =	sst s8  }
0x11: {  	[smem:$0x3FB3] =	sst s9;
	s0 =	simm.s32 @!p0 $0x0  }
0x12: {  	s1 =	sld [smem:$0x3F99];
	s0 =	simm.s32 @p0 $0x1  }
0x13: {  	[smem:$0x3FB4] =	sst s0;
	s0 =	simm.s32 @!p1 $0x0  }
0x14: {  	s2 =	sld [smem:$0x3F98];
	s0 =	simm.s32 @p1 $0x1  }
0x15: {  	[smem:$0x3FB5] =	sst s0;
	s0 =	simm.s32 @!p2 $0x0  }
0x16: {  	s3 =	sld [smem:$0x3FDB];
	s0 =	simm.s32 @p2 $0x1  }
0x17: {  	s4 =	simm.s32 $0x1BF5;
	[smem:$0x3FB7] =	sst s0  }
0x18: {  	s0 =	sld [smem:$0x3F9A];
	_ =	swait.ge [sflag:s4], $0x0  }
0x19: {  	s7 =	sld [smem:$0x3F9B]  }
0x1a: {  	s8 =	sadd.s32 $0xFFFFE003, lr  }
0x1b: {  	s9 =	sadd.s32 $0xFFFFFEF7, lr;
	s5 =	simm.s32 $0xFFFFFFFF;
	p2 =	slt.u32 s8, $0xFFFFF086  }
0x1c: {  	p1 =	slt.u32 s9, $0xF7A;
	s5 =	simm.s32 @!p2 $0x0  }
0x1d: {  	s5 =	simm.s32 @p1 $0x1;
	p0 =	seq.s32 s7, s2  }
0x1e: {  	s7 =	smul.u32 @!p0 $0xF7A, s2;
	p2 =	seq.s32 @!p0 s5, $0x0  }
0x1f: {  	s9 =	smul.u32 $0xF7A, s1;
	s8 =	simm.s32 @!p0 $0x1BF5;
	p2 =	por !p2, p0  }
0x20: {  	[sflag:s8] =	ssyncset.s32 @!p0 $0xFFFFF086;
	s6 =	sadd.s32 @!p0 s3, s7;
	s7 =	simm.s32 @!p0 $0x108  }
0x21: {  	s3 =	sadd.s32 s3, s9;
	s6 =	sadd.s32 @!p0 $0x88, s6;
	s7 =	simm.s32 @p2 $0x1082  }
0x22: {  	[simem:s7], [sflag:s8] =	dma.local @!p0 [hbm:s6], $0xF7A  }
0x23: {  	s9 =	sor.u32 $0xD0000000, s2;
	s6 =	simm.s32 $0x108;
	_ =	swait.ge @!p0 [sflag:s8], $0x0  }
0x24: {  	s3 =	sadd.s32 $0x88, s3;
	s6 =	simm.s32 @!p1 $0x1082;
	[sflag:s4] =	ssyncset.s32 $0xFFFFF086  }
0x25: {  	[simem:s6], [sflag:s4] =	dma.local [hbm:s3], $0xF7A  }
0x26: {  	[smem:$0x3F9B] =	sst s1;
	(tag) =	ssettag s2;
	_ =	strace s9  }
0x27: {  	s1 =	sld [smem:$0x3FAB]  }
0x28: {  	s2 =	sld [smem:$0x3FAC]  }
0x29: {  	s4 =	sld [smem:$0x3FAE]  }
0x2a: {  	p0 =	seq.s32 s5, $0x0;
	s5 =	sld [smem:$0x3FAF]  }
0x2b: {  	s6 =	sld [smem:$0x3FB0]  }
0x2c: {  	s7 =	sld [smem:$0x3FB1]  }
0x2d: {  	s3 =	simm.s32 $0x108;
	s8 =	sld [smem:$0x3FB2]  }
0x2e: {  	s3 =	simm.s32 @!p0 $0x1082;
	s9 =	sld [smem:$0x3FB3]  }
0x2f: {  	lr =	sadd.s32 s0, s3;
	s0 =	sld [smem:$0x3FAA]  }
0x30: {  	s3 =	sld [smem:$0x3FAD]  }
0x31: {  	[smem:$0x3FB6] =	sst s10  }
0x32: {  	s10 =	sld [smem:$0x3FB4];
	_ =	sdelay $0x3  }
0x33: {  	p0 =	seq.s32 s10, $0x1;
	s10 =	sld [smem:$0x3FB6];
	_ =	sdelay $0x3  }
0x34: {  	[smem:$0x3FB6] =	sst s10  }
0x35: {  	s10 =	sld [smem:$0x3FB5];
	_ =	sdelay $0x3  }
0x36: {  	p1 =	seq.s32 s10, $0x1;
	s10 =	sld [smem:$0x3FB6];
	_ =	sdelay $0x3  }
0x37: {  	[smem:$0x3FB6] =	sst s10  }
0x38: {  	s10 =	sld [smem:$0x3FB7]  }
0x39: {  	_ = 	snop;
	(pc) =	sbr.ind lr, $3  }
0x3a: {  	_ = 	snop  }
0x3b: {  	_ = 	snop  }
0x3c: {  	p2 =	seq.s32 s10, $0x1;
	s10 =	sld [smem:$0x3FB6]  }
0x3d: {  	_ =	shalt  }
0x3e: {  	_ =	shalt  }
0x3f: {  	_ =	shalt  }
0x40: {  	_ =	shalt  }
0x41: {  	_ =	shalt  }
0x42: {  	_ =	shalt  }
0x43: {  	_ =	shalt  }
0x44: {  	_ =	shalt  }
0x45: {  	_ =	shalt  }
0x46: {  	_ =	shalt  }
0x47: {  	_ =	shalt  }
0x48: {  	_ =	shalt  }
0x49: {  	_ =	shalt  }
0x4a: {  	_ =	shalt  }
0x4b: {  	_ =	shalt  }
0x4c: {  	_ =	shalt  }
0x4d: {  	_ =	shalt  }
0x4e: {  	_ =	shalt  }
0x4f: {  	_ =	shalt  }
0x50: {  	_ =	shalt  }
0x51: {  	_ =	shalt  }
0x52: {  	_ =	shalt  }
0x53: {  	_ =	shalt  }
0x54: {  	_ =	shalt  }
0x55: {  	_ =	shalt  }
0x56: {  	_ =	shalt  }
0x57: {  	_ =	shalt  }
0x58: {  	_ =	shalt  }
0x59: {  	_ =	shalt  }
0x5a: {  	_ =	shalt  }
0x5b: {  	_ =	shalt  }
0x5c: {  	_ =	shalt  }
0x5d: {  	_ =	shalt  }
0x5e: {  	_ =	shalt  }
0x5f: {  	_ =	shalt  }
0x60: {  	_ =	shalt  }
0x61: {  	_ =	shalt  }
0x62: {  	_ =	shalt  }
0x63: {  	_ =	shalt  }
0x64: {  	_ =	shalt  }
0x65: {  	_ =	shalt  }
0x66: {  	_ =	shalt  }
0x67: {  	_ =	shalt  }
0x68: {  	_ =	shalt  }
0x69: {  	_ =	shalt  }
0x6a: {  	_ =	shalt  }
0x6b: {  	_ =	shalt  }
0x6c: {  	_ =	shalt  }
0x6d: {  	_ =	shalt  }
0x6e: {  	_ =	shalt  }
0x6f: {  	_ =	shalt  }
0x70: {  	_ =	shalt  }
0x71: {  	_ =	shalt  }
0x72: {  	_ =	shalt  }
0x73: {  	_ =	shalt  }
0x74: {  	_ =	shalt  }
0x75: {  	_ =	shalt  }
0x76: {  	_ =	shalt  }
0x77: {  	_ =	shalt  }
0x78: {  	_ =	shalt  }
0x79: {  	_ =	shalt  }
0x7a: {  	_ =	shalt  }
0x7b: {  	_ =	shalt  }
0x7c: {  	_ =	shalt  }
0x7d: {  	_ =	shalt  }
0x7e: {  	_ =	shalt  }
0x7f: {  	_ =	shalt  }
0x80: {  	_ =	shalt  }
0x81: {  	_ =	shalt  }
0x82: {  	_ =	shalt  }
0x83: {  	_ =	shalt  }
0x84: {  	_ =	shalt  }
0x85: {  	_ =	shalt  }
0x86: {  	_ =	shalt  }
0x87: {  	_ =	shalt  }
.Lfunc_end0:
.L_simem_size_0:
called_computation_lowered:
.L_overlay_start_0:
0x88: {  	s2 =	sld [smem:$0x3FD9]  }
0x89: {  	s3 =	sld [smem:$0x3FFE];
	_ =	sdelay $0x1  }
0x8a: {  	s1 =	srdreg.scid  }
0x8b: {  	s0 =	sand.u32 $0x1, s1  }
0x8c: {  	s17 =	sshll.u32 s0, $0xA;
	s2 =	sadd.s32 s3, s2  }
0x8d: {  	s2 =	sadd.s32 s2, s17  }
0x8e: {  	[smem:$0x3FC2] =	sst s2  }
0x8f: {  	_ = 	snop  }
0x90: {  	s2 =	sld [smem:$0x3FD0];
	(tm) =	ssettm $0x1  }
0x91: {  	s18 =	sld [smem:$0x3FFB];
	_ =	sdelay $0x3  }
0x92: {  	_ =	strace s18  }
0x93: {  	s3 =	sld [smem:$0x3FFC];
	_ =	sdelay $0x3  }
0x94: {  	_ =	strace s3  }
0x95: {  	s3 =	sld [smem:$0x3FFD];
	_ =	sdelay $0x3  }
0x96: {  	_ =	strace s3  }
0x97: {  	_ =	strace $0x8FFFFFFF  }
0x98: {  	s19 =	sld [smem:$0x3FDB];
	_ =	sdelay $0x1  }
0x99: {  	s4 =	simm.s32 $_scs_section_size  }
0x9a: {  	s5 =	simm.s32 $_size__tile_overlayer_lowered;
	s6 =	simm.s32 $_tile_overlayer_lowered  }
0x9b: {  	s22 =	simm.s32 $0x1BFF;
	s21 =	sshll.u32 s6, $0x1;
	s3 =	sadd.s32 s4, s19  }
0x9c: {  	s7 =	simm.s32 $0x0;
	s20 =	sshll.u32 s5, $0x1;
	s5 =	sadd.s32 s21, s3  }
0x9d: {  	[timem:s7], [sflag:s22] =	dma.local [hbm:s5], s20  }
0x9e: {  	_ =	swait.ge [sflag:s22], s20  }
0x9f: {  	s4 =	ssub.s32 $0x0, s20;
	[sflag:s22] =	ssyncset.done $0x0  }
0xa0: {  	[sflag:s22] =	ssyncadd.s32 s4;
	_ =	sdelay $0x1  }
0xa1: {  	s23 =	simm.s32 $0x1B8B  }
0xa2: {  	_ =	swait.ge [sflag:s23], $0x1  }
0xa3: {  	[sflag:s23] =	ssyncset.done $0x0  }
0xa4: {  	s25 =	simm.s32 $0x1B8E;
	s24 =	sld [smem:$0x3FFE];
	[sflag:s23] =	ssyncadd.s32 $0xFFFFFFFF  }
0xa5: {  	s26 =	simm.s32 $execute0_lowered;
	[smem:$0x3FD2] =	sst s25  }
0xa6: {  	s5 =	sshll.u32 s26, $0x1;
	_ =	strace $0x80000046;
	[dreg:$0x1] =	wrdreg $0xFFFFFFFF  }
0xa7: {  	s28 =	simm.s32 $_size_execute0_lowered;
	s3 =	sadd.s32 s3, s5;
	[dreg:$0x0] =	wrdreg $0x0  }
0xa8: {  	s5 =	sshll.u32 s28, $0x1;
	[dreg:$0x2] =	wrdreg s3  }
0xa9: {  	[dreg:$0x3] =	wrdreg s5  }
0xaa: {  	[dreg:$0x4] =	wrdreg $0xC0  }
0xab: {  	_ =	task [dreg:s7], $0x5FFFF  }
0xac: {  	[dreg:$0x1] =	wrdreg $0xFFFFFFFF  }
0xad: {  	[dreg:$0x0] =	wrdreg $0x60  }
0xae: {  	[dreg:$0x2] =	wrdreg s2  }
0xaf: {  	[dreg:$0x3] =	wrdreg s24  }
0xb0: {  	[dreg:$0x4] =	wrdreg $0x99500  }
0xb1: {  	[dreg:$0x5] =	wrdreg $0x1D1D00  }
0xb2: {  	[dreg:$0x6] =	wrdreg $0x9  }
0xb3: {  	_ =	task.clear_ibuf [dreg:s7], $0x7FFFF;
	_ =	strace $0x90000046  }
0xb4: {  	s29 =	simm.s32 $0x9;
	_ =	strace $0x80000048  }
0xb5: {  	_ =	swait.ge [sflag:s29], $0x1  }
0xb6: {  	[sflag:s29] =	ssyncadd.s32 $0xFFFFFFFF  }
0xb7: {  	_ =	strace $0x90000048  }
0xb8: {  	_ =	sfence  }
0xb9: {  	s30 =	sld [smem:$0x0];
	_ =	sdelay $0x2  }
0xba: {  	s31 =	sshll.u32 s1, $0xD;
	s1 =	sshrl.u32 s1, $0x2  }
0xbb: {  	s3 =	sand.u32 $0x4000, s31;
	s1 =	sadd.s32 s1, s30  }
0xbc: {  	s0 =	sor.u32 s3, s0;
	s1 =	sshll.u32 s1, $0x11  }
0xbd: {  	s0 =	sor.u32 s1, s0  }
0xbe: {  	s0 =	sadd.s32 $0x8F2B, s0  }
0xbf: {  	[sflag:s0] =	ssyncadd.remote.s32 $0x1  }
0xc0: {  	_ =	sfence.sel $0xFFFF  }
0xc1: {  	[dreg:$0x0] =	wrdreg $0xFFFFFFFF;
	(pc) =	sbr.abs _section_cstart, $3  }
0xc2: {  	[dreg:$0x1] =	wrdreg $0xFFFFFFFF  }
0xc3: {  	_ =	task.clear_ibuf [dreg:s7], $0x2FFFF;
	_ =	strace $0x9FFFFFFF  }
0xc4: {  	(tm) =	ssettm $0x7FFFFFFF  }
0xc5: {  	_ =	shalt  }
tec
execute0_lowered:
.L_overlay_start_1:
0x0: {  	(tag) =	ssettag $0x1  }
0x1: {  	s9 =	rddreg [dreg:$0x0];
	v1 =	vlaneseq.u32  }
0x2: {  	s0 =	rddreg [dreg:$0x1];
	v0 =	vmul.u32 $0x8, v1  }
0x3: {  	s11 =	rddreg [dreg:$0x2];
	s5 =	simm.s32 $0x0  }
0x4: {  	[smem:$0x7FF] =	sst s5;
	v3 =	vor.u32 $0x4, v0  }
0x5: {  	s12 =	rddreg [dreg:$0x3];
	v1 =	vmul.u32 $0x10, v1;
	_ =	strace $0x80000047;
	[tilespmem:$0x1FD50] =	vst v3;
	v3 =	vor.u32 $0x1, v0  }
0x6: {  	[tilespmem:$0x1FD60] =	vst v3;
	v3 =	vor.u32 $0x5, v0  }
0x7: {  	[tilespmem:$0x1FD70] =	vst v3;
	v3 =	vor.u32 $0x1, v1  }
0x8: {  	[tilespmem:$0x1FD80] =	vst v3;
	v3 =	vor.u32 $0x2, v0  }
0x9: {  	[tilespmem:$0x1FD90] =	vst v3;
	v3 =	vor.u32 $0x6, v0  }
0xa: {  	[tilespmem:$0x1FDA0] =	vst v3;
	v3 =	vor.u32 $0x2, v1  }
0xb: {  	[tilespmem:$0x1FDB0] =	vst v3;
	v3 =	vor.u32 $0x3, v0  }
0xc: {  	[tilespmem:$0x1FDC0] =	vst v3;
	v3 =	vor.u32 $0x7, v0  }
0xd: {  	[tilespmem:$0x1FDD0] =	vst v3;
	v3 =	vor.u32 $0x3, v1  }
0xe: {  	[tilespmem:$0x1FDE0] =	vst v3;
	v3 =	vor.u32 $0x80, v0  }
0xf: {  	[tilespmem:$0x1FDF0] =	vst v3;
	v3 =	vor.u32 $0x84, v0  }
0x10: {  	[tilespmem:$0x1FE00] =	vst v3;
	v3 =	vor.u32 $0x100, v1  }
0x11: {  	[tilespmem:$0x1FE10] =	vst v3;
	v3 =	vor.u32 $0x81, v0  }
0x12: {  	[tilespmem:$0x1FE20] =	vst v3;
	v3 =	vor.u32 $0x85, v0  }
0x13: {  	s1 =	srdreg.scid;
	[tilespmem:$0x1FE30] =	vst v3;
	v3 =	vor.u32 $0x101, v1  }
0x14: {  	s4 =	stileid.u32;
	s31 =	simm.s32 $0x5;
	s28 =	simm.s32 $0xAD0;
	[tilespmem:$0x1FE40] =	vst v3;
	v3 =	vor.u32 $0x82, v0  }
0x15: {  	s30 =	simm.s32 $0xFD0;
	s1 =	sand.u32 $0x1, s1;
	s2 =	smul.u32 $0x4E20, s4;
	[tilespmem:$0x1FE50] =	vst v3;
	v3 =	vor.u32 $0x86, v0  }
0x16: {  	s13 =	sadd.s32 $0x2DC00, s0;
	s14 =	sadd.s32 $0x1A200, s0;
	s17 =	smul.u32 $0x5000, s4;
	[tilespmem:$0x1FE60] =	vst v3;
	v3 =	vor.u32 $0x102, v1  }
0x17: {  	s15 =	sadd.s32 $0x1800, s0;
	s10 =	sadd.s32 $0x15200, s0;
	s19 =	smul.u32 $0xA00, s4;
	[tilespmem:$0x1FE70] =	vst v3;
	v3 =	vor.u32 $0x83, v0  }
0x18: {  	p0 =	slt.u32 s4, $0xA;
	s29 =	ssub.s32 $0xFA, s4;
	[dreg:$0x5] =	wrdreg s13;
	[tilespmem:$0x1FE80] =	vst v3;
	v3 =	vor.u32 $0x87, v0  }
0x19: {  	s7 =	smul.u32 $0x4E200, s1;
	s3 =	sshll.u32 s1, $0x7;
	[dreg:$0x6] =	wrdreg s14;
	[tilespmem:$0x1FE90] =	vst v3;
	v3 =	vor.u32 $0x103, v1  }
0x1a: {  	s6 =	ssub.s32 $0x2, s1;
	[dreg:$0x8] =	wrdreg s15;
	s1 =	smul.u32 $0x138800, s1;
	[tilespmem:$0x1FEA0] =	vst v3;
	v3 =	vor.u32 $0x100, v0  }
0x1b: {  	s3 =	sadd.s32 s3, s0;
	s0 =	sadd.s32 $0x41800, s0;
	s23 =	sshrl.u32 s6, $0x1;
	[tilespmem:$0x1FEB0] =	vst v3;
	v3 =	vor.u32 $0x104, v0  }
0x1c: {  	s20 =	sadd.s32 $0x4E250, s2;
	s21 =	sadd.s32 $0xF0, s2;
	[dreg:$0x7] =	wrdreg s7;
	[tilespmem:$0x1FEC0] =	vst v3;
	v3 =	vor.u32 $0x200, v1  }
0x1d: {  	s22 =	sshrl.u32 s17, $0x2;
	s17 =	simm.s32 $0x350;
	[dreg:$0x9] =	wrdreg s0;
	[tilespmem:$0x1FED0] =	vst v3;
	v3 =	vor.u32 $0x101, v0  }
0x1e: {  	s7 =	sadd.s32 s2, s7;
	s0 =	ssub.s32 s6, s23;
	[dreg:$0x11] =	wrdreg s21;
	[tilespmem:$0x1FEE0] =	vst v3;
	v3 =	vor.u32 $0x105, v0  }
0x1f: {  	s3 =	sadd.s32 $0x41600, s3;
	[dreg:$0x17] =	wrdreg s1;
	s1 =	simm.s32 $0x5;
	[tilespmem:$0x1FEF0] =	vst v3;
	v3 =	vor.u32 $0x201, v1  }
0x20: {  	s21 =	simm.s32 $0xD50;
	[dreg:$0x10] =	wrdreg s20;
	s8 =	sshrl.u32 s7, $0x3;
	[tilespmem:$0x1FF00] =	vst v3;
	v3 =	vor.u32 $0x102, v0  }
0x21: {  	[dreg:$0xe] =	wrdreg s3;
	s3 =	sshrl.u32 s19, $0x2;
	s23 =	sadd.s32 $0xA0, s7;
	[tilespmem:$0x1FF10] =	vst v3;
	v3 =	vor.u32 $0x106, v0  }
0x22: {  	s0 =	smax.u32 s0, $0x1;
	s1 =	simm.s32 @!p0 $0x4;
	[dreg:$0x13] =	wrdreg s23;
	[tilespmem:$0x1FF20] =	vst v3;
	v3 =	vor.u32 $0x202, v1  }
0x23: {  	s19 =	simm.s32 $0x850;
	s24 =	sadd.s32 s13, s8;
	[dreg:$0x19] =	wrdreg s0;
	[tilespmem:$0x1FF30] =	vst v3;
	v3 =	vor.u32 $0x103, v0  }
0x24: {  	s25 =	sadd.s32 $0xA, s8;
	s8 =	sadd.s32 s14, s8;
	[dreg:$0x18] =	wrdreg s1;
	[tilespmem:$0x1FF40] =	vst v3;
	v3 =	vor.u32 $0x107, v0  }
0x25: {  	s23 =	simm.s32 $0x4;
	s1 =	simm.s32 $0x9450;
	[dreg:$0xa] =	wrdreg s24;
	[tilespmem:$0x1FF50] =	vst v3;
	v3 =	vor.u32 $0x203, v1  }
0x26: {  	[dreg:$0xb] =	wrdreg s8;
	s26 =	sadd.s32 s13, s25;
	s13 =	sshrl.u32 s2, $0x3;
	[tilespmem:$0x1FF60] =	vst v3;
	v3 =	vor.u32 $0x180, v0  }
0x27: {  	s6 =	sadd.s32 s14, s25;
	s2 =	sadd.s32 $0x4E2A0, s2;
	s24 =	sadd.s32 $0x140, s7;
	[tilespmem:$0x1FF70] =	vst v3;
	v3 =	vor.u32 $0x184, v0  }
0x28: {  	v2 =	vimm.f32 $0.0e+00;
	s25 =	sadd.s32 s3, s12;
	s14 =	simm.s32 $0x1;
	[dreg:$0xc] =	wrdreg s26;
	[tilespmem:$0x1FF80] =	vst v3;
	v3 =	vor.u32 $0x300, v1  }
0x29: {  	v46 =	vor.u32 $0x183, v0;
	v47 =	vor.u32 $0x187, v0;
	s8 =	simm.s32 $0x300;
	s12 =	simm.s32 $0x8F50;
	[dreg:$0xd] =	wrdreg s6;
	[tilespmem:$0x1FF90] =	vst v3;
	v3 =	vor.u32 $0x181, v0  }
0x2a: {  	v48 =	vor.u32 $0x303, v1;
	v49 =	vor.u32 $0x200, v0;
	s3 =	simm.s32 $0x0;
	s16 =	sadd.s32 s15, s13;
	[dreg:$0x12] =	wrdreg s2;
	[tilespmem:$0x1FFA0] =	vst v3;
	v3 =	vor.u32 $0x185, v0  }
.Ltmp0:
0x2b: {  	v50 =	vor.u32 $0x204, v0;
	v51 =	vor.u32 $0x400, v1;
	[dreg:$0x14] =	wrdreg s24;
	s2 =	sadd.s32 s22, s11;
	[tilespmem:$0x1FFB0] =	vst v3;
	v3 =	vor.u32 $0x301, v1;
	(pc) =	sbr.rel .LBB2_1-.Ltmp0, $4  }
0x2c: {  	v52 =	vor.u32 $0x201, v0;
	v53 =	vor.u32 $0x205, v0;
	[dreg:$0x16] =	wrdreg s25;
	s26 =	sor.u32 $0x20, s4;
	s25 =	simm.s32 $0x260;
	[tilespmem:$0x1FFC0] =	vst v3;
	v3 =	vor.u32 $0x182, v0  }
0x2d: {  	v54 =	vor.u32 $0x401, v1;
	v55 =	vor.u32 $0x202, v0;
	s24 =	simm.s32 $0x8A50;
	s22 =	simm.s32 $0x6;
	[dreg:$0x15] =	wrdreg s2;
	[tilespmem:$0x1FFD0] =	vst v3;
	v3 =	vor.u32 $0x186, v0  }
0x2e: {  	v56 =	vor.u32 $0x206, v0;
	v57 =	vor.u32 $0x402, v1;
	s18 =	sadd.s32 $0x9C40, s16;
	[dreg:$0x1a] =	wrdreg s26;
	s16 =	simm.s32 $0x50;
	[tilespmem:$0x1FFE0] =	vst v3;
	v3 =	vor.u32 $0x302, v1  }
0x2f: {  	v58 =	vor.u32 $0x203, v0;
	v59 =	vor.u32 $0x207, v0;
	v45 =	vmovc v1;
	v60 =	vor.u32 $0x403, v1;
	s26 =	simm.s32 $0x7;
	[dreg:$0xf] =	wrdreg s18;
	s18 =	simm.s32 $0x5D0;
	[tilespmem:$0x1FFF0] =	vst v3  }
.LBB2_24:
0x30: {  	s0 =	rddreg [dreg:$0x18]  }
0x31: {  	_ =	swait.ge [sflag:s0], $0x1400  }
0x32: {  	s3 =	rddreg [dreg:$0x1b]  }
0x33: {  	s2 =	rddreg [dreg:$0x19];
	s3 =	sadd.s32 $0x1, s3  }
0x34: {  	p0 =	sne.s32 s3, s2  }
.Ltmp1:
0x35: {  	_ = 	snop;
	(pc) =	sbr.rel @!p0 .LBB2_25-.Ltmp1, $4  }
0x36: {  	_ = 	snop  }
0x37: {  	[sflag:s0] =	ssyncset.done $0x0  }
0x38: {  	s20 =	rddreg [dreg:$0x10];
	[sflag:s0] =	ssyncadd.s32 $0xFFFFEC00  }
0x39: {  	s9 =	rddreg [dreg:$0x0]  }
.LBB2_1:
0x3a: {  	[dreg:$0x1b] =	wrdreg s3  }
0x3b: {  	s0 =	rddreg [dreg:$0xa];
	s2 =	simm.s32 $0x80  }
0x3c: {  	[tilespmem:s2], [sflag:$0x1] =	stream.linear.gather [hbm4b:s0+s5], $0x50, $0x38;
	[tilespmem:$0x1F8E0] =	vst v63  }
0x3d: {  	s6 =	rddreg [dreg:$0xb];
	s7 =	simm.s32 $0x170  }
0x3e: {  	[tilespmem:s7], [sflag:$0x1] =	stream.linear.gather [hbm4b:s6+s5], $0x50, $0x38;
	[tilespmem:$0x1F8E0] =	vst v63  }
0x3f: {  	s13 =	rddreg [dreg:$0xc];
	s15 =	simm.s32 $0xD0  }
0x40: {  	[tilespmem:s15], [sflag:$0x2] =	stream.linear.gather [hbm4b:s13+s5], $0x50, $0x38;
	[tilespmem:$0x1F8E0] =	vst v63  }
0x41: {  	s3 =	rddreg [dreg:$0xd];
	s6 =	simm.s32 $0x1C0  }
0x42: {  	[tilespmem:s6], [sflag:$0x2] =	stream.linear.gather [hbm4b:s3+s5], $0x50, $0x38;
	[tilespmem:$0x1F8E0] =	vst v63  }
0x43: {  	s7 =	rddreg [dreg:$0xe];
	s13 =	simm.s32 $0xA  }
0x44: {  	[tilespmem:s5], [sflag:$0xA] =	stream.linear.gather [hbm4b:s7+s5], $0x80, $0x38;
	[tilespmem:$0x1F8E0] =	vst v63  }
0x45: {  	_ =	swait.ge [sflag:s13], $0x80  }
0x46: {  	[sflag:s13] =	ssyncset.done $0x0  }
0x47: {  	s15 =	simm.s32 $0x0;
	[sflag:s13] =	ssyncadd.s32 $0xFFFFFF80  }
0x48: {  	[tilespmem:s15+$0x6290] =	vst v2  }
0x49: {  	[tilespmem:s15+$0x62A0] =	vst v2  }
0x4a: {  	[tilespmem:s15+$0x62B0] =	vst v2  }
0x4b: {  	[tilespmem:s15+$0x62C0] =	vst v2  }
0x4c: {  	[tilespmem:s15+$0x6260] =	vst v2  }
0x4d: {  	[tilespmem:s15+$0x6250] =	vst v2  }
0x4e: {  	[tilespmem:s15+$0x6270] =	vst v2  }
0x4f: {  	s2 =	simm.s32 $0x200;
	s0 =	simm.s32 $0x8F50;
	[tilespmem:s15+$0x6280] =	vst v2  }
.LBB2_2:
0x50: {  	p0 =	sne.s32 s2, $0x9E00;
	[tilespmem:s0+$0x500] =	vst v2  }
0x51: {  	[tilespmem:s0+$0xFFFFFB00] =	vst v2  }
0x52: {  	s3 =	sshra.s32 s2, $0x2;
	[tilespmem:s0+$0x0] =	vst v2  }
0x53: {  	[tilespmem:s3+$0x6290] =	vst v2  }
0x54: {  	[tilespmem:s3+$0x62A0] =	vst v2  }
0x55: {  	[tilespmem:s3+$0x62B0] =	vst v2  }
.Ltmp2:
0x56: {  	[tilespmem:s3+$0x62C0] =	vst v2;
	(pc) =	sbr.rel @p0 .LBB2_2-.Ltmp2, $4  }
0x57: {  	[tilespmem:s3+$0x6260] =	vst v2  }
0x58: {  	[tilespmem:s3+$0x6250] =	vst v2  }
0x59: {  	[tilespmem:s3+$0x6270] =	vst v2  }
0x5a: {  	s2 =	sadd.s32 $0x200, s2;
	s0 =	sadd.s32 $0x10, s0;
	[tilespmem:s3+$0x6280] =	vst v2  }
0x5b: {  	[tilespmem:s0+$0x500] =	vst v2  }
0x5c: {  	[tilespmem:s0+$0xFFFFFB00] =	vst v2  }
0x5d: {  	[tilespmem:s0+$0x0] =	vst v2  }
0x5e: {  	_ =	swait.ge [sflag:s14], $0x50  }
0x5f: {  	[sflag:s14] =	ssyncset.done $0x0  }
0x60: {  	[sflag:s14] =	ssyncadd.s32 $0xFFFFFFB0  }
0x61: {  	_ =	swait.ge [sflag:s14], $0x50  }
0x62: {  	[sflag:s14] =	ssyncset.done $0x0  }
0x63: {  	s6 =	simm.s32 $0x0;
	s2 =	rddreg [dreg:$0xf];
	[sflag:s14] =	ssyncadd.s32 $0xFFFFFFB0  }
0x64: {  	[tilespmem:s25], [sflag:$0x4] =	stream.linear.gather [hbm4b:s2+s6], $0x50, $0x38;
	[tilespmem:$0x1F8E0] =	vst v63  }
0x65: {  	s7 =	simm.s32 $0x80  }
0x66: {  	[tilespmem:s17], [sflag:$0x4] =	stream.indirect.gather [hbm4b:s10+s16], $0x8, s7, s16, $0xb8;
	[tilespmem:$0x1F8E0] =	vst v63  }
0x67: {  	s13 =	simm.s32 $0x170;
	s25 =	sadd.s32 $0x0, s4  }
0x68: {  	[tilespmem:s28], [sflag:$0x4] =	stream.indirect.gather [hbm4b:s10+s16], $0x8, s13, s16, $0xb8;
	[tilespmem:$0x1F8E0] =	vst v63  }
0x69: {  	s15 =	simm.s32 $0x1250;
	s6 =	rddreg [dreg:$0x16];
	p0 =	sgt.u32 s25, $0xF9  }
0x6a: {  	[tilespmem:s15], [sflag:$0x4] =	stream.indirect.gather [hbm4b:s9+s16], $0x80, s7, s16, $0xb8;
	[tilespmem:$0x1F8E0] =	vst v63  }
0x6b: {  	s2 =	rddreg [dreg:$0x15];
	s3 =	sadd.s32 $0x2800, s6;
	s0 =	simm.s32 @!p0 $0x6250  }
0x6c: {  	[spmem:s2] =	stream.linear.scatter @!p0 [tilespmem:s0], [sflag:$0x9], $0x1400, $0x38;
	[tilespmem:$0x1F8E0] =	vst v63  }
0x6d: {  	s7 =	simm.s32 @!p0 $0x9450;
	s0 =	simm.s32 $0x10;
	s2 =	sadd.s32 $0x14000, s2  }
.LBB2_4:
0x6e: {  	[spmem:s6] =	stream.linear.scatter @!p0 [tilespmem:s7], [sflag:$0x9], $0x280, $0x38;
	[tilespmem:$0x1F8E0] =	vst v63  }
0x6f: {  	s6 =	sadd.s32 s0, s4;
	s0 =	sadd.s32 $0x10, s0  }
0x70: {  	p1 =	sne.s32 s0, $0x100  }
.Ltmp3:
0x71: {  	(pc) =	sbr.rel @p1 .LBB2_4-.Ltmp3, $4  }
0x72: {  	p0 =	sgt.u32 s6, $0xF9;
	s6 =	smov.u32 s3  }
0x73: {  	s7 =	simm.s32 @!p0 $0x6250  }
0x74: {  	[spmem:s2] =	stream.linear.scatter @!p0 [tilespmem:s7], [sflag:$0x9], $0x1400, $0x38;
	[tilespmem:$0x1F8E0] =	vst v63  }
0x75: {  	s3 =	sadd.s32 $0x2800, s3;
	s7 =	simm.s32 @!p0 $0x9450;
	s2 =	sadd.s32 $0x14000, s2  }
0x76: {  	[spmem:s6] =	stream.linear.scatter @!p0 [tilespmem:s7], [sflag:$0x9], $0x280, $0x38;
	[tilespmem:$0x1F8E0] =	vst v63  }
0x77: {  	p0 =	sle.u32 s29, $0x0  }
0x78: {  	s0 =	simm.s32 @!p0 $0x9;
	p0 =	por p0, p0  }
0x79: {  	_ =	swait.ge @!p0 [sflag:s0], $0x1400  }
0x7a: {  	[sflag:s0] =	ssyncset.done @!p0 $0x0  }
0x7b: {  	[sflag:s0] =	ssyncadd.s32 @!p0 $0xFFFFEC00  }
0x7c: {  	_ =	swait.ge @!p0 [sflag:s0], $0x280  }
0x7d: {  	s2 =	simm.s32 $0x20;
	p1 =	sle.u32 s29, $0x10;
	[sflag:s0] =	ssyncset.done @!p0 $0x0  }
.LBB2_6:
0x7e: {  	[sflag:s0] =	ssyncadd.s32 @!p0 $0xFFFFFD80;
	s3 =	smov.u32 s2;
	s2 =	sadd.s32 $0x10, s2  }
0x7f: {  	s0 =	simm.s32 @!p1 $0x9;
	p0 =	por p1, p1;
	p2 =	sne.s32 s2, $0x100  }
.Ltmp4:
0x80: {  	_ =	swait.ge @!p0 [sflag:s0], $0x1400;
	(pc) =	sbr.rel @p2 .LBB2_6-.Ltmp4, $4  }
0x81: {  	[sflag:s0] =	ssyncset.done @!p0 $0x0  }
0x82: {  	[sflag:s0] =	ssyncadd.s32 @!p0 $0xFFFFEC00  }
0x83: {  	_ =	swait.ge @!p0 [sflag:s0], $0x280  }
0x84: {  	p1 =	sge.u32 s3, s29;
	[sflag:s0] =	ssyncset.done @!p0 $0x0  }
0x85: {  	s2 =	simm.s32 @!p1 $0x9;
	[sflag:s0] =	ssyncadd.s32 @!p0 $0xFFFFFD80;
	p0 =	por p1, p1  }
0x86: {  	_ =	swait.ge @!p0 [sflag:s2], $0x1400  }
0x87: {  	[sflag:s2] =	ssyncset.done @!p0 $0x0  }
0x88: {  	[sflag:s2] =	ssyncadd.s32 @!p0 $0xFFFFEC00  }
0x89: {  	_ =	swait.ge @!p0 [sflag:s2], $0x280  }
0x8a: {  	[sflag:s2] =	ssyncset.done @!p0 $0x0  }
0x8b: {  	[sflag:s2] =	ssyncadd.s32 @!p0 $0xFFFFFD80  }
0x8c: {  	s15 =	simm.s32 $0x0;
	[bflag:$0x0] =	sbarrier.arrive $0xFFFF  }
.LBB2_8:
0x8d: {  	p0 =	seq.s32 s15, $0x53  }
0x8e: {  	s0 =	simm.s32 @p0 $0x8  }
0x8f: {  	_ =	swait.ge @p0 [sflag:s0], $0x2800  }
0x90: {  	[sflag:s0] =	ssyncset.done @p0 $0x0  }
0x91: {  	[sflag:s0] =	ssyncadd.s32 @p0 $0xFFFFD800  }
0x92: {  	s2 =	smul.u32 @!p0 $0xF0, s15;
	_ =	swait.ge @p0 [sflag:s0], $0x500  }
0x93: {  	s3 =	rddreg [dreg:$0x13]  }
0x94: {  	[sflag:s0] =	ssyncset.done @p0 $0x0;
	s3 =	sadd.s32 @!p0 s2, s3  }
0x95: {  	[sflag:s0] =	ssyncadd.s32 @p0 $0xFFFFFB00;
	s0 =	sshrl.u32 @!p0 s3, $0x3;
	s3 =	rddreg [dreg:$0x5]  }
0x96: {  	s6 =	simm.s32 @!p0 $0x0;
	s7 =	simm.s32 @!p0 $0x120;
	s3 =	sadd.s32 @!p0 s3, s0  }
0x97: {  	[tilespmem:s7], [sflag:$0x3] =	stream.linear.gather @!p0 [hbm4b:s3+s6], $0x50, $0x38;
	[tilespmem:$0x1F8E0] =	vst v63  }
0x98: {  	p1 =	seq.s32 @!p0 s15, $0x0;
	s3 =	rddreg [dreg:$0x6]  }
0x99: {  	p1 =	por p1, p0;
	s0 =	sadd.s32 @!p0 s3, s0;
	s3 =	simm.s32 @!p0 $0x210  }
0x9a: {  	[tilespmem:s3], [sflag:$0x3] =	stream.linear.gather @!p0 [hbm4b:s0+s6], $0x50, $0x38;
	[tilespmem:$0x1F8E0] =	vst v63  }
0x9b: {  	s0 =	simm.s32 @!p1 $0x8  }
0x9c: {  	_ =	swait.ge @!p1 [sflag:s0], $0x2800  }
0x9d: {  	[sflag:s0] =	ssyncset.done @!p1 $0x0  }
0x9e: {  	[sflag:s0] =	ssyncadd.s32 @!p1 $0xFFFFD800  }
0x9f: {  	_ =	swait.ge @!p1 [sflag:s0], $0x500  }
0xa0: {  	[sflag:s0] =	ssyncset.done @!p1 $0x0  }
0xa1: {  	[sflag:s0] =	ssyncadd.s32 @!p1 $0xFFFFFB00;
	s0 =	simm.s32 @!p0 $0x2  }
0xa2: {  	_ =	swait.ge @!p0 [sflag:s0], $0x50  }
0xa3: {  	[sflag:s0] =	ssyncset.done @!p0 $0x0  }
0xa4: {  	[sflag:s0] =	ssyncadd.s32 @!p0 $0xFFFFFFB0  }
0xa5: {  	_ =	swait.ge @!p0 [sflag:s0], $0x50  }
0xa6: {  	s2 =	sadd.s32 @!p0 s2, s20;
	[sflag:s0] =	ssyncset.done @!p0 $0x0  }
0xa7: {  	s2 =	sshrl.u32 @!p0 s2, $0x3;
	[sflag:s0] =	ssyncadd.s32 @!p0 $0xFFFFFFB0;
	s0 =	rddreg [dreg:$0x8]  }
0xa8: {  	s0 =	sadd.s32 @!p0 s0, s2;
	s2 =	simm.s32 @!p0 $0x2B0  }
0xa9: {  	[tilespmem:s2], [sflag:$0x5] =	stream.linear.gather @!p0 [hbm4b:s0+s6], $0x50, $0x38;
	[tilespmem:$0x1F8E0] =	vst v63  }
0xaa: {  	s3 =	simm.s32 @!p0 $0x5D0;
	s0 =	simm.s32 @!p0 $0x50;
	s2 =	simm.s32 @!p0 $0xD0  }
0xab: {  	[tilespmem:s3], [sflag:$0x5] =	stream.indirect.gather @!p0 [hbm4b:s10+s0], $0x8, s2, s0, $0xb8;
	[tilespmem:$0x1F8E0] =	vst v63  }
0xac: {  	s6 =	simm.s32 @!p0 $0xD50;
	s3 =	simm.s32 @!p0 $0x1C0  }
0xad: {  	[tilespmem:s6], [sflag:$0x5] =	stream.indirect.gather @!p0 [hbm4b:s10+s0], $0x8, s3, s0, $0xb8;
	[tilespmem:$0x1F8E0] =	vst v63  }
0xae: {  	s3 =	simm.s32 @!p0 $0x3A50  }
0xaf: {  	[tilespmem:s3], [sflag:$0x5] =	stream.indirect.gather @!p0 [hbm4b:s9+s0], $0x80, s2, s0, $0xb8;
	[tilespmem:$0x1F8E0] =	vst v63  }
0xb0: {  	_ =	swait.ge [sflag:s23], $0x50  }
0xb1: {  	[sflag:s23] =	ssyncset.done $0x0  }
0xb2: {  	[sflag:s23] =	ssyncadd.s32 $0xFFFFFFB0  }
0xb3: {  	_ =	swait.ge [sflag:s23], $0x280  }
0xb4: {  	[sflag:s23] =	ssyncset.done $0x0  }
0xb5: {  	[sflag:s23] =	ssyncadd.s32 $0xFFFFFD80  }
0xb6: {  	_ =	swait.ge [sflag:s23], $0x280  }
0xb7: {  	[sflag:s23] =	ssyncset.done $0x0  }
0xb8: {  	[sflag:s23] =	ssyncadd.s32 $0xFFFFFD80  }
0xb9: {  	_ =	swait.ge [sflag:s23], $0x2800  }
0xba: {  	v1 =	vld [tilespmem:$0x1FD50];
	_ =	sdelay $0x4  }
0xbb: {  	[sflag:s23] =	ssyncset.done $0x0  }
0xbc: {  	[sflag:s23] =	ssyncadd.s32 $0xFFFFD800  }
0xbd: {  	v3 =	vld.idx.msk [tilespmem:v0+s17+$0x0], $0xffff  }
0xbe: {  	v4 =	vld.idx.msk [tilespmem:v1+s28+$0x0], $0xffff;
	_ =	sdelay $0x4  }
0xbf: {  	v3 =	vadd.f32 v4, v3;
	_ =	sdelay $0x1  }
0xc0: {  	v4 =	vmul.f32 $2.000000030e-01, v3;
	_ =	sdelay $0x1  }
0xc1: {  	v3 =	vmax.f32 v3, v4  }
0xc2: {  	v3 =	vmul.f32 $1.442695020e+00, v3;
	_ =	sdelay $0x1  }
0xc3: {  	(erf) = vpow2.f32 v3;
	_ =	sdelay $0x2  }
0xc4: {  	v1 =	vld [tilespmem:$0x1FD60];
	_ =	sdelay $0x5  }
0xc5: {  	v3 =	vpop (erf)  }
0xc6: {  	[tilespmem:v45+s24+$0x0] =	vst.idx.msk $0xffff, v3  }
0xc7: {  	v3 =	vld.idx.msk [tilespmem:v1+s17+$0x0], $0xffff  }
0xc8: {  	v1 =	vld [tilespmem:$0x1FD70];
	_ =	sdelay $0x7  }
0xc9: {  	v4 =	vld.idx.msk [tilespmem:v1+s28+$0x0], $0xffff;
	_ =	sdelay $0x4  }
0xca: {  	v3 =	vadd.f32 v4, v3;
	_ =	sdelay $0x1  }
0xcb: {  	v4 =	vmul.f32 $2.000000030e-01, v3;
	_ =	sdelay $0x1  }
0xcc: {  	v3 =	vmax.f32 v3, v4  }
0xcd: {  	v3 =	vmul.f32 $1.442695020e+00, v3;
	_ =	sdelay $0x1  }
0xce: {  	(erf) = vpow2.f32 v3;
	_ =	sdelay $0x1  }
0xcf: {  	v1 =	vld [tilespmem:$0x1FD80];
	_ =	sdelay $0x6  }
0xd0: {  	v3 =	vpop (erf)  }
0xd1: {  	[tilespmem:v1+s24+$0x0] =	vst.idx.msk $0xffff, v3;
	v1 =	vld [tilespmem:$0x1FD90];
	_ =	sdelay $0x7  }
0xd2: {  	v3 =	vld.idx.msk [tilespmem:v1+s17+$0x0], $0xffff  }
0xd3: {  	v1 =	vld [tilespmem:$0x1FDA0];
	_ =	sdelay $0x7  }
0xd4: {  	v4 =	vld.idx.msk [tilespmem:v1+s28+$0x0], $0xffff;
	_ =	sdelay $0x4  }
0xd5: {  	v3 =	vadd.f32 v4, v3;
	_ =	sdelay $0x1  }
0xd6: {  	v4 =	vmul.f32 $2.000000030e-01, v3;
	_ =	sdelay $0x1  }
0xd7: {  	v3 =	vmax.f32 v3, v4  }
0xd8: {  	v3 =	vmul.f32 $1.442695020e+00, v3;
	_ =	sdelay $0x1  }
0xd9: {  	(erf) = vpow2.f32 v3;
	_ =	sdelay $0x1  }
0xda: {  	v1 =	vld [tilespmem:$0x1FDB0];
	_ =	sdelay $0x6  }
0xdb: {  	v3 =	vpop (erf)  }
0xdc: {  	[tilespmem:v1+s24+$0x0] =	vst.idx.msk $0xffff, v3;
	v1 =	vld [tilespmem:$0x1FDC0];
	_ =	sdelay $0x7  }
0xdd: {  	v3 =	vld.idx.msk [tilespmem:v1+s17+$0x0], $0xffff  }
0xde: {  	v1 =	vld [tilespmem:$0x1FDD0];
	_ =	sdelay $0x7  }
0xdf: {  	v4 =	vld.idx.msk [tilespmem:v1+s28+$0x0], $0xffff  }
0xe0: {  	v1 =	vld [tilespmem:$0x1FDF0];
	_ =	sdelay $0x7  }
0xe1: {  	v5 =	vld.idx.msk [tilespmem:v1+s17+$0x0], $0xffff  }
0xe2: {  	v1 =	vld [tilespmem:$0x1FE00];
	_ =	sdelay $0x7  }
0xe3: {  	v6 =	vld.idx.msk [tilespmem:v1+s28+$0x0], $0xffff;
	_ =	sdelay $0x3  }
0xe4: {  	v3 =	vadd.f32 v4, v3  }
0xe5: {  	v4 =	vadd.f32 v6, v5  }
0xe6: {  	v5 =	vmul.f32 $2.000000030e-01, v3  }
0xe7: {  	v6 =	vmul.f32 $2.000000030e-01, v4  }
0xe8: {  	v3 =	vmax.f32 v3, v5  }
0xe9: {  	v3 =	vmul.f32 $1.442695020e+00, v3;
	v4 =	vmax.f32 v4, v6  }
0xea: {  	v4 =	vmul.f32 $1.442695020e+00, v4  }
0xeb: {  	(erf) = vpow2.f32 v3  }
0xec: {  	(erf) = vpow2.f32 v4;
	_ =	sdelay $0x1  }
0xed: {  	v1 =	vld [tilespmem:$0x1FE10];
	_ =	sdelay $0x5  }
0xee: {  	v3 =	vpop (erf)  }
0xef: {  	v4 =	vpop (erf)  }
0xf0: {  	[tilespmem:v1+s24+$0x0] =	vst.idx.msk $0xffff, v4;
	v1 =	vld [tilespmem:$0x1FE20];
	_ =	sdelay $0x7  }
0xf1: {  	v4 =	vld.idx.msk [tilespmem:v1+s17+$0x0], $0xffff  }
0xf2: {  	v1 =	vld [tilespmem:$0x1FE30];
	_ =	sdelay $0x7  }
0xf3: {  	v5 =	vld.idx.msk [tilespmem:v1+s28+$0x0], $0xffff;
	_ =	sdelay $0x4  }
0xf4: {  	v4 =	vadd.f32 v5, v4;
	_ =	sdelay $0x1  }
0xf5: {  	v5 =	vmul.f32 $2.000000030e-01, v4;
	_ =	sdelay $0x1  }
0xf6: {  	v4 =	vmax.f32 v4, v5  }
0xf7: {  	v4 =	vmul.f32 $1.442695020e+00, v4;
	_ =	sdelay $0x1  }
0xf8: {  	(erf) = vpow2.f32 v4;
	_ =	sdelay $0x1  }
0xf9: {  	v1 =	vld [tilespmem:$0x1FE40];
	_ =	sdelay $0x6  }
0xfa: {  	v4 =	vpop (erf)  }
0xfb: {  	[tilespmem:v1+s24+$0x0] =	vst.idx.msk $0xffff, v4;
	v1 =	vld [tilespmem:$0x1FE50];
	_ =	sdelay $0x7  }
0xfc: {  	v4 =	vld.idx.msk [tilespmem:v1+s17+$0x0], $0xffff  }
0xfd: {  	v1 =	vld [tilespmem:$0x1FE60];
	_ =	sdelay $0x7  }
0xfe: {  	v5 =	vld.idx.msk [tilespmem:v1+s28+$0x0], $0xffff;
	_ =	sdelay $0x4  }
0xff: {  	v4 =	vadd.f32 v5, v4;
	_ =	sdelay $0x1  }
0x100: {  	v5 =	vmul.f32 $2.000000030e-01, v4;
	_ =	sdelay $0x1  }
0x101: {  	v4 =	vmax.f32 v4, v5  }
0x102: {  	v4 =	vmul.f32 $1.442695020e+00, v4;
	_ =	sdelay $0x1  }
0x103: {  	(erf) = vpow2.f32 v4;
	_ =	sdelay $0x1  }
0x104: {  	v1 =	vld [tilespmem:$0x1FE70];
	_ =	sdelay $0x6  }
0x105: {  	v4 =	vpop (erf)  }
0x106: {  	[tilespmem:v1+s24+$0x0] =	vst.idx.msk $0xffff, v4;
	v1 =	vld [tilespmem:$0x1FE80];
	_ =	sdelay $0x7  }
0x107: {  	v4 =	vld.idx.msk [tilespmem:v1+s17+$0x0], $0xffff  }
0x108: {  	v1 =	vld [tilespmem:$0x1FE90];
	_ =	sdelay $0x7  }
0x109: {  	v5 =	vld.idx.msk [tilespmem:v1+s28+$0x0], $0xffff  }
0x10a: {  	v1 =	vld [tilespmem:$0x1FEB0];
	_ =	sdelay $0x7  }
0x10b: {  	v6 =	vld.idx.msk [tilespmem:v1+s17+$0x0], $0xffff  }
0x10c: {  	v1 =	vld [tilespmem:$0x1FEC0];
	_ =	sdelay $0x7  }
0x10d: {  	v7 =	vld.idx.msk [tilespmem:v1+s28+$0x0], $0xffff;
	_ =	sdelay $0x3  }
0x10e: {  	v4 =	vadd.f32 v5, v4  }
0x10f: {  	v5 =	vadd.f32 v7, v6  }
0x110: {  	v6 =	vmul.f32 $2.000000030e-01, v4  }
0x111: {  	v7 =	vmul.f32 $2.000000030e-01, v5  }
0x112: {  	v4 =	vmax.f32 v4, v6  }
0x113: {  	v4 =	vmul.f32 $1.442695020e+00, v4;
	v5 =	vmax.f32 v5, v7  }
0x114: {  	v5 =	vmul.f32 $1.442695020e+00, v5  }
0x115: {  	(erf) = vpow2.f32 v4  }
0x116: {  	(erf) = vpow2.f32 v5;
	_ =	sdelay $0x1  }
0x117: {  	v1 =	vld [tilespmem:$0x1FED0];
	_ =	sdelay $0x5  }
0x118: {  	v4 =	vpop (erf)  }
0x119: {  	v5 =	vpop (erf)  }
0x11a: {  	[tilespmem:v1+s24+$0x0] =	vst.idx.msk $0xffff, v5;
	v1 =	vld [tilespmem:$0x1FEE0];
	_ =	sdelay $0x7  }
0x11b: {  	v5 =	vld.idx.msk [tilespmem:v1+s17+$0x0], $0xffff  }
0x11c: {  	v1 =	vld [tilespmem:$0x1FEF0];
	_ =	sdelay $0x7  }
0x11d: {  	v6 =	vld.idx.msk [tilespmem:v1+s28+$0x0], $0xffff;
	_ =	sdelay $0x4  }
0x11e: {  	v5 =	vadd.f32 v6, v5;
	_ =	sdelay $0x1  }
0x11f: {  	v6 =	vmul.f32 $2.000000030e-01, v5;
	_ =	sdelay $0x1  }
0x120: {  	v5 =	vmax.f32 v5, v6  }
0x121: {  	v5 =	vmul.f32 $1.442695020e+00, v5;
	_ =	sdelay $0x1  }
0x122: {  	(erf) = vpow2.f32 v5;
	_ =	sdelay $0x1  }
0x123: {  	v1 =	vld [tilespmem:$0x1FF00];
	_ =	sdelay $0x6  }
0x124: {  	v5 =	vpop (erf)  }
0x125: {  	[tilespmem:v1+s24+$0x0] =	vst.idx.msk $0xffff, v5;
	v1 =	vld [tilespmem:$0x1FF10];
	_ =	sdelay $0x7  }
0x126: {  	v5 =	vld.idx.msk [tilespmem:v1+s17+$0x0], $0xffff  }
0x127: {  	v1 =	vld [tilespmem:$0x1FF20];
	_ =	sdelay $0x7  }
0x128: {  	v6 =	vld.idx.msk [tilespmem:v1+s28+$0x0], $0xffff;
	_ =	sdelay $0x4  }
0x129: {  	v5 =	vadd.f32 v6, v5;
	_ =	sdelay $0x1  }
0x12a: {  	v6 =	vmul.f32 $2.000000030e-01, v5;
	_ =	sdelay $0x1  }
0x12b: {  	v5 =	vmax.f32 v5, v6  }
0x12c: {  	v5 =	vmul.f32 $1.442695020e+00, v5;
	_ =	sdelay $0x1  }
0x12d: {  	(erf) = vpow2.f32 v5;
	_ =	sdelay $0x1  }
0x12e: {  	v1 =	vld [tilespmem:$0x1FF30];
	_ =	sdelay $0x6  }
0x12f: {  	v5 =	vpop (erf)  }
0x130: {  	[tilespmem:v1+s24+$0x0] =	vst.idx.msk $0xffff, v5;
	v1 =	vld [tilespmem:$0x1FF40];
	_ =	sdelay $0x7  }
0x131: {  	v5 =	vld.idx.msk [tilespmem:v1+s17+$0x0], $0xffff  }
0x132: {  	v1 =	vld [tilespmem:$0x1FF50];
	_ =	sdelay $0x7  }
0x133: {  	v6 =	vld.idx.msk [tilespmem:v1+s28+$0x0], $0xffff  }
0x134: {  	v1 =	vld [tilespmem:$0x1FF70];
	_ =	sdelay $0x7  }
0x135: {  	v7 =	vld.idx.msk [tilespmem:v1+s17+$0x0], $0xffff  }
0x136: {  	v1 =	vld [tilespmem:$0x1FF80];
	_ =	sdelay $0x7  }
0x137: {  	v8 =	vld.idx.msk [tilespmem:v1+s28+$0x0], $0xffff;
	_ =	sdelay $0x3  }
0x138: {  	v5 =	vadd.f32 v6, v5  }
0x139: {  	v6 =	vadd.f32 v8, v7  }
0x13a: {  	v7 =	vmul.f32 $2.000000030e-01, v5  }
0x13b: {  	v8 =	vmul.f32 $2.000000030e-01, v6  }
0x13c: {  	v5 =	vmax.f32 v5, v7  }
0x13d: {  	v5 =	vmul.f32 $1.442695020e+00, v5;
	v6 =	vmax.f32 v6, v8  }
0x13e: {  	v6 =	vmul.f32 $1.442695020e+00, v6  }
0x13f: {  	(erf) = vpow2.f32 v5  }
0x140: {  	(erf) = vpow2.f32 v6;
	_ =	sdelay $0x1  }
0x141: {  	v1 =	vld [tilespmem:$0x1FF90];
	_ =	sdelay $0x5  }
0x142: {  	v5 =	vpop (erf)  }
0x143: {  	v6 =	vpop (erf)  }
0x144: {  	[tilespmem:v1+s24+$0x0] =	vst.idx.msk $0xffff, v6;
	v1 =	vld [tilespmem:$0x1FFA0];
	_ =	sdelay $0x7  }
0x145: {  	v6 =	vld.idx.msk [tilespmem:v1+s17+$0x0], $0xffff  }
0x146: {  	v1 =	vld [tilespmem:$0x1FFB0];
	_ =	sdelay $0x7  }
0x147: {  	v7 =	vld.idx.msk [tilespmem:v1+s28+$0x0], $0xffff;
	_ =	sdelay $0x4  }
0x148: {  	v6 =	vadd.f32 v7, v6;
	_ =	sdelay $0x1  }
0x149: {  	v7 =	vmul.f32 $2.000000030e-01, v6;
	_ =	sdelay $0x1  }
0x14a: {  	v6 =	vmax.f32 v6, v7  }
0x14b: {  	v6 =	vmul.f32 $1.442695020e+00, v6;
	_ =	sdelay $0x1  }
0x14c: {  	(erf) = vpow2.f32 v6;
	_ =	sdelay $0x1  }
0x14d: {  	v1 =	vld [tilespmem:$0x1FFC0];
	_ =	sdelay $0x6  }
0x14e: {  	v6 =	vpop (erf)  }
0x14f: {  	[tilespmem:v1+s24+$0x0] =	vst.idx.msk $0xffff, v6;
	v1 =	vld [tilespmem:$0x1FFD0];
	_ =	sdelay $0x7  }
0x150: {  	v6 =	vld.idx.msk [tilespmem:v1+s17+$0x0], $0xffff  }
0x151: {  	v1 =	vld [tilespmem:$0x1FFE0];
	_ =	sdelay $0x7  }
0x152: {  	v7 =	vld.idx.msk [tilespmem:v1+s28+$0x0], $0xffff;
	_ =	sdelay $0x4  }
0x153: {  	v6 =	vadd.f32 v7, v6;
	_ =	sdelay $0x1  }
0x154: {  	v7 =	vmul.f32 $2.000000030e-01, v6;
	_ =	sdelay $0x1  }
0x155: {  	v6 =	vmax.f32 v6, v7  }
0x156: {  	v6 =	vmul.f32 $1.442695020e+00, v6;
	_ =	sdelay $0x1  }
0x157: {  	(erf) = vpow2.f32 v6;
	_ =	sdelay $0x1  }
0x158: {  	v1 =	vld [tilespmem:$0x1FFF0];
	_ =	sdelay $0x6  }
0x159: {  	v6 =	vpop (erf)  }
0x15a: {  	v9 =	vld.idx.msk [tilespmem:v50+s28+$0x0], $0xffff;
	[tilespmem:v1+s24+$0x0] =	vst.idx.msk $0xffff, v6  }
0x15b: {  	v6 =	vld.idx.msk [tilespmem:v46+s17+$0x0], $0xffff  }
0x15c: {  	v7 =	vld.idx.msk [tilespmem:v47+s28+$0x0], $0xffff  }
0x15d: {  	v8 =	vld.idx.msk [tilespmem:v49+s17+$0x0], $0xffff;
	_ =	sdelay $0x3  }
0x15e: {  	v6 =	vadd.f32 v7, v6  }
0x15f: {  	v7 =	vadd.f32 v9, v8  }
0x160: {  	v8 =	vmul.f32 $2.000000030e-01, v6  }
0x161: {  	v9 =	vmul.f32 $2.000000030e-01, v7  }
0x162: {  	v6 =	vmax.f32 v6, v8  }
0x163: {  	v7 =	vmax.f32 v7, v9;
	v6 =	vmul.f32 $1.442695020e+00, v6  }
0x164: {  	v7 =	vmul.f32 $1.442695020e+00, v7  }
0x165: {  	(erf) = vpow2.f32 v6  }
0x166: {  	(erf) = vpow2.f32 v7;
	_ =	sdelay $0x7  }
0x167: {  	v6 =	vpop (erf)  }
0x168: {  	v7 =	vpop (erf)  }
0x169: {  	[tilespmem:v51+s24+$0x0] =	vst.idx.msk $0xffff, v7  }
0x16a: {  	v7 =	vld.idx.msk [tilespmem:v52+s17+$0x0], $0xffff  }
0x16b: {  	v8 =	vld.idx.msk [tilespmem:v53+s28+$0x0], $0xffff;
	_ =	sdelay $0x4  }
0x16c: {  	v7 =	vadd.f32 v8, v7;
	_ =	sdelay $0x1  }
0x16d: {  	v8 =	vmul.f32 $2.000000030e-01, v7;
	_ =	sdelay $0x1  }
0x16e: {  	v7 =	vmax.f32 v7, v8  }
0x16f: {  	v7 =	vmul.f32 $1.442695020e+00, v7;
	_ =	sdelay $0x1  }
0x170: {  	(erf) = vpow2.f32 v7;
	_ =	sdelay $0x8  }
0x171: {  	v7 =	vpop (erf)  }
0x172: {  	[tilespmem:v54+s24+$0x0] =	vst.idx.msk $0xffff, v7  }
0x173: {  	v7 =	vld.idx.msk [tilespmem:v55+s17+$0x0], $0xffff  }
0x174: {  	v8 =	vld.idx.msk [tilespmem:v56+s28+$0x0], $0xffff;
	_ =	sdelay $0x4  }
0x175: {  	v7 =	vadd.f32 v8, v7;
	_ =	sdelay $0x1  }
0x176: {  	v8 =	vmul.f32 $2.000000030e-01, v7;
	_ =	sdelay $0x1  }
0x177: {  	v7 =	vmax.f32 v7, v8  }
0x178: {  	v7 =	vmul.f32 $1.442695020e+00, v7;
	_ =	sdelay $0x1  }
0x179: {  	(erf) = vpow2.f32 v7;
	_ =	sdelay $0x8  }
0x17a: {  	v1 =	vld [tilespmem:$0x1FDE0];
	v7 =	vpop (erf)  }
0x17b: {  	[tilespmem:v57+s24+$0x0] =	vst.idx.msk $0xffff, v7  }
0x17c: {  	v7 =	vld.idx.msk [tilespmem:v58+s17+$0x0], $0xffff  }
0x17d: {  	v8 =	vld.idx.msk [tilespmem:v59+s28+$0x0], $0xffff;
	_ =	sdelay $0x4  }
0x17e: {  	[tilespmem:v1+s24+$0x0] =	vst.idx.msk $0xffff, v3;
	v1 =	vld [tilespmem:$0x1FEA0];
	v7 =	vadd.f32 v8, v7;
	_ =	sdelay $0x1  }
0x17f: {  	v8 =	vmul.f32 $2.000000030e-01, v7;
	_ =	sdelay $0x1  }
0x180: {  	v7 =	vmax.f32 v7, v8  }
0x181: {  	v7 =	vmul.f32 $1.442695020e+00, v7;
	_ =	sdelay $0x1  }
0x182: {  	(erf) = vpow2.f32 v7  }
0x183: {  	[tilespmem:v1+s24+$0x0] =	vst.idx.msk $0xffff, v4;
	v1 =	vld [tilespmem:$0x1FF60];
	_ =	sdelay $0x6  }
0x184: {  	[tilespmem:v48+s24+$0x0] =	vst.idx.msk $0xffff, v6  }
0x185: {  	[tilespmem:v1+s24+$0x0] =	vst.idx.msk $0xffff, v5;
	v3 =	vpop (erf)  }
0x186: {  	s25 =	simm.s32 $0x8A90;
	[tilespmem:v60+s24+$0x0] =	vst.idx.msk $0xffff, v3  }
0x187: {  	v3 =	vld [tilespmem:s25+$0x30]  }
0x188: {  	s0 =	simm.s32 $0x1450;
	v7 =	vld [tilespmem:s25+$0xFFFFFFD0]  }
0x189: {  	v8 =	vld [tilespmem:s0+$0x1F0]  }
0x18a: {  	v9 =	vld [tilespmem:s25+$0xFFFFFFE0]  }
0x18b: {  	v10 =	vld [tilespmem:s25+$0xFFFFFFF0]  }
0x18c: {  	v6 =	vld [tilespmem:s25+$0x0]  }
0x18d: {  	v5 =	vld [tilespmem:s25+$0x10]  }
0x18e: {  	v4 =	vld [tilespmem:s25+$0x20]  }
0x18f: {  	v11 =	vld [tilespmem:s25+$0xFFFFFFC0]  }
0x190: {  	v12 =	vld [tilespmem:s0+$0xFFFFFE00]  }
0x191: {  	v13 =	vld [tilespmem:s0+$0xFFFFFE10]  }
0x192: {  	v14 =	vld [tilespmem:s0+$0xFFFFFE20]  }
0x193: {  	v15 =	vld [tilespmem:s0+$0xFFFFFE30]  }
0x194: {  	v16 =	vld [tilespmem:s0+$0xFFFFFE40]  }
0x195: {  	v17 =	vld [tilespmem:s0+$0xFFFFFE50]  }
0x196: {  	v18 =	vld [tilespmem:s0+$0xFFFFFE60]  }
0x197: {  	v62 =	vld [tilespmem:s0+$0xFFFFFE70]  }
0x198: {  	v63 =	vld [tilespmem:s0+$0xFFFFFE80]  }
0x199: {  	v21 =	vld [tilespmem:s0+$0xFFFFFEA0];
	v61 =	vbroadcast v3, $0x3  }
0x19a: {  	v22 =	vld [tilespmem:s0+$0xFFFFFEB0];
	v20 =	vbroadcast v11, $0x0  }
0x19b: {  	v19 =	vld [tilespmem:s0+$0xFFFFFE90];
	v23 =	vbroadcast v11, $0x1;
	v8 =	vmul.f32 v8, v61  }
0x19c: {  	v24 =	vld [tilespmem:s0+$0xFFFFFEC0];
	v12 =	vmul.f32 v20, v12  }
0x19d: {  	v31 =	vld [tilespmem:s0+$0xFFFFFF60];
	v29 =	vbroadcast v7, $0x1;
	v14 =	vmul.f32 v14, v23;
	[tilespmem:s0+$0x1F0] =	vst v8  }
0x19e: {  	v33 =	vld [tilespmem:s0+$0xFFFFFF80];
	v15 =	vmul.f32 v15, v23;
	[tilespmem:s0+$0xFFFFFE00] =	vst v12  }
0x19f: {  	v35 =	vld [tilespmem:s0+$0xFFFFFFA0];
	v21 =	vmul.f32 v21, v29;
	v22 =	vmul.f32 v22, v29;
	[tilespmem:s0+$0xFFFFFE20] =	vst v14  }
0x1a0: {  	v38 =	vld [tilespmem:s0+$0x40];
	v8 =	vmul.f32 v13, v20;
	v20 =	vbroadcast v11, $0x2;
	[tilespmem:s0+$0xFFFFFE30] =	vst v15  }
0x1a1: {  	v39 =	vld [tilespmem:s0+$0x60];
	[tilespmem:s0+$0xFFFFFEA0] =	vst v21  }
0x1a2: {  	v40 =	vld [tilespmem:s0+$0x140];
	v11 =	vbroadcast v11, $0x3;
	[tilespmem:s0+$0xFFFFFEB0] =	vst v22;
	v16 =	vmul.f32 v16, v20  }
0x1a3: {  	v14 =	vld [tilespmem:s0+$0xFFFFFF00];
	[tilespmem:s0+$0xFFFFFE10] =	vst v8;
	v17 =	vmul.f32 v17, v20  }
0x1a4: {  	v15 =	vld [tilespmem:s0+$0xFFFFFF10];
	v20 =	vbroadcast v7, $0x0;
	v18 =	vmul.f32 v18, v11;
	[tilespmem:s0+$0xFFFFFE40] =	vst v16  }
0x1a5: {  	v43 =	vld [tilespmem:s0+$0x180];
	v11 =	vmul.f32 v62, v11;
	[tilespmem:s0+$0xFFFFFE50] =	vst v17  }
0x1a6: {  	v34 =	vbroadcast v9, $0x0;
	v13 =	vld [tilespmem:s0+$0xFFFFFED0];
	v30 =	vmul.f32 v20, v63;
	[tilespmem:s0+$0xFFFFFE60] =	vst v18  }
0x1a7: {  	v12 =	vld [tilespmem:s0+$0xFFFFFEE0];
	v19 =	vmul.f32 v19, v20;
	[tilespmem:s0+$0xFFFFFE70] =	vst v11  }
0x1a8: {  	v8 =	vld [tilespmem:s0+$0xFFFFFEF0];
	v20 =	vbroadcast v7, $0x2;
	v14 =	vmul.f32 v34, v14;
	[tilespmem:s0+$0xFFFFFE80] =	vst v30  }
0x1a9: {  	v11 =	vld [tilespmem:s0+$0xFFFFFF50];
	v15 =	vmul.f32 v15, v34;
	[tilespmem:s0+$0xFFFFFE90] =	vst v19  }
0x1aa: {  	v16 =	vld [tilespmem:s0+$0xFFFFFF20];
	v7 =	vbroadcast v7, $0x3;
	v32 =	vmul.f32 v24, v20;
	[tilespmem:s0+$0xFFFFFF00] =	vst v14  }
0x1ab: {  	v17 =	vld [tilespmem:s0+$0xFFFFFF30];
	v13 =	vmul.f32 v13, v20;
	[tilespmem:s0+$0xFFFFFF10] =	vst v15  }
0x1ac: {  	v36 =	vbroadcast v9, $0x2;
	v18 =	vld [tilespmem:s0+$0xFFFFFF40];
	v12 =	vmul.f32 v12, v7;
	[tilespmem:s0+$0xFFFFFEC0] =	vst v32  }
0x1ad: {  	v19 =	vld [tilespmem:s0+$0xFFFFFF70];
	v7 =	vmul.f32 v8, v7;
	[tilespmem:s0+$0xFFFFFED0] =	vst v13;
	v13 =	vbroadcast v9, $0x1  }
0x1ae: {  	v20 =	vld [tilespmem:s0+$0xFFFFFF90];
	[tilespmem:s0+$0xFFFFFEE0] =	vst v12;
	v11 =	vmul.f32 v11, v36  }
0x1af: {  	v8 =	vld [tilespmem:s0+$0xFFFFFFB0];
	[tilespmem:s0+$0xFFFFFEF0] =	vst v7;
	v16 =	vmul.f32 v16, v13  }
0x1b0: {  	v14 =	vld [tilespmem:s0+$0xFFFFFFE0];
	v9 =	vbroadcast v9, $0x3;
	v13 =	vmul.f32 v17, v13;
	[tilespmem:s0+$0xFFFFFF50] =	vst v11  }
0x1b1: {  	v15 =	vld [tilespmem:s0+$0xFFFFFFF0];
	v17 =	vmul.f32 v18, v36;
	[tilespmem:s0+$0xFFFFFF20] =	vst v16  }
0x1b2: {  	v12 =	vld [tilespmem:s0+$0xFFFFFFC0];
	v18 =	vbroadcast v10, $0x0;
	v37 =	vmul.f32 v31, v9;
	[tilespmem:s0+$0xFFFFFF30] =	vst v13  }
0x1b3: {  	v7 =	vld [tilespmem:s0+$0xFFFFFFD0];
	v9 =	vmul.f32 v19, v9;
	[tilespmem:s0+$0xFFFFFF40] =	vst v17  }
0x1b4: {  	v11 =	vld [tilespmem:s0+$0x30];
	v19 =	vbroadcast v10, $0x1;
	v21 =	vmul.f32 v18, v33;
	[tilespmem:s0+$0xFFFFFF60] =	vst v37  }
0x1b5: {  	v16 =	vld [tilespmem:s0+$0x0];
	v18 =	vmul.f32 v20, v18;
	[tilespmem:s0+$0xFFFFFF70] =	vst v9  }
0x1b6: {  	v13 =	vld [tilespmem:s0+$0x10];
	v20 =	vbroadcast v10, $0x2;
	v23 =	vmul.f32 v35, v19;
	[tilespmem:s0+$0xFFFFFF80] =	vst v21  }
0x1b7: {  	v17 =	vld [tilespmem:s0+$0x20];
	v10 =	vbroadcast v10, $0x3;
	v8 =	vmul.f32 v8, v19;
	[tilespmem:s0+$0xFFFFFF90] =	vst v18  }
0x1b8: {  	v9 =	vld [tilespmem:s0+$0x50];
	v12 =	vmul.f32 v12, v20;
	v7 =	vmul.f32 v7, v20;
	[tilespmem:s0+$0xFFFFFFA0] =	vst v23  }
0x1b9: {  	v19 =	vld [tilespmem:s0+$0x80];
	v20 =	vbroadcast v6, $0x0;
	v14 =	vmul.f32 v14, v10;
	[tilespmem:s0+$0xFFFFFFB0] =	vst v8  }
0x1ba: {  	v18 =	vld [tilespmem:s0+$0x70];
	v10 =	vmul.f32 v15, v10;
	v15 =	vbroadcast v6, $0x1;
	[tilespmem:s0+$0xFFFFFFC0] =	vst v12  }
0x1bb: {  	v42 =	vbroadcast v4, $0x2;
	v8 =	vld [tilespmem:s0+$0x90];
	[tilespmem:s0+$0xFFFFFFD0] =	vst v7  }
0x1bc: {  	v12 =	vld [tilespmem:s0+$0xA0];
	[tilespmem:s0+$0xFFFFFFE0] =	vst v14;
	v11 =	vmul.f32 v11, v15;
	v16 =	vmul.f32 v20, v16  }
0x1bd: {  	v7 =	vld [tilespmem:s0+$0xB0];
	[tilespmem:s0+$0xFFFFFFF0] =	vst v10;
	v13 =	vmul.f32 v13, v20;
	v20 =	vbroadcast v6, $0x2  }
0x1be: {  	v63 =	vbroadcast v3, $0x0;
	v14 =	vld [tilespmem:s0+$0xC0];
	v17 =	vmul.f32 v17, v15;
	[tilespmem:s0+$0x30] =	vst v11  }
0x1bf: {  	v10 =	vld [tilespmem:s0+$0xD0];
	v6 =	vbroadcast v6, $0x3;
	v15 =	vmul.f32 v38, v20;
	[tilespmem:s0+$0x0] =	vst v16  }
0x1c0: {  	v11 =	vld [tilespmem:s0+$0x110];
	v9 =	vmul.f32 v9, v20;
	v20 =	vbroadcast v5, $0x0;
	[tilespmem:s0+$0x10] =	vst v13  }
0x1c1: {  	v16 =	vld [tilespmem:s0+$0xE0];
	v21 =	vmul.f32 v39, v6;
	v6 =	vmul.f32 v18, v6;
	[tilespmem:s0+$0x20] =	vst v17  }
0x1c2: {  	v17 =	vld [tilespmem:s0+$0x100];
	v18 =	vbroadcast v5, $0x1;
	v19 =	vmul.f32 v20, v19;
	[tilespmem:s0+$0x40] =	vst v15  }
0x1c3: {  	v13 =	vld [tilespmem:s0+$0xF0];
	v8 =	vmul.f32 v8, v20;
	v20 =	vbroadcast v5, $0x2;
	[tilespmem:s0+$0x50] =	vst v9  }
0x1c4: {  	v15 =	vld [tilespmem:s0+$0x120];
	v12 =	vmul.f32 v12, v18;
	v7 =	vmul.f32 v7, v18;
	[tilespmem:s0+$0x60] =	vst v21  }
0x1c5: {  	v18 =	vld [tilespmem:s0+$0x130];
	v5 =	vbroadcast v5, $0x3;
	v9 =	vbroadcast v4, $0x0;
	[tilespmem:s0+$0x70] =	vst v6  }
0x1c6: {  	v6 =	vld [tilespmem:s0+$0x150];
	v14 =	vmul.f32 v14, v20;
	v20 =	vmul.f32 v10, v20;
	[tilespmem:s0+$0x80] =	vst v19  }
0x1c7: {  	[tilespmem:s0+$0x90] =	vst v8;
	v41 =	vmul.f32 v16, v5;
	v19 =	vmul.f32 v9, v17;
	v17 =	vld [tilespmem:s0+$0x170]  }
0x1c8: {  	[tilespmem:s0+$0xA0] =	vst v12;
	v13 =	vmul.f32 v13, v5;
	v5 =	vld [tilespmem:s0+$0x160];
	v16 =	vbroadcast v4, $0x1  }
0x1c9: {  	v44 =	vld [tilespmem:s0+$0x190];
	[tilespmem:s0+$0xB0] =	vst v7;
	v9 =	vmul.f32 v11, v9;
	v4 =	vbroadcast v4, $0x3  }
0x1ca: {  	v11 =	vmul.f32 v40, v42;
	[tilespmem:s0+$0xC0] =	vst v14;
	v10 =	vmul.f32 v15, v16;
	v15 =	vld [tilespmem:s0+$0x1A0]  }
0x1cb: {  	[tilespmem:s0+$0xD0] =	vst v20;
	v14 =	vmul.f32 v63, v43;
	v8 =	vmul.f32 v18, v16;
	v16 =	vld [tilespmem:s0+$0x1B0]  }
0x1cc: {  	v7 =	vmul.f32 v6, v42;
	[tilespmem:s0+$0xE0] =	vst v41;
	v6 =	vmul.f32 v17, v4;
	v17 =	vld [tilespmem:s0+$0x1C0]  }
0x1cd: {  	[tilespmem:s0+$0xF0] =	vst v13;
	v18 =	vld [tilespmem:s0+$0x1D0];
	v12 =	vmul.f32 v5, v4;
	v5 =	vbroadcast v3, $0x1  }
0x1ce: {  	s6 =	simm.s32 $0x8B10;
	s3 =	simm.s32 $0x0;
	s2 =	simm.s32 $0x1450;
	[tilespmem:s0+$0x100] =	vst v19;
	v13 =	vmul.f32 v44, v63;
	v4 =	vbroadcast v3, $0x2;
	v3 =	vld [tilespmem:s0+$0x1E0]  }
.LBB2_9:
0x1cf: {  	v19 =	vld [tilespmem:s6+$0x30];
	s3 =	sadd.s32 $0x8, s3;
	[tilespmem:s0+$0x110] =	vst v9;
	v9 =	vmul.f32 v15, v5  }
0x1d0: {  	s0 =	sadd.s32 $0x400, s0;
	v15 =	vld [tilespmem:s6+$0xFFFFFFD0];
	p1 =	slt.u32 s3, $0x48;
	[tilespmem:s2+$0x120] =	vst v10;
	v5 =	vmul.f32 v16, v5  }
0x1d1: {  	v10 =	vld [tilespmem:s0+$0x1F0];
	[tilespmem:s2+$0x130] =	vst v8;
	v8 =	vmul.f32 v17, v4  }
0x1d2: {  	v16 =	vld [tilespmem:s6+$0xFFFFFFE0];
	[tilespmem:s2+$0x140] =	vst v11;
	v4 =	vmul.f32 v18, v4  }
0x1d3: {  	v11 =	vld [tilespmem:s6+$0xFFFFFFF0];
	[tilespmem:s2+$0x150] =	vst v7;
	v7 =	vmul.f32 v3, v61  }
0x1d4: {  	v20 =	vld [tilespmem:s6+$0x0];
	v3 =	vbroadcast v19, $0x0;
	v61 =	vbroadcast v19, $0x3;
	[tilespmem:s2+$0x160] =	vst v12  }
0x1d5: {  	v21 =	vbroadcast v15, $0x0;
	v22 =	vbroadcast v15, $0x1;
	v23 =	vld [tilespmem:s6+$0x10];
	[tilespmem:s2+$0x170] =	vst v6  }
0x1d6: {  	v24 =	vbroadcast v15, $0x2;
	v6 =	vld [tilespmem:s6+$0x20];
	v10 =	vmul.f32 v10, v61;
	[tilespmem:s2+$0x180] =	vst v14  }
0x1d7: {  	v25 =	vbroadcast v15, $0x3;
	v12 =	vld [tilespmem:s6+$0xFFFFFFC0];
	v26 =	vbroadcast v16, $0x0;
	[tilespmem:s2+$0x190] =	vst v13  }
0x1d8: {  	v27 =	vbroadcast v16, $0x1;
	v28 =	vbroadcast v16, $0x2;
	v1 =	vld [tilespmem:s0+$0xFFFFFE00];
	[tilespmem:s0+$0x1F0] =	vst v10  }
0x1d9: {  	v30 =	vbroadcast v16, $0x3;
	v31 =	vbroadcast v11, $0x0;
	v29 =	vld [tilespmem:s0+$0xFFFFFE10];
	[tilespmem:s2+$0x1A0] =	vst v9  }
0x1da: {  	v63 =	vbroadcast v11, $0x1;
	v18 =	vbroadcast v11, $0x2;
	v32 =	vld [tilespmem:s0+$0xFFFFFE20];
	[tilespmem:s2+$0x1B0] =	vst v5  }
0x1db: {  	v16 =	vbroadcast v11, $0x3;
	v14 =	vbroadcast v20, $0x0;
	v33 =	vld [tilespmem:s0+$0xFFFFFE30];
	[tilespmem:s2+$0x1C0] =	vst v8  }
0x1dc: {  	v34 =	vbroadcast v12, $0x0;
	v35 =	vbroadcast v12, $0x1;
	v36 =	vld [tilespmem:s0+$0xFFFFFE40];
	[tilespmem:s2+$0x1D0] =	vst v4  }
0x1dd: {  	v37 =	vbroadcast v12, $0x2;
	v39 =	vbroadcast v12, $0x3;
	v38 =	vld [tilespmem:s0+$0xFFFFFE50];
	[tilespmem:s2+$0x1E0] =	vst v7;
	s2 =	smov.u32 s0  }
0x1de: {  	v17 =	vbroadcast v20, $0x1;
	v15 =	vbroadcast v20, $0x2;
	v40 =	vld [tilespmem:s0+$0xFFFFFE60]  }
0x1df: {  	v13 =	vbroadcast v20, $0x3;
	v12 =	vbroadcast v23, $0x0;
	v41 =	vld [tilespmem:s0+$0xFFFFFE70]  }
0x1e0: {  	v11 =	vbroadcast v23, $0x1;
	v10 =	vbroadcast v23, $0x2;
	v20 =	vld [tilespmem:s0+$0xFFFFFE80]  }
0x1e1: {  	v9 =	vbroadcast v23, $0x3;
	v62 =	vbroadcast v6, $0x0;
	v42 =	vld [tilespmem:s0+$0xFFFFFE90]  }
0x1e2: {  	v8 =	vbroadcast v6, $0x1;
	v7 =	vbroadcast v6, $0x2;
	v23 =	vld [tilespmem:s0+$0xFFFFFEA0]  }
0x1e3: {  	v5 =	vbroadcast v19, $0x1;
	v6 =	vbroadcast v6, $0x3;
	v43 =	vld [tilespmem:s0+$0xFFFFFEB0]  }
0x1e4: {  	v4 =	vbroadcast v19, $0x2;
	v1 =	vmul.f32 v34, v1;
	v44 =	vld [tilespmem:s0+$0xFFFFFEC0]  }
0x1e5: {  	v19 =	vmul.f32 v29, v34;
	v29 =	vmul.f32 v32, v35;
	v32 =	vld [tilespmem:s0+$0xFFFFFED0]  }
0x1e6: {  	[tilespmem:s0+$0xFFFFFE00] =	vst v1;
	v1 =	vmul.f32 v33, v35;
	v33 =	vmul.f32 v36, v37;
	v34 =	vld [tilespmem:s0+$0xFFFFFEE0]  }
0x1e7: {  	v35 =	vmul.f32 v40, v39;
	[tilespmem:s0+$0xFFFFFE10] =	vst v19;
	v19 =	vmul.f32 v38, v37;
	v36 =	vld [tilespmem:s0+$0xFFFFFEF0]  }
0x1e8: {  	v20 =	vmul.f32 v21, v20;
	[tilespmem:s0+$0xFFFFFE20] =	vst v29;
	v29 =	vmul.f32 v41, v39;
	v37 =	vld [tilespmem:s0+$0xFFFFFF00]  }
0x1e9: {  	[tilespmem:s0+$0xFFFFFE30] =	vst v1;
	v1 =	vmul.f32 v42, v21;
	v21 =	vmul.f32 v23, v22;
	v23 =	vld [tilespmem:s0+$0xFFFFFF10]  }
0x1ea: {  	v22 =	vmul.f32 v43, v22;
	[tilespmem:s0+$0xFFFFFE40] =	vst v33;
	v33 =	vmul.f32 v44, v24;
	v38 =	vld [tilespmem:s0+$0xFFFFFF20]  }
0x1eb: {  	[tilespmem:s0+$0xFFFFFE50] =	vst v19;
	v19 =	vmul.f32 v32, v24;
	v24 =	vmul.f32 v34, v25;
	v32 =	vld [tilespmem:s0+$0xFFFFFF30]  }
0x1ec: {  	[tilespmem:s0+$0xFFFFFE60] =	vst v35;
	v25 =	vmul.f32 v36, v25;
	v34 =	vld [tilespmem:s0+$0xFFFFFF40]  }
0x1ed: {  	[tilespmem:s0+$0xFFFFFE70] =	vst v29;
	v29 =	vmul.f32 v26, v37;
	v35 =	vld [tilespmem:s0+$0xFFFFFF50]  }
0x1ee: {  	[tilespmem:s0+$0xFFFFFE80] =	vst v20;
	v20 =	vmul.f32 v23, v26;
	v23 =	vld [tilespmem:s0+$0xFFFFFF60]  }
0x1ef: {  	[tilespmem:s0+$0xFFFFFE90] =	vst v1;
	v1 =	vmul.f32 v38, v27;
	v26 =	vld [tilespmem:s0+$0xFFFFFF70]  }
0x1f0: {  	[tilespmem:s0+$0xFFFFFEA0] =	vst v21;
	v21 =	vmul.f32 v32, v27;
	v27 =	vld [tilespmem:s0+$0xFFFFFF80]  }
0x1f1: {  	[tilespmem:s0+$0xFFFFFEB0] =	vst v22;
	v22 =	vmul.f32 v34, v28;
	v32 =	vld [tilespmem:s0+$0xFFFFFF90]  }
0x1f2: {  	[tilespmem:s0+$0xFFFFFEC0] =	vst v33;
	v28 =	vmul.f32 v35, v28;
	v33 =	vld [tilespmem:s0+$0xFFFFFFA0]  }
0x1f3: {  	[tilespmem:s0+$0xFFFFFED0] =	vst v19;
	v19 =	vmul.f32 v23, v30;
	v23 =	vld [tilespmem:s0+$0xFFFFFFB0]  }
0x1f4: {  	[tilespmem:s0+$0xFFFFFEE0] =	vst v24;
	v24 =	vmul.f32 v26, v30;
	v26 =	vld [tilespmem:s0+$0xFFFFFFC0]  }
0x1f5: {  	[tilespmem:s0+$0xFFFFFEF0] =	vst v25;
	v25 =	vmul.f32 v31, v27;
	v27 =	vld [tilespmem:s0+$0xFFFFFFD0]  }
0x1f6: {  	[tilespmem:s0+$0xFFFFFF00] =	vst v29;
	v29 =	vmul.f32 v32, v31;
	v30 =	vld [tilespmem:s0+$0xFFFFFFE0]  }
0x1f7: {  	[tilespmem:s0+$0xFFFFFF10] =	vst v20;
	v20 =	vmul.f32 v33, v63;
	v31 =	vld [tilespmem:s0+$0xFFFFFFF0]  }
0x1f8: {  	[tilespmem:s0+$0xFFFFFF20] =	vst v1;
	v1 =	vmul.f32 v23, v63;
	v23 =	vld [tilespmem:s0+$0x0]  }
0x1f9: {  	[tilespmem:s0+$0xFFFFFF30] =	vst v21;
	v21 =	vmul.f32 v26, v18;
	v26 =	vld [tilespmem:s0+$0x10]  }
0x1fa: {  	[tilespmem:s0+$0xFFFFFF40] =	vst v22;
	v18 =	vmul.f32 v27, v18;
	v22 =	vld [tilespmem:s0+$0x20]  }
0x1fb: {  	[tilespmem:s0+$0xFFFFFF50] =	vst v28;
	v27 =	vmul.f32 v30, v16;
	v28 =	vld [tilespmem:s0+$0x30]  }
0x1fc: {  	[tilespmem:s0+$0xFFFFFF60] =	vst v19;
	v16 =	vmul.f32 v31, v16;
	v19 =	vld [tilespmem:s0+$0x40]  }
0x1fd: {  	[tilespmem:s0+$0xFFFFFF70] =	vst v24;
	v23 =	vmul.f32 v14, v23;
	v24 =	vld [tilespmem:s0+$0x50]  }
0x1fe: {  	[tilespmem:s0+$0xFFFFFF80] =	vst v25;
	v14 =	vmul.f32 v26, v14;
	v25 =	vld [tilespmem:s0+$0x60]  }
0x1ff: {  	[tilespmem:s0+$0xFFFFFF90] =	vst v29;
	v22 =	vmul.f32 v22, v17;
	v26 =	vld [tilespmem:s0+$0x70]  }
0x200: {  	[tilespmem:s0+$0xFFFFFFA0] =	vst v20;
	v17 =	vmul.f32 v28, v17;
	v20 =	vld [tilespmem:s0+$0x80]  }
0x201: {  	[tilespmem:s0+$0xFFFFFFB0] =	vst v1;
	v1 =	vmul.f32 v19, v15;
	v19 =	vld [tilespmem:s0+$0x90]  }
0x202: {  	[tilespmem:s0+$0xFFFFFFC0] =	vst v21;
	v15 =	vmul.f32 v24, v15;
	v21 =	vld [tilespmem:s0+$0xA0]  }
0x203: {  	[tilespmem:s0+$0xFFFFFFD0] =	vst v18;
	v18 =	vmul.f32 v25, v13;
	v24 =	vld [tilespmem:s0+$0xB0]  }
0x204: {  	[tilespmem:s0+$0xFFFFFFE0] =	vst v27;
	v13 =	vmul.f32 v26, v13;
	v25 =	vld [tilespmem:s0+$0xC0]  }
0x205: {  	[tilespmem:s0+$0xFFFFFFF0] =	vst v16;
	v16 =	vmul.f32 v12, v20;
	v20 =	vld [tilespmem:s0+$0xD0]  }
0x206: {  	[tilespmem:s0+$0x0] =	vst v23;
	v12 =	vmul.f32 v19, v12;
	v19 =	vld [tilespmem:s0+$0xE0]  }
0x207: {  	[tilespmem:s0+$0x10] =	vst v14;
	v14 =	vmul.f32 v21, v11;
	v21 =	vld [tilespmem:s0+$0xF0]  }
0x208: {  	[tilespmem:s0+$0x20] =	vst v22;
	v11 =	vmul.f32 v24, v11;
	v22 =	vld [tilespmem:s0+$0x100]  }
0x209: {  	[tilespmem:s0+$0x30] =	vst v17;
	v17 =	vmul.f32 v25, v10;
	v23 =	vld [tilespmem:s0+$0x110]  }
0x20a: {  	[tilespmem:s0+$0x40] =	vst v1;
	v1 =	vmul.f32 v20, v10;
	v10 =	vld [tilespmem:s0+$0x120]  }
0x20b: {  	[tilespmem:s0+$0x50] =	vst v15;
	v19 =	vmul.f32 v19, v9;
	v15 =	vld [tilespmem:s0+$0x130]  }
0x20c: {  	[tilespmem:s0+$0x60] =	vst v18;
	v18 =	vmul.f32 v21, v9;
	v20 =	vld [tilespmem:s0+$0x140]  }
0x20d: {  	[tilespmem:s0+$0x70] =	vst v13;
	v13 =	vmul.f32 v62, v22;
	v21 =	vld [tilespmem:s0+$0x150]  }
0x20e: {  	[tilespmem:s0+$0x80] =	vst v16;
	v9 =	vmul.f32 v23, v62;
	v16 =	vld [tilespmem:s0+$0x160]  }
0x20f: {  	[tilespmem:s0+$0x90] =	vst v12;
	v10 =	vmul.f32 v10, v8;
	v22 =	vld [tilespmem:s0+$0x170]  }
0x210: {  	[tilespmem:s0+$0xA0] =	vst v14;
	v8 =	vmul.f32 v15, v8;
	v14 =	vld [tilespmem:s0+$0x180]  }
0x211: {  	[tilespmem:s0+$0xB0] =	vst v11;
	v11 =	vmul.f32 v20, v7;
	v20 =	vld [tilespmem:s0+$0x190]  }
.Ltmp5:
0x212: {  	[tilespmem:s0+$0xC0] =	vst v17;
	v7 =	vmul.f32 v21, v7;
	v15 =	vld [tilespmem:s0+$0x1A0];
	(pc) =	sbr.rel @p1 .LBB2_9-.Ltmp5, $4  }
0x213: {  	[tilespmem:s0+$0xD0] =	vst v1;
	v12 =	vmul.f32 v16, v6;
	v16 =	vld [tilespmem:s0+$0x1B0]  }
0x214: {  	[tilespmem:s0+$0xE0] =	vst v19;
	v6 =	vmul.f32 v22, v6;
	v17 =	vld [tilespmem:s0+$0x1C0]  }
0x215: {  	[tilespmem:s0+$0xF0] =	vst v18;
	v14 =	vmul.f32 v3, v14;
	v18 =	vld [tilespmem:s0+$0x1D0]  }
0x216: {  	s6 =	sadd.s32 $0x80, s6;
	[tilespmem:s0+$0x100] =	vst v13;
	v13 =	vmul.f32 v20, v3;
	v3 =	vld [tilespmem:s0+$0x1E0]  }
0x217: {  	[tilespmem:s0+$0x110] =	vst v9  }
0x218: {  	[tilespmem:s2+$0x180] =	vst v14  }
0x219: {  	[tilespmem:s2+$0x120] =	vst v10  }
0x21a: {  	[tilespmem:s2+$0x130] =	vst v8  }
0x21b: {  	[tilespmem:s2+$0x140] =	vst v11  }
0x21c: {  	[tilespmem:s2+$0x150] =	vst v7  }
0x21d: {  	[tilespmem:s2+$0x160] =	vst v12  }
0x21e: {  	v1 =	vmul.f32 v15, v5;
	[tilespmem:s2+$0x170] =	vst v6  }
0x21f: {  	v62 =	vmul.f32 v16, v5;
	[tilespmem:s2+$0x190] =	vst v13  }
0x220: {  	v63 =	vmul.f32 v17, v4;
	[tilespmem:s2+$0x1A0] =	vst v1  }
0x221: {  	v1 =	vmul.f32 v18, v4;
	[tilespmem:s2+$0x1B0] =	vst v62  }
0x222: {  	v3 =	vmul.f32 v3, v61;
	[tilespmem:s2+$0x1C0] =	vst v63  }
.Ltmp6:
0x223: {  	[tilespmem:s2+$0x1D0] =	vst v1;
	(pc) =	sbr.rel @p0 .LBB2_16-.Ltmp6, $4  }
0x224: {  	s6 =	simm.s32 $0x260;
	s7 =	simm.s32 $0x1250;
	[tilespmem:s2+$0x1E0] =	vst v3  }
0x225: {  	[spmem:s11] =	stream.indirect.scatter.add.f32 [tilespmem:s7], [sflag:$0x7], $0x80, s6, s16, $0xb8;
	[tilespmem:$0x1F8E0] =	vst v63  }
0x226: {  	s25 =	simm.s32 $0x260;
	s13 =	rddreg [dreg:$0x3]  }
0x227: {  	[spmem:s13] =	stream.indirect.scatter.add.f32 [tilespmem:s24], [sflag:$0x7], $0x10, s6, s16, $0xb8;
	[tilespmem:$0x1F8E0] =	vst v63  }
0x228: {  	s13 =	smul.u32 $0xF0, s15  }
0x229: {  	s0 =	rddreg [dreg:$0x11]  }
0x22a: {  	s2 =	rddreg [dreg:$0x7];
	s0 =	sadd.s32 s13, s0  }
0x22b: {  	s2 =	sadd.s32 s2, s0  }
0x22c: {  	s3 =	rddreg [dreg:$0x5];
	s2 =	sshrl.u32 s2, $0x3  }
0x22d: {  	s6 =	simm.s32 $0x80;
	s7 =	rddreg [dreg:$0x6];
	s3 =	sadd.s32 s3, s2  }
0x22e: {  	[tilespmem:s6], [sflag:$0x1] =	stream.linear.gather [hbm4b:s3+s5], $0x50, $0x38;
	[tilespmem:$0x1F8E0] =	vst v63  }
0x22f: {  	p0 =	seq.s32 s15, $0x0;
	s2 =	sadd.s32 s7, s2;
	s6 =	simm.s32 $0x170  }
0x230: {  	[tilespmem:s6], [sflag:$0x1] =	stream.linear.gather [hbm4b:s2+s5], $0x50, $0x38;
	[tilespmem:$0x1F8E0] =	vst v63  }
0x231: {  	s2 =	simm.s32 @!p0 $0x9  }
0x232: {  	_ =	swait.ge @!p0 [sflag:s2], $0x2800  }
0x233: {  	[sflag:s2] =	ssyncset.done @!p0 $0x0  }
0x234: {  	[sflag:s2] =	ssyncadd.s32 @!p0 $0xFFFFD800  }
0x235: {  	_ =	swait.ge @!p0 [sflag:s2], $0x500  }
0x236: {  	[sflag:s2] =	ssyncset.done @!p0 $0x0  }
0x237: {  	s7 =	simm.s32 $0x3;
	[sflag:s2] =	ssyncadd.s32 @!p0 $0xFFFFFB00  }
0x238: {  	_ =	swait.ge [sflag:s7], $0x50  }
0x239: {  	[sflag:s7] =	ssyncset.done $0x0  }
0x23a: {  	[sflag:s7] =	ssyncadd.s32 $0xFFFFFFB0  }
0x23b: {  	_ =	swait.ge [sflag:s7], $0x50  }
0x23c: {  	s6 =	rddreg [dreg:$0x12]  }
0x23d: {  	[sflag:s7] =	ssyncset.done $0x0;
	s2 =	sadd.s32 s13, s6  }
0x23e: {  	[sflag:s7] =	ssyncadd.s32 $0xFFFFFFB0;
	s7 =	rddreg [dreg:$0x8];
	s2 =	sshrl.u32 s2, $0x3  }
0x23f: {  	s2 =	sadd.s32 s7, s2  }
0x240: {  	[tilespmem:s8], [sflag:$0x6] =	stream.linear.gather [hbm4b:s2+s5], $0x50, $0x38;
	[tilespmem:$0x1F8E0] =	vst v63  }
0x241: {  	s6 =	simm.s32 $0x120  }
0x242: {  	[tilespmem:s19], [sflag:$0x6] =	stream.indirect.gather [hbm4b:s10+s16], $0x8, s6, s16, $0xb8;
	[tilespmem:$0x1F8E0] =	vst v63  }
0x243: {  	s7 =	simm.s32 $0x210  }
0x244: {  	[tilespmem:s30], [sflag:$0x6] =	stream.indirect.gather [hbm4b:s10+s16], $0x8, s7, s16, $0xb8;
	[tilespmem:$0x1F8E0] =	vst v63  }
0x245: {  	s8 =	simm.s32 $0x6250  }
0x246: {  	[tilespmem:s8], [sflag:$0x6] =	stream.indirect.gather [hbm4b:s9+s16], $0x80, s6, s16, $0xb8;
	[tilespmem:$0x1F8E0] =	vst v63  }
0x247: {  	_ =	swait.ge [sflag:s31], $0x50  }
0x248: {  	[sflag:s31] =	ssyncset.done $0x0  }
0x249: {  	[sflag:s31] =	ssyncadd.s32 $0xFFFFFFB0  }
0x24a: {  	_ =	swait.ge [sflag:s31], $0x280  }
0x24b: {  	[sflag:s31] =	ssyncset.done $0x0  }
0x24c: {  	[sflag:s31] =	ssyncadd.s32 $0xFFFFFD80  }
0x24d: {  	_ =	swait.ge [sflag:s31], $0x280  }
0x24e: {  	[sflag:s31] =	ssyncset.done $0x0  }
0x24f: {  	[sflag:s31] =	ssyncadd.s32 $0xFFFFFD80  }
0x250: {  	_ =	swait.ge [sflag:s31], $0x2800  }
0x251: {  	v3 =	vld [tilespmem:$0x1FD50];
	_ =	sdelay $0x4  }
0x252: {  	[sflag:s31] =	ssyncset.done $0x0  }
0x253: {  	[sflag:s31] =	ssyncadd.s32 $0xFFFFD800  }
0x254: {  	v1 =	vld.idx.msk [tilespmem:v0+s18+$0x0], $0xffff  }
0x255: {  	v3 =	vld.idx.msk [tilespmem:v3+s21+$0x0], $0xffff;
	_ =	sdelay $0x4  }
0x256: {  	v1 =	vadd.f32 v3, v1;
	_ =	sdelay $0x1  }
0x257: {  	v3 =	vmul.f32 $2.000000030e-01, v1;
	_ =	sdelay $0x1  }
0x258: {  	v1 =	vmax.f32 v1, v3  }
0x259: {  	v1 =	vmul.f32 $1.442695020e+00, v1;
	_ =	sdelay $0x1  }
0x25a: {  	(erf) = vpow2.f32 v1;
	_ =	sdelay $0x8  }
0x25b: {  	v3 =	vld [tilespmem:$0x1FD70];
	v1 =	vpop (erf)  }
0x25c: {  	[tilespmem:v45+s12+$0x0] =	vst.idx.msk $0xffff, v1;
	v1 =	vld [tilespmem:$0x1FD60];
	_ =	sdelay $0x6  }
0x25d: {  	v3 =	vld.idx.msk [tilespmem:v3+s21+$0x0], $0xffff  }
0x25e: {  	v1 =	vld.idx.msk [tilespmem:v1+s18+$0x0], $0xffff;
	_ =	sdelay $0x4  }
0x25f: {  	v1 =	vadd.f32 v3, v1;
	_ =	sdelay $0x1  }
0x260: {  	v3 =	vmul.f32 $2.000000030e-01, v1;
	_ =	sdelay $0x1  }
0x261: {  	v1 =	vmax.f32 v1, v3  }
0x262: {  	v1 =	vmul.f32 $1.442695020e+00, v1;
	_ =	sdelay $0x1  }
0x263: {  	(erf) = vpow2.f32 v1;
	_ =	sdelay $0x1  }
0x264: {  	v3 =	vld [tilespmem:$0x1FD80];
	_ =	sdelay $0x6  }
0x265: {  	v1 =	vpop (erf)  }
0x266: {  	[tilespmem:v3+s12+$0x0] =	vst.idx.msk $0xffff, v1;
	v1 =	vld [tilespmem:$0x1FD90]  }
0x267: {  	v3 =	vld [tilespmem:$0x1FDA0];
	_ =	sdelay $0x6  }
0x268: {  	v1 =	vld.idx.msk [tilespmem:v1+s18+$0x0], $0xffff  }
0x269: {  	v3 =	vld.idx.msk [tilespmem:v3+s21+$0x0], $0xffff;
	_ =	sdelay $0x4  }
0x26a: {  	v1 =	vadd.f32 v3, v1;
	_ =	sdelay $0x1  }
0x26b: {  	v3 =	vmul.f32 $2.000000030e-01, v1;
	_ =	sdelay $0x1  }
0x26c: {  	v1 =	vmax.f32 v1, v3  }
0x26d: {  	v1 =	vmul.f32 $1.442695020e+00, v1;
	_ =	sdelay $0x1  }
0x26e: {  	(erf) = vpow2.f32 v1;
	_ =	sdelay $0x1  }
0x26f: {  	v3 =	vld [tilespmem:$0x1FDB0];
	_ =	sdelay $0x6  }
0x270: {  	v4 =	vld [tilespmem:$0x1FDF0];
	v1 =	vpop (erf)  }
0x271: {  	[tilespmem:v3+s12+$0x0] =	vst.idx.msk $0xffff, v1;
	v1 =	vld [tilespmem:$0x1FDC0]  }
0x272: {  	v3 =	vld [tilespmem:$0x1FDD0]  }
0x273: {  	v5 =	vld [tilespmem:$0x1FE00];
	_ =	sdelay $0x4  }
0x274: {  	v4 =	vld.idx.msk [tilespmem:v4+s18+$0x0], $0xffff  }
0x275: {  	v1 =	vld.idx.msk [tilespmem:v1+s18+$0x0], $0xffff  }
0x276: {  	v3 =	vld.idx.msk [tilespmem:v3+s21+$0x0], $0xffff  }
0x277: {  	v5 =	vld.idx.msk [tilespmem:v5+s21+$0x0], $0xffff;
	_ =	sdelay $0x3  }
0x278: {  	v1 =	vadd.f32 v3, v1  }
0x279: {  	v3 =	vadd.f32 v5, v4  }
0x27a: {  	v4 =	vmul.f32 $2.000000030e-01, v1  }
0x27b: {  	v5 =	vmul.f32 $2.000000030e-01, v3  }
0x27c: {  	v1 =	vmax.f32 v1, v4  }
0x27d: {  	v3 =	vmax.f32 v3, v5;
	v1 =	vmul.f32 $1.442695020e+00, v1  }
0x27e: {  	v3 =	vmul.f32 $1.442695020e+00, v3  }
0x27f: {  	(erf) = vpow2.f32 v1  }
0x280: {  	(erf) = vpow2.f32 v3;
	_ =	sdelay $0x1  }
0x281: {  	v4 =	vld [tilespmem:$0x1FE10];
	_ =	sdelay $0x5  }
0x282: {  	v3 =	vpop (erf)  }
0x283: {  	v1 =	vpop (erf)  }
0x284: {  	[tilespmem:v4+s12+$0x0] =	vst.idx.msk $0xffff, v1;
	v1 =	vld [tilespmem:$0x1FE20]  }
0x285: {  	v4 =	vld [tilespmem:$0x1FE30];
	_ =	sdelay $0x6  }
0x286: {  	v1 =	vld.idx.msk [tilespmem:v1+s18+$0x0], $0xffff  }
0x287: {  	v4 =	vld.idx.msk [tilespmem:v4+s21+$0x0], $0xffff;
	_ =	sdelay $0x4  }
0x288: {  	v1 =	vadd.f32 v4, v1;
	_ =	sdelay $0x1  }
0x289: {  	v4 =	vmul.f32 $2.000000030e-01, v1;
	_ =	sdelay $0x1  }
0x28a: {  	v1 =	vmax.f32 v1, v4  }
0x28b: {  	v1 =	vmul.f32 $1.442695020e+00, v1;
	_ =	sdelay $0x1  }
0x28c: {  	(erf) = vpow2.f32 v1;
	_ =	sdelay $0x1  }
0x28d: {  	v4 =	vld [tilespmem:$0x1FE40];
	_ =	sdelay $0x6  }
0x28e: {  	v1 =	vpop (erf)  }
0x28f: {  	[tilespmem:v4+s12+$0x0] =	vst.idx.msk $0xffff, v1;
	v1 =	vld [tilespmem:$0x1FE50]  }
0x290: {  	v4 =	vld [tilespmem:$0x1FE60];
	_ =	sdelay $0x6  }
0x291: {  	v1 =	vld.idx.msk [tilespmem:v1+s18+$0x0], $0xffff  }
0x292: {  	v4 =	vld.idx.msk [tilespmem:v4+s21+$0x0], $0xffff;
	_ =	sdelay $0x4  }
0x293: {  	v1 =	vadd.f32 v4, v1;
	_ =	sdelay $0x1  }
0x294: {  	v4 =	vmul.f32 $2.000000030e-01, v1;
	_ =	sdelay $0x1  }
0x295: {  	v1 =	vmax.f32 v1, v4  }
0x296: {  	v1 =	vmul.f32 $1.442695020e+00, v1;
	_ =	sdelay $0x1  }
0x297: {  	(erf) = vpow2.f32 v1;
	_ =	sdelay $0x1  }
0x298: {  	v4 =	vld [tilespmem:$0x1FE70];
	_ =	sdelay $0x6  }
0x299: {  	v6 =	vld [tilespmem:$0x1FEC0];
	v1 =	vpop (erf)  }
0x29a: {  	[tilespmem:v4+s12+$0x0] =	vst.idx.msk $0xffff, v1;
	v1 =	vld [tilespmem:$0x1FE80]  }
0x29b: {  	v4 =	vld [tilespmem:$0x1FE90]  }
0x29c: {  	v5 =	vld [tilespmem:$0x1FEB0];
	_ =	sdelay $0x4  }
0x29d: {  	v6 =	vld.idx.msk [tilespmem:v6+s21+$0x0], $0xffff  }
0x29e: {  	v1 =	vld.idx.msk [tilespmem:v1+s18+$0x0], $0xffff  }
0x29f: {  	v4 =	vld.idx.msk [tilespmem:v4+s21+$0x0], $0xffff  }
0x2a0: {  	v5 =	vld.idx.msk [tilespmem:v5+s18+$0x0], $0xffff;
	_ =	sdelay $0x3  }
0x2a1: {  	v1 =	vadd.f32 v4, v1  }
0x2a2: {  	v4 =	vadd.f32 v6, v5  }
0x2a3: {  	v5 =	vmul.f32 $2.000000030e-01, v1  }
0x2a4: {  	v6 =	vmul.f32 $2.000000030e-01, v4  }
0x2a5: {  	v1 =	vmax.f32 v1, v5  }
0x2a6: {  	v4 =	vmax.f32 v4, v6;
	v1 =	vmul.f32 $1.442695020e+00, v1  }
0x2a7: {  	v4 =	vmul.f32 $1.442695020e+00, v4  }
0x2a8: {  	(erf) = vpow2.f32 v1  }
0x2a9: {  	(erf) = vpow2.f32 v4;
	_ =	sdelay $0x1  }
0x2aa: {  	v5 =	vld [tilespmem:$0x1FED0];
	_ =	sdelay $0x5  }
0x2ab: {  	v1 =	vpop (erf)  }
0x2ac: {  	v4 =	vpop (erf)  }
0x2ad: {  	[tilespmem:v5+s12+$0x0] =	vst.idx.msk $0xffff, v4;
	v4 =	vld [tilespmem:$0x1FEE0]  }
0x2ae: {  	v5 =	vld [tilespmem:$0x1FEF0];
	_ =	sdelay $0x6  }
0x2af: {  	v4 =	vld.idx.msk [tilespmem:v4+s18+$0x0], $0xffff  }
0x2b0: {  	v5 =	vld.idx.msk [tilespmem:v5+s21+$0x0], $0xffff;
	_ =	sdelay $0x4  }
0x2b1: {  	v4 =	vadd.f32 v5, v4;
	_ =	sdelay $0x1  }
0x2b2: {  	v5 =	vmul.f32 $2.000000030e-01, v4;
	_ =	sdelay $0x1  }
0x2b3: {  	v4 =	vmax.f32 v4, v5  }
0x2b4: {  	v4 =	vmul.f32 $1.442695020e+00, v4;
	_ =	sdelay $0x1  }
0x2b5: {  	(erf) = vpow2.f32 v4;
	_ =	sdelay $0x1  }
0x2b6: {  	v5 =	vld [tilespmem:$0x1FF00];
	_ =	sdelay $0x6  }
0x2b7: {  	v4 =	vpop (erf)  }
0x2b8: {  	[tilespmem:v5+s12+$0x0] =	vst.idx.msk $0xffff, v4;
	v4 =	vld [tilespmem:$0x1FF10]  }
0x2b9: {  	v5 =	vld [tilespmem:$0x1FF20];
	_ =	sdelay $0x6  }
0x2ba: {  	v4 =	vld.idx.msk [tilespmem:v4+s18+$0x0], $0xffff  }
0x2bb: {  	v5 =	vld.idx.msk [tilespmem:v5+s21+$0x0], $0xffff;
	_ =	sdelay $0x4  }
0x2bc: {  	v4 =	vadd.f32 v5, v4;
	_ =	sdelay $0x1  }
0x2bd: {  	v5 =	vmul.f32 $2.000000030e-01, v4;
	_ =	sdelay $0x1  }
0x2be: {  	v4 =	vmax.f32 v4, v5  }
0x2bf: {  	v4 =	vmul.f32 $1.442695020e+00, v4;
	_ =	sdelay $0x1  }
0x2c0: {  	(erf) = vpow2.f32 v4;
	_ =	sdelay $0x1  }
0x2c1: {  	v5 =	vld [tilespmem:$0x1FF30];
	_ =	sdelay $0x6  }
0x2c2: {  	v7 =	vld [tilespmem:$0x1FF80];
	v4 =	vpop (erf)  }
0x2c3: {  	[tilespmem:v5+s12+$0x0] =	vst.idx.msk $0xffff, v4;
	v4 =	vld [tilespmem:$0x1FF40]  }
0x2c4: {  	v5 =	vld [tilespmem:$0x1FF50]  }
0x2c5: {  	v6 =	vld [tilespmem:$0x1FF70];
	_ =	sdelay $0x4  }
0x2c6: {  	v7 =	vld.idx.msk [tilespmem:v7+s21+$0x0], $0xffff  }
0x2c7: {  	v4 =	vld.idx.msk [tilespmem:v4+s18+$0x0], $0xffff  }
0x2c8: {  	v5 =	vld.idx.msk [tilespmem:v5+s21+$0x0], $0xffff  }
0x2c9: {  	v6 =	vld.idx.msk [tilespmem:v6+s18+$0x0], $0xffff;
	_ =	sdelay $0x3  }
0x2ca: {  	v4 =	vadd.f32 v5, v4  }
0x2cb: {  	v5 =	vadd.f32 v7, v6  }
0x2cc: {  	v6 =	vmul.f32 $2.000000030e-01, v4  }
0x2cd: {  	v7 =	vmul.f32 $2.000000030e-01, v5  }
0x2ce: {  	v4 =	vmax.f32 v4, v6  }
0x2cf: {  	v5 =	vmax.f32 v5, v7;
	v4 =	vmul.f32 $1.442695020e+00, v4  }
0x2d0: {  	v5 =	vmul.f32 $1.442695020e+00, v5  }
0x2d1: {  	(erf) = vpow2.f32 v4  }
0x2d2: {  	(erf) = vpow2.f32 v5;
	_ =	sdelay $0x1  }
0x2d3: {  	v6 =	vld [tilespmem:$0x1FF90];
	_ =	sdelay $0x5  }
0x2d4: {  	v4 =	vpop (erf)  }
0x2d5: {  	v5 =	vpop (erf)  }
0x2d6: {  	[tilespmem:v6+s12+$0x0] =	vst.idx.msk $0xffff, v5;
	v5 =	vld [tilespmem:$0x1FFA0]  }
0x2d7: {  	v6 =	vld [tilespmem:$0x1FFB0];
	_ =	sdelay $0x6  }
0x2d8: {  	v5 =	vld.idx.msk [tilespmem:v5+s18+$0x0], $0xffff  }
0x2d9: {  	v6 =	vld.idx.msk [tilespmem:v6+s21+$0x0], $0xffff;
	_ =	sdelay $0x4  }
0x2da: {  	v5 =	vadd.f32 v6, v5;
	_ =	sdelay $0x1  }
0x2db: {  	v6 =	vmul.f32 $2.000000030e-01, v5;
	_ =	sdelay $0x1  }
0x2dc: {  	v5 =	vmax.f32 v5, v6  }
0x2dd: {  	v5 =	vmul.f32 $1.442695020e+00, v5;
	_ =	sdelay $0x1  }
0x2de: {  	(erf) = vpow2.f32 v5;
	_ =	sdelay $0x1  }
0x2df: {  	v6 =	vld [tilespmem:$0x1FFC0];
	_ =	sdelay $0x6  }
0x2e0: {  	v5 =	vpop (erf)  }
0x2e1: {  	[tilespmem:v6+s12+$0x0] =	vst.idx.msk $0xffff, v5;
	v5 =	vld [tilespmem:$0x1FFD0]  }
0x2e2: {  	v6 =	vld [tilespmem:$0x1FFE0];
	_ =	sdelay $0x6  }
0x2e3: {  	v5 =	vld.idx.msk [tilespmem:v5+s18+$0x0], $0xffff  }
0x2e4: {  	v6 =	vld.idx.msk [tilespmem:v6+s21+$0x0], $0xffff;
	_ =	sdelay $0x4  }
0x2e5: {  	v5 =	vadd.f32 v6, v5;
	_ =	sdelay $0x1  }
0x2e6: {  	v6 =	vmul.f32 $2.000000030e-01, v5;
	_ =	sdelay $0x1  }
0x2e7: {  	v5 =	vmax.f32 v5, v6  }
0x2e8: {  	v5 =	vmul.f32 $1.442695020e+00, v5;
	_ =	sdelay $0x1  }
0x2e9: {  	(erf) = vpow2.f32 v5;
	_ =	sdelay $0x1  }
0x2ea: {  	v6 =	vld [tilespmem:$0x1FFF0];
	_ =	sdelay $0x6  }
0x2eb: {  	v5 =	vpop (erf)  }
0x2ec: {  	v8 =	vld.idx.msk [tilespmem:v50+s21+$0x0], $0xffff;
	[tilespmem:v6+s12+$0x0] =	vst.idx.msk $0xffff, v5  }
0x2ed: {  	v5 =	vld.idx.msk [tilespmem:v46+s18+$0x0], $0xffff  }
0x2ee: {  	v6 =	vld.idx.msk [tilespmem:v47+s21+$0x0], $0xffff  }
0x2ef: {  	v7 =	vld.idx.msk [tilespmem:v49+s18+$0x0], $0xffff;
	_ =	sdelay $0x3  }
0x2f0: {  	v5 =	vadd.f32 v6, v5  }
0x2f1: {  	v6 =	vadd.f32 v8, v7  }
0x2f2: {  	v7 =	vmul.f32 $2.000000030e-01, v5  }
0x2f3: {  	v8 =	vmul.f32 $2.000000030e-01, v6  }
0x2f4: {  	v5 =	vmax.f32 v5, v7  }
0x2f5: {  	v6 =	vmax.f32 v6, v8;
	v5 =	vmul.f32 $1.442695020e+00, v5  }
0x2f6: {  	v6 =	vmul.f32 $1.442695020e+00, v6  }
0x2f7: {  	(erf) = vpow2.f32 v5  }
0x2f8: {  	(erf) = vpow2.f32 v6;
	_ =	sdelay $0x7  }
0x2f9: {  	v5 =	vpop (erf)  }
0x2fa: {  	v6 =	vpop (erf)  }
0x2fb: {  	[tilespmem:v51+s12+$0x0] =	vst.idx.msk $0xffff, v6  }
0x2fc: {  	v6 =	vld.idx.msk [tilespmem:v52+s18+$0x0], $0xffff  }
0x2fd: {  	v7 =	vld.idx.msk [tilespmem:v53+s21+$0x0], $0xffff;
	_ =	sdelay $0x4  }
0x2fe: {  	v6 =	vadd.f32 v7, v6;
	_ =	sdelay $0x1  }
0x2ff: {  	v7 =	vmul.f32 $2.000000030e-01, v6;
	_ =	sdelay $0x1  }
0x300: {  	v6 =	vmax.f32 v6, v7  }
0x301: {  	v6 =	vmul.f32 $1.442695020e+00, v6;
	_ =	sdelay $0x1  }
0x302: {  	(erf) = vpow2.f32 v6;
	_ =	sdelay $0x8  }
0x303: {  	v6 =	vpop (erf)  }
0x304: {  	[tilespmem:v54+s12+$0x0] =	vst.idx.msk $0xffff, v6  }
0x305: {  	v6 =	vld.idx.msk [tilespmem:v55+s18+$0x0], $0xffff  }
0x306: {  	v7 =	vld.idx.msk [tilespmem:v56+s21+$0x0], $0xffff;
	_ =	sdelay $0x4  }
0x307: {  	v6 =	vadd.f32 v7, v6;
	_ =	sdelay $0x1  }
0x308: {  	v7 =	vmul.f32 $2.000000030e-01, v6;
	_ =	sdelay $0x1  }
0x309: {  	v6 =	vmax.f32 v6, v7  }
0x30a: {  	v6 =	vmul.f32 $1.442695020e+00, v6;
	_ =	sdelay $0x1  }
0x30b: {  	(erf) = vpow2.f32 v6;
	_ =	sdelay $0x8  }
0x30c: {  	v6 =	vpop (erf)  }
0x30d: {  	[tilespmem:v57+s12+$0x0] =	vst.idx.msk $0xffff, v6  }
0x30e: {  	v6 =	vld.idx.msk [tilespmem:v58+s18+$0x0], $0xffff  }
0x30f: {  	v7 =	vld.idx.msk [tilespmem:v59+s21+$0x0], $0xffff;
	_ =	sdelay $0x4  }
0x310: {  	v6 =	vadd.f32 v7, v6;
	_ =	sdelay $0x1  }
0x311: {  	v7 =	vmul.f32 $2.000000030e-01, v6;
	_ =	sdelay $0x1  }
0x312: {  	v6 =	vmax.f32 v6, v7  }
0x313: {  	v6 =	vmul.f32 $1.442695020e+00, v6;
	_ =	sdelay $0x1  }
0x314: {  	(erf) = vpow2.f32 v6;
	v6 =	vld [tilespmem:$0x1FDE0];
	_ =	sdelay $0x7  }
0x315: {  	[tilespmem:v6+s12+$0x0] =	vst.idx.msk $0xffff, v3;
	v3 =	vld [tilespmem:$0x1FEA0];
	_ =	sdelay $0x7  }
0x316: {  	[tilespmem:v3+s12+$0x0] =	vst.idx.msk $0xffff, v1;
	v1 =	vld [tilespmem:$0x1FF60];
	_ =	sdelay $0x6  }
0x317: {  	[tilespmem:v48+s12+$0x0] =	vst.idx.msk $0xffff, v5  }
0x318: {  	[tilespmem:v1+s12+$0x0] =	vst.idx.msk $0xffff, v4;
	v1 =	vpop (erf)  }
0x319: {  	s9 =	simm.s32 $0x8FC0;
	[tilespmem:v60+s12+$0x0] =	vst.idx.msk $0xffff, v1  }
0x31a: {  	v3 =	vld [tilespmem:s9+$0x0]  }
0x31b: {  	s2 =	simm.s32 $0x3E40;
	v1 =	vld [tilespmem:s9+$0xFFFFFFA0]  }
0x31c: {  	v7 =	vld [tilespmem:s2+$0x0]  }
0x31d: {  	v8 =	vld [tilespmem:s9+$0xFFFFFFB0]  }
0x31e: {  	v9 =	vld [tilespmem:s9+$0xFFFFFFC0]  }
0x31f: {  	v6 =	vld [tilespmem:s9+$0xFFFFFFD0]  }
0x320: {  	v5 =	vld [tilespmem:s9+$0xFFFFFFE0]  }
0x321: {  	v4 =	vld [tilespmem:s9+$0xFFFFFFF0]  }
0x322: {  	v10 =	vld [tilespmem:s9+$0xFFFFFF90]  }
0x323: {  	v11 =	vld [tilespmem:s2+$0xFFFFFC10]  }
0x324: {  	v12 =	vld [tilespmem:s2+$0xFFFFFC20]  }
0x325: {  	v13 =	vld [tilespmem:s2+$0xFFFFFC30]  }
0x326: {  	v14 =	vld [tilespmem:s2+$0xFFFFFC40]  }
0x327: {  	v15 =	vld [tilespmem:s2+$0xFFFFFC50]  }
0x328: {  	v16 =	vld [tilespmem:s2+$0xFFFFFC60]  }
0x329: {  	v17 =	vld [tilespmem:s2+$0xFFFFFC70]  }
0x32a: {  	v18 =	vld [tilespmem:s2+$0xFFFFFC80]  }
0x32b: {  	v19 =	vld [tilespmem:s2+$0xFFFFFC90]  }
0x32c: {  	v20 =	vld [tilespmem:s2+$0xFFFFFCA0];
	v61 =	vbroadcast v3, $0x3  }
0x32d: {  	v22 =	vld [tilespmem:s2+$0xFFFFFCB0];
	v21 =	vbroadcast v10, $0x0  }
0x32e: {  	v23 =	vld [tilespmem:s2+$0xFFFFFCC0];
	v24 =	vbroadcast v10, $0x1;
	v7 =	vmul.f32 v7, v61  }
0x32f: {  	v25 =	vld [tilespmem:s2+$0xFFFFFCD0];
	v11 =	vmul.f32 v21, v11  }
0x330: {  	v37 =	vld [tilespmem:s2+$0xFFFFFD90];
	v33 =	vbroadcast v10, $0x2;
	v13 =	vmul.f32 v13, v24;
	[tilespmem:s2+$0x0] =	vst v7  }
0x331: {  	v39 =	vld [tilespmem:s2+$0xFFFFFDB0];
	v14 =	vmul.f32 v14, v24;
	[tilespmem:s2+$0xFFFFFC10] =	vst v11  }
0x332: {  	v43 =	vld [tilespmem:s2+$0xFFFFFE70];
	v10 =	vbroadcast v10, $0x3;
	v15 =	vmul.f32 v15, v33;
	[tilespmem:s2+$0xFFFFFC30] =	vst v13  }
0x333: {  	v62 =	vld [tilespmem:s2+$0xFFFFFF80];
	v34 =	vbroadcast v1, $0x0;
	v16 =	vmul.f32 v16, v33;
	[tilespmem:s2+$0xFFFFFC40] =	vst v14  }
0x334: {  	v17 =	vmul.f32 v17, v10;
	v7 =	vmul.f32 v12, v21;
	v12 =	vld [tilespmem:s2+$0xFFFFFCE0];
	[tilespmem:s2+$0xFFFFFC50] =	vst v15  }
0x335: {  	v10 =	vmul.f32 v18, v10;
	v11 =	vld [tilespmem:s2+$0xFFFFFCF0];
	[tilespmem:s2+$0xFFFFFC60] =	vst v16  }
0x336: {  	v35 =	vbroadcast v1, $0x2;
	v19 =	vmul.f32 v34, v19;
	v13 =	vld [tilespmem:s2+$0xFFFFFD10];
	[tilespmem:s2+$0xFFFFFC70] =	vst v17  }
0x337: {  	v20 =	vmul.f32 v20, v34;
	v14 =	vld [tilespmem:s2+$0xFFFFFD20];
	[tilespmem:s2+$0xFFFFFC80] =	vst v10  }
0x338: {  	v18 =	vbroadcast v1, $0x1;
	v36 =	vmul.f32 v25, v35;
	v15 =	vld [tilespmem:s2+$0xFFFFFD30];
	[tilespmem:s2+$0xFFFFFC90] =	vst v19  }
0x339: {  	v16 =	vld [tilespmem:s2+$0xFFFFFD40];
	[tilespmem:s2+$0xFFFFFCA0] =	vst v20  }
0x33a: {  	v10 =	vld [tilespmem:s2+$0xFFFFFD60];
	v22 =	vmul.f32 v22, v18;
	[tilespmem:s2+$0xFFFFFCD0] =	vst v36  }
0x33b: {  	v1 =	vbroadcast v1, $0x3;
	v18 =	vmul.f32 v23, v18;
	[tilespmem:s2+$0xFFFFFC20] =	vst v7;
	v7 =	vld [tilespmem:s2+$0xFFFFFD00]  }
0x33c: {  	v38 =	vbroadcast v8, $0x0;
	v17 =	vld [tilespmem:s2+$0xFFFFFD50];
	[tilespmem:s2+$0xFFFFFCB0] =	vst v22;
	v12 =	vmul.f32 v12, v35  }
0x33d: {  	v40 =	vbroadcast v8, $0x2;
	v19 =	vld [tilespmem:s2+$0xFFFFFD70];
	[tilespmem:s2+$0xFFFFFCC0] =	vst v18;
	v11 =	vmul.f32 v11, v1  }
0x33e: {  	v20 =	vld [tilespmem:s2+$0xFFFFFD80];
	v13 =	vmul.f32 v38, v13;
	[tilespmem:s2+$0xFFFFFCE0] =	vst v12  }
0x33f: {  	v18 =	vld [tilespmem:s2+$0xFFFFFDA0];
	v14 =	vmul.f32 v14, v38;
	v10 =	vmul.f32 v10, v40;
	[tilespmem:s2+$0xFFFFFCF0] =	vst v11  }
0x340: {  	v1 =	vmul.f32 v7, v1;
	v7 =	vld [tilespmem:s2+$0xFFFFFDC0];
	v12 =	vbroadcast v8, $0x1;
	[tilespmem:s2+$0xFFFFFD10] =	vst v13  }
0x341: {  	v11 =	vld [tilespmem:s2+$0xFFFFFDD0];
	[tilespmem:s2+$0xFFFFFD20] =	vst v14  }
0x342: {  	v13 =	vld [tilespmem:s2+$0xFFFFFDF0];
	[tilespmem:s2+$0xFFFFFD60] =	vst v10;
	v15 =	vmul.f32 v15, v12  }
0x343: {  	v14 =	vld [tilespmem:s2+$0xFFFFFE00];
	v8 =	vbroadcast v8, $0x3;
	[tilespmem:s2+$0xFFFFFD00] =	vst v1;
	v12 =	vmul.f32 v16, v12  }
0x344: {  	v10 =	vld [tilespmem:s2+$0xFFFFFE40];
	v16 =	vmul.f32 v17, v40;
	[tilespmem:s2+$0xFFFFFD30] =	vst v15  }
0x345: {  	v1 =	vld [tilespmem:s2+$0xFFFFFDE0];
	v17 =	vbroadcast v9, $0x0;
	v19 =	vmul.f32 v19, v8;
	[tilespmem:s2+$0xFFFFFD40] =	vst v12  }
0x346: {  	v8 =	vmul.f32 v20, v8;
	v20 =	vbroadcast v9, $0x1;
	v15 =	vld [tilespmem:s2+$0xFFFFFE10];
	[tilespmem:s2+$0xFFFFFD50] =	vst v16  }
0x347: {  	v12 =	vld [tilespmem:s2+$0xFFFFFE20];
	v41 =	vmul.f32 v17, v37;
	[tilespmem:s2+$0xFFFFFD70] =	vst v19;
	v17 =	vmul.f32 v18, v17  }
0x348: {  	v16 =	vld [tilespmem:s2+$0xFFFFFE30];
	[tilespmem:s2+$0xFFFFFD80] =	vst v8;
	v18 =	vbroadcast v9, $0x2;
	v9 =	vbroadcast v9, $0x3  }
0x349: {  	v19 =	vld [tilespmem:s2+$0xFFFFFE50];
	v42 =	vmul.f32 v39, v20;
	v7 =	vmul.f32 v7, v20;
	[tilespmem:s2+$0xFFFFFD90] =	vst v41  }
0x34a: {  	v8 =	vld [tilespmem:s2+$0xFFFFFE60];
	[tilespmem:s2+$0xFFFFFDA0] =	vst v17;
	v11 =	vmul.f32 v11, v18;
	v13 =	vmul.f32 v13, v9  }
0x34b: {  	v20 =	vld [tilespmem:s2+$0xFFFFFE90];
	[tilespmem:s2+$0xFFFFFDB0] =	vst v42;
	v9 =	vmul.f32 v14, v9;
	v14 =	vbroadcast v6, $0x1  }
0x34c: {  	v17 =	vld [tilespmem:s2+$0xFFFFFE80];
	v1 =	vmul.f32 v1, v18;
	v18 =	vbroadcast v6, $0x0;
	[tilespmem:s2+$0xFFFFFDC0] =	vst v7  }
0x34d: {  	v7 =	vld [tilespmem:s2+$0xFFFFFEA0];
	[tilespmem:s2+$0xFFFFFDD0] =	vst v11  }
0x34e: {  	v11 =	vld [tilespmem:s2+$0xFFFFFEB0];
	[tilespmem:s2+$0xFFFFFDF0] =	vst v13;
	v10 =	vmul.f32 v10, v14;
	v15 =	vmul.f32 v18, v15  }
0x34f: {  	v13 =	vld [tilespmem:s2+$0xFFFFFED0];
	[tilespmem:s2+$0xFFFFFE00] =	vst v9;
	v12 =	vmul.f32 v12, v18;
	v18 =	vbroadcast v6, $0x2  }
0x350: {  	v9 =	vld [tilespmem:s2+$0xFFFFFEE0];
	[tilespmem:s2+$0xFFFFFDE0] =	vst v1;
	v16 =	vmul.f32 v16, v14  }
0x351: {  	v1 =	vld [tilespmem:s2+$0xFFFFFEC0];
	v6 =	vbroadcast v6, $0x3;
	[tilespmem:s2+$0xFFFFFE40] =	vst v10;
	v14 =	vmul.f32 v19, v18  }
0x352: {  	v10 =	vld [tilespmem:s2+$0xFFFFFF20];
	[tilespmem:s2+$0xFFFFFE10] =	vst v15;
	v8 =	vmul.f32 v8, v18;
	v18 =	vbroadcast v5, $0x0  }
0x353: {  	v15 =	vld [tilespmem:s2+$0xFFFFFEF0];
	[tilespmem:s2+$0xFFFFFE20] =	vst v12;
	v19 =	vmul.f32 v43, v6;
	v6 =	vmul.f32 v17, v6  }
0x354: {  	v12 =	vld [tilespmem:s2+$0xFFFFFF00];
	[tilespmem:s2+$0xFFFFFE30] =	vst v16;
	v17 =	vbroadcast v5, $0x1;
	v20 =	vmul.f32 v18, v20  }
0x355: {  	v16 =	vld [tilespmem:s2+$0xFFFFFF10];
	v7 =	vmul.f32 v7, v18;
	v18 =	vbroadcast v5, $0x2;
	[tilespmem:s2+$0xFFFFFE50] =	vst v14  }
0x356: {  	v14 =	vld [tilespmem:s2+$0xFFFFFF30];
	v11 =	vmul.f32 v11, v17;
	[tilespmem:s2+$0xFFFFFE60] =	vst v8;
	v5 =	vbroadcast v5, $0x3  }
0x357: {  	v8 =	vld [tilespmem:s2+$0xFFFFFF40];
	[tilespmem:s2+$0xFFFFFE70] =	vst v19;
	v1 =	vmul.f32 v1, v17;
	v13 =	vmul.f32 v13, v18  }
0x358: {  	[tilespmem:s2+$0xFFFFFE80] =	vst v6;
	v6 =	vld [tilespmem:s2+$0xFFFFFF60];
	v18 =	vmul.f32 v9, v18;
	v9 =	vbroadcast v4, $0x0  }
0x359: {  	v17 =	vld [tilespmem:s2+$0xFFFFFF50];
	[tilespmem:s2+$0xFFFFFEA0] =	vst v7;
	v7 =	vbroadcast v4, $0x2;
	v19 =	vmul.f32 v15, v5  }
0x35a: {  	v63 =	vld [tilespmem:s2+$0xFFFFFF90];
	[tilespmem:s2+$0xFFFFFE90] =	vst v20;
	v44 =	vmul.f32 v12, v5;
	v12 =	vbroadcast v4, $0x1  }
0x35b: {  	v5 =	vld [tilespmem:s2+$0xFFFFFF70];
	[tilespmem:s2+$0xFFFFFEC0] =	vst v1;
	v4 =	vbroadcast v4, $0x3;
	v20 =	vmul.f32 v9, v16  }
0x35c: {  	v1 =	vld [tilespmem:s2+$0xFFFFFFA0];
	v9 =	vmul.f32 v10, v9;
	[tilespmem:s2+$0xFFFFFED0] =	vst v13;
	v13 =	vbroadcast v3, $0x0  }
0x35d: {  	[tilespmem:s2+$0xFFFFFEB0] =	vst v11;
	v15 =	vld [tilespmem:s2+$0xFFFFFFB0];
	v10 =	vmul.f32 v14, v12;
	v8 =	vmul.f32 v8, v12  }
0x35e: {  	[tilespmem:s2+$0xFFFFFEE0] =	vst v18;
	v16 =	vld [tilespmem:s2+$0xFFFFFFC0];
	v11 =	vmul.f32 v17, v7;
	v7 =	vmul.f32 v6, v7  }
0x35f: {  	[tilespmem:s2+$0xFFFFFEF0] =	vst v19;
	v6 =	vmul.f32 v62, v4;
	v17 =	vld [tilespmem:s2+$0xFFFFFFD0];
	v14 =	vmul.f32 v13, v63  }
0x360: {  	v18 =	vld [tilespmem:s2+$0xFFFFFFE0];
	[tilespmem:s2+$0xFFFFFF00] =	vst v44;
	v12 =	vmul.f32 v5, v4;
	v5 =	vbroadcast v3, $0x1  }
0x361: {  	s3 =	simm.s32 $0x3E40;
	s6 =	simm.s32 $0x0;
	s9 =	simm.s32 $0x9040;
	[tilespmem:s2+$0xFFFFFF10] =	vst v20;
	v4 =	vbroadcast v3, $0x2;
	v13 =	vmul.f32 v1, v13;
	v3 =	vld [tilespmem:s2+$0xFFFFFFF0]  }
.LBB2_12:
0x362: {  	v1 =	vld [tilespmem:s9+$0x0];
	s6 =	sadd.s32 $0x8, s6;
	[tilespmem:s2+$0xFFFFFF20] =	vst v9;
	v9 =	vmul.f32 v15, v5  }
0x363: {  	s2 =	sadd.s32 $0x400, s2;
	v15 =	vld [tilespmem:s9+$0xFFFFFFA0];
	p0 =	slt.u32 s6, $0x48;
	[tilespmem:s3+$0xFFFFFF30] =	vst v10;
	v5 =	vmul.f32 v16, v5  }
0x364: {  	v10 =	vld [tilespmem:s2+$0x0];
	[tilespmem:s3+$0xFFFFFF40] =	vst v8;
	v8 =	vmul.f32 v17, v4  }
0x365: {  	v16 =	vld [tilespmem:s9+$0xFFFFFFB0];
	[tilespmem:s3+$0xFFFFFF50] =	vst v11;
	v4 =	vmul.f32 v18, v4  }
0x366: {  	v11 =	vld [tilespmem:s9+$0xFFFFFFC0];
	[tilespmem:s3+$0xFFFFFF60] =	vst v7;
	v7 =	vmul.f32 v3, v61  }
0x367: {  	v19 =	vld [tilespmem:s9+$0xFFFFFFD0];
	v3 =	vbroadcast v1, $0x0;
	v61 =	vbroadcast v1, $0x3;
	[tilespmem:s3+$0xFFFFFF70] =	vst v12  }
0x368: {  	v20 =	vbroadcast v15, $0x0;
	v21 =	vbroadcast v15, $0x1;
	v22 =	vld [tilespmem:s9+$0xFFFFFFE0];
	[tilespmem:s3+$0xFFFFFF80] =	vst v6  }
0x369: {  	v23 =	vbroadcast v15, $0x2;
	v6 =	vld [tilespmem:s9+$0xFFFFFFF0];
	v10 =	vmul.f32 v10, v61;
	[tilespmem:s3+$0xFFFFFF90] =	vst v14  }
0x36a: {  	v24 =	vbroadcast v15, $0x3;
	v12 =	vld [tilespmem:s9+$0xFFFFFF90];
	v25 =	vbroadcast v16, $0x0;
	[tilespmem:s3+$0xFFFFFFA0] =	vst v13  }
0x36b: {  	v27 =	vbroadcast v16, $0x1;
	v28 =	vbroadcast v16, $0x2;
	v26 =	vld [tilespmem:s2+$0xFFFFFC10];
	[tilespmem:s2+$0x0] =	vst v10  }
0x36c: {  	v30 =	vbroadcast v16, $0x3;
	v31 =	vbroadcast v11, $0x0;
	v29 =	vld [tilespmem:s2+$0xFFFFFC20];
	[tilespmem:s3+$0xFFFFFFB0] =	vst v9  }
0x36d: {  	v63 =	vbroadcast v11, $0x1;
	v18 =	vbroadcast v11, $0x2;
	v32 =	vld [tilespmem:s2+$0xFFFFFC30];
	[tilespmem:s3+$0xFFFFFFC0] =	vst v5  }
0x36e: {  	v16 =	vbroadcast v11, $0x3;
	v14 =	vbroadcast v19, $0x0;
	v33 =	vld [tilespmem:s2+$0xFFFFFC40];
	[tilespmem:s3+$0xFFFFFFD0] =	vst v8  }
0x36f: {  	v34 =	vbroadcast v12, $0x0;
	v35 =	vbroadcast v12, $0x1;
	v36 =	vld [tilespmem:s2+$0xFFFFFC50];
	[tilespmem:s3+$0xFFFFFFE0] =	vst v4  }
0x370: {  	v37 =	vbroadcast v12, $0x2;
	v39 =	vbroadcast v12, $0x3;
	v38 =	vld [tilespmem:s2+$0xFFFFFC60];
	[tilespmem:s3+$0xFFFFFFF0] =	vst v7;
	s3 =	smov.u32 s2  }
0x371: {  	v17 =	vbroadcast v19, $0x1;
	v15 =	vbroadcast v19, $0x2;
	v40 =	vld [tilespmem:s2+$0xFFFFFC70]  }
0x372: {  	v13 =	vbroadcast v19, $0x3;
	v12 =	vbroadcast v22, $0x0;
	v41 =	vld [tilespmem:s2+$0xFFFFFC80]  }
0x373: {  	v11 =	vbroadcast v22, $0x1;
	v10 =	vbroadcast v22, $0x2;
	v19 =	vld [tilespmem:s2+$0xFFFFFC90]  }
0x374: {  	v9 =	vbroadcast v22, $0x3;
	v62 =	vbroadcast v6, $0x0;
	v42 =	vld [tilespmem:s2+$0xFFFFFCA0]  }
0x375: {  	v8 =	vbroadcast v6, $0x1;
	v7 =	vbroadcast v6, $0x2;
	v22 =	vld [tilespmem:s2+$0xFFFFFCB0]  }
0x376: {  	v5 =	vbroadcast v1, $0x1;
	v6 =	vbroadcast v6, $0x3;
	v43 =	vld [tilespmem:s2+$0xFFFFFCC0]  }
0x377: {  	v4 =	vbroadcast v1, $0x2;
	v26 =	vmul.f32 v34, v26;
	v44 =	vld [tilespmem:s2+$0xFFFFFCD0]  }
0x378: {  	v1 =	vmul.f32 v29, v34;
	v29 =	vmul.f32 v32, v35;
	v32 =	vld [tilespmem:s2+$0xFFFFFCE0]  }
0x379: {  	[tilespmem:s2+$0xFFFFFC10] =	vst v26;
	v26 =	vmul.f32 v33, v35;
	v33 =	vmul.f32 v36, v37;
	v34 =	vld [tilespmem:s2+$0xFFFFFCF0]  }
0x37a: {  	v35 =	vmul.f32 v40, v39;
	[tilespmem:s2+$0xFFFFFC20] =	vst v1;
	v1 =	vmul.f32 v38, v37;
	v36 =	vld [tilespmem:s2+$0xFFFFFD00]  }
0x37b: {  	v19 =	vmul.f32 v20, v19;
	[tilespmem:s2+$0xFFFFFC30] =	vst v29;
	v29 =	vmul.f32 v41, v39;
	v37 =	vld [tilespmem:s2+$0xFFFFFD10]  }
0x37c: {  	v20 =	vmul.f32 v42, v20;
	v22 =	vmul.f32 v22, v21;
	[tilespmem:s2+$0xFFFFFC40] =	vst v26;
	v26 =	vld [tilespmem:s2+$0xFFFFFD20]  }
0x37d: {  	v21 =	vmul.f32 v43, v21;
	[tilespmem:s2+$0xFFFFFC50] =	vst v33;
	v33 =	vmul.f32 v44, v23;
	v38 =	vld [tilespmem:s2+$0xFFFFFD30]  }
0x37e: {  	[tilespmem:s2+$0xFFFFFC60] =	vst v1;
	v1 =	vmul.f32 v32, v23;
	v23 =	vmul.f32 v34, v24;
	v32 =	vld [tilespmem:s2+$0xFFFFFD40]  }
0x37f: {  	[tilespmem:s2+$0xFFFFFC70] =	vst v35;
	v24 =	vmul.f32 v36, v24;
	v34 =	vld [tilespmem:s2+$0xFFFFFD50]  }
0x380: {  	[tilespmem:s2+$0xFFFFFC80] =	vst v29;
	v29 =	vmul.f32 v25, v37;
	v35 =	vld [tilespmem:s2+$0xFFFFFD60]  }
0x381: {  	[tilespmem:s2+$0xFFFFFC90] =	vst v19;
	v19 =	vmul.f32 v26, v25;
	v25 =	vld [tilespmem:s2+$0xFFFFFD70]  }
0x382: {  	[tilespmem:s2+$0xFFFFFCA0] =	vst v20;
	v20 =	vmul.f32 v38, v27;
	v26 =	vld [tilespmem:s2+$0xFFFFFD80]  }
0x383: {  	[tilespmem:s2+$0xFFFFFCB0] =	vst v22;
	v22 =	vmul.f32 v32, v27;
	v27 =	vld [tilespmem:s2+$0xFFFFFD90]  }
0x384: {  	[tilespmem:s2+$0xFFFFFCC0] =	vst v21;
	v21 =	vmul.f32 v34, v28;
	v32 =	vld [tilespmem:s2+$0xFFFFFDA0]  }
0x385: {  	[tilespmem:s2+$0xFFFFFCD0] =	vst v33;
	v28 =	vmul.f32 v35, v28;
	v33 =	vld [tilespmem:s2+$0xFFFFFDB0]  }
0x386: {  	[tilespmem:s2+$0xFFFFFCE0] =	vst v1;
	v1 =	vmul.f32 v25, v30;
	v25 =	vld [tilespmem:s2+$0xFFFFFDC0]  }
0x387: {  	[tilespmem:s2+$0xFFFFFCF0] =	vst v23;
	v23 =	vmul.f32 v26, v30;
	v26 =	vld [tilespmem:s2+$0xFFFFFDD0]  }
0x388: {  	[tilespmem:s2+$0xFFFFFD00] =	vst v24;
	v24 =	vmul.f32 v31, v27;
	v27 =	vld [tilespmem:s2+$0xFFFFFDE0]  }
0x389: {  	[tilespmem:s2+$0xFFFFFD10] =	vst v29;
	v29 =	vmul.f32 v32, v31;
	v30 =	vld [tilespmem:s2+$0xFFFFFDF0]  }
0x38a: {  	[tilespmem:s2+$0xFFFFFD20] =	vst v19;
	v19 =	vmul.f32 v33, v63;
	v31 =	vld [tilespmem:s2+$0xFFFFFE00]  }
0x38b: {  	[tilespmem:s2+$0xFFFFFD30] =	vst v20;
	v20 =	vmul.f32 v25, v63;
	v25 =	vld [tilespmem:s2+$0xFFFFFE10]  }
0x38c: {  	[tilespmem:s2+$0xFFFFFD40] =	vst v22;
	v22 =	vmul.f32 v26, v18;
	v26 =	vld [tilespmem:s2+$0xFFFFFE20]  }
0x38d: {  	[tilespmem:s2+$0xFFFFFD50] =	vst v21;
	v18 =	vmul.f32 v27, v18;
	v21 =	vld [tilespmem:s2+$0xFFFFFE30]  }
0x38e: {  	[tilespmem:s2+$0xFFFFFD60] =	vst v28;
	v27 =	vmul.f32 v30, v16;
	v28 =	vld [tilespmem:s2+$0xFFFFFE40]  }
0x38f: {  	[tilespmem:s2+$0xFFFFFD70] =	vst v1;
	v1 =	vmul.f32 v31, v16;
	v16 =	vld [tilespmem:s2+$0xFFFFFE50]  }
0x390: {  	[tilespmem:s2+$0xFFFFFD80] =	vst v23;
	v23 =	vmul.f32 v14, v25;
	v25 =	vld [tilespmem:s2+$0xFFFFFE60]  }
0x391: {  	[tilespmem:s2+$0xFFFFFD90] =	vst v24;
	v14 =	vmul.f32 v26, v14;
	v24 =	vld [tilespmem:s2+$0xFFFFFE70]  }
0x392: {  	[tilespmem:s2+$0xFFFFFDA0] =	vst v29;
	v21 =	vmul.f32 v21, v17;
	v26 =	vld [tilespmem:s2+$0xFFFFFE80]  }
0x393: {  	[tilespmem:s2+$0xFFFFFDB0] =	vst v19;
	v17 =	vmul.f32 v28, v17;
	v19 =	vld [tilespmem:s2+$0xFFFFFE90]  }
0x394: {  	[tilespmem:s2+$0xFFFFFDC0] =	vst v20;
	v16 =	vmul.f32 v16, v15;
	v20 =	vld [tilespmem:s2+$0xFFFFFEA0]  }
0x395: {  	[tilespmem:s2+$0xFFFFFDD0] =	vst v22;
	v15 =	vmul.f32 v25, v15;
	v22 =	vld [tilespmem:s2+$0xFFFFFEB0]  }
0x396: {  	[tilespmem:s2+$0xFFFFFDE0] =	vst v18;
	v18 =	vmul.f32 v24, v13;
	v24 =	vld [tilespmem:s2+$0xFFFFFEC0]  }
0x397: {  	[tilespmem:s2+$0xFFFFFDF0] =	vst v27;
	v13 =	vmul.f32 v26, v13;
	v25 =	vld [tilespmem:s2+$0xFFFFFED0]  }
0x398: {  	[tilespmem:s2+$0xFFFFFE00] =	vst v1;
	v1 =	vmul.f32 v12, v19;
	v19 =	vld [tilespmem:s2+$0xFFFFFEE0]  }
0x399: {  	[tilespmem:s2+$0xFFFFFE10] =	vst v23;
	v12 =	vmul.f32 v20, v12;
	v20 =	vld [tilespmem:s2+$0xFFFFFEF0]  }
0x39a: {  	[tilespmem:s2+$0xFFFFFE20] =	vst v14;
	v14 =	vmul.f32 v22, v11;
	v22 =	vld [tilespmem:s2+$0xFFFFFF00]  }
0x39b: {  	[tilespmem:s2+$0xFFFFFE30] =	vst v21;
	v11 =	vmul.f32 v24, v11;
	v21 =	vld [tilespmem:s2+$0xFFFFFF10]  }
0x39c: {  	[tilespmem:s2+$0xFFFFFE40] =	vst v17;
	v17 =	vmul.f32 v25, v10;
	v23 =	vld [tilespmem:s2+$0xFFFFFF20]  }
0x39d: {  	[tilespmem:s2+$0xFFFFFE50] =	vst v16;
	v16 =	vmul.f32 v19, v10;
	v10 =	vld [tilespmem:s2+$0xFFFFFF30]  }
0x39e: {  	[tilespmem:s2+$0xFFFFFE60] =	vst v15;
	v19 =	vmul.f32 v20, v9;
	v15 =	vld [tilespmem:s2+$0xFFFFFF40]  }
0x39f: {  	[tilespmem:s2+$0xFFFFFE70] =	vst v18;
	v18 =	vmul.f32 v22, v9;
	v20 =	vld [tilespmem:s2+$0xFFFFFF50]  }
0x3a0: {  	[tilespmem:s2+$0xFFFFFE80] =	vst v13;
	v13 =	vmul.f32 v62, v21;
	v21 =	vld [tilespmem:s2+$0xFFFFFF60]  }
0x3a1: {  	[tilespmem:s2+$0xFFFFFE90] =	vst v1;
	v9 =	vmul.f32 v23, v62;
	v1 =	vld [tilespmem:s2+$0xFFFFFF70]  }
0x3a2: {  	[tilespmem:s2+$0xFFFFFEA0] =	vst v12;
	v10 =	vmul.f32 v10, v8;
	v22 =	vld [tilespmem:s2+$0xFFFFFF80]  }
0x3a3: {  	[tilespmem:s2+$0xFFFFFEB0] =	vst v14;
	v8 =	vmul.f32 v15, v8;
	v14 =	vld [tilespmem:s2+$0xFFFFFF90]  }
0x3a4: {  	[tilespmem:s2+$0xFFFFFEC0] =	vst v11;
	v11 =	vmul.f32 v20, v7;
	v20 =	vld [tilespmem:s2+$0xFFFFFFA0]  }
.Ltmp7:
0x3a5: {  	[tilespmem:s2+$0xFFFFFED0] =	vst v17;
	v7 =	vmul.f32 v21, v7;
	v15 =	vld [tilespmem:s2+$0xFFFFFFB0];
	(pc) =	sbr.rel @p0 .LBB2_12-.Ltmp7, $4  }
0x3a6: {  	[tilespmem:s2+$0xFFFFFEE0] =	vst v16;
	v12 =	vmul.f32 v1, v6;
	v16 =	vld [tilespmem:s2+$0xFFFFFFC0]  }
0x3a7: {  	[tilespmem:s2+$0xFFFFFEF0] =	vst v19;
	v6 =	vmul.f32 v22, v6;
	v17 =	vld [tilespmem:s2+$0xFFFFFFD0]  }
0x3a8: {  	[tilespmem:s2+$0xFFFFFF00] =	vst v18;
	v14 =	vmul.f32 v3, v14;
	v18 =	vld [tilespmem:s2+$0xFFFFFFE0]  }
0x3a9: {  	s9 =	sadd.s32 $0x80, s9;
	[tilespmem:s2+$0xFFFFFF10] =	vst v13;
	v13 =	vmul.f32 v20, v3;
	v3 =	vld [tilespmem:s2+$0xFFFFFFF0]  }
0x3aa: {  	[tilespmem:s2+$0xFFFFFF20] =	vst v9  }
0x3ab: {  	[tilespmem:s3+$0xFFFFFF90] =	vst v14  }
0x3ac: {  	[tilespmem:s3+$0xFFFFFF30] =	vst v10  }
0x3ad: {  	[tilespmem:s3+$0xFFFFFF40] =	vst v8  }
0x3ae: {  	[tilespmem:s3+$0xFFFFFF50] =	vst v11  }
0x3af: {  	[tilespmem:s3+$0xFFFFFF60] =	vst v7  }
0x3b0: {  	[tilespmem:s3+$0xFFFFFF70] =	vst v12  }
0x3b1: {  	v1 =	vmul.f32 v15, v5;
	[tilespmem:s3+$0xFFFFFF80] =	vst v6  }
0x3b2: {  	v5 =	vmul.f32 v16, v5;
	[tilespmem:s3+$0xFFFFFFA0] =	vst v13  }
0x3b3: {  	v6 =	vmul.f32 v17, v4;
	[tilespmem:s3+$0xFFFFFFB0] =	vst v1  }
0x3b4: {  	v1 =	vmul.f32 v18, v4;
	[tilespmem:s3+$0xFFFFFFC0] =	vst v5  }
0x3b5: {  	v3 =	vmul.f32 v3, v61;
	[tilespmem:s3+$0xFFFFFFD0] =	vst v6  }
0x3b6: {  	[tilespmem:s3+$0xFFFFFFE0] =	vst v1  }
0x3b7: {  	s7 =	simm.s32 $0x3A50;
	s8 =	simm.s32 $0x2B0;
	[tilespmem:s3+$0xFFFFFFF0] =	vst v3  }
0x3b8: {  	[spmem:s11] =	stream.indirect.scatter.add.f32 [tilespmem:s7], [sflag:$0x8], $0x80, s8, s16, $0xb8;
	[tilespmem:$0x1F8E0] =	vst v63  }
0x3b9: {  	p0 =	sgt.u32 s15, $0x51;
	s2 =	rddreg [dreg:$0x14]  }
0x3ba: {  	s9 =	rddreg [dreg:$0x3];
	s2 =	sadd.s32 @!p0 s13, s2  }
0x3bb: {  	[spmem:s9] =	stream.indirect.scatter.add.f32 [tilespmem:s12], [sflag:$0x8], $0x10, s8, s16, $0xb8;
	[tilespmem:$0x1F8E0] =	vst v63  }
0x3bc: {  	s3 =	rddreg [dreg:$0x5];
	s2 =	sshrl.u32 @!p0 s2, $0x3  }
0x3bd: {  	s6 =	simm.s32 @!p0 $0x0;
	s7 =	simm.s32 @!p0 $0xD0;
	s3 =	sadd.s32 @!p0 s3, s2  }
0x3be: {  	[tilespmem:s7], [sflag:$0x2] =	stream.linear.gather @!p0 [hbm4b:s3+s6], $0x50, $0x38;
	[tilespmem:$0x1F8E0] =	vst v63  }
0x3bf: {  	s3 =	rddreg [dreg:$0x6]  }
0x3c0: {  	s2 =	sadd.s32 @!p0 s3, s2;
	s3 =	simm.s32 @!p0 $0x1C0  }
0x3c1: {  	[tilespmem:s3], [sflag:$0x2] =	stream.linear.gather @!p0 [hbm4b:s2+s6], $0x50, $0x38;
	[tilespmem:$0x1F8E0] =	vst v63  }
0x3c2: {  	_ =	swait.ge [sflag:s26], $0x2800  }
0x3c3: {  	[sflag:s26] =	ssyncset.done $0x0  }
0x3c4: {  	[sflag:s26] =	ssyncadd.s32 $0xFFFFD800  }
0x3c5: {  	_ =	swait.ge [sflag:s26], $0x500  }
0x3c6: {  	[sflag:s26] =	ssyncset.done $0x0  }
0x3c7: {  	[sflag:s26] =	ssyncadd.s32 $0xFFFFFB00  }
0x3c8: {  	_ =	swait.ge [sflag:s14], $0x50  }
0x3c9: {  	[sflag:s14] =	ssyncset.done $0x0  }
0x3ca: {  	[sflag:s14] =	ssyncadd.s32 $0xFFFFFFB0  }
0x3cb: {  	_ =	swait.ge [sflag:s14], $0x50  }
0x3cc: {  	s0 =	sshrl.u32 s0, $0x3;
	s3 =	rddreg [dreg:$0x8]  }
0x3cd: {  	[sflag:s14] =	ssyncset.done $0x0;
	s0 =	sadd.s32 s3, s0  }
0x3ce: {  	[sflag:s14] =	ssyncadd.s32 $0xFFFFFFB0;
	s0 =	sadd.s32 $0x9C40, s0  }
0x3cf: {  	[tilespmem:s25], [sflag:$0x4] =	stream.linear.gather [hbm4b:s0+s5], $0x50, $0x38;
	[tilespmem:$0x1F8E0] =	vst v63  }
0x3d0: {  	s6 =	simm.s32 $0x80  }
0x3d1: {  	[tilespmem:s17], [sflag:$0x4] =	stream.indirect.gather [hbm4b:s10+s16], $0x8, s6, s16, $0xb8;
	[tilespmem:$0x1F8E0] =	vst v63  }
0x3d2: {  	s7 =	simm.s32 $0x170  }
0x3d3: {  	[tilespmem:s28], [sflag:$0x4] =	stream.indirect.gather [hbm4b:s10+s16], $0x8, s7, s16, $0xb8;
	[tilespmem:$0x1F8E0] =	vst v63  }
0x3d4: {  	s8 =	simm.s32 $0x1250;
	s9 =	rddreg [dreg:$0x0]  }
0x3d5: {  	[tilespmem:s8], [sflag:$0x4] =	stream.indirect.gather [hbm4b:s9+s16], $0x80, s6, s16, $0xb8;
	[tilespmem:$0x1F8E0] =	vst v63  }
0x3d6: {  	_ =	swait.ge [sflag:s22], $0x50  }
0x3d7: {  	[sflag:s22] =	ssyncset.done $0x0  }
0x3d8: {  	[sflag:s22] =	ssyncadd.s32 $0xFFFFFFB0  }
0x3d9: {  	_ =	swait.ge [sflag:s22], $0x280  }
0x3da: {  	[sflag:s22] =	ssyncset.done $0x0  }
0x3db: {  	[sflag:s22] =	ssyncadd.s32 $0xFFFFFD80  }
0x3dc: {  	_ =	swait.ge [sflag:s22], $0x280  }
0x3dd: {  	[sflag:s22] =	ssyncset.done $0x0  }
0x3de: {  	[sflag:s22] =	ssyncadd.s32 $0xFFFFFD80  }
0x3df: {  	_ =	swait.ge [sflag:s22], $0x2800  }
0x3e0: {  	v3 =	vld [tilespmem:$0x1FD50];
	_ =	sdelay $0x4  }
0x3e1: {  	[sflag:s22] =	ssyncset.done $0x0  }
0x3e2: {  	[sflag:s22] =	ssyncadd.s32 $0xFFFFD800  }
0x3e3: {  	v1 =	vld.idx.msk [tilespmem:v0+s19+$0x0], $0xffff  }
0x3e4: {  	v3 =	vld.idx.msk [tilespmem:v3+s30+$0x0], $0xffff;
	_ =	sdelay $0x4  }
0x3e5: {  	v1 =	vadd.f32 v3, v1;
	_ =	sdelay $0x1  }
0x3e6: {  	v3 =	vmul.f32 $2.000000030e-01, v1;
	_ =	sdelay $0x1  }
0x3e7: {  	v1 =	vmax.f32 v1, v3  }
0x3e8: {  	v1 =	vmul.f32 $1.442695020e+00, v1;
	_ =	sdelay $0x1  }
0x3e9: {  	(erf) = vpow2.f32 v1;
	_ =	sdelay $0x8  }
0x3ea: {  	v3 =	vld [tilespmem:$0x1FD70];
	v1 =	vpop (erf)  }
0x3eb: {  	[tilespmem:v45+s1+$0x0] =	vst.idx.msk $0xffff, v1;
	v1 =	vld [tilespmem:$0x1FD60];
	_ =	sdelay $0x6  }
0x3ec: {  	v3 =	vld.idx.msk [tilespmem:v3+s30+$0x0], $0xffff  }
0x3ed: {  	v1 =	vld.idx.msk [tilespmem:v1+s19+$0x0], $0xffff;
	_ =	sdelay $0x4  }
0x3ee: {  	v1 =	vadd.f32 v3, v1;
	_ =	sdelay $0x1  }
0x3ef: {  	v3 =	vmul.f32 $2.000000030e-01, v1;
	_ =	sdelay $0x1  }
0x3f0: {  	v1 =	vmax.f32 v1, v3  }
0x3f1: {  	v1 =	vmul.f32 $1.442695020e+00, v1;
	_ =	sdelay $0x1  }
0x3f2: {  	(erf) = vpow2.f32 v1;
	_ =	sdelay $0x1  }
0x3f3: {  	v3 =	vld [tilespmem:$0x1FD80];
	_ =	sdelay $0x6  }
0x3f4: {  	v1 =	vpop (erf)  }
0x3f5: {  	[tilespmem:v3+s1+$0x0] =	vst.idx.msk $0xffff, v1;
	v1 =	vld [tilespmem:$0x1FD90]  }
0x3f6: {  	v3 =	vld [tilespmem:$0x1FDA0];
	_ =	sdelay $0x6  }
0x3f7: {  	v1 =	vld.idx.msk [tilespmem:v1+s19+$0x0], $0xffff  }
0x3f8: {  	v3 =	vld.idx.msk [tilespmem:v3+s30+$0x0], $0xffff;
	_ =	sdelay $0x4  }
0x3f9: {  	v1 =	vadd.f32 v3, v1;
	_ =	sdelay $0x1  }
0x3fa: {  	v3 =	vmul.f32 $2.000000030e-01, v1;
	_ =	sdelay $0x1  }
0x3fb: {  	v1 =	vmax.f32 v1, v3  }
0x3fc: {  	v1 =	vmul.f32 $1.442695020e+00, v1;
	_ =	sdelay $0x1  }
0x3fd: {  	(erf) = vpow2.f32 v1;
	_ =	sdelay $0x1  }
0x3fe: {  	v3 =	vld [tilespmem:$0x1FDB0];
	_ =	sdelay $0x6  }
0x3ff: {  	v4 =	vld [tilespmem:$0x1FDF0];
	v1 =	vpop (erf)  }
0x400: {  	[tilespmem:v3+s1+$0x0] =	vst.idx.msk $0xffff, v1;
	v1 =	vld [tilespmem:$0x1FDC0]  }
0x401: {  	v3 =	vld [tilespmem:$0x1FDD0]  }
0x402: {  	v5 =	vld [tilespmem:$0x1FE00];
	_ =	sdelay $0x4  }
0x403: {  	v4 =	vld.idx.msk [tilespmem:v4+s19+$0x0], $0xffff  }
0x404: {  	v1 =	vld.idx.msk [tilespmem:v1+s19+$0x0], $0xffff  }
0x405: {  	v3 =	vld.idx.msk [tilespmem:v3+s30+$0x0], $0xffff  }
0x406: {  	v5 =	vld.idx.msk [tilespmem:v5+s30+$0x0], $0xffff;
	_ =	sdelay $0x3  }
0x407: {  	v1 =	vadd.f32 v3, v1  }
0x408: {  	v3 =	vadd.f32 v5, v4  }
0x409: {  	v4 =	vmul.f32 $2.000000030e-01, v1  }
0x40a: {  	v5 =	vmul.f32 $2.000000030e-01, v3  }
0x40b: {  	v1 =	vmax.f32 v1, v4  }
0x40c: {  	v3 =	vmax.f32 v3, v5;
	v1 =	vmul.f32 $1.442695020e+00, v1  }
0x40d: {  	v3 =	vmul.f32 $1.442695020e+00, v3  }
0x40e: {  	(erf) = vpow2.f32 v1  }
0x40f: {  	(erf) = vpow2.f32 v3;
	_ =	sdelay $0x1  }
0x410: {  	v4 =	vld [tilespmem:$0x1FE10];
	_ =	sdelay $0x5  }
0x411: {  	v3 =	vpop (erf)  }
0x412: {  	v1 =	vpop (erf)  }
0x413: {  	[tilespmem:v4+s1+$0x0] =	vst.idx.msk $0xffff, v1;
	v1 =	vld [tilespmem:$0x1FE20]  }
0x414: {  	v4 =	vld [tilespmem:$0x1FE30];
	_ =	sdelay $0x6  }
0x415: {  	v1 =	vld.idx.msk [tilespmem:v1+s19+$0x0], $0xffff  }
0x416: {  	v4 =	vld.idx.msk [tilespmem:v4+s30+$0x0], $0xffff;
	_ =	sdelay $0x4  }
0x417: {  	v1 =	vadd.f32 v4, v1;
	_ =	sdelay $0x1  }
0x418: {  	v4 =	vmul.f32 $2.000000030e-01, v1;
	_ =	sdelay $0x1  }
0x419: {  	v1 =	vmax.f32 v1, v4  }
0x41a: {  	v1 =	vmul.f32 $1.442695020e+00, v1;
	_ =	sdelay $0x1  }
0x41b: {  	(erf) = vpow2.f32 v1;
	_ =	sdelay $0x1  }
0x41c: {  	v4 =	vld [tilespmem:$0x1FE40];
	_ =	sdelay $0x6  }
0x41d: {  	v1 =	vpop (erf)  }
0x41e: {  	[tilespmem:v4+s1+$0x0] =	vst.idx.msk $0xffff, v1;
	v1 =	vld [tilespmem:$0x1FE50]  }
0x41f: {  	v4 =	vld [tilespmem:$0x1FE60];
	_ =	sdelay $0x6  }
0x420: {  	v1 =	vld.idx.msk [tilespmem:v1+s19+$0x0], $0xffff  }
0x421: {  	v4 =	vld.idx.msk [tilespmem:v4+s30+$0x0], $0xffff;
	_ =	sdelay $0x4  }
0x422: {  	v1 =	vadd.f32 v4, v1;
	_ =	sdelay $0x1  }
0x423: {  	v4 =	vmul.f32 $2.000000030e-01, v1;
	_ =	sdelay $0x1  }
0x424: {  	v1 =	vmax.f32 v1, v4  }
0x425: {  	v1 =	vmul.f32 $1.442695020e+00, v1;
	_ =	sdelay $0x1  }
0x426: {  	(erf) = vpow2.f32 v1;
	_ =	sdelay $0x1  }
0x427: {  	v4 =	vld [tilespmem:$0x1FE70];
	_ =	sdelay $0x6  }
0x428: {  	v6 =	vld [tilespmem:$0x1FEC0];
	v1 =	vpop (erf)  }
0x429: {  	[tilespmem:v4+s1+$0x0] =	vst.idx.msk $0xffff, v1;
	v1 =	vld [tilespmem:$0x1FE80]  }
0x42a: {  	v4 =	vld [tilespmem:$0x1FE90]  }
0x42b: {  	v5 =	vld [tilespmem:$0x1FEB0];
	_ =	sdelay $0x4  }
0x42c: {  	v6 =	vld.idx.msk [tilespmem:v6+s30+$0x0], $0xffff  }
0x42d: {  	v1 =	vld.idx.msk [tilespmem:v1+s19+$0x0], $0xffff  }
0x42e: {  	v4 =	vld.idx.msk [tilespmem:v4+s30+$0x0], $0xffff  }
0x42f: {  	v5 =	vld.idx.msk [tilespmem:v5+s19+$0x0], $0xffff;
	_ =	sdelay $0x3  }
0x430: {  	v1 =	vadd.f32 v4, v1  }
0x431: {  	v4 =	vadd.f32 v6, v5  }
0x432: {  	v5 =	vmul.f32 $2.000000030e-01, v1  }
0x433: {  	v6 =	vmul.f32 $2.000000030e-01, v4  }
0x434: {  	v1 =	vmax.f32 v1, v5  }
0x435: {  	v4 =	vmax.f32 v4, v6;
	v1 =	vmul.f32 $1.442695020e+00, v1  }
0x436: {  	v4 =	vmul.f32 $1.442695020e+00, v4  }
0x437: {  	(erf) = vpow2.f32 v1  }
0x438: {  	(erf) = vpow2.f32 v4;
	_ =	sdelay $0x1  }
0x439: {  	v5 =	vld [tilespmem:$0x1FED0];
	_ =	sdelay $0x5  }
0x43a: {  	v1 =	vpop (erf)  }
0x43b: {  	v4 =	vpop (erf)  }
0x43c: {  	[tilespmem:v5+s1+$0x0] =	vst.idx.msk $0xffff, v4;
	v4 =	vld [tilespmem:$0x1FEE0]  }
0x43d: {  	v5 =	vld [tilespmem:$0x1FEF0];
	_ =	sdelay $0x6  }
0x43e: {  	v4 =	vld.idx.msk [tilespmem:v4+s19+$0x0], $0xffff  }
0x43f: {  	v5 =	vld.idx.msk [tilespmem:v5+s30+$0x0], $0xffff;
	_ =	sdelay $0x4  }
0x440: {  	v4 =	vadd.f32 v5, v4;
	_ =	sdelay $0x1  }
0x441: {  	v5 =	vmul.f32 $2.000000030e-01, v4;
	_ =	sdelay $0x1  }
0x442: {  	v4 =	vmax.f32 v4, v5  }
0x443: {  	v4 =	vmul.f32 $1.442695020e+00, v4;
	_ =	sdelay $0x1  }
0x444: {  	(erf) = vpow2.f32 v4;
	_ =	sdelay $0x1  }
0x445: {  	v5 =	vld [tilespmem:$0x1FF00];
	_ =	sdelay $0x6  }
0x446: {  	v4 =	vpop (erf)  }
0x447: {  	[tilespmem:v5+s1+$0x0] =	vst.idx.msk $0xffff, v4;
	v4 =	vld [tilespmem:$0x1FF10]  }
0x448: {  	v5 =	vld [tilespmem:$0x1FF20];
	_ =	sdelay $0x6  }
0x449: {  	v4 =	vld.idx.msk [tilespmem:v4+s19+$0x0], $0xffff  }
0x44a: {  	v5 =	vld.idx.msk [tilespmem:v5+s30+$0x0], $0xffff;
	_ =	sdelay $0x4  }
0x44b: {  	v4 =	vadd.f32 v5, v4;
	_ =	sdelay $0x1  }
0x44c: {  	v5 =	vmul.f32 $2.000000030e-01, v4;
	_ =	sdelay $0x1  }
0x44d: {  	v4 =	vmax.f32 v4, v5  }
0x44e: {  	v4 =	vmul.f32 $1.442695020e+00, v4;
	_ =	sdelay $0x1  }
0x44f: {  	(erf) = vpow2.f32 v4;
	_ =	sdelay $0x1  }
0x450: {  	v5 =	vld [tilespmem:$0x1FF30];
	_ =	sdelay $0x6  }
0x451: {  	v7 =	vld [tilespmem:$0x1FF80];
	v4 =	vpop (erf)  }
0x452: {  	[tilespmem:v5+s1+$0x0] =	vst.idx.msk $0xffff, v4;
	v4 =	vld [tilespmem:$0x1FF40]  }
0x453: {  	v5 =	vld [tilespmem:$0x1FF50]  }
0x454: {  	v6 =	vld [tilespmem:$0x1FF70];
	_ =	sdelay $0x4  }
0x455: {  	v7 =	vld.idx.msk [tilespmem:v7+s30+$0x0], $0xffff  }
0x456: {  	v4 =	vld.idx.msk [tilespmem:v4+s19+$0x0], $0xffff  }
0x457: {  	v5 =	vld.idx.msk [tilespmem:v5+s30+$0x0], $0xffff  }
0x458: {  	v6 =	vld.idx.msk [tilespmem:v6+s19+$0x0], $0xffff;
	_ =	sdelay $0x3  }
0x459: {  	v4 =	vadd.f32 v5, v4  }
0x45a: {  	v5 =	vadd.f32 v7, v6  }
0x45b: {  	v6 =	vmul.f32 $2.000000030e-01, v4  }
0x45c: {  	v7 =	vmul.f32 $2.000000030e-01, v5  }
0x45d: {  	v4 =	vmax.f32 v4, v6  }
0x45e: {  	v5 =	vmax.f32 v5, v7;
	v4 =	vmul.f32 $1.442695020e+00, v4  }
0x45f: {  	v5 =	vmul.f32 $1.442695020e+00, v5  }
0x460: {  	(erf) = vpow2.f32 v4  }
0x461: {  	(erf) = vpow2.f32 v5;
	_ =	sdelay $0x1  }
0x462: {  	v6 =	vld [tilespmem:$0x1FF90];
	_ =	sdelay $0x5  }
0x463: {  	v4 =	vpop (erf)  }
0x464: {  	v5 =	vpop (erf)  }
0x465: {  	[tilespmem:v6+s1+$0x0] =	vst.idx.msk $0xffff, v5;
	v5 =	vld [tilespmem:$0x1FFA0]  }
0x466: {  	v6 =	vld [tilespmem:$0x1FFB0];
	_ =	sdelay $0x6  }
0x467: {  	v5 =	vld.idx.msk [tilespmem:v5+s19+$0x0], $0xffff  }
0x468: {  	v6 =	vld.idx.msk [tilespmem:v6+s30+$0x0], $0xffff;
	_ =	sdelay $0x4  }
0x469: {  	v5 =	vadd.f32 v6, v5;
	_ =	sdelay $0x1  }
0x46a: {  	v6 =	vmul.f32 $2.000000030e-01, v5;
	_ =	sdelay $0x1  }
0x46b: {  	v5 =	vmax.f32 v5, v6  }
0x46c: {  	v5 =	vmul.f32 $1.442695020e+00, v5;
	_ =	sdelay $0x1  }
0x46d: {  	(erf) = vpow2.f32 v5;
	_ =	sdelay $0x1  }
0x46e: {  	v6 =	vld [tilespmem:$0x1FFC0];
	_ =	sdelay $0x6  }
0x46f: {  	v5 =	vpop (erf)  }
0x470: {  	[tilespmem:v6+s1+$0x0] =	vst.idx.msk $0xffff, v5;
	v5 =	vld [tilespmem:$0x1FFD0]  }
0x471: {  	v6 =	vld [tilespmem:$0x1FFE0];
	_ =	sdelay $0x6  }
0x472: {  	v5 =	vld.idx.msk [tilespmem:v5+s19+$0x0], $0xffff  }
0x473: {  	v6 =	vld.idx.msk [tilespmem:v6+s30+$0x0], $0xffff;
	_ =	sdelay $0x4  }
0x474: {  	v5 =	vadd.f32 v6, v5;
	_ =	sdelay $0x1  }
0x475: {  	v6 =	vmul.f32 $2.000000030e-01, v5;
	_ =	sdelay $0x1  }
0x476: {  	v5 =	vmax.f32 v5, v6  }
0x477: {  	v5 =	vmul.f32 $1.442695020e+00, v5;
	_ =	sdelay $0x1  }
0x478: {  	(erf) = vpow2.f32 v5;
	_ =	sdelay $0x1  }
0x479: {  	v6 =	vld [tilespmem:$0x1FFF0];
	_ =	sdelay $0x6  }
0x47a: {  	v5 =	vpop (erf)  }
0x47b: {  	v8 =	vld.idx.msk [tilespmem:v50+s30+$0x0], $0xffff;
	[tilespmem:v6+s1+$0x0] =	vst.idx.msk $0xffff, v5  }
0x47c: {  	v5 =	vld.idx.msk [tilespmem:v46+s19+$0x0], $0xffff  }
0x47d: {  	v6 =	vld.idx.msk [tilespmem:v47+s30+$0x0], $0xffff  }
0x47e: {  	v7 =	vld.idx.msk [tilespmem:v49+s19+$0x0], $0xffff;
	_ =	sdelay $0x3  }
0x47f: {  	v5 =	vadd.f32 v6, v5  }
0x480: {  	v6 =	vadd.f32 v8, v7  }
0x481: {  	v7 =	vmul.f32 $2.000000030e-01, v5  }
0x482: {  	v8 =	vmul.f32 $2.000000030e-01, v6  }
0x483: {  	v5 =	vmax.f32 v5, v7  }
0x484: {  	v6 =	vmax.f32 v6, v8;
	v5 =	vmul.f32 $1.442695020e+00, v5  }
0x485: {  	v6 =	vmul.f32 $1.442695020e+00, v6  }
0x486: {  	(erf) = vpow2.f32 v5  }
0x487: {  	(erf) = vpow2.f32 v6;
	_ =	sdelay $0x7  }
0x488: {  	v5 =	vpop (erf)  }
0x489: {  	v6 =	vpop (erf)  }
0x48a: {  	[tilespmem:v51+s1+$0x0] =	vst.idx.msk $0xffff, v6  }
0x48b: {  	v6 =	vld.idx.msk [tilespmem:v52+s19+$0x0], $0xffff  }
0x48c: {  	v7 =	vld.idx.msk [tilespmem:v53+s30+$0x0], $0xffff;
	_ =	sdelay $0x4  }
0x48d: {  	v6 =	vadd.f32 v7, v6;
	_ =	sdelay $0x1  }
0x48e: {  	v7 =	vmul.f32 $2.000000030e-01, v6;
	_ =	sdelay $0x1  }
0x48f: {  	v6 =	vmax.f32 v6, v7  }
0x490: {  	v6 =	vmul.f32 $1.442695020e+00, v6;
	_ =	sdelay $0x1  }
0x491: {  	(erf) = vpow2.f32 v6;
	_ =	sdelay $0x8  }
0x492: {  	v6 =	vpop (erf)  }
0x493: {  	[tilespmem:v54+s1+$0x0] =	vst.idx.msk $0xffff, v6  }
0x494: {  	v6 =	vld.idx.msk [tilespmem:v55+s19+$0x0], $0xffff  }
0x495: {  	v7 =	vld.idx.msk [tilespmem:v56+s30+$0x0], $0xffff;
	_ =	sdelay $0x4  }
0x496: {  	v6 =	vadd.f32 v7, v6;
	_ =	sdelay $0x1  }
0x497: {  	v7 =	vmul.f32 $2.000000030e-01, v6;
	_ =	sdelay $0x1  }
0x498: {  	v6 =	vmax.f32 v6, v7  }
0x499: {  	v6 =	vmul.f32 $1.442695020e+00, v6;
	_ =	sdelay $0x1  }
0x49a: {  	(erf) = vpow2.f32 v6;
	_ =	sdelay $0x8  }
0x49b: {  	v6 =	vpop (erf)  }
0x49c: {  	[tilespmem:v57+s1+$0x0] =	vst.idx.msk $0xffff, v6  }
0x49d: {  	v6 =	vld.idx.msk [tilespmem:v58+s19+$0x0], $0xffff  }
0x49e: {  	v7 =	vld.idx.msk [tilespmem:v59+s30+$0x0], $0xffff;
	_ =	sdelay $0x4  }
0x49f: {  	v6 =	vadd.f32 v7, v6;
	_ =	sdelay $0x1  }
0x4a0: {  	v7 =	vmul.f32 $2.000000030e-01, v6;
	_ =	sdelay $0x1  }
0x4a1: {  	v6 =	vmax.f32 v6, v7  }
0x4a2: {  	v6 =	vmul.f32 $1.442695020e+00, v6;
	_ =	sdelay $0x1  }
0x4a3: {  	(erf) = vpow2.f32 v6;
	v6 =	vld [tilespmem:$0x1FDE0];
	_ =	sdelay $0x7  }
0x4a4: {  	[tilespmem:v6+s1+$0x0] =	vst.idx.msk $0xffff, v3;
	v3 =	vld [tilespmem:$0x1FEA0];
	_ =	sdelay $0x7  }
0x4a5: {  	[tilespmem:v3+s1+$0x0] =	vst.idx.msk $0xffff, v1;
	v1 =	vld [tilespmem:$0x1FF60];
	_ =	sdelay $0x6  }
0x4a6: {  	[tilespmem:v48+s1+$0x0] =	vst.idx.msk $0xffff, v5  }
0x4a7: {  	[tilespmem:v1+s1+$0x0] =	vst.idx.msk $0xffff, v4;
	v1 =	vpop (erf)  }
0x4a8: {  	s13 =	simm.s32 $0x94C0;
	[tilespmem:v60+s1+$0x0] =	vst.idx.msk $0xffff, v1  }
0x4a9: {  	v3 =	vld [tilespmem:s13+$0x0]  }
0x4aa: {  	s0 =	simm.s32 $0x6640;
	v1 =	vld [tilespmem:s13+$0xFFFFFFA0]  }
0x4ab: {  	v7 =	vld [tilespmem:s0+$0x0]  }
0x4ac: {  	v8 =	vld [tilespmem:s13+$0xFFFFFFB0]  }
0x4ad: {  	v9 =	vld [tilespmem:s13+$0xFFFFFFC0]  }
0x4ae: {  	v6 =	vld [tilespmem:s13+$0xFFFFFFD0]  }
0x4af: {  	v5 =	vld [tilespmem:s13+$0xFFFFFFE0]  }
0x4b0: {  	v4 =	vld [tilespmem:s13+$0xFFFFFFF0]  }
0x4b1: {  	v10 =	vld [tilespmem:s13+$0xFFFFFF90]  }
0x4b2: {  	v11 =	vld [tilespmem:s0+$0xFFFFFC10]  }
0x4b3: {  	v12 =	vld [tilespmem:s0+$0xFFFFFC20]  }
0x4b4: {  	v13 =	vld [tilespmem:s0+$0xFFFFFC30]  }
0x4b5: {  	v14 =	vld [tilespmem:s0+$0xFFFFFC40]  }
0x4b6: {  	v15 =	vld [tilespmem:s0+$0xFFFFFC50]  }
0x4b7: {  	v16 =	vld [tilespmem:s0+$0xFFFFFC60]  }
0x4b8: {  	v17 =	vld [tilespmem:s0+$0xFFFFFC70]  }
0x4b9: {  	v18 =	vld [tilespmem:s0+$0xFFFFFC80]  }
0x4ba: {  	v19 =	vld [tilespmem:s0+$0xFFFFFC90]  }
0x4bb: {  	v20 =	vld [tilespmem:s0+$0xFFFFFCA0];
	v61 =	vbroadcast v3, $0x3  }
0x4bc: {  	v22 =	vld [tilespmem:s0+$0xFFFFFCB0];
	v21 =	vbroadcast v10, $0x0  }
0x4bd: {  	v23 =	vld [tilespmem:s0+$0xFFFFFCC0];
	v24 =	vbroadcast v10, $0x1;
	v7 =	vmul.f32 v7, v61  }
0x4be: {  	v25 =	vld [tilespmem:s0+$0xFFFFFCD0];
	v11 =	vmul.f32 v21, v11  }
0x4bf: {  	v37 =	vld [tilespmem:s0+$0xFFFFFD90];
	v33 =	vbroadcast v10, $0x2;
	v13 =	vmul.f32 v13, v24;
	[tilespmem:s0+$0x0] =	vst v7  }
0x4c0: {  	v39 =	vld [tilespmem:s0+$0xFFFFFDB0];
	v14 =	vmul.f32 v14, v24;
	[tilespmem:s0+$0xFFFFFC10] =	vst v11  }
0x4c1: {  	v43 =	vld [tilespmem:s0+$0xFFFFFE70];
	v10 =	vbroadcast v10, $0x3;
	v15 =	vmul.f32 v15, v33;
	[tilespmem:s0+$0xFFFFFC30] =	vst v13  }
0x4c2: {  	v62 =	vld [tilespmem:s0+$0xFFFFFF80];
	v34 =	vbroadcast v1, $0x0;
	v16 =	vmul.f32 v16, v33;
	[tilespmem:s0+$0xFFFFFC40] =	vst v14  }
0x4c3: {  	v17 =	vmul.f32 v17, v10;
	v7 =	vmul.f32 v12, v21;
	v12 =	vld [tilespmem:s0+$0xFFFFFCE0];
	[tilespmem:s0+$0xFFFFFC50] =	vst v15  }
0x4c4: {  	v10 =	vmul.f32 v18, v10;
	v11 =	vld [tilespmem:s0+$0xFFFFFCF0];
	[tilespmem:s0+$0xFFFFFC60] =	vst v16  }
0x4c5: {  	v35 =	vbroadcast v1, $0x2;
	v19 =	vmul.f32 v34, v19;
	v13 =	vld [tilespmem:s0+$0xFFFFFD10];
	[tilespmem:s0+$0xFFFFFC70] =	vst v17  }
0x4c6: {  	v20 =	vmul.f32 v20, v34;
	v14 =	vld [tilespmem:s0+$0xFFFFFD20];
	[tilespmem:s0+$0xFFFFFC80] =	vst v10  }
0x4c7: {  	v18 =	vbroadcast v1, $0x1;
	v36 =	vmul.f32 v25, v35;
	v15 =	vld [tilespmem:s0+$0xFFFFFD30];
	[tilespmem:s0+$0xFFFFFC90] =	vst v19  }
0x4c8: {  	v16 =	vld [tilespmem:s0+$0xFFFFFD40];
	[tilespmem:s0+$0xFFFFFCA0] =	vst v20  }
0x4c9: {  	v10 =	vld [tilespmem:s0+$0xFFFFFD60];
	v22 =	vmul.f32 v22, v18;
	[tilespmem:s0+$0xFFFFFCD0] =	vst v36  }
0x4ca: {  	v1 =	vbroadcast v1, $0x3;
	v18 =	vmul.f32 v23, v18;
	[tilespmem:s0+$0xFFFFFC20] =	vst v7;
	v7 =	vld [tilespmem:s0+$0xFFFFFD00]  }
0x4cb: {  	v38 =	vbroadcast v8, $0x0;
	v17 =	vld [tilespmem:s0+$0xFFFFFD50];
	[tilespmem:s0+$0xFFFFFCB0] =	vst v22;
	v12 =	vmul.f32 v12, v35  }
0x4cc: {  	v40 =	vbroadcast v8, $0x2;
	v19 =	vld [tilespmem:s0+$0xFFFFFD70];
	[tilespmem:s0+$0xFFFFFCC0] =	vst v18;
	v11 =	vmul.f32 v11, v1  }
0x4cd: {  	v20 =	vld [tilespmem:s0+$0xFFFFFD80];
	v13 =	vmul.f32 v38, v13;
	[tilespmem:s0+$0xFFFFFCE0] =	vst v12  }
0x4ce: {  	v18 =	vld [tilespmem:s0+$0xFFFFFDA0];
	v14 =	vmul.f32 v14, v38;
	v10 =	vmul.f32 v10, v40;
	[tilespmem:s0+$0xFFFFFCF0] =	vst v11  }
0x4cf: {  	v1 =	vmul.f32 v7, v1;
	v7 =	vld [tilespmem:s0+$0xFFFFFDC0];
	v12 =	vbroadcast v8, $0x1;
	[tilespmem:s0+$0xFFFFFD10] =	vst v13  }
0x4d0: {  	v11 =	vld [tilespmem:s0+$0xFFFFFDD0];
	[tilespmem:s0+$0xFFFFFD20] =	vst v14  }
0x4d1: {  	v13 =	vld [tilespmem:s0+$0xFFFFFDF0];
	[tilespmem:s0+$0xFFFFFD60] =	vst v10;
	v15 =	vmul.f32 v15, v12  }
0x4d2: {  	v14 =	vld [tilespmem:s0+$0xFFFFFE00];
	v8 =	vbroadcast v8, $0x3;
	[tilespmem:s0+$0xFFFFFD00] =	vst v1;
	v12 =	vmul.f32 v16, v12  }
0x4d3: {  	v10 =	vld [tilespmem:s0+$0xFFFFFE40];
	v16 =	vmul.f32 v17, v40;
	[tilespmem:s0+$0xFFFFFD30] =	vst v15  }
0x4d4: {  	v1 =	vld [tilespmem:s0+$0xFFFFFDE0];
	v17 =	vbroadcast v9, $0x0;
	v19 =	vmul.f32 v19, v8;
	[tilespmem:s0+$0xFFFFFD40] =	vst v12  }
0x4d5: {  	v8 =	vmul.f32 v20, v8;
	v20 =	vbroadcast v9, $0x1;
	v15 =	vld [tilespmem:s0+$0xFFFFFE10];
	[tilespmem:s0+$0xFFFFFD50] =	vst v16  }
0x4d6: {  	v12 =	vld [tilespmem:s0+$0xFFFFFE20];
	v41 =	vmul.f32 v17, v37;
	[tilespmem:s0+$0xFFFFFD70] =	vst v19;
	v17 =	vmul.f32 v18, v17  }
0x4d7: {  	v16 =	vld [tilespmem:s0+$0xFFFFFE30];
	[tilespmem:s0+$0xFFFFFD80] =	vst v8;
	v18 =	vbroadcast v9, $0x2;
	v9 =	vbroadcast v9, $0x3  }
0x4d8: {  	v19 =	vld [tilespmem:s0+$0xFFFFFE50];
	v42 =	vmul.f32 v39, v20;
	v7 =	vmul.f32 v7, v20;
	[tilespmem:s0+$0xFFFFFD90] =	vst v41  }
0x4d9: {  	v8 =	vld [tilespmem:s0+$0xFFFFFE60];
	[tilespmem:s0+$0xFFFFFDA0] =	vst v17;
	v11 =	vmul.f32 v11, v18;
	v13 =	vmul.f32 v13, v9  }
0x4da: {  	v20 =	vld [tilespmem:s0+$0xFFFFFE90];
	[tilespmem:s0+$0xFFFFFDB0] =	vst v42;
	v9 =	vmul.f32 v14, v9;
	v14 =	vbroadcast v6, $0x1  }
0x4db: {  	v17 =	vld [tilespmem:s0+$0xFFFFFE80];
	v1 =	vmul.f32 v1, v18;
	v18 =	vbroadcast v6, $0x0;
	[tilespmem:s0+$0xFFFFFDC0] =	vst v7  }
0x4dc: {  	v7 =	vld [tilespmem:s0+$0xFFFFFEA0];
	[tilespmem:s0+$0xFFFFFDD0] =	vst v11  }
0x4dd: {  	v11 =	vld [tilespmem:s0+$0xFFFFFEB0];
	[tilespmem:s0+$0xFFFFFDF0] =	vst v13;
	v10 =	vmul.f32 v10, v14;
	v15 =	vmul.f32 v18, v15  }
0x4de: {  	v13 =	vld [tilespmem:s0+$0xFFFFFED0];
	[tilespmem:s0+$0xFFFFFE00] =	vst v9;
	v12 =	vmul.f32 v12, v18;
	v18 =	vbroadcast v6, $0x2  }
0x4df: {  	v9 =	vld [tilespmem:s0+$0xFFFFFEE0];
	[tilespmem:s0+$0xFFFFFDE0] =	vst v1;
	v16 =	vmul.f32 v16, v14  }
0x4e0: {  	v1 =	vld [tilespmem:s0+$0xFFFFFEC0];
	v6 =	vbroadcast v6, $0x3;
	[tilespmem:s0+$0xFFFFFE40] =	vst v10;
	v14 =	vmul.f32 v19, v18  }
0x4e1: {  	v10 =	vld [tilespmem:s0+$0xFFFFFF20];
	[tilespmem:s0+$0xFFFFFE10] =	vst v15;
	v8 =	vmul.f32 v8, v18;
	v18 =	vbroadcast v5, $0x0  }
0x4e2: {  	v15 =	vld [tilespmem:s0+$0xFFFFFEF0];
	[tilespmem:s0+$0xFFFFFE20] =	vst v12;
	v19 =	vmul.f32 v43, v6;
	v6 =	vmul.f32 v17, v6  }
0x4e3: {  	v12 =	vld [tilespmem:s0+$0xFFFFFF00];
	[tilespmem:s0+$0xFFFFFE30] =	vst v16;
	v17 =	vbroadcast v5, $0x1;
	v20 =	vmul.f32 v18, v20  }
0x4e4: {  	v16 =	vld [tilespmem:s0+$0xFFFFFF10];
	v7 =	vmul.f32 v7, v18;
	v18 =	vbroadcast v5, $0x2;
	[tilespmem:s0+$0xFFFFFE50] =	vst v14  }
0x4e5: {  	v14 =	vld [tilespmem:s0+$0xFFFFFF30];
	v11 =	vmul.f32 v11, v17;
	[tilespmem:s0+$0xFFFFFE60] =	vst v8;
	v5 =	vbroadcast v5, $0x3  }
0x4e6: {  	v8 =	vld [tilespmem:s0+$0xFFFFFF40];
	[tilespmem:s0+$0xFFFFFE70] =	vst v19;
	v1 =	vmul.f32 v1, v17;
	v13 =	vmul.f32 v13, v18  }
0x4e7: {  	[tilespmem:s0+$0xFFFFFE80] =	vst v6;
	v6 =	vld [tilespmem:s0+$0xFFFFFF60];
	v18 =	vmul.f32 v9, v18;
	v9 =	vbroadcast v4, $0x0  }
0x4e8: {  	v17 =	vld [tilespmem:s0+$0xFFFFFF50];
	[tilespmem:s0+$0xFFFFFEA0] =	vst v7;
	v7 =	vbroadcast v4, $0x2;
	v19 =	vmul.f32 v15, v5  }
0x4e9: {  	v63 =	vld [tilespmem:s0+$0xFFFFFF90];
	[tilespmem:s0+$0xFFFFFE90] =	vst v20;
	v44 =	vmul.f32 v12, v5;
	v12 =	vbroadcast v4, $0x1  }
0x4ea: {  	v5 =	vld [tilespmem:s0+$0xFFFFFF70];
	[tilespmem:s0+$0xFFFFFEC0] =	vst v1;
	v4 =	vbroadcast v4, $0x3;
	v20 =	vmul.f32 v9, v16  }
0x4eb: {  	v1 =	vld [tilespmem:s0+$0xFFFFFFA0];
	v9 =	vmul.f32 v10, v9;
	[tilespmem:s0+$0xFFFFFED0] =	vst v13;
	v13 =	vbroadcast v3, $0x0  }
0x4ec: {  	[tilespmem:s0+$0xFFFFFEB0] =	vst v11;
	v15 =	vld [tilespmem:s0+$0xFFFFFFB0];
	v10 =	vmul.f32 v14, v12;
	v8 =	vmul.f32 v8, v12  }
0x4ed: {  	[tilespmem:s0+$0xFFFFFEE0] =	vst v18;
	v16 =	vld [tilespmem:s0+$0xFFFFFFC0];
	v11 =	vmul.f32 v17, v7;
	v7 =	vmul.f32 v6, v7  }
0x4ee: {  	[tilespmem:s0+$0xFFFFFEF0] =	vst v19;
	v6 =	vmul.f32 v62, v4;
	v17 =	vld [tilespmem:s0+$0xFFFFFFD0];
	v14 =	vmul.f32 v13, v63  }
0x4ef: {  	v18 =	vld [tilespmem:s0+$0xFFFFFFE0];
	[tilespmem:s0+$0xFFFFFF00] =	vst v44;
	v12 =	vmul.f32 v5, v4;
	v5 =	vbroadcast v3, $0x1  }
0x4f0: {  	s2 =	simm.s32 $0x6640;
	s3 =	simm.s32 $0x0;
	s6 =	simm.s32 $0x9540;
	[tilespmem:s0+$0xFFFFFF10] =	vst v20;
	v4 =	vbroadcast v3, $0x2;
	v13 =	vmul.f32 v1, v13;
	v3 =	vld [tilespmem:s0+$0xFFFFFFF0]  }
.LBB2_14:
0x4f1: {  	v1 =	vld [tilespmem:s6+$0x0];
	s3 =	sadd.s32 $0x8, s3;
	[tilespmem:s0+$0xFFFFFF20] =	vst v9;
	v9 =	vmul.f32 v15, v5  }
0x4f2: {  	s0 =	sadd.s32 $0x400, s0;
	v15 =	vld [tilespmem:s6+$0xFFFFFFA0];
	p0 =	slt.u32 s3, $0x48;
	[tilespmem:s2+$0xFFFFFF30] =	vst v10;
	v5 =	vmul.f32 v16, v5  }
0x4f3: {  	v10 =	vld [tilespmem:s0+$0x0];
	[tilespmem:s2+$0xFFFFFF40] =	vst v8;
	v8 =	vmul.f32 v17, v4  }
0x4f4: {  	v16 =	vld [tilespmem:s6+$0xFFFFFFB0];
	[tilespmem:s2+$0xFFFFFF50] =	vst v11;
	v4 =	vmul.f32 v18, v4  }
0x4f5: {  	v11 =	vld [tilespmem:s6+$0xFFFFFFC0];
	[tilespmem:s2+$0xFFFFFF60] =	vst v7;
	v7 =	vmul.f32 v3, v61  }
0x4f6: {  	v19 =	vld [tilespmem:s6+$0xFFFFFFD0];
	v3 =	vbroadcast v1, $0x0;
	v61 =	vbroadcast v1, $0x3;
	[tilespmem:s2+$0xFFFFFF70] =	vst v12  }
0x4f7: {  	v20 =	vbroadcast v15, $0x0;
	v21 =	vbroadcast v15, $0x1;
	v22 =	vld [tilespmem:s6+$0xFFFFFFE0];
	[tilespmem:s2+$0xFFFFFF80] =	vst v6  }
0x4f8: {  	v23 =	vbroadcast v15, $0x2;
	v6 =	vld [tilespmem:s6+$0xFFFFFFF0];
	v10 =	vmul.f32 v10, v61;
	[tilespmem:s2+$0xFFFFFF90] =	vst v14  }
0x4f9: {  	v24 =	vbroadcast v15, $0x3;
	v12 =	vld [tilespmem:s6+$0xFFFFFF90];
	v25 =	vbroadcast v16, $0x0;
	[tilespmem:s2+$0xFFFFFFA0] =	vst v13  }
0x4fa: {  	v27 =	vbroadcast v16, $0x1;
	v28 =	vbroadcast v16, $0x2;
	v26 =	vld [tilespmem:s0+$0xFFFFFC10];
	[tilespmem:s0+$0x0] =	vst v10  }
0x4fb: {  	v30 =	vbroadcast v16, $0x3;
	v31 =	vbroadcast v11, $0x0;
	v29 =	vld [tilespmem:s0+$0xFFFFFC20];
	[tilespmem:s2+$0xFFFFFFB0] =	vst v9  }
0x4fc: {  	v63 =	vbroadcast v11, $0x1;
	v18 =	vbroadcast v11, $0x2;
	v32 =	vld [tilespmem:s0+$0xFFFFFC30];
	[tilespmem:s2+$0xFFFFFFC0] =	vst v5  }
0x4fd: {  	v16 =	vbroadcast v11, $0x3;
	v14 =	vbroadcast v19, $0x0;
	v33 =	vld [tilespmem:s0+$0xFFFFFC40];
	[tilespmem:s2+$0xFFFFFFD0] =	vst v8  }
0x4fe: {  	v34 =	vbroadcast v12, $0x0;
	v35 =	vbroadcast v12, $0x1;
	v36 =	vld [tilespmem:s0+$0xFFFFFC50];
	[tilespmem:s2+$0xFFFFFFE0] =	vst v4  }
0x4ff: {  	v37 =	vbroadcast v12, $0x2;
	v39 =	vbroadcast v12, $0x3;
	v38 =	vld [tilespmem:s0+$0xFFFFFC60];
	[tilespmem:s2+$0xFFFFFFF0] =	vst v7;
	s2 =	smov.u32 s0  }
0x500: {  	v17 =	vbroadcast v19, $0x1;
	v15 =	vbroadcast v19, $0x2;
	v40 =	vld [tilespmem:s0+$0xFFFFFC70]  }
0x501: {  	v13 =	vbroadcast v19, $0x3;
	v12 =	vbroadcast v22, $0x0;
	v41 =	vld [tilespmem:s0+$0xFFFFFC80]  }
0x502: {  	v11 =	vbroadcast v22, $0x1;
	v10 =	vbroadcast v22, $0x2;
	v19 =	vld [tilespmem:s0+$0xFFFFFC90]  }
0x503: {  	v9 =	vbroadcast v22, $0x3;
	v62 =	vbroadcast v6, $0x0;
	v42 =	vld [tilespmem:s0+$0xFFFFFCA0]  }
0x504: {  	v8 =	vbroadcast v6, $0x1;
	v7 =	vbroadcast v6, $0x2;
	v22 =	vld [tilespmem:s0+$0xFFFFFCB0]  }
0x505: {  	v5 =	vbroadcast v1, $0x1;
	v6 =	vbroadcast v6, $0x3;
	v43 =	vld [tilespmem:s0+$0xFFFFFCC0]  }
0x506: {  	v4 =	vbroadcast v1, $0x2;
	v26 =	vmul.f32 v34, v26;
	v44 =	vld [tilespmem:s0+$0xFFFFFCD0]  }
0x507: {  	v1 =	vmul.f32 v29, v34;
	v29 =	vmul.f32 v32, v35;
	v32 =	vld [tilespmem:s0+$0xFFFFFCE0]  }
0x508: {  	[tilespmem:s0+$0xFFFFFC10] =	vst v26;
	v26 =	vmul.f32 v33, v35;
	v33 =	vmul.f32 v36, v37;
	v34 =	vld [tilespmem:s0+$0xFFFFFCF0]  }
0x509: {  	v35 =	vmul.f32 v40, v39;
	[tilespmem:s0+$0xFFFFFC20] =	vst v1;
	v1 =	vmul.f32 v38, v37;
	v36 =	vld [tilespmem:s0+$0xFFFFFD00]  }
0x50a: {  	v19 =	vmul.f32 v20, v19;
	[tilespmem:s0+$0xFFFFFC30] =	vst v29;
	v29 =	vmul.f32 v41, v39;
	v37 =	vld [tilespmem:s0+$0xFFFFFD10]  }
0x50b: {  	v20 =	vmul.f32 v42, v20;
	v22 =	vmul.f32 v22, v21;
	[tilespmem:s0+$0xFFFFFC40] =	vst v26;
	v26 =	vld [tilespmem:s0+$0xFFFFFD20]  }
0x50c: {  	v21 =	vmul.f32 v43, v21;
	[tilespmem:s0+$0xFFFFFC50] =	vst v33;
	v33 =	vmul.f32 v44, v23;
	v38 =	vld [tilespmem:s0+$0xFFFFFD30]  }
0x50d: {  	[tilespmem:s0+$0xFFFFFC60] =	vst v1;
	v1 =	vmul.f32 v32, v23;
	v23 =	vmul.f32 v34, v24;
	v32 =	vld [tilespmem:s0+$0xFFFFFD40]  }
0x50e: {  	[tilespmem:s0+$0xFFFFFC70] =	vst v35;
	v24 =	vmul.f32 v36, v24;
	v34 =	vld [tilespmem:s0+$0xFFFFFD50]  }
0x50f: {  	[tilespmem:s0+$0xFFFFFC80] =	vst v29;
	v29 =	vmul.f32 v25, v37;
	v35 =	vld [tilespmem:s0+$0xFFFFFD60]  }
0x510: {  	[tilespmem:s0+$0xFFFFFC90] =	vst v19;
	v19 =	vmul.f32 v26, v25;
	v25 =	vld [tilespmem:s0+$0xFFFFFD70]  }
0x511: {  	[tilespmem:s0+$0xFFFFFCA0] =	vst v20;
	v20 =	vmul.f32 v38, v27;
	v26 =	vld [tilespmem:s0+$0xFFFFFD80]  }
0x512: {  	[tilespmem:s0+$0xFFFFFCB0] =	vst v22;
	v22 =	vmul.f32 v32, v27;
	v27 =	vld [tilespmem:s0+$0xFFFFFD90]  }
0x513: {  	[tilespmem:s0+$0xFFFFFCC0] =	vst v21;
	v21 =	vmul.f32 v34, v28;
	v32 =	vld [tilespmem:s0+$0xFFFFFDA0]  }
0x514: {  	[tilespmem:s0+$0xFFFFFCD0] =	vst v33;
	v28 =	vmul.f32 v35, v28;
	v33 =	vld [tilespmem:s0+$0xFFFFFDB0]  }
0x515: {  	[tilespmem:s0+$0xFFFFFCE0] =	vst v1;
	v1 =	vmul.f32 v25, v30;
	v25 =	vld [tilespmem:s0+$0xFFFFFDC0]  }
0x516: {  	[tilespmem:s0+$0xFFFFFCF0] =	vst v23;
	v23 =	vmul.f32 v26, v30;
	v26 =	vld [tilespmem:s0+$0xFFFFFDD0]  }
0x517: {  	[tilespmem:s0+$0xFFFFFD00] =	vst v24;
	v24 =	vmul.f32 v31, v27;
	v27 =	vld [tilespmem:s0+$0xFFFFFDE0]  }
0x518: {  	[tilespmem:s0+$0xFFFFFD10] =	vst v29;
	v29 =	vmul.f32 v32, v31;
	v30 =	vld [tilespmem:s0+$0xFFFFFDF0]  }
0x519: {  	[tilespmem:s0+$0xFFFFFD20] =	vst v19;
	v19 =	vmul.f32 v33, v63;
	v31 =	vld [tilespmem:s0+$0xFFFFFE00]  }
0x51a: {  	[tilespmem:s0+$0xFFFFFD30] =	vst v20;
	v20 =	vmul.f32 v25, v63;
	v25 =	vld [tilespmem:s0+$0xFFFFFE10]  }
0x51b: {  	[tilespmem:s0+$0xFFFFFD40] =	vst v22;
	v22 =	vmul.f32 v26, v18;
	v26 =	vld [tilespmem:s0+$0xFFFFFE20]  }
0x51c: {  	[tilespmem:s0+$0xFFFFFD50] =	vst v21;
	v18 =	vmul.f32 v27, v18;
	v21 =	vld [tilespmem:s0+$0xFFFFFE30]  }
0x51d: {  	[tilespmem:s0+$0xFFFFFD60] =	vst v28;
	v27 =	vmul.f32 v30, v16;
	v28 =	vld [tilespmem:s0+$0xFFFFFE40]  }
0x51e: {  	[tilespmem:s0+$0xFFFFFD70] =	vst v1;
	v1 =	vmul.f32 v31, v16;
	v16 =	vld [tilespmem:s0+$0xFFFFFE50]  }
0x51f: {  	[tilespmem:s0+$0xFFFFFD80] =	vst v23;
	v23 =	vmul.f32 v14, v25;
	v25 =	vld [tilespmem:s0+$0xFFFFFE60]  }
0x520: {  	[tilespmem:s0+$0xFFFFFD90] =	vst v24;
	v14 =	vmul.f32 v26, v14;
	v24 =	vld [tilespmem:s0+$0xFFFFFE70]  }
0x521: {  	[tilespmem:s0+$0xFFFFFDA0] =	vst v29;
	v21 =	vmul.f32 v21, v17;
	v26 =	vld [tilespmem:s0+$0xFFFFFE80]  }
0x522: {  	[tilespmem:s0+$0xFFFFFDB0] =	vst v19;
	v17 =	vmul.f32 v28, v17;
	v19 =	vld [tilespmem:s0+$0xFFFFFE90]  }
0x523: {  	[tilespmem:s0+$0xFFFFFDC0] =	vst v20;
	v16 =	vmul.f32 v16, v15;
	v20 =	vld [tilespmem:s0+$0xFFFFFEA0]  }
0x524: {  	[tilespmem:s0+$0xFFFFFDD0] =	vst v22;
	v15 =	vmul.f32 v25, v15;
	v22 =	vld [tilespmem:s0+$0xFFFFFEB0]  }
0x525: {  	[tilespmem:s0+$0xFFFFFDE0] =	vst v18;
	v18 =	vmul.f32 v24, v13;
	v24 =	vld [tilespmem:s0+$0xFFFFFEC0]  }
0x526: {  	[tilespmem:s0+$0xFFFFFDF0] =	vst v27;
	v13 =	vmul.f32 v26, v13;
	v25 =	vld [tilespmem:s0+$0xFFFFFED0]  }
0x527: {  	[tilespmem:s0+$0xFFFFFE00] =	vst v1;
	v1 =	vmul.f32 v12, v19;
	v19 =	vld [tilespmem:s0+$0xFFFFFEE0]  }
0x528: {  	[tilespmem:s0+$0xFFFFFE10] =	vst v23;
	v12 =	vmul.f32 v20, v12;
	v20 =	vld [tilespmem:s0+$0xFFFFFEF0]  }
0x529: {  	[tilespmem:s0+$0xFFFFFE20] =	vst v14;
	v14 =	vmul.f32 v22, v11;
	v22 =	vld [tilespmem:s0+$0xFFFFFF00]  }
0x52a: {  	[tilespmem:s0+$0xFFFFFE30] =	vst v21;
	v11 =	vmul.f32 v24, v11;
	v21 =	vld [tilespmem:s0+$0xFFFFFF10]  }
0x52b: {  	[tilespmem:s0+$0xFFFFFE40] =	vst v17;
	v17 =	vmul.f32 v25, v10;
	v23 =	vld [tilespmem:s0+$0xFFFFFF20]  }
0x52c: {  	[tilespmem:s0+$0xFFFFFE50] =	vst v16;
	v16 =	vmul.f32 v19, v10;
	v10 =	vld [tilespmem:s0+$0xFFFFFF30]  }
0x52d: {  	[tilespmem:s0+$0xFFFFFE60] =	vst v15;
	v19 =	vmul.f32 v20, v9;
	v15 =	vld [tilespmem:s0+$0xFFFFFF40]  }
0x52e: {  	[tilespmem:s0+$0xFFFFFE70] =	vst v18;
	v18 =	vmul.f32 v22, v9;
	v20 =	vld [tilespmem:s0+$0xFFFFFF50]  }
0x52f: {  	[tilespmem:s0+$0xFFFFFE80] =	vst v13;
	v13 =	vmul.f32 v62, v21;
	v21 =	vld [tilespmem:s0+$0xFFFFFF60]  }
0x530: {  	[tilespmem:s0+$0xFFFFFE90] =	vst v1;
	v9 =	vmul.f32 v23, v62;
	v1 =	vld [tilespmem:s0+$0xFFFFFF70]  }
0x531: {  	[tilespmem:s0+$0xFFFFFEA0] =	vst v12;
	v10 =	vmul.f32 v10, v8;
	v22 =	vld [tilespmem:s0+$0xFFFFFF80]  }
0x532: {  	[tilespmem:s0+$0xFFFFFEB0] =	vst v14;
	v8 =	vmul.f32 v15, v8;
	v14 =	vld [tilespmem:s0+$0xFFFFFF90]  }
0x533: {  	[tilespmem:s0+$0xFFFFFEC0] =	vst v11;
	v11 =	vmul.f32 v20, v7;
	v20 =	vld [tilespmem:s0+$0xFFFFFFA0]  }
.Ltmp8:
0x534: {  	[tilespmem:s0+$0xFFFFFED0] =	vst v17;
	v7 =	vmul.f32 v21, v7;
	v15 =	vld [tilespmem:s0+$0xFFFFFFB0];
	(pc) =	sbr.rel @p0 .LBB2_14-.Ltmp8, $4  }
0x535: {  	[tilespmem:s0+$0xFFFFFEE0] =	vst v16;
	v12 =	vmul.f32 v1, v6;
	v16 =	vld [tilespmem:s0+$0xFFFFFFC0]  }
0x536: {  	[tilespmem:s0+$0xFFFFFEF0] =	vst v19;
	v6 =	vmul.f32 v22, v6;
	v17 =	vld [tilespmem:s0+$0xFFFFFFD0]  }
0x537: {  	[tilespmem:s0+$0xFFFFFF00] =	vst v18;
	v14 =	vmul.f32 v3, v14;
	v18 =	vld [tilespmem:s0+$0xFFFFFFE0]  }
0x538: {  	s6 =	sadd.s32 $0x80, s6;
	[tilespmem:s0+$0xFFFFFF10] =	vst v13;
	v13 =	vmul.f32 v20, v3;
	v3 =	vld [tilespmem:s0+$0xFFFFFFF0]  }
0x539: {  	[tilespmem:s0+$0xFFFFFF20] =	vst v9  }
0x53a: {  	[tilespmem:s2+$0xFFFFFF90] =	vst v14  }
0x53b: {  	[tilespmem:s2+$0xFFFFFF30] =	vst v10  }
0x53c: {  	[tilespmem:s2+$0xFFFFFF40] =	vst v8  }
0x53d: {  	[tilespmem:s2+$0xFFFFFF50] =	vst v11  }
0x53e: {  	[tilespmem:s2+$0xFFFFFF60] =	vst v7  }
0x53f: {  	[tilespmem:s2+$0xFFFFFF70] =	vst v12  }
0x540: {  	v1 =	vmul.f32 v15, v5;
	[tilespmem:s2+$0xFFFFFF80] =	vst v6  }
0x541: {  	v62 =	vmul.f32 v16, v5;
	[tilespmem:s2+$0xFFFFFFA0] =	vst v13  }
0x542: {  	v63 =	vmul.f32 v17, v4;
	[tilespmem:s2+$0xFFFFFFB0] =	vst v1  }
0x543: {  	s15 =	sadd.s32 $0x1, s15;
	v1 =	vmul.f32 v18, v4;
	[tilespmem:s2+$0xFFFFFFC0] =	vst v62  }
0x544: {  	p0 =	sne.s32 s15, $0x54;
	v3 =	vmul.f32 v3, v61;
	[tilespmem:s2+$0xFFFFFFD0] =	vst v63  }
.Ltmp9:
0x545: {  	[tilespmem:s2+$0xFFFFFFE0] =	vst v1;
	(pc) =	sbr.rel @p0 .LBB2_8-.Ltmp9, $4  }
0x546: {  	s7 =	simm.s32 $0x300;
	s8 =	simm.s32 $0x6250;
	[tilespmem:s2+$0xFFFFFFF0] =	vst v3  }
0x547: {  	[spmem:s11] =	stream.indirect.scatter.add.f32 [tilespmem:s8], [sflag:$0x9], $0x80, s7, s16, $0xb8;
	[tilespmem:$0x1F8E0] =	vst v63  }
0x548: {  	s13 =	rddreg [dreg:$0x3];
	s8 =	simm.s32 $0x300  }
0x549: {  	[spmem:s13] =	stream.indirect.scatter.add.f32 [tilespmem:s1], [sflag:$0x9], $0x10, s7, s16, $0xb8;
	[tilespmem:$0x1F8E0] =	vst v63  }
.LBB2_16:
0x54a: {  	s0 =	simm.s32 $0x9  }
0x54b: {  	_ =	swait.ge [sflag:s0], $0x2800  }
0x54c: {  	[sflag:s0] =	ssyncset.done $0x0  }
0x54d: {  	[sflag:s0] =	ssyncadd.s32 $0xFFFFD800  }
0x54e: {  	_ =	swait.ge [sflag:s0], $0x500  }
0x54f: {  	[sflag:s0] =	ssyncset.done $0x0  }
0x550: {  	[sflag:s0] =	ssyncadd.s32 $0xFFFFFB00  }
0x551: {  	_ =	swait.ge [sflag:s26], $0x2800  }
0x552: {  	[sflag:s26] =	ssyncset.done $0x0  }
0x553: {  	[sflag:s26] =	ssyncadd.s32 $0xFFFFD800  }
0x554: {  	_ =	swait.ge [sflag:s26], $0x500  }
0x555: {  	[sflag:s26] =	ssyncset.done $0x0  }
0x556: {  	[sflag:s26] =	ssyncadd.s32 $0xFFFFFB00  }
.Ltmp10:
0x557: {  	[bflag:$0x0] =	sbarrier.arrive $0xFFFF;
	(pc) =	sbr.rel .LBB2_17-.Ltmp10, $4  }
0x558: {  	s2 =	simm.s32 $0x1250;
	s15 =	rddreg [dreg:$0x15]  }
0x559: {  	[tilespmem:s2], [sflag:$0x1] =	stream.linear.gather [spmem:s15], $0x1400, $0x38;
	[tilespmem:$0x1F8E0] =	vst v63  }
0x55a: {  	s20 =	rddreg [dreg:$0x16];
	s15 =	simm.s32 $0x0  }
0x55b: {  	[tilespmem:s24], [sflag:$0x1] =	stream.linear.gather [spmem:s20], $0x280, $0x38;
	[tilespmem:$0x1F8E0] =	vst v63  }
.LBB2_23:
0x55c: {  	s15 =	sadd.s32 $0x1, s15  }
0x55d: {  	p0 =	sne.s32 s15, $0x8  }
.Ltmp11:
0x55e: {  	_ = 	snop;
	(pc) =	sbr.rel @!p0 .LBB2_24-.Ltmp11, $1  }
0x55f: {  	_ =	sdelay $0x3  }
.LBB2_17:
0x560: {  	s13 =	sshll.u32 s15, $0x5  }
0x561: {  	s2 =	sor.u32 s4, s13  }
0x562: {  	p1 =	seq.s32 s15, $0x0;
	s0 =	sor.u32 $0x10, s2  }
0x563: {  	s3 =	simm.s32 @!p1 $0x5;
	p0 =	sgt.u32 s0, $0xF9  }
0x564: {  	_ =	swait.ge @!p1 [sflag:s3], $0x1400;
	s6 =	smul.u32 @!p0 $0x5000, s0  }
0x565: {  	[sflag:s3] =	ssyncset.done @!p1 $0x0  }
0x566: {  	[sflag:s3] =	ssyncadd.s32 @!p1 $0xFFFFEC00;
	s3 =	sshra.s32 @!p0 s6, $0x2  }
0x567: {  	s7 =	smul.u32 @!p0 $0xA00, s0;
	s6 =	simm.s32 @!p0 $0x3A50;
	s3 =	sadd.s32 @!p0 s3, s11  }
0x568: {  	[tilespmem:s6], [sflag:$0x2] =	stream.linear.gather @!p0 [spmem:s3], $0x1400, $0x38;
	[tilespmem:$0x1F8E0] =	vst v63  }
0x569: {  	s3 =	sshra.s32 @!p0 s7, $0x2;
	s6 =	rddreg [dreg:$0x3]  }
0x56a: {  	s3 =	sadd.s32 @!p0 s3, s6;
	s6 =	simm.s32 @!p0 $0x8F50  }
0x56b: {  	[tilespmem:s6], [sflag:$0x2] =	stream.linear.gather @!p0 [spmem:s3], $0x280, $0x38;
	[tilespmem:$0x1F8E0] =	vst v63  }
0x56c: {  	_ =	swait.ge [sflag:s14], $0x1400  }
0x56d: {  	[sflag:s14] =	ssyncset.done $0x0  }
0x56e: {  	[sflag:s14] =	ssyncadd.s32 $0xFFFFEC00  }
0x56f: {  	_ =	swait.ge [sflag:s14], $0x280  }
0x570: {  	[sflag:s14] =	ssyncset.done $0x0  }
0x571: {  	s9 =	simm.s32 $0x8A70;
	[sflag:s14] =	ssyncadd.s32 $0xFFFFFD80  }
0x572: {  	v1 =	vld [tilespmem:s9+$0x10];
	_ =	sdelay $0x1  }
0x573: {  	v4 =	vld [tilespmem:s9+$0xFFFFFFF0]  }
0x574: {  	v5 =	vld [tilespmem:s9+$0xFFFFFFE0];
	_ =	sdelay $0x1  }
0x575: {  	v6 =	vld [tilespmem:s9+$0x0];
	v3 =	vmax.f32 v1, $1.000000000e-30  }
0x576: {  	v1 =	vbroadcast v3, $0x0  }
0x577: {  	v4 =	vmax.f32 v4, $1.000000000e-30  }
0x578: {  	v5 =	vmax.f32 v5, $1.000000000e-30;
	v7 =	vbroadcast v4, $0x0;
	(erf) = vrcp.f32 v1  }
0x579: {  	v1 =	vbroadcast v5, $0x0  }
0x57a: {  	v6 =	vmax.f32 v6, $1.000000000e-30;
	(erf) = vrcp.f32 v7  }
0x57b: {  	v7 =	vbroadcast v6, $0x0;
	(erf) = vrcp.f32 v1  }
0x57c: {  	s3 =	simm.s32 $0x1350  }
0x57d: {  	v1 =	vbroadcast v5, $0x1;
	(erf) = vrcp.f32 v7;
	v7 =	vld [tilespmem:s3+$0x80]  }
0x57e: {  	v8 =	vbroadcast v4, $0x1;
	v9 =	vbroadcast v6, $0x1  }
0x57f: {  	v11 =	vbroadcast v5, $0x2;
	(erf) = vrcp.f32 v1;
	v1 =	vld [tilespmem:$0x0]  }
0x580: {  	v10 =	vld [tilespmem:s3+$0xFFFFFF00];
	v12 =	vbroadcast v4, $0x2;
	(erf) = vrcp.f32 v8  }
0x581: {  	v13 =	vbroadcast v6, $0x2;
	v8 =	vld [tilespmem:s3+$0xFFFFFF80];
	(erf) = vrcp.f32 v9;
	v14 =	vpop (erf)  }
0x582: {  	v9 =	vld [tilespmem:s3+$0x0];
	(erf) = vrcp.f32 v11;
	v7 =	vmul.f32 v14, v7  }
0x583: {  	v5 =	vbroadcast v5, $0x3;
	(erf) = vrcp.f32 v12;
	v15 =	vpop (erf)  }
0x584: {  	v18 =	vld [tilespmem:s3+$0xFFFFFF20];
	v4 =	vbroadcast v4, $0x3;
	(erf) = vrcp.f32 v13;
	v16 =	vpop (erf);
	v7 =	vadd.f32 v7, v1  }
0x585: {  	v19 =	vld [tilespmem:s3+$0xFFFFFFA0];
	(erf) = vrcp.f32 v5;
	v5 =	vmul.f32 v16, v10  }
0x586: {  	v8 =	vmul.f32 v15, v8;
	v10 =	vld [tilespmem:s3+$0x90];
	v17 =	vpop (erf);
	[tilespmem:s3+$0x80] =	vst v7;
	v7 =	vbroadcast v3, $0x1  }
0x587: {  	v11 =	vld [tilespmem:s3+$0xFFFFFF10];
	(erf) = vrcp.f32 v4;
	v4 =	vmul.f32 v17, v9;
	v5 =	vadd.f32 v5, v1  }
0x588: {  	v9 =	vld [tilespmem:$0x10]  }
0x589: {  	v12 =	vld [tilespmem:s3+$0xFFFFFF90];
	v8 =	vadd.f32 v8, v1;
	v1 =	vadd.f32 v4, v1;
	(erf) = vrcp.f32 v7  }
0x58a: {  	v13 =	vld [tilespmem:s3+$0x10];
	[tilespmem:s3+$0xFFFFFF00] =	vst v5;
	v7 =	vpop (erf)  }
0x58b: {  	[tilespmem:s3+$0xFFFFFF80] =	vst v8;
	v20 =	vld [tilespmem:$0x10];
	v8 =	vmul.f32 v14, v10;
	v5 =	vpop (erf)  }
0x58c: {  	v14 =	vld [tilespmem:$0x10];
	[tilespmem:s3+$0x0] =	vst v1;
	v10 =	vpop (erf)  }
0x58d: {  	v21 =	vld [tilespmem:$0x10];
	v8 =	vadd.f32 v9, v8;
	v1 =	vpop (erf)  }
0x58e: {  	v9 =	vmul.f32 v11, v16;
	v11 =	vld [tilespmem:s3+$0xA0];
	v16 =	vpop (erf)  }
0x58f: {  	v22 =	vld [tilespmem:s3+$0xFFFFFF30];
	v12 =	vmul.f32 v15, v12;
	[tilespmem:s3+$0x90] =	vst v8;
	v15 =	vpop (erf)  }
0x590: {  	v8 =	vmul.f32 v17, v13;
	v9 =	vadd.f32 v20, v9;
	v13 =	vld [tilespmem:$0x20];
	v61 =	vpop (erf)  }
0x591: {  	v35 =	vld [tilespmem:s3+$0xFFFFFF40];
	v12 =	vadd.f32 v14, v12;
	v62 =	vpop (erf)  }
0x592: {  	v4 =	vld [tilespmem:s3+$0x20];
	[tilespmem:s3+$0xFFFFFF10] =	vst v9;
	v8 =	vadd.f32 v21, v8;
	v17 =	vpop (erf)  }
0x593: {  	[tilespmem:s3+$0xFFFFFF90] =	vst v12;
	v34 =	vld [tilespmem:$0x20];
	v11 =	vmul.f32 v11, v17  }
0x594: {  	v12 =	vld [tilespmem:$0x20];
	[tilespmem:s3+$0x10] =	vst v8  }
0x595: {  	v8 =	vld [tilespmem:$0x20];
	v11 =	vadd.f32 v13, v11  }
0x596: {  	s6 =	simm.s32 $0x1550;
	v6 =	vbroadcast v6, $0x3;
	v13 =	vmul.f32 v18, v7;
	v18 =	vld [tilespmem:s3+$0xB0]  }
0x597: {  	v38 =	vld [tilespmem:s6+$0xFFFFFF00];
	v19 =	vmul.f32 v19, v5;
	[tilespmem:s3+$0xA0] =	vst v11;
	v11 =	vbroadcast v3, $0x2  }
0x598: {  	(erf) = vrcp.f32 v6;
	v4 =	vmul.f32 v4, v10;
	v6 =	vadd.f32 v34, v13;
	v13 =	vld [tilespmem:$0x30]  }
0x599: {  	v14 =	vld [tilespmem:s3+$0xFFFFFFB0];
	v12 =	vadd.f32 v12, v19;
	(erf) = vrcp.f32 v11  }
0x59a: {  	v9 =	vld [tilespmem:s3+$0x30];
	v4 =	vadd.f32 v8, v4;
	[tilespmem:s3+$0xFFFFFF20] =	vst v6  }
0x59b: {  	[tilespmem:s3+$0xFFFFFFA0] =	vst v12;
	v8 =	vld [tilespmem:$0x30];
	v11 =	vmul.f32 v18, v17  }
0x59c: {  	v12 =	vld [tilespmem:$0x30];
	[tilespmem:s3+$0x20] =	vst v4  }
0x59d: {  	v4 =	vld [tilespmem:$0x30];
	v11 =	vadd.f32 v13, v11  }
0x59e: {  	v7 =	vmul.f32 v22, v7;
	v13 =	vld [tilespmem:s3+$0xC0]  }
0x59f: {  	v39 =	vld [tilespmem:s6+$0xFFFFFF80];
	v5 =	vmul.f32 v14, v5;
	[tilespmem:s3+$0xB0] =	vst v11  }
0x5a0: {  	v7 =	vadd.f32 v8, v7;
	v8 =	vld [tilespmem:$0x40]  }
0x5a1: {  	v40 =	vld [tilespmem:s6+$0x0];
	v9 =	vmul.f32 v9, v10;
	v63 =	vpop (erf);
	v5 =	vadd.f32 v12, v5  }
0x5a2: {  	v6 =	vld [tilespmem:s3+$0x40];
	[tilespmem:s3+$0xFFFFFF30] =	vst v7;
	v11 =	vpop (erf)  }
0x5a3: {  	v4 =	vadd.f32 v4, v9;
	[tilespmem:s3+$0xFFFFFFB0] =	vst v5;
	v7 =	vld [tilespmem:$0x40];
	v5 =	vmul.f32 v13, v11  }
0x5a4: {  	v41 =	vld [tilespmem:s6+$0xFFFFFF10]  }
0x5a5: {  	v17 =	vld [tilespmem:s3+$0xD0];
	[tilespmem:s3+$0x30] =	vst v4;
	v5 =	vadd.f32 v8, v5  }
0x5a6: {  	v4 =	vld [tilespmem:$0x40];
	v13 =	vmul.f32 v35, v1  }
0x5a7: {  	v42 =	vld [tilespmem:s6+$0xFFFFFF90];
	v3 =	vbroadcast v3, $0x3;
	[tilespmem:s3+$0xC0] =	vst v5  }
0x5a8: {  	v5 =	vmul.f32 v6, v15;
	v6 =	vadd.f32 v7, v13;
	v13 =	vld [tilespmem:$0x50]  }
0x5a9: {  	v19 =	vld [tilespmem:s3+$0xFFFFFFC0];
	(erf) = vrcp.f32 v3  }
0x5aa: {  	v14 =	vld [tilespmem:s3+$0xFFFFFF50]  }
0x5ab: {  	v12 =	vld [tilespmem:$0x40];
	v3 =	vadd.f32 v4, v5;
	v5 =	vmul.f32 v17, v11  }
0x5ac: {  	v9 =	vld [tilespmem:s3+$0x50];
	[tilespmem:s3+$0xFFFFFF40] =	vst v6  }
0x5ad: {  	v4 =	vld [tilespmem:$0x50];
	v5 =	vadd.f32 v13, v5  }
0x5ae: {  	s20 =	smov.u32 s11;
	s11 =	simm.s32 $0x8AB0;
	v18 =	vmul.f32 v19, v16;
	v13 =	vld [tilespmem:s3+$0xE0]  }
0x5af: {  	[tilespmem:s3+$0xD0] =	vst v5;
	v5 =	vld [tilespmem:s11+$0x10]  }
0x5b0: {  	v12 =	vadd.f32 v12, v18;
	v18 =	vld [tilespmem:$0x60]  }
0x5b1: {  	v19 =	vld [tilespmem:s11+$0xFFFFFFF0];
	[tilespmem:s3+$0x40] =	vst v3  }
0x5b2: {  	v1 =	vmul.f32 v14, v1;
	v11 =	vpop (erf);
	v3 =	vld [tilespmem:$0x50]  }
0x5b3: {  	v14 =	vld [tilespmem:s11+$0xFFFFFFE0];
	v13 =	vmul.f32 v13, v11  }
0x5b4: {  	v15 =	vmul.f32 v9, v15;
	v1 =	vadd.f32 v4, v1;
	v4 =	vld [tilespmem:s11+$0x0];
	v9 =	vmax.f32 v5, $1.000000000e-30  }
0x5b5: {  	v43 =	vld [tilespmem:s6+$0x10];
	v5 =	vadd.f32 v18, v13;
	v13 =	vbroadcast v9, $0x0  }
0x5b6: {  	v10 =	vld [tilespmem:s3+$0xFFFFFFD0];
	[tilespmem:s3+$0xFFFFFFC0] =	vst v12  }
0x5b7: {  	v44 =	vld [tilespmem:s6+$0x90];
	[tilespmem:s3+$0xFFFFFF50] =	vst v1;
	v1 =	vadd.f32 v3, v15;
	v3 =	vmax.f32 v19, $1.000000000e-30;
	(erf) = vrcp.f32 v13  }
0x5b8: {  	v17 =	vld [tilespmem:$0x50];
	v19 =	vmax.f32 v14, $1.000000000e-30;
	[tilespmem:s3+$0xE0] =	vst v5;
	v5 =	vbroadcast v3, $0x0  }
0x5b9: {  	v30 =	vld [tilespmem:s6+$0xFFFFFF20];
	[tilespmem:s3+$0x50] =	vst v1;
	v1 =	vmax.f32 v4, $1.000000000e-30;
	v18 =	vbroadcast v19, $0x0  }
0x5ba: {  	v31 =	vld [tilespmem:s6+$0xFFFFFFA0];
	v4 =	vbroadcast v1, $0x0;
	(erf) = vrcp.f32 v5  }
0x5bb: {  	v34 =	vld [tilespmem:s6+$0xFFFFFF30];
	v16 =	vmul.f32 v10, v16;
	(erf) = vrcp.f32 v18  }
0x5bc: {  	v5 =	vbroadcast v19, $0x1;
	(erf) = vrcp.f32 v4;
	v4 =	vld [tilespmem:s6+$0x80]  }
0x5bd: {  	v16 =	vadd.f32 v17, v16;
	v17 =	vld [tilespmem:s3+$0xF0];
	v36 =	vbroadcast v3, $0x1;
	v23 =	vbroadcast v19, $0x2  }
0x5be: {  	v37 =	vbroadcast v1, $0x1;
	(erf) = vrcp.f32 v5;
	v5 =	vld [tilespmem:$0x0]  }
0x5bf: {  	v10 =	vld [tilespmem:s3+$0xFFFFFFF0];
	v24 =	vbroadcast v3, $0x2;
	(erf) = vrcp.f32 v36  }
0x5c0: {  	v8 =	vld [tilespmem:s3+$0xFFFFFF60];
	v25 =	vbroadcast v1, $0x2;
	(erf) = vrcp.f32 v37;
	v26 =	vpop (erf)  }
0x5c1: {  	v7 =	vld [tilespmem:s3+$0xFFFFFFE0];
	(erf) = vrcp.f32 v23;
	v4 =	vmul.f32 v26, v4  }
0x5c2: {  	v12 =	vld [tilespmem:s3+$0xFFFFFF70];
	v19 =	vbroadcast v19, $0x3;
	(erf) = vrcp.f32 v24  }
0x5c3: {  	v6 =	vld [tilespmem:s3+$0x60];
	[tilespmem:s3+$0xFFFFFFD0] =	vst v16;
	v11 =	vmul.f32 v17, v11;
	(erf) = vrcp.f32 v25;
	v27 =	vpop (erf);
	v4 =	vadd.f32 v4, v5  }
0x5c4: {  	v14 =	vld [tilespmem:$0x60];
	v3 =	vbroadcast v3, $0x3;
	(erf) = vrcp.f32 v19;
	v28 =	vpop (erf)  }
0x5c5: {  	v15 =	vld [tilespmem:$0x60];
	v20 =	vmul.f32 v27, v39;
	v19 =	vmul.f32 v28, v38;
	[tilespmem:s6+$0x80] =	vst v4  }
0x5c6: {  	(erf) = vrcp.f32 v3;
	v29 =	vpop (erf);
	v4 =	vbroadcast v9, $0x1;
	v36 =	vld [tilespmem:$0x10]  }
0x5c7: {  	v17 =	vld [tilespmem:s6+$0x60];
	v3 =	vmul.f32 v29, v40;
	v20 =	vadd.f32 v20, v5;
	v19 =	vadd.f32 v19, v5  }
0x5c8: {  	v13 =	vld [tilespmem:$0x60];
	(erf) = vrcp.f32 v4  }
0x5c9: {  	v16 =	vld [tilespmem:$0x70];
	v32 =	vpop (erf);
	v3 =	vadd.f32 v3, v5;
	v5 =	vmul.f32 v26, v44;
	[tilespmem:s6+$0xFFFFFF00] =	vst v19  }
0x5ca: {  	v33 =	vpop (erf);
	[tilespmem:s6+$0xFFFFFF80] =	vst v20;
	v4 =	vld [tilespmem:$0x10]  }
0x5cb: {  	v37 =	vld [tilespmem:$0x10];
	v20 =	vpop (erf);
	[tilespmem:s6+$0x0] =	vst v3;
	v5 =	vadd.f32 v36, v5  }
0x5cc: {  	v26 =	vpop (erf);
	v3 =	vld [tilespmem:$0x10]  }
0x5cd: {  	v39 =	vld [tilespmem:s6+$0xA0];
	v38 =	vmul.f32 v41, v28;
	v25 =	vmul.f32 v29, v43;
	v23 =	vpop (erf)  }
0x5ce: {  	v18 =	vld [tilespmem:s3+$0x70];
	v24 =	vmul.f32 v27, v42;
	v27 =	vpop (erf);
	[tilespmem:s6+$0x90] =	vst v5  }
0x5cf: {  	v21 =	vadd.f32 v4, v38;
	v40 =	vld [tilespmem:$0x20];
	v5 =	vpop (erf)  }
0x5d0: {  	v44 =	vld [tilespmem:s6+$0xB0];
	v22 =	vadd.f32 v37, v24;
	v4 =	vpop (erf)  }
0x5d1: {  	v19 =	vld [tilespmem:s6+$0x20];
	v3 =	vadd.f32 v3, v25;
	[tilespmem:s6+$0xFFFFFF10] =	vst v21;
	v25 =	vpop (erf)  }
0x5d2: {  	[tilespmem:s6+$0xFFFFFF90] =	vst v22;
	v35 =	vld [tilespmem:$0x20];
	v41 =	vmul.f32 v39, v25  }
0x5d3: {  	v42 =	vld [tilespmem:$0x20];
	[tilespmem:s6+$0x10] =	vst v3  }
0x5d4: {  	v3 =	vld [tilespmem:$0x20];
	v22 =	vadd.f32 v40, v41  }
0x5d5: {  	v1 =	vbroadcast v1, $0x3;
	v43 =	vmul.f32 v30, v32;
	v36 =	vld [tilespmem:s6+$0xFFFFFF40]  }
0x5d6: {  	v31 =	vmul.f32 v31, v33;
	v24 =	vld [tilespmem:s6+$0xFFFFFFB0];
	v39 =	vbroadcast v9, $0x2;
	[tilespmem:s6+$0xA0] =	vst v22  }
0x5d7: {  	(erf) = vrcp.f32 v1;
	v1 =	vmul.f32 v19, v20;
	v19 =	vadd.f32 v35, v43;
	v40 =	vld [tilespmem:$0x30]  }
0x5d8: {  	v37 =	vld [tilespmem:s6+$0x50];
	(erf) = vrcp.f32 v39;
	v28 =	vadd.f32 v42, v31  }
0x5d9: {  	v21 =	vld [tilespmem:s6+$0x30];
	v1 =	vadd.f32 v3, v1;
	[tilespmem:s6+$0xFFFFFF20] =	vst v19  }
0x5da: {  	[tilespmem:s6+$0xFFFFFFA0] =	vst v28;
	v3 =	vmul.f32 v44, v25;
	v41 =	vld [tilespmem:$0x30]  }
0x5db: {  	[tilespmem:s6+$0x20] =	vst v1;
	v1 =	vld [tilespmem:$0x30]  }
0x5dc: {  	v42 =	vld [tilespmem:$0x30];
	v3 =	vadd.f32 v40, v3  }
0x5dd: {  	v43 =	vmul.f32 v34, v32;
	v44 =	vld [tilespmem:s6+$0xC0]  }
0x5de: {  	v24 =	vmul.f32 v24, v33;
	v31 =	vld [tilespmem:s6+$0xFFFFFF50];
	[tilespmem:s6+$0xB0] =	vst v3  }
0x5df: {  	v20 =	vmul.f32 v21, v20;
	v34 =	vadd.f32 v41, v43;
	v35 =	vld [tilespmem:$0x40]  }
0x5e0: {  	v22 =	vld [tilespmem:s6+$0xFFFFFFC0];
	v1 =	vadd.f32 v1, v24;
	v3 =	vpop (erf)  }
0x5e1: {  	v8 =	vmul.f32 v8, v61;
	v19 =	vld [tilespmem:s6+$0x40];
	v20 =	vadd.f32 v42, v20;
	[tilespmem:s6+$0xFFFFFF30] =	vst v34;
	v38 =	vpop (erf)  }
0x5e2: {  	[tilespmem:s6+$0xFFFFFFB0] =	vst v1;
	v39 =	vld [tilespmem:$0x40];
	v1 =	vmul.f32 v44, v38  }
0x5e3: {  	v8 =	vadd.f32 v15, v8;
	v40 =	vld [tilespmem:$0x40];
	[tilespmem:s6+$0x30] =	vst v20  }
0x5e4: {  	v20 =	vld [tilespmem:$0x40];
	v1 =	vadd.f32 v35, v1  }
0x5e5: {  	[tilespmem:s3+$0xFFFFFF60] =	vst v8;
	v41 =	vmul.f32 v36, v26;
	v42 =	vld [tilespmem:s6+$0xD0]  }
0x5e6: {  	v8 =	vbroadcast v9, $0x3;
	v22 =	vmul.f32 v22, v23;
	v24 =	vld [tilespmem:s6+$0xFFFFFFD0];
	[tilespmem:s6+$0xC0] =	vst v1  }
0x5e7: {  	v19 =	vmul.f32 v19, v27;
	v25 =	vadd.f32 v39, v41;
	v43 =	vld [tilespmem:$0x50]  }
0x5e8: {  	v7 =	vmul.f32 v7, v62;
	(erf) = vrcp.f32 v8;
	v44 =	vld [tilespmem:s6+$0xFFFFFFE0];
	v22 =	vadd.f32 v40, v22  }
0x5e9: {  	v61 =	vmul.f32 v12, v61;
	v1 =	vld [tilespmem:s6+$0xFFFFFF60];
	v12 =	vadd.f32 v20, v19;
	[tilespmem:s6+$0xFFFFFF40] =	vst v25  }
0x5ea: {  	v7 =	vadd.f32 v14, v7;
	v15 =	vmul.f32 v42, v38;
	[tilespmem:s6+$0xFFFFFFC0] =	vst v22;
	v19 =	vld [tilespmem:$0x50]  }
0x5eb: {  	v62 =	vmul.f32 v10, v62;
	v6 =	vmul.f32 v6, v63;
	v10 =	vadd.f32 v16, v11;
	[tilespmem:s6+$0x40] =	vst v12;
	v11 =	vld [tilespmem:$0x50]  }
0x5ec: {  	[tilespmem:s3+$0xFFFFFFE0] =	vst v7;
	v12 =	vld [tilespmem:$0x50];
	v9 =	vadd.f32 v43, v15  }
0x5ed: {  	v14 =	vld [tilespmem:s6+$0xE0];
	v16 =	vadd.f32 v13, v6;
	[tilespmem:s3+$0xF0] =	vst v10;
	v15 =	vmul.f32 v31, v26  }
0x5ee: {  	v6 =	vld [tilespmem:s6+$0xFFFFFF70];
	v63 =	vmul.f32 v18, v63;
	v18 =	vmul.f32 v24, v23;
	[tilespmem:s6+$0xD0] =	vst v9  }
0x5ef: {  	[tilespmem:s3+$0x60] =	vst v16;
	v10 =	vmul.f32 v37, v27;
	v7 =	vmul.f32 v17, v3;
	v16 =	vadd.f32 v19, v15;
	v13 =	vld [tilespmem:$0x60]  }
0x5f0: {  	s7 =	simm.s32 $0x4;
	s9 =	simm.s32 $0x1550;
	s11 =	simm.s32 $0x8AF0;
	v8 =	vmul.f32 v44, v4;
	v9 =	vmul.f32 v1, v5;
	v15 =	vadd.f32 v11, v18;
	v11 =	vld [tilespmem:s6+$0xFFFFFFF0]  }
.LBB2_18:
0x5f1: {  	v1 =	vld [tilespmem:s11+$0x10];
	s7 =	sadd.s32 $0x4, s7;
	[tilespmem:s6+$0xFFFFFF50] =	vst v16;
	v10 =	vadd.f32 v12, v10;
	v12 =	vpop (erf)  }
0x5f2: {  	v16 =	vld [tilespmem:s11+$0xFFFFFFF0];
	p1 =	slt.u32 s7, $0x24;
	[tilespmem:s6+$0xFFFFFFD0] =	vst v15;
	v14 =	vmul.f32 v14, v12  }
0x5f3: {  	v15 =	vld [tilespmem:s11+$0x0];
	v5 =	vmul.f32 v6, v5;
	[tilespmem:s6+$0x50] =	vst v10  }
0x5f4: {  	v10 =	vld [tilespmem:s11+$0xFFFFFFE0];
	v13 =	vadd.f32 v13, v14  }
0x5f5: {  	v4 =	vmul.f32 v11, v4;
	v11 =	vld [tilespmem:s6+$0xF0]  }
0x5f6: {  	v6 =	vmax.f32 v1, $1.000000000e-30;
	v1 =	vld [tilespmem:$0x60];
	[tilespmem:s6+$0xE0] =	vst v13  }
0x5f7: {  	v13 =	vmax.f32 v16, $1.000000000e-30;
	v14 =	vbroadcast v6, $0x0;
	v16 =	vld [tilespmem:$0x70]  }
0x5f8: {  	v17 =	vbroadcast v13, $0x0;
	v18 =	vbroadcast v13, $0x1;
	v15 =	vmax.f32 v15, $1.000000000e-30;
	v19 =	vld [tilespmem:$0x60]  }
0x5f9: {  	v10 =	vmax.f32 v10, $1.000000000e-30;
	v20 =	vbroadcast v15, $0x0;
	(erf) = vrcp.f32 v14;
	v14 =	vld [tilespmem:$0x60]  }
0x5fa: {  	v21 =	vbroadcast v10, $0x0;
	v22 =	vld [tilespmem:s6+$0x70];
	v11 =	vmul.f32 v11, v12  }
0x5fb: {  	v12 =	vbroadcast v10, $0x1;
	(erf) = vrcp.f32 v17;
	v1 =	vadd.f32 v1, v9;
	v9 =	vld [tilespmem:$0x70]  }
0x5fc: {  	v17 =	vbroadcast v15, $0x1;
	(erf) = vrcp.f32 v21;
	v11 =	vadd.f32 v16, v11;
	v16 =	vld [tilespmem:$0x70]  }
0x5fd: {  	s6 =	sadd.s32 $0x200, s6;
	v21 =	vbroadcast v10, $0x2;
	(erf) = vrcp.f32 v20;
	[tilespmem:s9+$0xFFFFFF60] =	vst v1;
	v1 =	vadd.f32 v19, v8;
	v8 =	vld [tilespmem:$0x70]  }
0x5fe: {  	v19 =	vbroadcast v13, $0x2;
	v20 =	vld [tilespmem:s6+$0x80];
	(erf) = vrcp.f32 v12;
	v7 =	vadd.f32 v14, v7;
	[tilespmem:s9+$0xF0] =	vst v11  }
0x5ff: {  	v12 =	vbroadcast v15, $0x2;
	v11 =	vld [tilespmem:s6+$0xFFFFFF00];
	(erf) = vrcp.f32 v18;
	[tilespmem:s9+$0xFFFFFFE0] =	vst v1  }
0x600: {  	v10 =	vbroadcast v10, $0x3;
	v1 =	vld [tilespmem:$0x0];
	(erf) = vrcp.f32 v17;
	[tilespmem:s9+$0x60] =	vst v7;
	v7 =	vadd.f32 v9, v61;
	v61 =	vmovc v5  }
0x601: {  	v9 =	vbroadcast v13, $0x3;
	v5 =	vld [tilespmem:s6+$0xFFFFFF80];
	(erf) = vrcp.f32 v21;
	v13 =	vadd.f32 v16, v62;
	v62 =	vmovc v4  }
0x602: {  	v14 =	vbroadcast v15, $0x3;
	v4 =	vld [tilespmem:s6+$0x0];
	(erf) = vrcp.f32 v19;
	v15 =	vpop (erf);
	[tilespmem:s3+$0xFFFFFF70] =	vst v7;
	v7 =	vadd.f32 v8, v63  }
0x603: {  	v8 =	vld [tilespmem:s6+$0xFFFFFF10];
	v17 =	vmul.f32 v15, v20;
	(erf) = vrcp.f32 v12;
	[tilespmem:s3+$0xFFFFFFF0] =	vst v13  }
0x604: {  	v63 =	vmul.f32 v22, v3;
	v12 =	vld [tilespmem:s6+$0xFFFFFF90];
	(erf) = vrcp.f32 v10;
	v10 =	vpop (erf);
	[tilespmem:s3+$0x70] =	vst v7;
	s3 =	smov.u32 s9;
	s9 =	smov.u32 s6  }
0x605: {  	v3 =	vld [tilespmem:s6+$0x10];
	v7 =	vadd.f32 v17, v1;
	v13 =	vpop (erf);
	(erf) = vrcp.f32 v9  }
0x606: {  	v9 =	vmul.f32 v13, v11;
	v5 =	vmul.f32 v10, v5;
	v11 =	vld [tilespmem:s6+$0x90];
	v16 =	vpop (erf)  }
0x607: {  	v17 =	vld [tilespmem:s6+$0xFFFFFF20];
	v4 =	vmul.f32 v16, v4;
	[tilespmem:s6+$0x80] =	vst v7;
	v7 =	vbroadcast v6, $0x1;
	v18 =	vpop (erf)  }
0x608: {  	v21 =	vadd.f32 v9, v1;
	v8 =	vmul.f32 v8, v13;
	v5 =	vadd.f32 v5, v1;
	v13 =	vld [tilespmem:$0x10];
	v19 =	vpop (erf)  }
0x609: {  	v10 =	vmul.f32 v10, v12;
	v12 =	vld [tilespmem:s6+$0xFFFFFFA0];
	v22 =	vadd.f32 v4, v1;
	v20 =	vpop (erf);
	(erf) = vrcp.f32 v7  }
0x60a: {  	[tilespmem:s6+$0xFFFFFF00] =	vst v21;
	v3 =	vmul.f32 v16, v3;
	v7 =	vld [tilespmem:s6+$0x20];
	v9 =	vpop (erf);
	(erf) = vrcp.f32 v14  }
0x60b: {  	v14 =	vld [tilespmem:$0x10];
	[tilespmem:s6+$0xFFFFFF80] =	vst v5;
	v23 =	vmul.f32 v15, v11;
	v11 =	vpop (erf)  }
0x60c: {  	v15 =	vmul.f32 v17, v18;
	v16 =	vld [tilespmem:$0x10];
	[tilespmem:s6+$0x0] =	vst v22;
	v1 =	vpop (erf)  }
0x60d: {  	v17 =	vld [tilespmem:$0x10];
	v13 =	vadd.f32 v13, v23;
	v5 =	vpop (erf)  }
0x60e: {  	v12 =	vmul.f32 v12, v19;
	v21 =	vld [tilespmem:s6+$0xA0];
	v4 =	vpop (erf)  }
0x60f: {  	v22 =	vld [tilespmem:s6+$0xFFFFFF30];
	v7 =	vmul.f32 v7, v20;
	[tilespmem:s6+$0x90] =	vst v13  }
0x610: {  	v8 =	vadd.f32 v14, v8;
	v13 =	vld [tilespmem:$0x20]  }
0x611: {  	v10 =	vadd.f32 v16, v10;
	v14 =	vld [tilespmem:s6+$0xFFFFFFB0]  }
0x612: {  	[tilespmem:s6+$0xFFFFFF10] =	vst v8;
	v8 =	vadd.f32 v17, v3;
	v16 =	vld [tilespmem:s6+$0x30];
	v17 =	vpop (erf)  }
0x613: {  	v23 =	vld [tilespmem:$0x20];
	[tilespmem:s6+$0xFFFFFF90] =	vst v10;
	v10 =	vmul.f32 v21, v17;
	v3 =	vpop (erf)  }
0x614: {  	v18 =	vmul.f32 v22, v18;
	v21 =	vld [tilespmem:$0x20];
	[tilespmem:s6+$0x10] =	vst v8  }
0x615: {  	v8 =	vld [tilespmem:$0x20];
	v10 =	vadd.f32 v13, v10  }
0x616: {  	v13 =	vmul.f32 v14, v19;
	v14 =	vld [tilespmem:s6+$0xB0]  }
0x617: {  	v19 =	vld [tilespmem:s6+$0xFFFFFF40];
	v16 =	vmul.f32 v16, v20;
	[tilespmem:s6+$0xA0] =	vst v10;
	v10 =	vbroadcast v6, $0x2  }
0x618: {  	v15 =	vadd.f32 v23, v15;
	v20 =	vld [tilespmem:$0x30]  }
0x619: {  	v12 =	vadd.f32 v21, v12;
	v21 =	vld [tilespmem:s6+$0xFFFFFFC0];
	(erf) = vrcp.f32 v10  }
0x61a: {  	[tilespmem:s6+$0xFFFFFF20] =	vst v15;
	v7 =	vadd.f32 v8, v7;
	v8 =	vld [tilespmem:s6+$0x40]  }
0x61b: {  	v10 =	vld [tilespmem:$0x30];
	[tilespmem:s6+$0xFFFFFFA0] =	vst v12;
	v12 =	vmul.f32 v14, v17  }
0x61c: {  	v14 =	vmul.f32 v19, v9;
	v15 =	vld [tilespmem:$0x30];
	[tilespmem:s6+$0x20] =	vst v7  }
0x61d: {  	v7 =	vld [tilespmem:$0x30];
	v12 =	vadd.f32 v20, v12  }
0x61e: {  	v17 =	vmul.f32 v21, v11;
	v19 =	vld [tilespmem:s6+$0xC0]  }
0x61f: {  	v20 =	vld [tilespmem:s6+$0xFFFFFF50];
	v8 =	vmul.f32 v8, v1;
	[tilespmem:s6+$0xB0] =	vst v12  }
0x620: {  	v10 =	vadd.f32 v10, v18;
	v12 =	vld [tilespmem:$0x40]  }
0x621: {  	v13 =	vadd.f32 v15, v13;
	v15 =	vld [tilespmem:s6+$0xFFFFFFD0]  }
0x622: {  	[tilespmem:s6+$0xFFFFFF30] =	vst v10;
	v7 =	vadd.f32 v7, v16;
	v10 =	vld [tilespmem:s6+$0x50];
	v16 =	vpop (erf)  }
0x623: {  	v18 =	vld [tilespmem:$0x40];
	[tilespmem:s6+$0xFFFFFFB0] =	vst v13;
	v13 =	vmul.f32 v19, v16  }
0x624: {  	v19 =	vmul.f32 v20, v9;
	v9 =	vld [tilespmem:$0x40];
	[tilespmem:s6+$0x30] =	vst v7  }
0x625: {  	v7 =	vld [tilespmem:$0x40];
	v12 =	vadd.f32 v12, v13  }
0x626: {  	v11 =	vmul.f32 v15, v11;
	v13 =	vld [tilespmem:s6+$0xD0]  }
0x627: {  	v15 =	vld [tilespmem:s6+$0xFFFFFF60];
	v10 =	vmul.f32 v10, v1;
	[tilespmem:s6+$0xC0] =	vst v12;
	v1 =	vbroadcast v6, $0x3  }
0x628: {  	v6 =	vadd.f32 v18, v14;
	v14 =	vld [tilespmem:$0x50]  }
0x629: {  	v9 =	vadd.f32 v9, v17;
	v17 =	vld [tilespmem:s6+$0xFFFFFFE0];
	(erf) = vrcp.f32 v1  }
0x62a: {  	[tilespmem:s6+$0xFFFFFF40] =	vst v6;
	v1 =	vadd.f32 v7, v8;
	v7 =	vld [tilespmem:s6+$0x60]  }
0x62b: {  	v18 =	vld [tilespmem:$0x50];
	[tilespmem:s6+$0xFFFFFFC0] =	vst v9;
	v6 =	vmul.f32 v13, v16  }
0x62c: {  	v9 =	vmul.f32 v15, v5;
	v15 =	vld [tilespmem:$0x50];
	[tilespmem:s6+$0x40] =	vst v1  }
.Ltmp12:
0x62d: {  	v12 =	vld [tilespmem:$0x50];
	v1 =	vadd.f32 v14, v6;
	(pc) =	sbr.rel @p1 .LBB2_18-.Ltmp12, $4  }
0x62e: {  	v8 =	vmul.f32 v17, v4;
	v14 =	vld [tilespmem:s6+$0xE0]  }
0x62f: {  	v6 =	vld [tilespmem:s6+$0xFFFFFF70];
	v7 =	vmul.f32 v7, v3;
	[tilespmem:s6+$0xD0] =	vst v1  }
0x630: {  	v16 =	vadd.f32 v18, v19;
	v13 =	vld [tilespmem:$0x60]  }
0x631: {  	s11 =	sadd.s32 $0x40, s11;
	v15 =	vadd.f32 v15, v11;
	v11 =	vld [tilespmem:s6+$0xFFFFFFF0]  }
0x632: {  	v1 =	vpop (erf)  }
0x633: {  	[tilespmem:s6+$0xFFFFFF50] =	vst v16;
	v10 =	vadd.f32 v12, v10;
	v33 =	vld [tilespmem:s6+$0xF0];
	v14 =	vmul.f32 v14, v1  }
0x634: {  	[tilespmem:s6+$0xFFFFFFD0] =	vst v15;
	v34 =	vld [tilespmem:$0x60]  }
0x635: {  	[tilespmem:s6+$0x50] =	vst v10;
	v35 =	vld [tilespmem:$0x60];
	v13 =	vadd.f32 v13, v14  }
0x636: {  	v36 =	vld [tilespmem:$0x60]  }
0x637: {  	v38 =	vld [tilespmem:s6+$0x70];
	[tilespmem:s6+$0xE0] =	vst v13  }
0x638: {  	v37 =	vld [tilespmem:$0x70]  }
0x639: {  	v39 =	vld [tilespmem:$0x70];
	v9 =	vadd.f32 v34, v9  }
0x63a: {  	v40 =	vld [tilespmem:$0x70];
	v8 =	vadd.f32 v35, v8  }
0x63b: {  	v41 =	vld [tilespmem:$0x70];
	v1 =	vmul.f32 v33, v1;
	[tilespmem:s9+$0xFFFFFF60] =	vst v9;
	v7 =	vadd.f32 v36, v7  }
0x63c: {  	[tilespmem:s9+$0xFFFFFFE0] =	vst v8;
	v42 =	vld [tilespmem:$0x70]  }
0x63d: {  	[tilespmem:s9+$0x60] =	vst v7;
	v43 =	vld [tilespmem:$0x70];
	v1 =	vadd.f32 v37, v1  }
0x63e: {  	v44 =	vadd.f32 v39, v61;
	v61 =	vld [tilespmem:$0x70]  }
0x63f: {  	v5 =	vmul.f32 v6, v5;
	[tilespmem:s9+$0xF0] =	vst v1;
	v1 =	vadd.f32 v40, v62  }
0x640: {  	v4 =	vmul.f32 v11, v4;
	v63 =	vadd.f32 v41, v63;
	[tilespmem:s3+$0xFFFFFF70] =	vst v44  }
0x641: {  	[tilespmem:s3+$0xFFFFFFF0] =	vst v1;
	v1 =	vmul.f32 v38, v3;
	v3 =	vadd.f32 v42, v5  }
0x642: {  	[tilespmem:s3+$0x70] =	vst v63;
	v4 =	vadd.f32 v43, v4  }
0x643: {  	s2 =	smul.u32 $0x1400, s2;
	[tilespmem:s9+$0xFFFFFF70] =	vst v3;
	v1 =	vadd.f32 v61, v1  }
0x644: {  	s3 =	rddreg [dreg:$0x17];
	[tilespmem:s9+$0xFFFFFFF0] =	vst v4  }
.Ltmp13:
0x645: {  	s2 =	sadd.s32 s3, s2;
	[tilespmem:s9+$0x70] =	vst v1;
	(pc) =	sbr.rel @p0 .LBB2_23-.Ltmp13, $4  }
0x646: {  	s2 =	sshrl.u32 s2, $0x3;
	s9 =	rddreg [dreg:$0x9]  }
0x647: {  	s11 =	simm.s32 $0x1250;
	s2 =	sadd.s32 s9, s2  }
0x648: {  	[hbm4b:s2+s5] =	stream.linear.scatter [tilespmem:s11], [sflag:$0x4], $0x1400, $0x38;
	[tilespmem:$0x1F8E0] =	vst v63  }
0x649: {  	s11 =	smov.u32 s20  }
0x64a: {  	s2 =	rddreg [dreg:$0x1a]  }
0x64b: {  	s2 =	sadd.s32 s2, s13  }
0x64c: {  	p0 =	sgt.u32 s2, $0xF9  }
0x64d: {  	_ =	swait.ge [sflag:s23], $0x1400;
	s3 =	smul.u32 @!p0 $0x5000, s2  }
0x64e: {  	[sflag:s23] =	ssyncset.done $0x0  }
0x64f: {  	[sflag:s23] =	ssyncadd.s32 $0xFFFFEC00;
	s3 =	sshra.s32 @!p0 s3, $0x2  }
0x650: {  	s6 =	simm.s32 @!p0 $0x1250;
	s2 =	smul.u32 @!p0 $0xA00, s2;
	s3 =	sadd.s32 @!p0 s3, s11  }
0x651: {  	[tilespmem:s6], [sflag:$0x1] =	stream.linear.gather @!p0 [spmem:s3], $0x1400, $0x38;
	[tilespmem:$0x1F8E0] =	vst v63  }
0x652: {  	s2 =	sshra.s32 @!p0 s2, $0x2;
	s3 =	rddreg [dreg:$0x3]  }
0x653: {  	s9 =	simm.s32 $0x2;
	s2 =	sadd.s32 @!p0 s2, s3;
	s3 =	simm.s32 @!p0 $0x8A50  }
0x654: {  	[tilespmem:s3], [sflag:$0x1] =	stream.linear.gather @!p0 [spmem:s2], $0x280, $0x38;
	[tilespmem:$0x1F8E0] =	vst v63  }
0x655: {  	_ =	swait.ge [sflag:s9], $0x1400  }
0x656: {  	[sflag:s9] =	ssyncset.done $0x0  }
0x657: {  	[sflag:s9] =	ssyncadd.s32 $0xFFFFEC00  }
0x658: {  	_ =	swait.ge [sflag:s9], $0x280  }
0x659: {  	[sflag:s9] =	ssyncset.done $0x0  }
0x65a: {  	s13 =	simm.s32 $0x8F80;
	[sflag:s9] =	ssyncadd.s32 $0xFFFFFD80  }
0x65b: {  	v1 =	vld [tilespmem:s13+$0x0];
	_ =	sdelay $0x1  }
0x65c: {  	v4 =	vld [tilespmem:s13+$0xFFFFFFE0]  }
0x65d: {  	v5 =	vld [tilespmem:s13+$0xFFFFFFD0];
	_ =	sdelay $0x1  }
0x65e: {  	v6 =	vld [tilespmem:s13+$0xFFFFFFF0];
	v3 =	vmax.f32 v1, $1.000000000e-30  }
0x65f: {  	v1 =	vbroadcast v3, $0x0  }
0x660: {  	v4 =	vmax.f32 v4, $1.000000000e-30  }
0x661: {  	v5 =	vmax.f32 v5, $1.000000000e-30;
	v7 =	vbroadcast v4, $0x0;
	(erf) = vrcp.f32 v1  }
0x662: {  	v1 =	vbroadcast v5, $0x0  }
0x663: {  	v6 =	vmax.f32 v6, $1.000000000e-30;
	(erf) = vrcp.f32 v7  }
0x664: {  	v7 =	vbroadcast v6, $0x0;
	(erf) = vrcp.f32 v1  }
0x665: {  	s2 =	simm.s32 $0x3C40  }
0x666: {  	v1 =	vbroadcast v5, $0x1;
	(erf) = vrcp.f32 v7;
	v7 =	vld [tilespmem:s2+$0xFFFFFF90]  }
0x667: {  	v8 =	vbroadcast v4, $0x1;
	v9 =	vbroadcast v6, $0x1  }
0x668: {  	v11 =	vbroadcast v5, $0x2;
	(erf) = vrcp.f32 v1;
	v1 =	vld [tilespmem:$0x0]  }
0x669: {  	v10 =	vld [tilespmem:s2+$0xFFFFFE10];
	v12 =	vbroadcast v4, $0x2;
	(erf) = vrcp.f32 v8  }
0x66a: {  	v13 =	vbroadcast v6, $0x2;
	v8 =	vld [tilespmem:s2+$0xFFFFFE90];
	(erf) = vrcp.f32 v9;
	v14 =	vpop (erf)  }
0x66b: {  	v9 =	vld [tilespmem:s2+$0xFFFFFF10];
	(erf) = vrcp.f32 v11;
	v7 =	vmul.f32 v14, v7  }
0x66c: {  	v5 =	vbroadcast v5, $0x3;
	(erf) = vrcp.f32 v12;
	v15 =	vpop (erf)  }
0x66d: {  	v18 =	vld [tilespmem:s2+$0xFFFFFE30];
	v4 =	vbroadcast v4, $0x3;
	(erf) = vrcp.f32 v13;
	v16 =	vpop (erf);
	v7 =	vadd.f32 v7, v1  }
0x66e: {  	v19 =	vld [tilespmem:s2+$0xFFFFFEB0];
	(erf) = vrcp.f32 v5;
	v5 =	vmul.f32 v16, v10  }
0x66f: {  	v8 =	vmul.f32 v15, v8;
	v10 =	vld [tilespmem:s2+$0xFFFFFFA0];
	v17 =	vpop (erf);
	[tilespmem:s2+$0xFFFFFF90] =	vst v7;
	v7 =	vbroadcast v3, $0x1  }
0x670: {  	v11 =	vld [tilespmem:s2+$0xFFFFFE20];
	(erf) = vrcp.f32 v4;
	v4 =	vmul.f32 v17, v9;
	v5 =	vadd.f32 v5, v1  }
0x671: {  	v9 =	vld [tilespmem:$0x10]  }
0x672: {  	v12 =	vld [tilespmem:s2+$0xFFFFFEA0];
	v8 =	vadd.f32 v8, v1;
	v1 =	vadd.f32 v4, v1;
	(erf) = vrcp.f32 v7  }
0x673: {  	v13 =	vld [tilespmem:s2+$0xFFFFFF20];
	[tilespmem:s2+$0xFFFFFE10] =	vst v5;
	v7 =	vpop (erf)  }
0x674: {  	[tilespmem:s2+$0xFFFFFE90] =	vst v8;
	v20 =	vld [tilespmem:$0x10];
	v8 =	vmul.f32 v14, v10;
	v5 =	vpop (erf)  }
0x675: {  	v14 =	vld [tilespmem:$0x10];
	[tilespmem:s2+$0xFFFFFF10] =	vst v1;
	v10 =	vpop (erf)  }
0x676: {  	v21 =	vld [tilespmem:$0x10];
	v8 =	vadd.f32 v9, v8;
	v1 =	vpop (erf)  }
0x677: {  	v9 =	vmul.f32 v11, v16;
	v11 =	vld [tilespmem:s2+$0xFFFFFFB0];
	v16 =	vpop (erf)  }
0x678: {  	v22 =	vld [tilespmem:s2+$0xFFFFFE40];
	v12 =	vmul.f32 v15, v12;
	[tilespmem:s2+$0xFFFFFFA0] =	vst v8;
	v15 =	vpop (erf)  }
0x679: {  	v8 =	vmul.f32 v17, v13;
	v9 =	vadd.f32 v20, v9;
	v13 =	vld [tilespmem:$0x20];
	v61 =	vpop (erf)  }
0x67a: {  	v35 =	vld [tilespmem:s2+$0xFFFFFE50];
	v12 =	vadd.f32 v14, v12;
	v62 =	vpop (erf)  }
0x67b: {  	v4 =	vld [tilespmem:s2+$0xFFFFFF30];
	[tilespmem:s2+$0xFFFFFE20] =	vst v9;
	v8 =	vadd.f32 v21, v8;
	v17 =	vpop (erf)  }
0x67c: {  	[tilespmem:s2+$0xFFFFFEA0] =	vst v12;
	v34 =	vld [tilespmem:$0x20];
	v11 =	vmul.f32 v11, v17  }
0x67d: {  	v12 =	vld [tilespmem:$0x20];
	[tilespmem:s2+$0xFFFFFF20] =	vst v8  }
0x67e: {  	v8 =	vld [tilespmem:$0x20];
	v11 =	vadd.f32 v13, v11  }
0x67f: {  	s3 =	simm.s32 $0x3E40;
	v6 =	vbroadcast v6, $0x3;
	v13 =	vmul.f32 v18, v7;
	v18 =	vld [tilespmem:s2+$0xFFFFFFC0]  }
0x680: {  	v38 =	vld [tilespmem:s3+$0xFFFFFE10];
	v19 =	vmul.f32 v19, v5;
	[tilespmem:s2+$0xFFFFFFB0] =	vst v11;
	v11 =	vbroadcast v3, $0x2  }
0x681: {  	(erf) = vrcp.f32 v6;
	v4 =	vmul.f32 v4, v10;
	v6 =	vadd.f32 v34, v13;
	v13 =	vld [tilespmem:$0x30]  }
0x682: {  	v14 =	vld [tilespmem:s2+$0xFFFFFEC0];
	v12 =	vadd.f32 v12, v19;
	(erf) = vrcp.f32 v11  }
0x683: {  	v9 =	vld [tilespmem:s2+$0xFFFFFF40];
	v4 =	vadd.f32 v8, v4;
	[tilespmem:s2+$0xFFFFFE30] =	vst v6  }
0x684: {  	[tilespmem:s2+$0xFFFFFEB0] =	vst v12;
	v8 =	vld [tilespmem:$0x30];
	v11 =	vmul.f32 v18, v17  }
0x685: {  	v12 =	vld [tilespmem:$0x30];
	[tilespmem:s2+$0xFFFFFF30] =	vst v4  }
0x686: {  	v4 =	vld [tilespmem:$0x30];
	v11 =	vadd.f32 v13, v11  }
0x687: {  	v7 =	vmul.f32 v22, v7;
	v13 =	vld [tilespmem:s2+$0xFFFFFFD0]  }
0x688: {  	v39 =	vld [tilespmem:s3+$0xFFFFFE90];
	v5 =	vmul.f32 v14, v5;
	[tilespmem:s2+$0xFFFFFFC0] =	vst v11  }
0x689: {  	v7 =	vadd.f32 v8, v7;
	v8 =	vld [tilespmem:$0x40]  }
0x68a: {  	v40 =	vld [tilespmem:s3+$0xFFFFFF10];
	v9 =	vmul.f32 v9, v10;
	v63 =	vpop (erf);
	v5 =	vadd.f32 v12, v5  }
0x68b: {  	v6 =	vld [tilespmem:s2+$0xFFFFFF50];
	[tilespmem:s2+$0xFFFFFE40] =	vst v7;
	v11 =	vpop (erf)  }
0x68c: {  	v4 =	vadd.f32 v4, v9;
	[tilespmem:s2+$0xFFFFFEC0] =	vst v5;
	v7 =	vld [tilespmem:$0x40];
	v5 =	vmul.f32 v13, v11  }
0x68d: {  	v41 =	vld [tilespmem:s3+$0xFFFFFE20]  }
0x68e: {  	v17 =	vld [tilespmem:s2+$0xFFFFFFE0];
	[tilespmem:s2+$0xFFFFFF40] =	vst v4;
	v5 =	vadd.f32 v8, v5  }
0x68f: {  	v4 =	vld [tilespmem:$0x40];
	v13 =	vmul.f32 v35, v1  }
0x690: {  	v42 =	vld [tilespmem:s3+$0xFFFFFEA0];
	v3 =	vbroadcast v3, $0x3;
	[tilespmem:s2+$0xFFFFFFD0] =	vst v5  }
0x691: {  	v5 =	vmul.f32 v6, v15;
	v6 =	vadd.f32 v7, v13;
	v13 =	vld [tilespmem:$0x50]  }
0x692: {  	v19 =	vld [tilespmem:s2+$0xFFFFFED0];
	(erf) = vrcp.f32 v3  }
0x693: {  	v14 =	vld [tilespmem:s2+$0xFFFFFE60]  }
0x694: {  	v12 =	vld [tilespmem:$0x40];
	v3 =	vadd.f32 v4, v5;
	v5 =	vmul.f32 v17, v11  }
0x695: {  	v9 =	vld [tilespmem:s2+$0xFFFFFF60];
	[tilespmem:s2+$0xFFFFFE50] =	vst v6  }
0x696: {  	v4 =	vld [tilespmem:$0x50];
	v5 =	vadd.f32 v13, v5  }
0x697: {  	s20 =	simm.s32 $0x8FC0;
	v18 =	vmul.f32 v19, v16;
	v13 =	vld [tilespmem:s2+$0xFFFFFFF0]  }
0x698: {  	[tilespmem:s2+$0xFFFFFFE0] =	vst v5;
	v5 =	vld [tilespmem:s20+$0x0]  }
0x699: {  	v12 =	vadd.f32 v12, v18;
	v18 =	vld [tilespmem:$0x60]  }
0x69a: {  	v19 =	vld [tilespmem:s20+$0xFFFFFFE0];
	[tilespmem:s2+$0xFFFFFF50] =	vst v3  }
0x69b: {  	v1 =	vmul.f32 v14, v1;
	v11 =	vpop (erf);
	v3 =	vld [tilespmem:$0x50]  }
0x69c: {  	v14 =	vld [tilespmem:s20+$0xFFFFFFD0];
	v13 =	vmul.f32 v13, v11  }
0x69d: {  	v15 =	vmul.f32 v9, v15;
	v1 =	vadd.f32 v4, v1;
	v4 =	vld [tilespmem:s20+$0xFFFFFFF0];
	v9 =	vmax.f32 v5, $1.000000000e-30  }
0x69e: {  	v43 =	vld [tilespmem:s3+$0xFFFFFF20];
	v5 =	vadd.f32 v18, v13;
	v13 =	vbroadcast v9, $0x0  }
0x69f: {  	v10 =	vld [tilespmem:s2+$0xFFFFFEE0];
	[tilespmem:s2+$0xFFFFFED0] =	vst v12  }
0x6a0: {  	v44 =	vld [tilespmem:s3+$0xFFFFFFA0];
	[tilespmem:s2+$0xFFFFFE60] =	vst v1;
	v1 =	vadd.f32 v3, v15;
	v3 =	vmax.f32 v19, $1.000000000e-30;
	(erf) = vrcp.f32 v13  }
0x6a1: {  	v17 =	vld [tilespmem:$0x50];
	v19 =	vmax.f32 v14, $1.000000000e-30;
	[tilespmem:s2+$0xFFFFFFF0] =	vst v5;
	v5 =	vbroadcast v3, $0x0  }
0x6a2: {  	v30 =	vld [tilespmem:s3+$0xFFFFFE30];
	[tilespmem:s2+$0xFFFFFF60] =	vst v1;
	v1 =	vmax.f32 v4, $1.000000000e-30;
	v18 =	vbroadcast v19, $0x0  }
0x6a3: {  	v31 =	vld [tilespmem:s3+$0xFFFFFEB0];
	v4 =	vbroadcast v1, $0x0;
	(erf) = vrcp.f32 v5  }
0x6a4: {  	v34 =	vld [tilespmem:s3+$0xFFFFFE40];
	v16 =	vmul.f32 v10, v16;
	(erf) = vrcp.f32 v18  }
0x6a5: {  	v5 =	vbroadcast v19, $0x1;
	(erf) = vrcp.f32 v4;
	v4 =	vld [tilespmem:s3+$0xFFFFFF90]  }
0x6a6: {  	v16 =	vadd.f32 v17, v16;
	v17 =	vld [tilespmem:s2+$0x0];
	v36 =	vbroadcast v3, $0x1;
	v23 =	vbroadcast v19, $0x2  }
0x6a7: {  	v37 =	vbroadcast v1, $0x1;
	(erf) = vrcp.f32 v5;
	v5 =	vld [tilespmem:$0x0]  }
0x6a8: {  	v10 =	vld [tilespmem:s2+$0xFFFFFF00];
	v24 =	vbroadcast v3, $0x2;
	(erf) = vrcp.f32 v36  }
0x6a9: {  	v8 =	vld [tilespmem:s2+$0xFFFFFE70];
	v25 =	vbroadcast v1, $0x2;
	(erf) = vrcp.f32 v37;
	v26 =	vpop (erf)  }
0x6aa: {  	v7 =	vld [tilespmem:s2+$0xFFFFFEF0];
	(erf) = vrcp.f32 v23;
	v4 =	vmul.f32 v26, v4  }
0x6ab: {  	v12 =	vld [tilespmem:s2+$0xFFFFFE80];
	v19 =	vbroadcast v19, $0x3;
	(erf) = vrcp.f32 v24  }
0x6ac: {  	v6 =	vld [tilespmem:s2+$0xFFFFFF70];
	[tilespmem:s2+$0xFFFFFEE0] =	vst v16;
	v11 =	vmul.f32 v17, v11;
	(erf) = vrcp.f32 v25;
	v27 =	vpop (erf);
	v4 =	vadd.f32 v4, v5  }
0x6ad: {  	v14 =	vld [tilespmem:$0x60];
	v3 =	vbroadcast v3, $0x3;
	(erf) = vrcp.f32 v19;
	v28 =	vpop (erf)  }
0x6ae: {  	v15 =	vld [tilespmem:$0x60];
	v20 =	vmul.f32 v27, v39;
	v19 =	vmul.f32 v28, v38;
	[tilespmem:s3+$0xFFFFFF90] =	vst v4  }
0x6af: {  	(erf) = vrcp.f32 v3;
	v29 =	vpop (erf);
	v4 =	vbroadcast v9, $0x1;
	v36 =	vld [tilespmem:$0x10]  }
0x6b0: {  	v17 =	vld [tilespmem:s3+$0xFFFFFF70];
	v3 =	vmul.f32 v29, v40;
	v20 =	vadd.f32 v20, v5;
	v19 =	vadd.f32 v19, v5  }
0x6b1: {  	v13 =	vld [tilespmem:$0x60];
	(erf) = vrcp.f32 v4  }
0x6b2: {  	v16 =	vld [tilespmem:$0x70];
	v32 =	vpop (erf);
	v3 =	vadd.f32 v3, v5;
	v5 =	vmul.f32 v26, v44;
	[tilespmem:s3+$0xFFFFFE10] =	vst v19  }
0x6b3: {  	v33 =	vpop (erf);
	[tilespmem:s3+$0xFFFFFE90] =	vst v20;
	v4 =	vld [tilespmem:$0x10]  }
0x6b4: {  	v37 =	vld [tilespmem:$0x10];
	v20 =	vpop (erf);
	[tilespmem:s3+$0xFFFFFF10] =	vst v3;
	v5 =	vadd.f32 v36, v5  }
0x6b5: {  	v26 =	vpop (erf);
	v3 =	vld [tilespmem:$0x10]  }
0x6b6: {  	v39 =	vld [tilespmem:s3+$0xFFFFFFB0];
	v38 =	vmul.f32 v41, v28;
	v25 =	vmul.f32 v29, v43;
	v23 =	vpop (erf)  }
0x6b7: {  	v18 =	vld [tilespmem:s2+$0xFFFFFF80];
	v24 =	vmul.f32 v27, v42;
	v27 =	vpop (erf);
	[tilespmem:s3+$0xFFFFFFA0] =	vst v5  }
0x6b8: {  	v21 =	vadd.f32 v4, v38;
	v40 =	vld [tilespmem:$0x20];
	v5 =	vpop (erf)  }
0x6b9: {  	v44 =	vld [tilespmem:s3+$0xFFFFFFC0];
	v22 =	vadd.f32 v37, v24;
	v4 =	vpop (erf)  }
0x6ba: {  	v19 =	vld [tilespmem:s3+$0xFFFFFF30];
	v3 =	vadd.f32 v3, v25;
	[tilespmem:s3+$0xFFFFFE20] =	vst v21;
	v25 =	vpop (erf)  }
0x6bb: {  	[tilespmem:s3+$0xFFFFFEA0] =	vst v22;
	v35 =	vld [tilespmem:$0x20];
	v41 =	vmul.f32 v39, v25  }
0x6bc: {  	v42 =	vld [tilespmem:$0x20];
	[tilespmem:s3+$0xFFFFFF20] =	vst v3  }
0x6bd: {  	v3 =	vld [tilespmem:$0x20];
	v22 =	vadd.f32 v40, v41  }
0x6be: {  	v1 =	vbroadcast v1, $0x3;
	v43 =	vmul.f32 v30, v32;
	v36 =	vld [tilespmem:s3+$0xFFFFFE50]  }
0x6bf: {  	v31 =	vmul.f32 v31, v33;
	v24 =	vld [tilespmem:s3+$0xFFFFFEC0];
	v39 =	vbroadcast v9, $0x2;
	[tilespmem:s3+$0xFFFFFFB0] =	vst v22  }
0x6c0: {  	(erf) = vrcp.f32 v1;
	v1 =	vmul.f32 v19, v20;
	v19 =	vadd.f32 v35, v43;
	v40 =	vld [tilespmem:$0x30]  }
0x6c1: {  	v37 =	vld [tilespmem:s3+$0xFFFFFF60];
	(erf) = vrcp.f32 v39;
	v28 =	vadd.f32 v42, v31  }
0x6c2: {  	v21 =	vld [tilespmem:s3+$0xFFFFFF40];
	v1 =	vadd.f32 v3, v1;
	[tilespmem:s3+$0xFFFFFE30] =	vst v19  }
0x6c3: {  	[tilespmem:s3+$0xFFFFFEB0] =	vst v28;
	v3 =	vmul.f32 v44, v25;
	v41 =	vld [tilespmem:$0x30]  }
0x6c4: {  	[tilespmem:s3+$0xFFFFFF30] =	vst v1;
	v1 =	vld [tilespmem:$0x30]  }
0x6c5: {  	v42 =	vld [tilespmem:$0x30];
	v3 =	vadd.f32 v40, v3  }
0x6c6: {  	v43 =	vmul.f32 v34, v32;
	v44 =	vld [tilespmem:s3+$0xFFFFFFD0]  }
0x6c7: {  	v24 =	vmul.f32 v24, v33;
	v31 =	vld [tilespmem:s3+$0xFFFFFE60];
	[tilespmem:s3+$0xFFFFFFC0] =	vst v3  }
0x6c8: {  	v20 =	vmul.f32 v21, v20;
	v34 =	vadd.f32 v41, v43;
	v35 =	vld [tilespmem:$0x40]  }
0x6c9: {  	v22 =	vld [tilespmem:s3+$0xFFFFFED0];
	v1 =	vadd.f32 v1, v24;
	v3 =	vpop (erf)  }
0x6ca: {  	v8 =	vmul.f32 v8, v61;
	v19 =	vld [tilespmem:s3+$0xFFFFFF50];
	v20 =	vadd.f32 v42, v20;
	[tilespmem:s3+$0xFFFFFE40] =	vst v34;
	v38 =	vpop (erf)  }
0x6cb: {  	[tilespmem:s3+$0xFFFFFEC0] =	vst v1;
	v39 =	vld [tilespmem:$0x40];
	v1 =	vmul.f32 v44, v38  }
0x6cc: {  	v8 =	vadd.f32 v15, v8;
	v40 =	vld [tilespmem:$0x40];
	[tilespmem:s3+$0xFFFFFF40] =	vst v20  }
0x6cd: {  	v20 =	vld [tilespmem:$0x40];
	v1 =	vadd.f32 v35, v1  }
0x6ce: {  	[tilespmem:s2+$0xFFFFFE70] =	vst v8;
	v41 =	vmul.f32 v36, v26;
	v42 =	vld [tilespmem:s3+$0xFFFFFFE0]  }
0x6cf: {  	v8 =	vbroadcast v9, $0x3;
	v22 =	vmul.f32 v22, v23;
	v24 =	vld [tilespmem:s3+$0xFFFFFEE0];
	[tilespmem:s3+$0xFFFFFFD0] =	vst v1  }
0x6d0: {  	v19 =	vmul.f32 v19, v27;
	v25 =	vadd.f32 v39, v41;
	v43 =	vld [tilespmem:$0x50]  }
0x6d1: {  	v7 =	vmul.f32 v7, v62;
	(erf) = vrcp.f32 v8;
	v44 =	vld [tilespmem:s3+$0xFFFFFEF0];
	v22 =	vadd.f32 v40, v22  }
0x6d2: {  	v61 =	vmul.f32 v12, v61;
	v1 =	vld [tilespmem:s3+$0xFFFFFE70];
	v12 =	vadd.f32 v20, v19;
	[tilespmem:s3+$0xFFFFFE50] =	vst v25  }
0x6d3: {  	v7 =	vadd.f32 v14, v7;
	v15 =	vmul.f32 v42, v38;
	[tilespmem:s3+$0xFFFFFED0] =	vst v22;
	v19 =	vld [tilespmem:$0x50]  }
0x6d4: {  	v62 =	vmul.f32 v10, v62;
	v6 =	vmul.f32 v6, v63;
	v10 =	vadd.f32 v16, v11;
	[tilespmem:s3+$0xFFFFFF50] =	vst v12;
	v11 =	vld [tilespmem:$0x50]  }
0x6d5: {  	[tilespmem:s2+$0xFFFFFEF0] =	vst v7;
	v12 =	vld [tilespmem:$0x50];
	v9 =	vadd.f32 v43, v15  }
0x6d6: {  	v14 =	vld [tilespmem:s3+$0xFFFFFFF0];
	v16 =	vadd.f32 v13, v6;
	[tilespmem:s2+$0x0] =	vst v10;
	v15 =	vmul.f32 v31, v26  }
0x6d7: {  	v6 =	vld [tilespmem:s3+$0xFFFFFE80];
	v63 =	vmul.f32 v18, v63;
	v18 =	vmul.f32 v24, v23;
	[tilespmem:s3+$0xFFFFFFE0] =	vst v9  }
0x6d8: {  	[tilespmem:s2+$0xFFFFFF70] =	vst v16;
	v10 =	vmul.f32 v37, v27;
	v7 =	vmul.f32 v17, v3;
	v16 =	vadd.f32 v19, v15;
	v13 =	vld [tilespmem:$0x60]  }
0x6d9: {  	s7 =	simm.s32 $0x4;
	s6 =	simm.s32 $0x3E40;
	s9 =	simm.s32 $0x9000;
	v8 =	vmul.f32 v44, v4;
	v9 =	vmul.f32 v1, v5;
	v15 =	vadd.f32 v11, v18;
	v11 =	vld [tilespmem:s3+$0xFFFFFF00]  }
.LBB2_21:
0x6da: {  	v1 =	vld [tilespmem:s9+$0x0];
	s7 =	sadd.s32 $0x4, s7;
	[tilespmem:s3+$0xFFFFFE60] =	vst v16;
	v10 =	vadd.f32 v12, v10;
	v12 =	vpop (erf)  }
0x6db: {  	v16 =	vld [tilespmem:s9+$0xFFFFFFE0];
	p0 =	slt.u32 s7, $0x24;
	[tilespmem:s3+$0xFFFFFEE0] =	vst v15;
	v14 =	vmul.f32 v14, v12  }
0x6dc: {  	v15 =	vld [tilespmem:s9+$0xFFFFFFF0];
	v5 =	vmul.f32 v6, v5;
	[tilespmem:s3+$0xFFFFFF60] =	vst v10  }
0x6dd: {  	v10 =	vld [tilespmem:s9+$0xFFFFFFD0];
	v13 =	vadd.f32 v13, v14  }
0x6de: {  	v4 =	vmul.f32 v11, v4;
	v11 =	vld [tilespmem:s3+$0x0]  }
0x6df: {  	v6 =	vmax.f32 v1, $1.000000000e-30;
	v1 =	vld [tilespmem:$0x60];
	[tilespmem:s3+$0xFFFFFFF0] =	vst v13  }
0x6e0: {  	v13 =	vmax.f32 v16, $1.000000000e-30;
	v14 =	vbroadcast v6, $0x0;
	v16 =	vld [tilespmem:$0x70]  }
0x6e1: {  	v17 =	vbroadcast v13, $0x0;
	v18 =	vbroadcast v13, $0x1;
	v15 =	vmax.f32 v15, $1.000000000e-30;
	v19 =	vld [tilespmem:$0x60]  }
0x6e2: {  	v10 =	vmax.f32 v10, $1.000000000e-30;
	v20 =	vbroadcast v15, $0x0;
	(erf) = vrcp.f32 v14;
	v14 =	vld [tilespmem:$0x60]  }
0x6e3: {  	v21 =	vbroadcast v10, $0x0;
	v22 =	vld [tilespmem:s3+$0xFFFFFF80];
	v11 =	vmul.f32 v11, v12  }
0x6e4: {  	v12 =	vbroadcast v10, $0x1;
	(erf) = vrcp.f32 v17;
	v1 =	vadd.f32 v1, v9;
	v9 =	vld [tilespmem:$0x70]  }
0x6e5: {  	v17 =	vbroadcast v15, $0x1;
	(erf) = vrcp.f32 v21;
	v11 =	vadd.f32 v16, v11;
	v16 =	vld [tilespmem:$0x70]  }
0x6e6: {  	s3 =	sadd.s32 $0x200, s3;
	v21 =	vbroadcast v10, $0x2;
	(erf) = vrcp.f32 v20;
	[tilespmem:s6+$0xFFFFFE70] =	vst v1;
	v1 =	vadd.f32 v19, v8;
	v8 =	vld [tilespmem:$0x70]  }
0x6e7: {  	v19 =	vbroadcast v13, $0x2;
	v20 =	vld [tilespmem:s3+$0xFFFFFF90];
	(erf) = vrcp.f32 v12;
	v7 =	vadd.f32 v14, v7;
	[tilespmem:s6+$0x0] =	vst v11  }
0x6e8: {  	v12 =	vbroadcast v15, $0x2;
	v11 =	vld [tilespmem:s3+$0xFFFFFE10];
	(erf) = vrcp.f32 v18;
	[tilespmem:s6+$0xFFFFFEF0] =	vst v1  }
0x6e9: {  	v10 =	vbroadcast v10, $0x3;
	v1 =	vld [tilespmem:$0x0];
	(erf) = vrcp.f32 v17;
	[tilespmem:s6+$0xFFFFFF70] =	vst v7;
	v7 =	vadd.f32 v9, v61;
	v61 =	vmovc v5  }
0x6ea: {  	v9 =	vbroadcast v13, $0x3;
	v5 =	vld [tilespmem:s3+$0xFFFFFE90];
	(erf) = vrcp.f32 v21;
	v13 =	vadd.f32 v16, v62;
	v62 =	vmovc v4  }
0x6eb: {  	v14 =	vbroadcast v15, $0x3;
	v4 =	vld [tilespmem:s3+$0xFFFFFF10];
	(erf) = vrcp.f32 v19;
	v15 =	vpop (erf);
	[tilespmem:s2+$0xFFFFFE80] =	vst v7;
	v7 =	vadd.f32 v8, v63  }
0x6ec: {  	v8 =	vld [tilespmem:s3+$0xFFFFFE20];
	v17 =	vmul.f32 v15, v20;
	(erf) = vrcp.f32 v12;
	[tilespmem:s2+$0xFFFFFF00] =	vst v13  }
0x6ed: {  	v63 =	vmul.f32 v22, v3;
	v12 =	vld [tilespmem:s3+$0xFFFFFEA0];
	(erf) = vrcp.f32 v10;
	v10 =	vpop (erf);
	[tilespmem:s2+$0xFFFFFF80] =	vst v7;
	s2 =	smov.u32 s6;
	s6 =	smov.u32 s3  }
0x6ee: {  	v3 =	vld [tilespmem:s3+$0xFFFFFF20];
	v7 =	vadd.f32 v17, v1;
	v13 =	vpop (erf);
	(erf) = vrcp.f32 v9  }
0x6ef: {  	v9 =	vmul.f32 v13, v11;
	v5 =	vmul.f32 v10, v5;
	v11 =	vld [tilespmem:s3+$0xFFFFFFA0];
	v16 =	vpop (erf)  }
0x6f0: {  	v17 =	vld [tilespmem:s3+$0xFFFFFE30];
	v4 =	vmul.f32 v16, v4;
	[tilespmem:s3+$0xFFFFFF90] =	vst v7;
	v7 =	vbroadcast v6, $0x1;
	v18 =	vpop (erf)  }
0x6f1: {  	v21 =	vadd.f32 v9, v1;
	v8 =	vmul.f32 v8, v13;
	v5 =	vadd.f32 v5, v1;
	v13 =	vld [tilespmem:$0x10];
	v19 =	vpop (erf)  }
0x6f2: {  	v10 =	vmul.f32 v10, v12;
	v12 =	vld [tilespmem:s3+$0xFFFFFEB0];
	v22 =	vadd.f32 v4, v1;
	v20 =	vpop (erf);
	(erf) = vrcp.f32 v7  }
0x6f3: {  	[tilespmem:s3+$0xFFFFFE10] =	vst v21;
	v3 =	vmul.f32 v16, v3;
	v7 =	vld [tilespmem:s3+$0xFFFFFF30];
	v9 =	vpop (erf);
	(erf) = vrcp.f32 v14  }
0x6f4: {  	v14 =	vld [tilespmem:$0x10];
	[tilespmem:s3+$0xFFFFFE90] =	vst v5;
	v23 =	vmul.f32 v15, v11;
	v11 =	vpop (erf)  }
0x6f5: {  	v15 =	vmul.f32 v17, v18;
	v16 =	vld [tilespmem:$0x10];
	[tilespmem:s3+$0xFFFFFF10] =	vst v22;
	v1 =	vpop (erf)  }
0x6f6: {  	v17 =	vld [tilespmem:$0x10];
	v13 =	vadd.f32 v13, v23;
	v5 =	vpop (erf)  }
0x6f7: {  	v12 =	vmul.f32 v12, v19;
	v21 =	vld [tilespmem:s3+$0xFFFFFFB0];
	v4 =	vpop (erf)  }
0x6f8: {  	v22 =	vld [tilespmem:s3+$0xFFFFFE40];
	v7 =	vmul.f32 v7, v20;
	[tilespmem:s3+$0xFFFFFFA0] =	vst v13  }
0x6f9: {  	v8 =	vadd.f32 v14, v8;
	v13 =	vld [tilespmem:$0x20]  }
0x6fa: {  	v10 =	vadd.f32 v16, v10;
	v14 =	vld [tilespmem:s3+$0xFFFFFEC0]  }
0x6fb: {  	[tilespmem:s3+$0xFFFFFE20] =	vst v8;
	v8 =	vadd.f32 v17, v3;
	v16 =	vld [tilespmem:s3+$0xFFFFFF40];
	v17 =	vpop (erf)  }
0x6fc: {  	v23 =	vld [tilespmem:$0x20];
	[tilespmem:s3+$0xFFFFFEA0] =	vst v10;
	v10 =	vmul.f32 v21, v17;
	v3 =	vpop (erf)  }
0x6fd: {  	v18 =	vmul.f32 v22, v18;
	v21 =	vld [tilespmem:$0x20];
	[tilespmem:s3+$0xFFFFFF20] =	vst v8  }
0x6fe: {  	v8 =	vld [tilespmem:$0x20];
	v10 =	vadd.f32 v13, v10  }
0x6ff: {  	v13 =	vmul.f32 v14, v19;
	v14 =	vld [tilespmem:s3+$0xFFFFFFC0]  }
0x700: {  	v19 =	vld [tilespmem:s3+$0xFFFFFE50];
	v16 =	vmul.f32 v16, v20;
	[tilespmem:s3+$0xFFFFFFB0] =	vst v10;
	v10 =	vbroadcast v6, $0x2  }
0x701: {  	v15 =	vadd.f32 v23, v15;
	v20 =	vld [tilespmem:$0x30]  }
0x702: {  	v12 =	vadd.f32 v21, v12;
	v21 =	vld [tilespmem:s3+$0xFFFFFED0];
	(erf) = vrcp.f32 v10  }
0x703: {  	[tilespmem:s3+$0xFFFFFE30] =	vst v15;
	v7 =	vadd.f32 v8, v7;
	v8 =	vld [tilespmem:s3+$0xFFFFFF50]  }
0x704: {  	v10 =	vld [tilespmem:$0x30];
	[tilespmem:s3+$0xFFFFFEB0] =	vst v12;
	v12 =	vmul.f32 v14, v17  }
0x705: {  	v14 =	vmul.f32 v19, v9;
	v15 =	vld [tilespmem:$0x30];
	[tilespmem:s3+$0xFFFFFF30] =	vst v7  }
0x706: {  	v7 =	vld [tilespmem:$0x30];
	v12 =	vadd.f32 v20, v12  }
0x707: {  	v17 =	vmul.f32 v21, v11;
	v19 =	vld [tilespmem:s3+$0xFFFFFFD0]  }
0x708: {  	v20 =	vld [tilespmem:s3+$0xFFFFFE60];
	v8 =	vmul.f32 v8, v1;
	[tilespmem:s3+$0xFFFFFFC0] =	vst v12  }
0x709: {  	v10 =	vadd.f32 v10, v18;
	v12 =	vld [tilespmem:$0x40]  }
0x70a: {  	v13 =	vadd.f32 v15, v13;
	v15 =	vld [tilespmem:s3+$0xFFFFFEE0]  }
0x70b: {  	[tilespmem:s3+$0xFFFFFE40] =	vst v10;
	v7 =	vadd.f32 v7, v16;
	v10 =	vld [tilespmem:s3+$0xFFFFFF60];
	v16 =	vpop (erf)  }
0x70c: {  	v18 =	vld [tilespmem:$0x40];
	[tilespmem:s3+$0xFFFFFEC0] =	vst v13;
	v13 =	vmul.f32 v19, v16  }
0x70d: {  	v19 =	vmul.f32 v20, v9;
	v9 =	vld [tilespmem:$0x40];
	[tilespmem:s3+$0xFFFFFF40] =	vst v7  }
0x70e: {  	v7 =	vld [tilespmem:$0x40];
	v12 =	vadd.f32 v12, v13  }
0x70f: {  	v11 =	vmul.f32 v15, v11;
	v13 =	vld [tilespmem:s3+$0xFFFFFFE0]  }
0x710: {  	v15 =	vld [tilespmem:s3+$0xFFFFFE70];
	v10 =	vmul.f32 v10, v1;
	[tilespmem:s3+$0xFFFFFFD0] =	vst v12;
	v1 =	vbroadcast v6, $0x3  }
0x711: {  	v6 =	vadd.f32 v18, v14;
	v14 =	vld [tilespmem:$0x50]  }
0x712: {  	v9 =	vadd.f32 v9, v17;
	v17 =	vld [tilespmem:s3+$0xFFFFFEF0];
	(erf) = vrcp.f32 v1  }
0x713: {  	[tilespmem:s3+$0xFFFFFE50] =	vst v6;
	v1 =	vadd.f32 v7, v8;
	v7 =	vld [tilespmem:s3+$0xFFFFFF70]  }
0x714: {  	v18 =	vld [tilespmem:$0x50];
	[tilespmem:s3+$0xFFFFFED0] =	vst v9;
	v6 =	vmul.f32 v13, v16  }
0x715: {  	v9 =	vmul.f32 v15, v5;
	v15 =	vld [tilespmem:$0x50];
	[tilespmem:s3+$0xFFFFFF50] =	vst v1  }
.Ltmp14:
0x716: {  	v12 =	vld [tilespmem:$0x50];
	v1 =	vadd.f32 v14, v6;
	(pc) =	sbr.rel @p0 .LBB2_21-.Ltmp14, $4  }
0x717: {  	v8 =	vmul.f32 v17, v4;
	v14 =	vld [tilespmem:s3+$0xFFFFFFF0]  }
0x718: {  	v6 =	vld [tilespmem:s3+$0xFFFFFE80];
	v7 =	vmul.f32 v7, v3;
	[tilespmem:s3+$0xFFFFFFE0] =	vst v1  }
0x719: {  	v16 =	vadd.f32 v18, v19;
	v13 =	vld [tilespmem:$0x60]  }
0x71a: {  	s9 =	sadd.s32 $0x40, s9;
	v15 =	vadd.f32 v15, v11;
	v11 =	vld [tilespmem:s3+$0xFFFFFF00]  }
0x71b: {  	v1 =	vpop (erf)  }
0x71c: {  	[tilespmem:s3+$0xFFFFFE60] =	vst v16;
	v10 =	vadd.f32 v12, v10;
	v33 =	vld [tilespmem:s3+$0x0];
	v14 =	vmul.f32 v14, v1  }
0x71d: {  	[tilespmem:s3+$0xFFFFFEE0] =	vst v15;
	v34 =	vld [tilespmem:$0x60]  }
0x71e: {  	[tilespmem:s3+$0xFFFFFF60] =	vst v10;
	v35 =	vld [tilespmem:$0x60];
	v13 =	vadd.f32 v13, v14  }
0x71f: {  	v36 =	vld [tilespmem:$0x60]  }
0x720: {  	v38 =	vld [tilespmem:s3+$0xFFFFFF80];
	[tilespmem:s3+$0xFFFFFFF0] =	vst v13  }
0x721: {  	v37 =	vld [tilespmem:$0x70]  }
0x722: {  	v39 =	vld [tilespmem:$0x70];
	v9 =	vadd.f32 v34, v9  }
0x723: {  	v40 =	vld [tilespmem:$0x70];
	v8 =	vadd.f32 v35, v8  }
0x724: {  	v41 =	vld [tilespmem:$0x70];
	v1 =	vmul.f32 v33, v1;
	[tilespmem:s6+$0xFFFFFE70] =	vst v9;
	v7 =	vadd.f32 v36, v7  }
0x725: {  	[tilespmem:s6+$0xFFFFFEF0] =	vst v8;
	v42 =	vld [tilespmem:$0x70]  }
0x726: {  	[tilespmem:s6+$0xFFFFFF70] =	vst v7;
	v43 =	vld [tilespmem:$0x70];
	v1 =	vadd.f32 v37, v1  }
0x727: {  	v44 =	vadd.f32 v39, v61;
	v61 =	vld [tilespmem:$0x70]  }
0x728: {  	v5 =	vmul.f32 v6, v5;
	[tilespmem:s6+$0x0] =	vst v1;
	v1 =	vadd.f32 v40, v62  }
0x729: {  	v4 =	vmul.f32 v11, v4;
	v63 =	vadd.f32 v41, v63;
	[tilespmem:s2+$0xFFFFFE80] =	vst v44  }
0x72a: {  	[tilespmem:s2+$0xFFFFFF00] =	vst v1;
	v1 =	vmul.f32 v38, v3;
	v3 =	vadd.f32 v42, v5  }
0x72b: {  	[tilespmem:s2+$0xFFFFFF80] =	vst v63;
	v4 =	vadd.f32 v43, v4  }
0x72c: {  	s0 =	smul.u32 $0x1400, s0;
	[tilespmem:s6+$0xFFFFFE80] =	vst v3;
	v1 =	vadd.f32 v61, v1  }
.Ltmp15:
0x72d: {  	s2 =	rddreg [dreg:$0x17];
	[tilespmem:s6+$0xFFFFFF00] =	vst v4;
	(pc) =	sbr.rel .LBB2_23-.Ltmp15, $4  }
0x72e: {  	s0 =	sadd.s32 s2, s0;
	[tilespmem:s6+$0xFFFFFF80] =	vst v1  }
0x72f: {  	s0 =	sshrl.u32 s0, $0x3;
	s13 =	rddreg [dreg:$0x9]  }
0x730: {  	s20 =	simm.s32 $0x3A50;
	s0 =	sadd.s32 s13, s0  }
0x731: {  	[hbm4b:s0+s5] =	stream.linear.scatter [tilespmem:s20], [sflag:$0x5], $0x1400, $0x38;
	[tilespmem:$0x1F8E0] =	vst v63  }
.LBB2_25:
0x732: {  	_ =	sfence.sel $0x180000  }
0x733: {  	[bflag:$0x0] =	sbarrier.arrive $0xFFFF  }
0x734: {  	_ =	strace $0x90000047  }
0x735: {  	[bflag:$0x2] =	sbarrier.arrive $0xFFFF  }
0x736: {  	p0 =	sne.s32 s4, $0x0;
	s0 =	rddreg [dreg:$0x4]  }
0x737: {  	s0 =	sadd.s32 @!p0 $0x100000, s0  }
0x738: {  	[sflag:s0] =	ssyncadd.tile.s32 @!p0 $0x1;
	_ =	shalt  }
.Lfunc_end2:
_tile_overlayer_lowered:
.L_overlay_start_2:
0x739: {  	(tag) =	ssettag $0x2  }
0x73a: {  	s0 =	rddreg [dreg:$0x0];
	s2 =	stileid.u32  }
0x73b: {  	s1 =	rddreg [dreg:$0x1];
	p0 =	sne.s32 s2, $0x0  }
0x73c: {  	s3 =	rddreg [dreg:$0x2];
	[bflag:$0x3] =	sbarrier.arrive $0xFFFF;
	s2 =	simm.s32 @!p0 $0x1C0A  }
0x73d: {  	[timem:s3], [sflag:s2] =	dma.local @!p0 [hbm:s0], s1  }
0x73e: {  	s0 =	simm.s32 @!p0 $0xA  }
0x73f: {  	_ =	swait.ge @!p0 [sflag:s0], s1  }
0x740: {  	s1 =	ssub.s32 @!p0 $0x0, s1;
	[sflag:s0] =	ssyncset.done @!p0 $0x0  }
0x741: {  	[sflag:s0] =	ssyncadd.s32 @!p0 s1  }
0x742: {  	[bflag:$0x3] =	sbarrier.arrive $0xFFFF  }
0x743: {  	_ =	shalt  }

</sc_bundles>
